<compile_context>
chip_gen: v7x
topology: tpu7x:2x2x1
jax: 0.10.2.dev20260603
libtpu: 0.0.44.dev20260713+nightly
codegen_flags: <defaults>
</compile_context>

<pallas_src>
import functools

import jax
import jax.numpy as jnp
from jax import lax
from jax.experimental import pallas as pl
from jax.experimental.pallas import tpu as pltpu
from jax.experimental.pallas import tpu_sc as plsc

_HALF = 8192
_HBITS = _HALF.bit_length() - 1
_VBLK = 2 * _HALF


def _tp_body(xt_ref, o_ref):
    x = xt_ref[...]
    E = x.shape[0]
    eye = jnp.eye(E, dtype=jnp.float32)

    def dot_t(m):
        return jax.lax.dot_general(
            m, eye, (((0,), (0,)), ((), ())),
            preferred_element_type=jnp.float32,
        )

    o_ref[...] = jnp.concatenate(
        [dot_t(x[:, :_HALF]), dot_t(x[:, _HALF:])], axis=1
    )


def _stage_table(table_t, V, E):
    nblk = (V + _VBLK - 1) // _VBLK
    return pl.pallas_call(
        _tp_body,
        grid=(nblk,),
        in_specs=[pl.BlockSpec((E, _VBLK), lambda i: (0, i))],
        out_specs=pl.BlockSpec((_HALF, 2 * E), lambda i: (i, 0)),
        out_shape=jax.ShapeDtypeStruct((nblk * _HALF, 2 * E), jnp.float32),
    )(table_t)


def _pool_kernel_body(CPW, CHUNK_B, S, E, table_hbm, idx_hbm, out_hbm,
                      idx_v, rows_v, pool_v, sem):
    NC = 2
    CHUNK_IDX = CHUNK_B * S
    BPW = CPW * CHUNK_B
    wid = lax.axis_index("s") * NC + lax.axis_index("c")

    pltpu.sync_copy(idx_hbm.at[wid], idx_v)

    def _gather(c, par):
        pltpu.async_copy(
            table_hbm.at[idx_v.at[c]],
            rows_v.at[pl.ds(par * CHUNK_IDX, CHUNK_IDX)],
            sem,
        )

    NBUF = 4
    for p in range(NBUF - 1):
        _gather(p, p)

    nvec = E // 16

    def chunk_body(c, carry):
        par = lax.rem(c, NBUF)
        base = par * CHUNK_IDX
        pltpu.make_async_copy(
            table_hbm.at[idx_v.at[c]], rows_v.at[pl.ds(0, CHUNK_IDX)], sem
        ).wait()

        @pl.when(c + NBUF - 1 < CPW)
        def _():
            _gather(c + NBUF - 1, lax.rem(c + NBUF - 1, NBUF))

        for bag in range(CHUNK_B):
            accs = [jnp.zeros((16,), jnp.float32) for _ in range(nvec)]
            for s in range(S):
                r = base + bag * S + s
                for j in range(nvec):
                    accs[j] = accs[j] + rows_v[r, pl.ds(j * 16, 16)]
            row_out = c * CHUNK_B + bag
            for j in range(nvec):
                pool_v[row_out, pl.ds(j * 16, 16)] = accs[j] * (1.0 / S)
        return carry

    lax.fori_loop(0, CPW, chunk_body, 0, unroll=2)

    pltpu.sync_copy(pool_v, out_hbm.at[pl.ds(wid * BPW, BPW)])


def _make_pool_kernel(B, S, E, Vp, NW, CHUNK_B):
    BPW = B // NW
    CPW = BPW // CHUNK_B
    CHUNK_IDX = CHUNK_B * S
    mesh = plsc.VectorSubcoreMesh(core_axis_name="c", subcore_axis_name="s")
    return pl.kernel(
        functools.partial(_pool_kernel_body, CPW, CHUNK_B, S, E),
        out_type=jax.ShapeDtypeStruct((B, E), jnp.float32),
        mesh=mesh,
        scratch_types=[
            pltpu.VMEM((CPW, CHUNK_IDX), jnp.int32),
            pltpu.VMEM((4 * CHUNK_IDX, E), jnp.float32),
            pltpu.VMEM((BPW, E), jnp.float32),
            pltpu.SemaphoreType.DMA,
        ],
        compiler_params=pltpu.CompilerParams(use_tc_tiling_on_sc=False),
    )


def _mm_body(x_ref, w_ref, b_ref, o_ref):
    o_ref[...] = (
        jnp.dot(x_ref[...], w_ref[...], preferred_element_type=jnp.float32)
        + b_ref[...]
    )


def kernel(inputs, table, W, b):
    B, S = inputs.shape
    V, E = table.shape
    O = W.shape[0]
    NW = 32
    CHUNK_B = 2
    BPW = B // NW
    CPW = BPW // CHUNK_B

    stage = _stage_table(table.T, V, E)
    Vp = stage.shape[0] * 2
    tbl_lin = stage.reshape(Vp, E)

    v = inputs.astype(jnp.int32)
    q = v & (_VBLK - 1)
    vp = (v & ~(_VBLK - 1)) | ((q & (_HALF - 1)) << 1) | (q >> _HBITS)
    idx3 = vp.reshape(NW, CPW, CHUNK_B * S)

    pooled = _make_pool_kernel(B, S, E, Vp, NW, CHUNK_B)(tbl_lin, idx3)

    out = pl.pallas_call(
        _mm_body,
        out_shape=jax.ShapeDtypeStruct((B, O), jnp.float32),
    )(pooled, W.T, b.reshape(1, O))
    return out

# --- scband reference (transcript-rebuilt; emitter-appended) ---
"""Pipeline reference for scband-bo-v-60421599920331 (READ-ONLY COPY).

The authoritative reference and input builder live on the scoring server;
editing this copy changes nothing except your own understanding.
"""

import jax, jax.numpy as jnp
import numpy as np

VOCAB = 100000
EMBED_DIM = 64
BATCH = 4096
SEQ = 50
OUTPUT_SIZE = 128

def setup_inputs(seed: int = 0) -> dict:
    key = jax.random.key(seed)
    k1, k2, k3, k4 = jax.random.split(key, 4)
    inputs = jax.random.randint(k1, (BATCH, SEQ), 0, VOCAB, dtype=jnp.int64 if jax.config.jax_enable_x64 else jnp.int32)
    table = jax.random.normal(k2, (VOCAB, EMBED_DIM), dtype=jnp.float32)
    W = jax.random.normal(k3, (OUTPUT_SIZE, EMBED_DIM), dtype=jnp.float32) * 0.02
    b = jnp.zeros((OUTPUT_SIZE,), dtype=jnp.float32)
    return {"inputs": inputs, "table": table, "W": W, "b": b}

def reference(inputs, table, W, b):
    # nn.EmbeddingBag(mode='mean'): gather rows then mean over the bag (sequence) dim
    x = jnp.take(table, inputs, axis=0)          # (B, S, E) gather
    x = jnp.mean(x, axis=1)                      # (B, E)
    out = x @ W.T + b                            # (B, output_size)
    return out

if __name__ == "__main__":
    import jax
    _d = setup_inputs()
    print(jax.jit(kernel)(*tuple(_d.values())))

</pallas_src>

<mosaic_0001>
#map = affine_map<(d0, d1) -> (0, 0)>
#map1 = affine_map<(d0, d1) -> (0, 0, 0)>
module attributes {stable_mosaic.version = 14 : i64} {
  func.func @_pool_kernel_body(%arg0: i32, %arg1: i32, %arg2: memref<114688x64xf32, #tpu.memory_space<hbm>>, %arg3: memref<32x64x100xi32, #tpu.memory_space<hbm>>, %arg4: memref<4096x64xf32, #tpu.memory_space<hbm>>, %arg5: memref<64x100xi32, #tpu.memory_space<vmem>>, %arg6: memref<400x64xf32, #tpu.memory_space<vmem>>, %arg7: memref<128x64xf32, #tpu.memory_space<vmem>>, %arg8: memref<!tpu.dma_semaphore, #tpu.memory_space<semaphore_mem>>) attributes {dimension_semantics = [#tpu.dimension_semantics<core_parallel>, #tpu.dimension_semantics<subcore_parallel>], iteration_bounds = array<i64: 2, 16>, scalar_prefetch = 0 : i64, scratch_operands = 4 : i64, tpu.core_type = #tpu.core_type<sc_vector_subcore>, window_params = [{transform_indices = #map}, {transform_indices = #map1}, {transform_indices = #map}]} {
    %mul3A = arith.constant 2 : i32
    %mul3A_0 = arith.muli %arg1, %mul3A : i32
    %add3A = arith.addi %mul3A_0, %arg0 : i32
    "tpu.region"() ({
      %run_scoped3A = tpu.sem_alloc : memref<!tpu.dma_semaphore, #tpu.memory_space<semaphore_mem>>
      %dma_start3A_37 = arith.constant 0 : i32
      %dma_start3A_38 = arith.constant 0 : i32
      %dma_start3A_39 = tpu.memref_slice %arg3[%add3A, %dma_start3A_37, %dma_start3A_38] : memref<32x64x100xi32, #tpu.memory_space<hbm>> -> memref<1x64x100xi32, #tpu.memory_space<hbm>>
      %dma_start3A_40 = tpu.memref_squeeze %dma_start3A_39 : memref<1x64x100xi32, #tpu.memory_space<hbm>> -> memref<64x100xi32, #tpu.memory_space<hbm>>
      %dma_start3A_41 = arith.constant 0 : i32
      %dma_start3A_42 = arith.constant 0 : i32
      %dma_start3A_43 = tpu.memref_slice %arg3[%add3A, %dma_start3A_41, %dma_start3A_42] : memref<32x64x100xi32, #tpu.memory_space<hbm>> -> memref<1x64x100xi32, #tpu.memory_space<hbm>>
      %dma_start3A_44 = tpu.memref_squeeze %dma_start3A_43 : memref<1x64x100xi32, #tpu.memory_space<hbm>> -> memref<64x100xi32, #tpu.memory_space<hbm>>
      tpu.enqueue_dma source(%dma_start3A_44 : memref<64x100xi32, #tpu.memory_space<hbm>>) target(%arg5 : memref<64x100xi32, #tpu.memory_space<vmem>>) target_semaphore(%run_scoped3A : memref<!tpu.dma_semaphore, #tpu.memory_space<semaphore_mem>>)
      %dma_wait3A = arith.constant 0 : i32
      %dma_wait3A_45 = arith.constant 0 : i32
      %dma_wait3A_46 = tpu.memref_slice %arg3[%add3A, %dma_wait3A, %dma_wait3A_45] : memref<32x64x100xi32, #tpu.memory_space<hbm>> -> memref<1x64x100xi32, #tpu.memory_space<hbm>>
      %dma_wait3A_47 = tpu.memref_squeeze %dma_wait3A_46 : memref<1x64x100xi32, #tpu.memory_space<hbm>> -> memref<64x100xi32, #tpu.memory_space<hbm>>
      %dma_wait3A_48 = arith.constant 0 : i32
      %dma_wait3A_49 = arith.constant 0 : i32
      %dma_wait3A_50 = tpu.memref_slice %arg3[%add3A, %dma_wait3A_48, %dma_wait3A_49] : memref<32x64x100xi32, #tpu.memory_space<hbm>> -> memref<1x64x100xi32, #tpu.memory_space<hbm>>
      %dma_wait3A_51 = tpu.memref_squeeze %dma_wait3A_50 : memref<1x64x100xi32, #tpu.memory_space<hbm>> -> memref<64x100xi32, #tpu.memory_space<hbm>>
      tpu.wait_dma2 semaphore(%run_scoped3A : memref<!tpu.dma_semaphore, #tpu.memory_space<semaphore_mem>>) src(%dma_wait3A_51 : memref<64x100xi32, #tpu.memory_space<hbm>>) dst(%arg5 : memref<64x100xi32, #tpu.memory_space<vmem>>)
      tpu.yield
    }) : () -> ()
    %dma_start3A = arith.constant 0 : i32
    %dma_start3A_1 = arith.constant 0 : i32
    %dma_start3A_2 = arith.constant 0 : i32
    %dma_start3A_3 = tpu.memref_slice %arg6[%dma_start3A_1, %dma_start3A_2] : memref<400x64xf32, #tpu.memory_space<vmem>> -> memref<100x64xf32, #tpu.memory_space<vmem>>
    %dma_start3A_4 = arith.constant 0 : i32
    %dma_start3A_5 = tpu.memref_slice %arg5[%dma_start3A, %dma_start3A_4] : memref<64x100xi32, #tpu.memory_space<vmem>> -> memref<1x100xi32, #tpu.memory_space<vmem>>
    %dma_start3A_6 = tpu.memref_squeeze %dma_start3A_5 : memref<1x100xi32, #tpu.memory_space<vmem>> -> memref<100xi32, #tpu.memory_space<vmem>>
    %dma_start3A_7 = arith.constant 0 : i32
    %dma_start3A_8 = arith.constant 0 : i32
    %dma_start3A_9 = tpu.memref_slice %arg2[%dma_start3A_7, %dma_start3A_8] : memref<114688x64xf32, #tpu.memory_space<hbm>> -> memref<114688x64xf32, #tpu.memory_space<hbm>>
    tpu.enqueue_indirect_dma source(%dma_start3A_9 : memref<114688x64xf32, #tpu.memory_space<hbm>>) target(%dma_start3A_3 : memref<100x64xf32, #tpu.memory_space<vmem>>) offsets(%dma_start3A_6 : memref<100xi32, #tpu.memory_space<vmem>>) semaphore(%arg8 : memref<!tpu.dma_semaphore, #tpu.memory_space<semaphore_mem>>)
    %dma_start3A_10 = arith.constant 1 : i32
    %dma_start3A_11 = arith.constant 100 : i32
    %dma_start3A_12 = arith.constant 0 : i32
    %dma_start3A_13 = tpu.memref_slice %arg6[%dma_start3A_11, %dma_start3A_12] : memref<400x64xf32, #tpu.memory_space<vmem>> -> memref<100x64xf32, #tpu.memory_space<vmem>>
    %dma_start3A_14 = arith.constant 0 : i32
    %dma_start3A_15 = tpu.memref_slice %arg5[%dma_start3A_10, %dma_start3A_14] : memref<64x100xi32, #tpu.memory_space<vmem>> -> memref<1x100xi32, #tpu.memory_space<vmem>>
    %dma_start3A_16 = tpu.memref_squeeze %dma_start3A_15 : memref<1x100xi32, #tpu.memory_space<vmem>> -> memref<100xi32, #tpu.memory_space<vmem>>
    %dma_start3A_17 = arith.constant 0 : i32
    %dma_start3A_18 = arith.constant 0 : i32
    %dma_start3A_19 = tpu.memref_slice %arg2[%dma_start3A_17, %dma_start3A_18] : memref<114688x64xf32, #tpu.memory_space<hbm>> -> memref<114688x64xf32, #tpu.memory_space<hbm>>
    tpu.enqueue_indirect_dma source(%dma_start3A_19 : memref<114688x64xf32, #tpu.memory_space<hbm>>) target(%dma_start3A_13 : memref<100x64xf32, #tpu.memory_space<vmem>>) offsets(%dma_start3A_16 : memref<100xi32, #tpu.memory_space<vmem>>) semaphore(%arg8 : memref<!tpu.dma_semaphore, #tpu.memory_space<semaphore_mem>>)
    %dma_start3A_20 = arith.constant 2 : i32
    %dma_start3A_21 = arith.constant 200 : i32
    %dma_start3A_22 = arith.constant 0 : i32
    %dma_start3A_23 = tpu.memref_slice %arg6[%dma_start3A_21, %dma_start3A_22] : memref<400x64xf32, #tpu.memory_space<vmem>> -> memref<100x64xf32, #tpu.memory_space<vmem>>
    %dma_start3A_24 = arith.constant 0 : i32
    %dma_start3A_25 = tpu.memref_slice %arg5[%dma_start3A_20, %dma_start3A_24] : memref<64x100xi32, #tpu.memory_space<vmem>> -> memref<1x100xi32, #tpu.memory_space<vmem>>
    %dma_start3A_26 = tpu.memref_squeeze %dma_start3A_25 : memref<1x100xi32, #tpu.memory_space<vmem>> -> memref<100xi32, #tpu.memory_space<vmem>>
    %dma_start3A_27 = arith.constant 0 : i32
    %dma_start3A_28 = arith.constant 0 : i32
    %dma_start3A_29 = tpu.memref_slice %arg2[%dma_start3A_27, %dma_start3A_28] : memref<114688x64xf32, #tpu.memory_space<hbm>> -> memref<114688x64xf32, #tpu.memory_space<hbm>>
    tpu.enqueue_indirect_dma source(%dma_start3A_29 : memref<114688x64xf32, #tpu.memory_space<hbm>>) target(%dma_start3A_23 : memref<100x64xf32, #tpu.memory_space<vmem>>) offsets(%dma_start3A_26 : memref<100xi32, #tpu.memory_space<vmem>>) semaphore(%arg8 : memref<!tpu.dma_semaphore, #tpu.memory_space<semaphore_mem>>)
    %scan3A = arith.constant 0 : i32
    %scan3A_30 = arith.constant 0 : i32
    %scan3A_31 = arith.constant 64 : i32
    %scan3A_32 = arith.addi %scan3A_30, %scan3A_31 : i32
    %scan3A_33 = arith.constant 2 : i32
    scf.for %scan3A_37 = %scan3A_30 to %scan3A_32 step %scan3A_33  : i32 {
      %rem3A = arith.constant 4 : i32
      %rem3A_38 = arith.remsi %scan3A_37, %rem3A : i32
      %mul3A_39 = arith.constant 100 : i32
      %mul3A_40 = arith.muli %rem3A_38, %mul3A_39 : i32
      %dma_wait3A = arith.constant 0 : i32
      %dma_wait3A_41 = arith.constant 0 : i32
      %dma_wait3A_42 = tpu.memref_slice %arg6[%dma_wait3A, %dma_wait3A_41] : memref<400x64xf32, #tpu.memory_space<vmem>> -> memref<100x64xf32, #tpu.memory_space<vmem>>
      %dma_wait3A_43 = arith.constant 0 : i32
      %dma_wait3A_44 = tpu.memref_slice %arg5[%scan3A_37, %dma_wait3A_43] : memref<64x100xi32, #tpu.memory_space<vmem>> -> memref<1x100xi32, #tpu.memory_space<vmem>>
      %dma_wait3A_45 = tpu.memref_squeeze %dma_wait3A_44 : memref<1x100xi32, #tpu.memory_space<vmem>> -> memref<100xi32, #tpu.memory_space<vmem>>
      %dma_wait3A_46 = arith.constant 0 : i32
      %dma_wait3A_47 = arith.constant 0 : i32
      %dma_wait3A_48 = tpu.memref_slice %arg2[%dma_wait3A_46, %dma_wait3A_47] : memref<114688x64xf32, #tpu.memory_space<hbm>> -> memref<114688x64xf32, #tpu.memory_space<hbm>>
      tpu.wait_indirect_dma semaphore(%arg8 : memref<!tpu.dma_semaphore, #tpu.memory_space<semaphore_mem>>) src(%dma_wait3A_48 : memref<114688x64xf32, #tpu.memory_space<hbm>>) dst(%dma_wait3A_42 : memref<100x64xf32, #tpu.memory_space<vmem>>)
      %add3A_49 = arith.constant 4 : i32
      %add3A_50 = arith.addi %scan3A_37, %add3A_49 : i32
      %sub3A = arith.constant 1 : i32
      %sub3A_51 = arith.subi %add3A_50, %sub3A : i32
      %lt3A = arith.constant 64 : i32
      %lt3A_52 = arith.cmpi slt, %sub3A_51, %lt3A : i32
      %convert_element_type3A = arith.extui %lt3A_52 : i1 to i32
      %cond3A = arith.constant 0 : i32
      %cond3A_53 = arith.cmpi ne, %convert_element_type3A, %cond3A : i32
      scf.if %cond3A_53 {
        %add3A_5051 = arith.constant 4 : i32
        %add3A_5052 = arith.addi %scan3A_37, %add3A_5051 : i32
        %sub3A_5053 = arith.constant 1 : i32
        %sub3A_5054 = arith.subi %add3A_5052, %sub3A_5053 : i32
        %add3A_5055 = arith.constant 4 : i32
        %add3A_5056 = arith.addi %scan3A_37, %add3A_5055 : i32
        %sub3A_5057 = arith.constant 1 : i32
        %sub3A_5058 = arith.subi %add3A_5056, %sub3A_5057 : i32
        %rem3A_5059 = arith.constant 4 : i32
        %rem3A_5060 = arith.remsi %sub3A_5058, %rem3A_5059 : i32
        %mul3A_5061 = arith.constant 100 : i32
        %mul3A_5062 = arith.muli %rem3A_5060, %mul3A_5061 : i32
        %dma_start3A_5063 = arith.constant 0 : i32
        %dma_start3A_5064 = tpu.memref_slice %arg6[%mul3A_5062, %dma_start3A_5063] : memref<400x64xf32, #tpu.memory_space<vmem>> -> memref<100x64xf32, #tpu.memory_space<vmem>>
        %dma_start3A_5065 = arith.constant 0 : i32
        %dma_start3A_5066 = tpu.memref_slice %arg5[%sub3A_5054, %dma_start3A_5065] : memref<64x100xi32, #tpu.memory_space<vmem>> -> memref<1x100xi32, #tpu.memory_space<vmem>>
        %dma_start3A_5067 = tpu.memref_squeeze %dma_start3A_5066 : memref<1x100xi32, #tpu.memory_space<vmem>> -> memref<100xi32, #tpu.memory_space<vmem>>
        %dma_start3A_5068 = arith.constant 0 : i32
        %dma_start3A_5069 = arith.constant 0 : i32
        %dma_start3A_5070 = tpu.memref_slice %arg2[%dma_start3A_5068, %dma_start3A_5069] : memref<114688x64xf32, #tpu.memory_space<hbm>> -> memref<114688x64xf32, #tpu.memory_space<hbm>>
        tpu.enqueue_indirect_dma source(%dma_start3A_5070 : memref<114688x64xf32, #tpu.memory_space<hbm>>) target(%dma_start3A_5064 : memref<100x64xf32, #tpu.memory_space<vmem>>) offsets(%dma_start3A_5067 : memref<100xi32, #tpu.memory_space<vmem>>) semaphore(%arg8 : memref<!tpu.dma_semaphore, #tpu.memory_space<semaphore_mem>>)
      } else {
      }
      %broadcast_in_dim3A = arith.constant 0.000000e+00 : f32
      %broadcast_in_dim3A_54 = vector.broadcast %broadcast_in_dim3A : f32 to vector<16xf32>
      %broadcast_in_dim3A_55 = arith.constant 0.000000e+00 : f32
      %broadcast_in_dim3A_56 = vector.broadcast %broadcast_in_dim3A_55 : f32 to vector<16xf32>
      %broadcast_in_dim3A_57 = arith.constant 0.000000e+00 : f32
      %broadcast_in_dim3A_58 = vector.broadcast %broadcast_in_dim3A_57 : f32 to vector<16xf32>
      %broadcast_in_dim3A_59 = arith.constant 0.000000e+00 : f32
      %broadcast_in_dim3A_60 = vector.broadcast %broadcast_in_dim3A_59 : f32 to vector<16xf32>
      %add3A_61 = arith.constant 0 : i32
      %add3A_62 = arith.addi %mul3A_40, %add3A_61 : i32
      %add3A_63 = arith.constant 0 : i32
      %add3A_64 = arith.addi %add3A_62, %add3A_63 : i32
      %get3A = arith.index_cast %add3A_64 : i32 to index
      %get3A_65 = arith.constant 0 : index
      %get3A_66 = tpu.vector_load %arg6[%get3A, %get3A_65] {strides = array<i32>} : memref<400x64xf32, #tpu.memory_space<vmem>>, vector<1x16xf32>,
      %get3A_67 = vector.shape_cast %get3A_66 : vector<1x16xf32> to vector<16xf32>
      %add3A_68 = arith.addf %broadcast_in_dim3A_54, %get3A_67 : vector<16xf32>
      %get3A_69 = arith.index_cast %add3A_64 : i32 to index
      %get3A_70 = arith.constant 16 : index
      %get3A_71 = tpu.vector_load %arg6[%get3A_69, %get3A_70] {strides = array<i32>} : memref<400x64xf32, #tpu.memory_space<vmem>>, vector<1x16xf32>,
      %get3A_72 = vector.shape_cast %get3A_71 : vector<1x16xf32> to vector<16xf32>
      %add3A_73 = arith.addf %broadcast_in_dim3A_56, %get3A_72 : vector<16xf32>
      %get3A_74 = arith.index_cast %add3A_64 : i32 to index
      %get3A_75 = arith.constant 32 : index
      %get3A_76 = tpu.vector_load %arg6[%get3A_74, %get3A_75] {strides = array<i32>} : memref<400x64xf32, #tpu.memory_space<vmem>>, vector<1x16xf32>,
      %get3A_77 = vector.shape_cast %get3A_76 : vector<1x16xf32> to vector<16xf32>
      %add3A_78 = arith.addf %broadcast_in_dim3A_58, %get3A_77 : vector<16xf32>
      %get3A_79 = arith.index_cast %add3A_64 : i32 to index
      %get3A_80 = arith.constant 48 : index
      %get3A_81 = tpu.vector_load %arg6[%get3A_79, %get3A_80] {strides = array<i32>} : memref<400x64xf32, #tpu.memory_space<vmem>>, vector<1x16xf32>,
      %get3A_82 = vector.shape_cast %get3A_81 : vector<1x16xf32> to vector<16xf32>
      %add3A_83 = arith.addf %broadcast_in_dim3A_60, %get3A_82 : vector<16xf32>
      %add3A_84 = arith.constant 0 : i32
      %add3A_85 = arith.addi %mul3A_40, %add3A_84 : i32
      %add3A_86 = arith.constant 1 : i32
      %add3A_87 = arith.addi %add3A_85, %add3A_86 : i32
      %get3A_88 = arith.index_cast %add3A_87 : i32 to index
      %get3A_89 = arith.constant 0 : index
      %get3A_90 = tpu.vector_load %arg6[%get3A_88, %get3A_89] {strides = array<i32>} : memref<400x64xf32, #tpu.memory_space<vmem>>, vector<1x16xf32>,
      %get3A_91 = vector.shape_cast %get3A_90 : vector<1x16xf32> to vector<16xf32>
      %add3A_92 = arith.addf %add3A_68, %get3A_91 : vector<16xf32>
      %get3A_93 = arith.index_cast %add3A_87 : i32 to index
      %get3A_94 = arith.constant 16 : index
      %get3A_95 = tpu.vector_load %arg6[%get3A_93, %get3A_94] {strides = array<i32>} : memref<400x64xf32, #tpu.memory_space<vmem>>, vector<1x16xf32>,
      %get3A_96 = vector.shape_cast %get3A_95 : vector<1x16xf32> to vector<16xf32>
      %add3A_97 = arith.addf %add3A_73, %get3A_96 : vector<16xf32>
      %get3A_98 = arith.index_cast %add3A_87 : i32 to index
      %get3A_99 = arith.constant 32 : index
      %get3A_100 = tpu.vector_load %arg6[%get3A_98, %get3A_99] {strides = array<i32>} : memref<400x64xf32, #tpu.memory_space<vmem>>, vector<1x16xf32>,
      %get3A_101 = vector.shape_cast %get3A_100 : vector<1x16xf32> to vector<16xf32>
      %add3A_102 = arith.addf %add3A_78, %get3A_101 : vector<16xf32>
      %get3A_103 = arith.index_cast %add3A_87 : i32 to index
      %get3A_104 = arith.constant 48 : index
      %get3A_105 = tpu.vector_load %arg6[%get3A_103, %get3A_104] {strides = array<i32>} : memref<400x64xf32, #tpu.memory_space<vmem>>, vector<1x16xf32>,
      %get3A_106 = vector.shape_cast %get3A_105 : vector<1x16xf32> to vector<16xf32>
      %add3A_107 = arith.addf %add3A_83, %get3A_106 : vector<16xf32>
      %add3A_108 = arith.constant 0 : i32
      %add3A_109 = arith.addi %mul3A_40, %add3A_108 : i32
      %add3A_110 = arith.constant 2 : i32
      %add3A_111 = arith.addi %add3A_109, %add3A_110 : i32
      %get3A_112 = arith.index_cast %add3A_111 : i32 to index
      %get3A_113 = arith.constant 0 : index
      %get3A_114 = tpu.vector_load %arg6[%get3A_112, %get3A_113] {strides = array<i32>} : memref<400x64xf32, #tpu.memory_space<vmem>>, vector<1x16xf32>,
      %get3A_115 = vector.shape_cast %get3A_114 : vector<1x16xf32> to vector<16xf32>
      %add3A_116 = arith.addf %add3A_92, %get3A_115 : vector<16xf32>
      %get3A_117 = arith.index_cast %add3A_111 : i32 to index
      %get3A_118 = arith.constant 16 : index
      %get3A_119 = tpu.vector_load %arg6[%get3A_117, %get3A_118] {strides = array<i32>} : memref<400x64xf32, #tpu.memory_space<vmem>>, vector<1x16xf32>,
      %get3A_120 = vector.shape_cast %get3A_119 : vector<1x16xf32> to vector<16xf32>
      %add3A_121 = arith.addf %add3A_97, %get3A_120 : vector<16xf32>
      %get3A_122 = arith.index_cast %add3A_111 : i32 to index
      %get3A_123 = arith.constant 32 : index
      %get3A_124 = tpu.vector_load %arg6[%get3A_122, %get3A_123] {strides = array<i32>} : memref<400x64xf32, #tpu.memory_space<vmem>>, vector<1x16xf32>,
      %get3A_125 = vector.shape_cast %get3A_124 : vector<1x16xf32> to vector<16xf32>
      %add3A_126 = arith.addf %add3A_102, %get3A_125 : vector<16xf32>
      %get3A_127 = arith.index_cast %add3A_111 : i32 to index
      %get3A_128 = arith.constant 48 : index
      %get3A_129 = tpu.vector_load %arg6[%get3A_127, %get3A_128] {strides = array<i32>} : memref<400x64xf32, #tpu.memory_space<vmem>>, vector<1x16xf32>,
      %get3A_130 = vector.shape_cast %get3A_129 : vector<1x16xf32> to vector<16xf32>
      %add3A_131 = arith.addf %add3A_107, %get3A_130 : vector<16xf32>
      %add3A_132 = arith.constant 0 : i32
      %add3A_133 = arith.addi %mul3A_40, %add3A_132 : i32
      %add3A_134 = arith.constant 3 : i32
      %add3A_135 = arith.addi %add3A_133, %add3A_134 : i32
      %get3A_136 = arith.index_cast %add3A_135 : i32 to index
      %get3A_137 = arith.constant 0 : index
      %get3A_138 = tpu.vector_load %arg6[%get3A_136, %get3A_137] {strides = array<i32>} : memref<400x64xf32, #tpu.memory_space<vmem>>, vector<1x16xf32>,
      %get3A_139 = vector.shape_cast %get3A_138 : vector<1x16xf32> to vector<16xf32>
      %add3A_140 = arith.addf %add3A_116, %get3A_139 : vector<16xf32>
      %get3A_141 = arith.index_cast %add3A_135 : i32 to index
      %get3A_142 = arith.constant 16 : index
      %get3A_143 = tpu.vector_load %arg6[%get3A_141, %get3A_142] {strides = array<i32>} : memref<400x64xf32, #tpu.memory_space<vmem>>, vector<1x16xf32>,
      %get3A_144 = vector.shape_cast %get3A_143 : vector<1x16xf32> to vector<16xf32>
      %add3A_145 = arith.addf %add3A_121, %get3A_144 : vector<16xf32>
      %get3A_146 = arith.index_cast %add3A_135 : i32 to index
      %get3A_147 = arith.constant 32 : index
      %get3A_148 = tpu.vector_load %arg6[%get3A_146, %get3A_147] {strides = array<i32>} : memref<400x64xf32, #tpu.memory_space<vmem>>, vector<1x16xf32>,
      %get3A_149 = vector.shape_cast %get3A_148 : vector<1x16xf32> to vector<16xf32>
      %add3A_150 = arith.addf %add3A_126, %get3A_149 : vector<16xf32>
      %get3A_151 = arith.index_cast %add3A_135 : i32 to index
      %get3A_152 = arith.constant 48 : index
      %get3A_153 = tpu.vector_load %arg6[%get3A_151, %get3A_152] {strides = array<i32>} : memref<400x64xf32, #tpu.memory_space<vmem>>, vector<1x16xf32>,
      %get3A_154 = vector.shape_cast %get3A_153 : vector<1x16xf32> to vector<16xf32>
      %add3A_155 = arith.addf %add3A_131, %get3A_154 : vector<16xf32>
      %add3A_156 = arith.constant 0 : i32
      %add3A_157 = arith.addi %mul3A_40, %add3A_156 : i32
      %add3A_158 = arith.constant 4 : i32
      %add3A_159 = arith.addi %add3A_157, %add3A_158 : i32
      %get3A_160 = arith.index_cast %add3A_159 : i32 to index
      %get3A_161 = arith.constant 0 : index
      %get3A_162 = tpu.vector_load %arg6[%get3A_160, %get3A_161] {strides = array<i32>} : memref<400x64xf32, #tpu.memory_space<vmem>>, vector<1x16xf32>,
      %get3A_163 = vector.shape_cast %get3A_162 : vector<1x16xf32> to vector<16xf32>
      %add3A_164 = arith.addf %add3A_140, %get3A_163 : vector<16xf32>
      %get3A_165 = arith.index_cast %add3A_159 : i32 to index
      %get3A_166 = arith.constant 16 : index
      %get3A_167 = tpu.vector_load %arg6[%get3A_165, %get3A_166] {strides = array<i32>} : memref<400x64xf32, #tpu.memory_space<vmem>>, vector<1x16xf32>,
      %get3A_168 = vector.shape_cast %get3A_167 : vector<1x16xf32> to vector<16xf32>
      %add3A_169 = arith.addf %add3A_145, %get3A_168 : vector<16xf32>
      %get3A_170 = arith.index_cast %add3A_159 : i32 to index
      %get3A_171 = arith.constant 32 : index
      %get3A_172 = tpu.vector_load %arg6[%get3A_170, %get3A_171] {strides = array<i32>} : memref<400x64xf32, #tpu.memory_space<vmem>>, vector<1x16xf32>,
      %get3A_173 = vector.shape_cast %get3A_172 : vector<1x16xf32> to vector<16xf32>
      %add3A_174 = arith.addf %add3A_150, %get3A_173 : vector<16xf32>
      %get3A_175 = arith.index_cast %add3A_159 : i32 to index
      %get3A_176 = arith.constant 48 : index
      %get3A_177 = tpu.vector_load %arg6[%get3A_175, %get3A_176] {strides = array<i32>} : memref<400x64xf32, #tpu.memory_space<vmem>>, vector<1x16xf32>,
      %get3A_178 = vector.shape_cast %get3A_177 : vector<1x16xf32> to vector<16xf32>
      %add3A_179 = arith.addf %add3A_155, %get3A_178 : vector<16xf32>
      %add3A_180 = arith.constant 0 : i32
      %add3A_181 = arith.addi %mul3A_40, %add3A_180 : i32
      %add3A_182 = arith.constant 5 : i32
      %add3A_183 = arith.addi %add3A_181, %add3A_182 : i32
      %get3A_184 = arith.index_cast %add3A_183 : i32 to index
      %get3A_185 = arith.constant 0 : index
      %get3A_186 = tpu.vector_load %arg6[%get3A_184, %get3A_185] {strides = array<i32>} : memref<400x64xf32, #tpu.memory_space<vmem>>, vector<1x16xf32>,
      %get3A_187 = vector.shape_cast %get3A_186 : vector<1x16xf32> to vector<16xf32>
      %add3A_188 = arith.addf %add3A_164, %get3A_187 : vector<16xf32>
      %get3A_189 = arith.index_cast %add3A_183 : i32 to index
      %get3A_190 = arith.constant 16 : index
      %get3A_191 = tpu.vector_load %arg6[%get3A_189, %get3A_190] {strides = array<i32>} : memref<400x64xf32, #tpu.memory_space<vmem>>, vector<1x16xf32>,
      %get3A_192 = vector.shape_cast %get3A_191 : vector<1x16xf32> to vector<16xf32>
      %add3A_193 = arith.addf %add3A_169, %get3A_192 : vector<16xf32>
      %get3A_194 = arith.index_cast %add3A_183 : i32 to index
      %get3A_195 = arith.constant 32 : index
      %get3A_196 = tpu.vector_load %arg6[%get3A_194, %get3A_195] {strides = array<i32>} : memref<400x64xf32, #tpu.memory_space<vmem>>, vector<1x16xf32>,
      %get3A_197 = vector.shape_cast %get3A_196 : vector<1x16xf32> to vector<16xf32>
      %add3A_198 = arith.addf %add3A_174, %get3A_197 : vector<16xf32>
      %get3A_199 = arith.index_cast %add3A_183 : i32 to index
      %get3A_200 = arith.constant 48 : index
      %get3A_201 = tpu.vector_load %arg6[%get3A_199, %get3A_200] {strides = array<i32>} : memref<400x64xf32, #tpu.memory_space<vmem>>, vector<1x16xf32>,
      %get3A_202 = vector.shape_cast %get3A_201 : vector<1x16xf32> to vector<16xf32>
      %add3A_203 = arith.addf %add3A_179, %get3A_202 : vector<16xf32>
      %add3A_204 = arith.constant 0 : i32
      %add3A_205 = arith.addi %mul3A_40, %add3A_204 : i32
      %add3A_206 = arith.constant 6 : i32
      %add3A_207 = arith.addi %add3A_205, %add3A_206 : i32
      %get3A_208 = arith.index_cast %add3A_207 : i32 to index
      %get3A_209 = arith.constant 0 : index
      %get3A_210 = tpu.vector_load %arg6[%get3A_208, %get3A_209] {strides = array<i32>} : memref<400x64xf32, #tpu.memory_space<vmem>>, vector<1x16xf32>,
      %get3A_211 = vector.shape_cast %get3A_210 : vector<1x16xf32> to vector<16xf32>
      %add3A_212 = arith.addf %add3A_188, %get3A_211 : vector<16xf32>
      %get3A_213 = arith.index_cast %add3A_207 : i32 to index
      %get3A_214 = arith.constant 16 : index
      %get3A_215 = tpu.vector_load %arg6[%get3A_213, %get3A_214] {strides = array<i32>} : memref<400x64xf32, #tpu.memory_space<vmem>>, vector<1x16xf32>,
      %get3A_216 = vector.shape_cast %get3A_215 : vector<1x16xf32> to vector<16xf32>
      %add3A_217 = arith.addf %add3A_193, %get3A_216 : vector<16xf32>
      %get3A_218 = arith.index_cast %add3A_207 : i32 to index
      %get3A_219 = arith.constant 32 : index
      %get3A_220 = tpu.vector_load %arg6[%get3A_218, %get3A_219] {strides = array<i32>} : memref<400x64xf32, #tpu.memory_space<vmem>>, vector<1x16xf32>,
      %get3A_221 = vector.shape_cast %get3A_220 : vector<1x16xf32> to vector<16xf32>
      %add3A_222 = arith.addf %add3A_198, %get3A_221 : vector<16xf32>
      %get3A_223 = arith.index_cast %add3A_207 : i32 to index
      %get3A_224 = arith.constant 48 : index
      %get3A_225 = tpu.vector_load %arg6[%get3A_223, %get3A_224] {strides = array<i32>} : memref<400x64xf32, #tpu.memory_space<vmem>>, vector<1x16xf32>,
      %get3A_226 = vector.shape_cast %get3A_225 : vector<1x16xf32> to vector<16xf32>
      %add3A_227 = arith.addf %add3A_203, %get3A_226 : vector<16xf32>
      %add3A_228 = arith.constant 0 : i32
      %add3A_229 = arith.addi %mul3A_40, %add3A_228 : i32
      %add3A_230 = arith.constant 7 : i32
      %add3A_231 = arith.addi %add3A_229, %add3A_230 : i32
      %get3A_232 = arith.index_cast %add3A_231 : i32 to index
      %get3A_233 = arith.constant 0 : index
      %get3A_234 = tpu.vector_load %arg6[%get3A_232, %get3A_233] {strides = array<i32>} : memref<400x64xf32, #tpu.memory_space<vmem>>, vector<1x16xf32>,
      %get3A_235 = vector.shape_cast %get3A_234 : vector<1x16xf32> to vector<16xf32>
      %add3A_236 = arith.addf %add3A_212, %get3A_235 : vector<16xf32>
      %get3A_237 = arith.index_cast %add3A_231 : i32 to index
      %get3A_238 = arith.constant 16 : index
      %get3A_239 = tpu.vector_load %arg6[%get3A_237, %get3A_238] {strides = array<i32>} : memref<400x64xf32, #tpu.memory_space<vmem>>, vector<1x16xf32>,
      %get3A_240 = vector.shape_cast %get3A_239 : vector<1x16xf32> to vector<16xf32>
      %add3A_241 = arith.addf %add3A_217, %get3A_240 : vector<16xf32>
      %get3A_242 = arith.index_cast %add3A_231 : i32 to index
      %get3A_243 = arith.constant 32 : index
      %get3A_244 = tpu.vector_load %arg6[%get3A_242, %get3A_243] {strides = array<i32>} : memref<400x64xf32, #tpu.memory_space<vmem>>, vector<1x16xf32>,
      %get3A_245 = vector.shape_cast %get3A_244 : vector<1x16xf32> to vector<16xf32>
      %add3A_246 = arith.addf %add3A_222, %get3A_245 : vector<16xf32>
      %get3A_247 = arith.index_cast %add3A_231 : i32 to index
      %get3A_248 = arith.constant 48 : index
      %get3A_249 = tpu.vector_load %arg6[%get3A_247, %get3A_248] {strides = array<i32>} : memref<400x64xf32, #tpu.memory_space<vmem>>, vector<1x16xf32>,
      %get3A_250 = vector.shape_cast %get3A_249 : vector<1x16xf32> to vector<16xf32>
      %add3A_251 = arith.addf %add3A_227, %get3A_250 : vector<16xf32>
      %add3A_252 = arith.constant 0 : i32
      %add3A_253 = arith.addi %mul3A_40, %add3A_252 : i32
      %add3A_254 = arith.constant 8 : i32
      %add3A_255 = arith.addi %add3A_253, %add3A_254 : i32
      %get3A_256 = arith.index_cast %add3A_255 : i32 to index
      %get3A_257 = arith.constant 0 : index
      %get3A_258 = tpu.vector_load %arg6[%get3A_256, %get3A_257] {strides = array<i32>} : memref<400x64xf32, #tpu.memory_space<vmem>>, vector<1x16xf32>,
      %get3A_259 = vector.shape_cast %get3A_258 : vector<1x16xf32> to vector<16xf32>
      %add3A_260 = arith.addf %add3A_236, %get3A_259 : vector<16xf32>
      %get3A_261 = arith.index_cast %add3A_255 : i32 to index
      %get3A_262 = arith.constant 16 : index
      %get3A_263 = tpu.vector_load %arg6[%get3A_261, %get3A_262] {strides = array<i32>} : memref<400x64xf32, #tpu.memory_space<vmem>>, vector<1x16xf32>,
      %get3A_264 = vector.shape_cast %get3A_263 : vector<1x16xf32> to vector<16xf32>
      %add3A_265 = arith.addf %add3A_241, %get3A_264 : vector<16xf32>
      %get3A_266 = arith.index_cast %add3A_255 : i32 to index
      %get3A_267 = arith.constant 32 : index
      %get3A_268 = tpu.vector_load %arg6[%get3A_266, %get3A_267] {strides = array<i32>} : memref<400x64xf32, #tpu.memory_space<vmem>>, vector<1x16xf32>,
      %get3A_269 = vector.shape_cast %get3A_268 : vector<1x16xf32> to vector<16xf32>
      %add3A_270 = arith.addf %add3A_246, %get3A_269 : vector<16xf32>
      %get3A_271 = arith.index_cast %add3A_255 : i32 to index
      %get3A_272 = arith.constant 48 : index
      %get3A_273 = tpu.vector_load %arg6[%get3A_271, %get3A_272] {strides = array<i32>} : memref<400x64xf32, #tpu.memory_space<vmem>>, vector<1x16xf32>,
      %get3A_274 = vector.shape_cast %get3A_273 : vector<1x16xf32> to vector<16xf32>
      %add3A_275 = arith.addf %add3A_251, %get3A_274 : vector<16xf32>
      %add3A_276 = arith.constant 0 : i32
      %add3A_277 = arith.addi %mul3A_40, %add3A_276 : i32
      %add3A_278 = arith.constant 9 : i32
      %add3A_279 = arith.addi %add3A_277, %add3A_278 : i32
      %get3A_280 = arith.index_cast %add3A_279 : i32 to index
      %get3A_281 = arith.constant 0 : index
      %get3A_282 = tpu.vector_load %arg6[%get3A_280, %get3A_281] {strides = array<i32>} : memref<400x64xf32, #tpu.memory_space<vmem>>, vector<1x16xf32>,
      %get3A_283 = vector.shape_cast %get3A_282 : vector<1x16xf32> to vector<16xf32>
      %add3A_284 = arith.addf %add3A_260, %get3A_283 : vector<16xf32>
      %get3A_285 = arith.index_cast %add3A_279 : i32 to index
      %get3A_286 = arith.constant 16 : index
      %get3A_287 = tpu.vector_load %arg6[%get3A_285, %get3A_286] {strides = array<i32>} : memref<400x64xf32, #tpu.memory_space<vmem>>, vector<1x16xf32>,
      %get3A_288 = vector.shape_cast %get3A_287 : vector<1x16xf32> to vector<16xf32>
      %add3A_289 = arith.addf %add3A_265, %get3A_288 : vector<16xf32>
      %get3A_290 = arith.index_cast %add3A_279 : i32 to index
      %get3A_291 = arith.constant 32 : index
      %get3A_292 = tpu.vector_load %arg6[%get3A_290, %get3A_291] {strides = array<i32>} : memref<400x64xf32, #tpu.memory_space<vmem>>, vector<1x16xf32>,
      %get3A_293 = vector.shape_cast %get3A_292 : vector<1x16xf32> to vector<16xf32>
      %add3A_294 = arith.addf %add3A_270, %get3A_293 : vector<16xf32>
      %get3A_295 = arith.index_cast %add3A_279 : i32 to index
      %get3A_296 = arith.constant 48 : index
      %get3A_297 = tpu.vector_load %arg6[%get3A_295, %get3A_296] {strides = array<i32>} : memref<400x64xf32, #tpu.memory_space<vmem>>, vector<1x16xf32>,
      %get3A_298 = vector.shape_cast %get3A_297 : vector<1x16xf32> to vector<16xf32>
      %add3A_299 = arith.addf %add3A_275, %get3A_298 : vector<16xf32>
      %add3A_300 = arith.constant 0 : i32
      %add3A_301 = arith.addi %mul3A_40, %add3A_300 : i32
      %add3A_302 = arith.constant 10 : i32
      %add3A_303 = arith.addi %add3A_301, %add3A_302 : i32
      %get3A_304 = arith.index_cast %add3A_303 : i32 to index
      %get3A_305 = arith.constant 0 : index
      %get3A_306 = tpu.vector_load %arg6[%get3A_304, %get3A_305] {strides = array<i32>} : memref<400x64xf32, #tpu.memory_space<vmem>>, vector<1x16xf32>,
      %get3A_307 = vector.shape_cast %get3A_306 : vector<1x16xf32> to vector<16xf32>
      %add3A_308 = arith.addf %add3A_284, %get3A_307 : vector<16xf32>
      %get3A_309 = arith.index_cast %add3A_303 : i32 to index
      %get3A_310 = arith.constant 16 : index
      %get3A_311 = tpu.vector_load %arg6[%get3A_309, %get3A_310] {strides = array<i32>} : memref<400x64xf32, #tpu.memory_space<vmem>>, vector<1x16xf32>,
      %get3A_312 = vector.shape_cast %get3A_311 : vector<1x16xf32> to vector<16xf32>
      %add3A_313 = arith.addf %add3A_289, %get3A_312 : vector<16xf32>
      %get3A_314 = arith.index_cast %add3A_303 : i32 to index
      %get3A_315 = arith.constant 32 : index
      %get3A_316 = tpu.vector_load %arg6[%get3A_314, %get3A_315] {strides = array<i32>} : memref<400x64xf32, #tpu.memory_space<vmem>>, vector<1x16xf32>,
      %get3A_317 = vector.shape_cast %get3A_316 : vector<1x16xf32> to vector<16xf32>
      %add3A_318 = arith.addf %add3A_294, %get3A_317 : vector<16xf32>
      %get3A_319 = arith.index_cast %add3A_303 : i32 to index
      %get3A_320 = arith.constant 48 : index
      %get3A_321 = tpu.vector_load %arg6[%get3A_319, %get3A_320] {strides = array<i32>} : memref<400x64xf32, #tpu.memory_space<vmem>>, vector<1x16xf32>,
      %get3A_322 = vector.shape_cast %get3A_321 : vector<1x16xf32> to vector<16xf32>
      %add3A_323 = arith.addf %add3A_299, %get3A_322 : vector<16xf32>
      %add3A_324 = arith.constant 0 : i32
      %add3A_325 = arith.addi %mul3A_40, %add3A_324 : i32
      %add3A_326 = arith.constant 11 : i32
      %add3A_327 = arith.addi %add3A_325, %add3A_326 : i32
      %get3A_328 = arith.index_cast %add3A_327 : i32 to index
      %get3A_329 = arith.constant 0 : index
      %get3A_330 = tpu.vector_load %arg6[%get3A_328, %get3A_329] {strides = array<i32>} : memref<400x64xf32, #tpu.memory_space<vmem>>, vector<1x16xf32>,
      %get3A_331 = vector.shape_cast %get3A_330 : vector<1x16xf32> to vector<16xf32>
      %add3A_332 = arith.addf %add3A_308, %get3A_331 : vector<16xf32>
      %get3A_333 = arith.index_cast %add3A_327 : i32 to index
      %get3A_334 = arith.constant 16 : index
      %get3A_335 = tpu.vector_load %arg6[%get3A_333, %get3A_334] {strides = array<i32>} : memref<400x64xf32, #tpu.memory_space<vmem>>, vector<1x16xf32>,
      %get3A_336 = vector.shape_cast %get3A_335 : vector<1x16xf32> to vector<16xf32>
      %add3A_337 = arith.addf %add3A_313, %get3A_336 : vector<16xf32>
      %get3A_338 = arith.index_cast %add3A_327 : i32 to index
      %get3A_339 = arith.constant 32 : index
      %get3A_340 = tpu.vector_load %arg6[%get3A_338, %get3A_339] {strides = array<i32>} : memref<400x64xf32, #tpu.memory_space<vmem>>, vector<1x16xf32>,
      %get3A_341 = vector.shape_cast %get3A_340 : vector<1x16xf32> to vector<16xf32>
      %add3A_342 = arith.addf %add3A_318, %get3A_341 : vector<16xf32>
      %get3A_343 = arith.index_cast %add3A_327 : i32 to index
      %get3A_344 = arith.constant 48 : index
      %get3A_345 = tpu.vector_load %arg6[%get3A_343, %get3A_344] {strides = array<i32>} : memref<400x64xf32, #tpu.memory_space<vmem>>, vector<1x16xf32>,
      %get3A_346 = vector.shape_cast %get3A_345 : vector<1x16xf32> to vector<16xf32>
      %add3A_347 = arith.addf %add3A_323, %get3A_346 : vector<16xf32>
      %add3A_348 = arith.constant 0 : i32
      %add3A_349 = arith.addi %mul3A_40, %add3A_348 : i32
      %add3A_350 = arith.constant 12 : i32
      %add3A_351 = arith.addi %add3A_349, %add3A_350 : i32
      %get3A_352 = arith.index_cast %add3A_351 : i32 to index
      %get3A_353 = arith.constant 0 : index
      %get3A_354 = tpu.vector_load %arg6[%get3A_352, %get3A_353] {strides = array<i32>} : memref<400x64xf32, #tpu.memory_space<vmem>>, vector<1x16xf32>,
      %get3A_355 = vector.shape_cast %get3A_354 : vector<1x16xf32> to vector<16xf32>
      %add3A_356 = arith.addf %add3A_332, %get3A_355 : vector<16xf32>
      %get3A_357 = arith.index_cast %add3A_351 : i32 to index
      %get3A_358 = arith.constant 16 : index
      %get3A_359 = tpu.vector_load %arg6[%get3A_357, %get3A_358] {strides = array<i32>} : memref<400x64xf32, #tpu.memory_space<vmem>>, vector<1x16xf32>,
      %get3A_360 = vector.shape_cast %get3A_359 : vector<1x16xf32> to vector<16xf32>
      %add3A_361 = arith.addf %add3A_337, %get3A_360 : vector<16xf32>
      %get3A_362 = arith.index_cast %add3A_351 : i32 to index
      %get3A_363 = arith.constant 32 : index
      %get3A_364 = tpu.vector_load %arg6[%get3A_362, %get3A_363] {strides = array<i32>} : memref<400x64xf32, #tpu.memory_space<vmem>>, vector<1x16xf32>,
      %get3A_365 = vector.shape_cast %get3A_364 : vector<1x16xf32> to vector<16xf32>
      %add3A_366 = arith.addf %add3A_342, %get3A_365 : vector<16xf32>
      %get3A_367 = arith.index_cast %add3A_351 : i32 to index
      %get3A_368 = arith.constant 48 : index
      %get3A_369 = tpu.vector_load %arg6[%get3A_367, %get3A_368] {strides = array<i32>} : memref<400x64xf32, #tpu.memory_space<vmem>>, vector<1x16xf32>,
      %get3A_370 = vector.shape_cast %get3A_369 : vector<1x16xf32> to vector<16xf32>
      %add3A_371 = arith.addf %add3A_347, %get3A_370 : vector<16xf32>
      %add3A_372 = arith.constant 0 : i32
      %add3A_373 = arith.addi %mul3A_40, %add3A_372 : i32
      %add3A_374 = arith.constant 13 : i32
      %add3A_375 = arith.addi %add3A_373, %add3A_374 : i32
      %get3A_376 = arith.index_cast %add3A_375 : i32 to index
      %get3A_377 = arith.constant 0 : index
      %get3A_378 = tpu.vector_load %arg6[%get3A_376, %get3A_377] {strides = array<i32>} : memref<400x64xf32, #tpu.memory_space<vmem>>, vector<1x16xf32>,
      %get3A_379 = vector.shape_cast %get3A_378 : vector<1x16xf32> to vector<16xf32>
      %add3A_380 = arith.addf %add3A_356, %get3A_379 : vector<16xf32>
      %get3A_381 = arith.index_cast %add3A_375 : i32 to index
      %get3A_382 = arith.constant 16 : index
      %get3A_383 = tpu.vector_load %arg6[%get3A_381, %get3A_382] {strides = array<i32>} : memref<400x64xf32, #tpu.memory_space<vmem>>, vector<1x16xf32>,
      %get3A_384 = vector.shape_cast %get3A_383 : vector<1x16xf32> to vector<16xf32>
      %add3A_385 = arith.addf %add3A_361, %get3A_384 : vector<16xf32>
      %get3A_386 = arith.index_cast %add3A_375 : i32 to index
      %get3A_387 = arith.constant 32 : index
      %get3A_388 = tpu.vector_load %arg6[%get3A_386, %get3A_387] {strides = array<i32>} : memref<400x64xf32, #tpu.memory_space<vmem>>, vector<1x16xf32>,
      %get3A_389 = vector.shape_cast %get3A_388 : vector<1x16xf32> to vector<16xf32>
      %add3A_390 = arith.addf %add3A_366, %get3A_389 : vector<16xf32>
      %get3A_391 = arith.index_cast %add3A_375 : i32 to index
      %get3A_392 = arith.constant 48 : index
      %get3A_393 = tpu.vector_load %arg6[%get3A_391, %get3A_392] {strides = array<i32>} : memref<400x64xf32, #tpu.memory_space<vmem>>, vector<1x16xf32>,
      %get3A_394 = vector.shape_cast %get3A_393 : vector<1x16xf32> to vector<16xf32>
      %add3A_395 = arith.addf %add3A_371, %get3A_394 : vector<16xf32>
      %add3A_396 = arith.constant 0 : i32
      %add3A_397 = arith.addi %mul3A_40, %add3A_396 : i32
      %add3A_398 = arith.constant 14 : i32
      %add3A_399 = arith.addi %add3A_397, %add3A_398 : i32
      %get3A_400 = arith.index_cast %add3A_399 : i32 to index
      %get3A_401 = arith.constant 0 : index
      %get3A_402 = tpu.vector_load %arg6[%get3A_400, %get3A_401] {strides = array<i32>} : memref<400x64xf32, #tpu.memory_space<vmem>>, vector<1x16xf32>,
      %get3A_403 = vector.shape_cast %get3A_402 : vector<1x16xf32> to vector<16xf32>
      %add3A_404 = arith.addf %add3A_380, %get3A_403 : vector<16xf32>
      %get3A_405 = arith.index_cast %add3A_399 : i32 to index
      %get3A_406 = arith.constant 16 : index
      %get3A_407 = tpu.vector_load %arg6[%get3A_405, %get3A_406] {strides = array<i32>} : memref<400x64xf32, #tpu.memory_space<vmem>>, vector<1x16xf32>,
      %get3A_408 = vector.shape_cast %get3A_407 : vector<1x16xf32> to vector<16xf32>
      %add3A_409 = arith.addf %add3A_385, %get3A_408 : vector<16xf32>
      %get3A_410 = arith.index_cast %add3A_399 : i32 to index
      %get3A_411 = arith.constant 32 : index
      %get3A_412 = tpu.vector_load %arg6[%get3A_410, %get3A_411] {strides = array<i32>} : memref<400x64xf32, #tpu.memory_space<vmem>>, vector<1x16xf32>,
      %get3A_413 = vector.shape_cast %get3A_412 : vector<1x16xf32> to vector<16xf32>
      %add3A_414 = arith.addf %add3A_390, %get3A_413 : vector<16xf32>
      %get3A_415 = arith.index_cast %add3A_399 : i32 to index
      %get3A_416 = arith.constant 48 : index
      %get3A_417 = tpu.vector_load %arg6[%get3A_415, %get3A_416] {strides = array<i32>} : memref<400x64xf32, #tpu.memory_space<vmem>>, vector<1x16xf32>,
      %get3A_418 = vector.shape_cast %get3A_417 : vector<1x16xf32> to vector<16xf32>
      %add3A_419 = arith.addf %add3A_395, %get3A_418 : vector<16xf32>
      %add3A_420 = arith.constant 0 : i32
      %add3A_421 = arith.addi %mul3A_40, %add3A_420 : i32
      %add3A_422 = arith.constant 15 : i32
      %add3A_423 = arith.addi %add3A_421, %add3A_422 : i32
      %get3A_424 = arith.index_cast %add3A_423 : i32 to index
      %get3A_425 = arith.constant 0 : index
      %get3A_426 = tpu.vector_load %arg6[%get3A_424, %get3A_425] {strides = array<i32>} : memref<400x64xf32, #tpu.memory_space<vmem>>, vector<1x16xf32>,
      %get3A_427 = vector.shape_cast %get3A_426 : vector<1x16xf32> to vector<16xf32>
      %add3A_428 = arith.addf %add3A_404, %get3A_427 : vector<16xf32>
      %get3A_429 = arith.index_cast %add3A_423 : i32 to index
      %get3A_430 = arith.constant 16 : index
      %get3A_431 = tpu.vector_load %arg6[%get3A_429, %get3A_430] {strides = array<i32>} : memref<400x64xf32, #tpu.memory_space<vmem>>, vector<1x16xf32>,
      %get3A_432 = vector.shape_cast %get3A_431 : vector<1x16xf32> to vector<16xf32>
      %add3A_433 = arith.addf %add3A_409, %get3A_432 : vector<16xf32>
      %get3A_434 = arith.index_cast %add3A_423 : i32 to index
      %get3A_435 = arith.constant 32 : index
      %get3A_436 = tpu.vector_load %arg6[%get3A_434, %get3A_435] {strides = array<i32>} : memref<400x64xf32, #tpu.memory_space<vmem>>, vector<1x16xf32>,
      %get3A_437 = vector.shape_cast %get3A_436 : vector<1x16xf32> to vector<16xf32>
      %add3A_438 = arith.addf %add3A_414, %get3A_437 : vector<16xf32>
      %get3A_439 = arith.index_cast %add3A_423 : i32 to index
      %get3A_440 = arith.constant 48 : index
      %get3A_441 = tpu.vector_load %arg6[%get3A_439, %get3A_440] {strides = array<i32>} : memref<400x64xf32, #tpu.memory_space<vmem>>, vector<1x16xf32>,
      %get3A_442 = vector.shape_cast %get3A_441 : vector<1x16xf32> to vector<16xf32>
      %add3A_443 = arith.addf %add3A_419, %get3A_442 : vector<16xf32>
      %add3A_444 = arith.constant 0 : i32
      %add3A_445 = arith.addi %mul3A_40, %add3A_444 : i32
      %add3A_446 = arith.constant 16 : i32
      %add3A_447 = arith.addi %add3A_445, %add3A_446 : i32
      %get3A_448 = arith.index_cast %add3A_447 : i32 to index
      %get3A_449 = arith.constant 0 : index
      %get3A_450 = tpu.vector_load %arg6[%get3A_448, %get3A_449] {strides = array<i32>} : memref<400x64xf32, #tpu.memory_space<vmem>>, vector<1x16xf32>,
      %get3A_451 = vector.shape_cast %get3A_450 : vector<1x16xf32> to vector<16xf32>
      %add3A_452 = arith.addf %add3A_428, %get3A_451 : vector<16xf32>
      %get3A_453 = arith.index_cast %add3A_447 : i32 to index
      %get3A_454 = arith.constant 16 : index
      %get3A_455 = tpu.vector_load %arg6[%get3A_453, %get3A_454] {strides = array<i32>} : memref<400x64xf32, #tpu.memory_space<vmem>>, vector<1x16xf32>,
      %get3A_456 = vector.shape_cast %get3A_455 : vector<1x16xf32> to vector<16xf32>
      %add3A_457 = arith.addf %add3A_433, %get3A_456 : vector<16xf32>
      %get3A_458 = arith.index_cast %add3A_447 : i32 to index
      %get3A_459 = arith.constant 32 : index
      %get3A_460 = tpu.vector_load %arg6[%get3A_458, %get3A_459] {strides = array<i32>} : memref<400x64xf32, #tpu.memory_space<vmem>>, vector<1x16xf32>,
      %get3A_461 = vector.shape_cast %get3A_460 : vector<1x16xf32> to vector<16xf32>
      %add3A_462 = arith.addf %add3A_438, %get3A_461 : vector<16xf32>
      %get3A_463 = arith.index_cast %add3A_447 : i32 to index
      %get3A_464 = arith.constant 48 : index
      %get3A_465 = tpu.vector_load %arg6[%get3A_463, %get3A_464] {strides = array<i32>} : memref<400x64xf32, #tpu.memory_space<vmem>>, vector<1x16xf32>,
      %get3A_466 = vector.shape_cast %get3A_465 : vector<1x16xf32> to vector<16xf32>
      %add3A_467 = arith.addf %add3A_443, %get3A_466 : vector<16xf32>
      %add3A_468 = arith.constant 0 : i32
      %add3A_469 = arith.addi %mul3A_40, %add3A_468 : i32
      %add3A_470 = arith.constant 17 : i32
      %add3A_471 = arith.addi %add3A_469, %add3A_470 : i32
      %get3A_472 = arith.index_cast %add3A_471 : i32 to index
      %get3A_473 = arith.constant 0 : index
      %get3A_474 = tpu.vector_load %arg6[%get3A_472, %get3A_473] {strides = array<i32>} : memref<400x64xf32, #tpu.memory_space<vmem>>, vector<1x16xf32>,
      %get3A_475 = vector.shape_cast %get3A_474 : vector<1x16xf32> to vector<16xf32>
      %add3A_476 = arith.addf %add3A_452, %get3A_475 : vector<16xf32>
      %get3A_477 = arith.index_cast %add3A_471 : i32 to index
      %get3A_478 = arith.constant 16 : index
      %get3A_479 = tpu.vector_load %arg6[%get3A_477, %get3A_478] {strides = array<i32>} : memref<400x64xf32, #tpu.memory_space<vmem>>, vector<1x16xf32>,
      %get3A_480 = vector.shape_cast %get3A_479 : vector<1x16xf32> to vector<16xf32>
      %add3A_481 = arith.addf %add3A_457, %get3A_480 : vector<16xf32>
      %get3A_482 = arith.index_cast %add3A_471 : i32 to index
      %get3A_483 = arith.constant 32 : index
      %get3A_484 = tpu.vector_load %arg6[%get3A_482, %get3A_483] {strides = array<i32>} : memref<400x64xf32, #tpu.memory_space<vmem>>, vector<1x16xf32>,
      %get3A_485 = vector.shape_cast %get3A_484 : vector<1x16xf32> to vector<16xf32>
      %add3A_486 = arith.addf %add3A_462, %get3A_485 : vector<16xf32>
      %get3A_487 = arith.index_cast %add3A_471 : i32 to index
      %get3A_488 = arith.constant 48 : index
      %get3A_489 = tpu.vector_load %arg6[%get3A_487, %get3A_488] {strides = array<i32>} : memref<400x64xf32, #tpu.memory_space<vmem>>, vector<1x16xf32>,
      %get3A_490 = vector.shape_cast %get3A_489 : vector<1x16xf32> to vector<16xf32>
      %add3A_491 = arith.addf %add3A_467, %get3A_490 : vector<16xf32>
      %add3A_492 = arith.constant 0 : i32
      %add3A_493 = arith.addi %mul3A_40, %add3A_492 : i32
      %add3A_494 = arith.constant 18 : i32
      %add3A_495 = arith.addi %add3A_493, %add3A_494 : i32
      %get3A_496 = arith.index_cast %add3A_495 : i32 to index
      %get3A_497 = arith.constant 0 : index
      %get3A_498 = tpu.vector_load %arg6[%get3A_496, %get3A_497] {strides = array<i32>} : memref<400x64xf32, #tpu.memory_space<vmem>>, vector<1x16xf32>,
      %get3A_499 = vector.shape_cast %get3A_498 : vector<1x16xf32> to vector<16xf32>
      %add3A_500 = arith.addf %add3A_476, %get3A_499 : vector<16xf32>
      %get3A_501 = arith.index_cast %add3A_495 : i32 to index
      %get3A_502 = arith.constant 16 : index
      %get3A_503 = tpu.vector_load %arg6[%get3A_501, %get3A_502] {strides = array<i32>} : memref<400x64xf32, #tpu.memory_space<vmem>>, vector<1x16xf32>,
      %get3A_504 = vector.shape_cast %get3A_503 : vector<1x16xf32> to vector<16xf32>
      %add3A_505 = arith.addf %add3A_481, %get3A_504 : vector<16xf32>
      %get3A_506 = arith.index_cast %add3A_495 : i32 to index
      %get3A_507 = arith.constant 32 : index
      %get3A_508 = tpu.vector_load %arg6[%get3A_506, %get3A_507] {strides = array<i32>} : memref<400x64xf32, #tpu.memory_space<vmem>>, vector<1x16xf32>,
      %get3A_509 = vector.shape_cast %get3A_508 : vector<1x16xf32> to vector<16xf32>
      %add3A_510 = arith.addf %add3A_486, %get3A_509 : vector<16xf32>
      %get3A_511 = arith.index_cast %add3A_495 : i32 to index
      %get3A_512 = arith.constant 48 : index
      %get3A_513 = tpu.vector_load %arg6[%get3A_511, %get3A_512] {strides = array<i32>} : memref<400x64xf32, #tpu.memory_space<vmem>>, vector<1x16xf32>,
      %get3A_514 = vector.shape_cast %get3A_513 : vector<1x16xf32> to vector<16xf32>
      %add3A_515 = arith.addf %add3A_491, %get3A_514 : vector<16xf32>
      %add3A_516 = arith.constant 0 : i32
      %add3A_517 = arith.addi %mul3A_40, %add3A_516 : i32
      %add3A_518 = arith.constant 19 : i32
      %add3A_519 = arith.addi %add3A_517, %add3A_518 : i32
      %get3A_520 = arith.index_cast %add3A_519 : i32 to index
      %get3A_521 = arith.constant 0 : index
      %get3A_522 = tpu.vector_load %arg6[%get3A_520, %get3A_521] {strides = array<i32>} : memref<400x64xf32, #tpu.memory_space<vmem>>, vector<1x16xf32>,
      %get3A_523 = vector.shape_cast %get3A_522 : vector<1x16xf32> to vector<16xf32>
      %add3A_524 = arith.addf %add3A_500, %get3A_523 : vector<16xf32>
      %get3A_525 = arith.index_cast %add3A_519 : i32 to index
      %get3A_526 = arith.constant 16 : index
      %get3A_527 = tpu.vector_load %arg6[%get3A_525, %get3A_526] {strides = array<i32>} : memref<400x64xf32, #tpu.memory_space<vmem>>, vector<1x16xf32>,
      %get3A_528 = vector.shape_cast %get3A_527 : vector<1x16xf32> to vector<16xf32>
      %add3A_529 = arith.addf %add3A_505, %get3A_528 : vector<16xf32>
      %get3A_530 = arith.index_cast %add3A_519 : i32 to index
      %get3A_531 = arith.constant 32 : index
      %get3A_532 = tpu.vector_load %arg6[%get3A_530, %get3A_531] {strides = array<i32>} : memref<400x64xf32, #tpu.memory_space<vmem>>, vector<1x16xf32>,
      %get3A_533 = vector.shape_cast %get3A_532 : vector<1x16xf32> to vector<16xf32>
      %add3A_534 = arith.addf %add3A_510, %get3A_533 : vector<16xf32>
      %get3A_535 = arith.index_cast %add3A_519 : i32 to index
      %get3A_536 = arith.constant 48 : index
      %get3A_537 = tpu.vector_load %arg6[%get3A_535, %get3A_536] {strides = array<i32>} : memref<400x64xf32, #tpu.memory_space<vmem>>, vector<1x16xf32>,
      %get3A_538 = vector.shape_cast %get3A_537 : vector<1x16xf32> to vector<16xf32>
      %add3A_539 = arith.addf %add3A_515, %get3A_538 : vector<16xf32>
      %add3A_540 = arith.constant 0 : i32
      %add3A_541 = arith.addi %mul3A_40, %add3A_540 : i32
      %add3A_542 = arith.constant 20 : i32
      %add3A_543 = arith.addi %add3A_541, %add3A_542 : i32
      %get3A_544 = arith.index_cast %add3A_543 : i32 to index
      %get3A_545 = arith.constant 0 : index
      %get3A_546 = tpu.vector_load %arg6[%get3A_544, %get3A_545] {strides = array<i32>} : memref<400x64xf32, #tpu.memory_space<vmem>>, vector<1x16xf32>,
      %get3A_547 = vector.shape_cast %get3A_546 : vector<1x16xf32> to vector<16xf32>
      %add3A_548 = arith.addf %add3A_524, %get3A_547 : vector<16xf32>
      %get3A_549 = arith.index_cast %add3A_543 : i32 to index
      %get3A_550 = arith.constant 16 : index
      %get3A_551 = tpu.vector_load %arg6[%get3A_549, %get3A_550] {strides = array<i32>} : memref<400x64xf32, #tpu.memory_space<vmem>>, vector<1x16xf32>,
      %get3A_552 = vector.shape_cast %get3A_551 : vector<1x16xf32> to vector<16xf32>
      %add3A_553 = arith.addf %add3A_529, %get3A_552 : vector<16xf32>
      %get3A_554 = arith.index_cast %add3A_543 : i32 to index
      %get3A_555 = arith.constant 32 : index
      %get3A_556 = tpu.vector_load %arg6[%get3A_554, %get3A_555] {strides = array<i32>} : memref<400x64xf32, #tpu.memory_space<vmem>>, vector<1x16xf32>,
      %get3A_557 = vector.shape_cast %get3A_556 : vector<1x16xf32> to vector<16xf32>
      %add3A_558 = arith.addf %add3A_534, %get3A_557 : vector<16xf32>
      %get3A_559 = arith.index_cast %add3A_543 : i32 to index
      %get3A_560 = arith.constant 48 : index
      %get3A_561 = tpu.vector_load %arg6[%get3A_559, %get3A_560] {strides = array<i32>} : memref<400x64xf32, #tpu.memory_space<vmem>>, vector<1x16xf32>,
      %get3A_562 = vector.shape_cast %get3A_561 : vector<1x16xf32> to vector<16xf32>
      %add3A_563 = arith.addf %add3A_539, %get3A_562 : vector<16xf32>
      %add3A_564 = arith.constant 0 : i32
      %add3A_565 = arith.addi %mul3A_40, %add3A_564 : i32
      %add3A_566 = arith.constant 21 : i32
      %add3A_567 = arith.addi %add3A_565, %add3A_566 : i32
      %get3A_568 = arith.index_cast %add3A_567 : i32 to index
      %get3A_569 = arith.constant 0 : index
      %get3A_570 = tpu.vector_load %arg6[%get3A_568, %get3A_569] {strides = array<i32>} : memref<400x64xf32, #tpu.memory_space<vmem>>, vector<1x16xf32>,
      %get3A_571 = vector.shape_cast %get3A_570 : vector<1x16xf32> to vector<16xf32>
      %add3A_572 = arith.addf %add3A_548, %get3A_571 : vector<16xf32>
      %get3A_573 = arith.index_cast %add3A_567 : i32 to index
      %get3A_574 = arith.constant 16 : index
      %get3A_575 = tpu.vector_load %arg6[%get3A_573, %get3A_574] {strides = array<i32>} : memref<400x64xf32, #tpu.memory_space<vmem>>, vector<1x16xf32>,
      %get3A_576 = vector.shape_cast %get3A_575 : vector<1x16xf32> to vector<16xf32>
      %add3A_577 = arith.addf %add3A_553, %get3A_576 : vector<16xf32>
      %get3A_578 = arith.index_cast %add3A_567 : i32 to index
      %get3A_579 = arith.constant 32 : index
      %get3A_580 = tpu.vector_load %arg6[%get3A_578, %get3A_579] {strides = array<i32>} : memref<400x64xf32, #tpu.memory_space<vmem>>, vector<1x16xf32>,
      %get3A_581 = vector.shape_cast %get3A_580 : vector<1x16xf32> to vector<16xf32>
      %add3A_582 = arith.addf %add3A_558, %get3A_581 : vector<16xf32>
      %get3A_583 = arith.index_cast %add3A_567 : i32 to index
      %get3A_584 = arith.constant 48 : index
      %get3A_585 = tpu.vector_load %arg6[%get3A_583, %get3A_584] {strides = array<i32>} : memref<400x64xf32, #tpu.memory_space<vmem>>, vector<1x16xf32>,
      %get3A_586 = vector.shape_cast %get3A_585 : vector<1x16xf32> to vector<16xf32>
      %add3A_587 = arith.addf %add3A_563, %get3A_586 : vector<16xf32>
      %add3A_588 = arith.constant 0 : i32
      %add3A_589 = arith.addi %mul3A_40, %add3A_588 : i32
      %add3A_590 = arith.constant 22 : i32
      %add3A_591 = arith.addi %add3A_589, %add3A_590 : i32
      %get3A_592 = arith.index_cast %add3A_591 : i32 to index
      %get3A_593 = arith.constant 0 : index
      %get3A_594 = tpu.vector_load %arg6[%get3A_592, %get3A_593] {strides = array<i32>} : memref<400x64xf32, #tpu.memory_space<vmem>>, vector<1x16xf32>,
      %get3A_595 = vector.shape_cast %get3A_594 : vector<1x16xf32> to vector<16xf32>
      %add3A_596 = arith.addf %add3A_572, %get3A_595 : vector<16xf32>
      %get3A_597 = arith.index_cast %add3A_591 : i32 to index
      %get3A_598 = arith.constant 16 : index
      %get3A_599 = tpu.vector_load %arg6[%get3A_597, %get3A_598] {strides = array<i32>} : memref<400x64xf32, #tpu.memory_space<vmem>>, vector<1x16xf32>,
      %get3A_600 = vector.shape_cast %get3A_599 : vector<1x16xf32> to vector<16xf32>
      %add3A_601 = arith.addf %add3A_577, %get3A_600 : vector<16xf32>
      %get3A_602 = arith.index_cast %add3A_591 : i32 to index
      %get3A_603 = arith.constant 32 : index
      %get3A_604 = tpu.vector_load %arg6[%get3A_602, %get3A_603] {strides = array<i32>} : memref<400x64xf32, #tpu.memory_space<vmem>>, vector<1x16xf32>,
      %get3A_605 = vector.shape_cast %get3A_604 : vector<1x16xf32> to vector<16xf32>
      %add3A_606 = arith.addf %add3A_582, %get3A_605 : vector<16xf32>
      %get3A_607 = arith.index_cast %add3A_591 : i32 to index
      %get3A_608 = arith.constant 48 : index
      %get3A_609 = tpu.vector_load %arg6[%get3A_607, %get3A_608] {strides = array<i32>} : memref<400x64xf32, #tpu.memory_space<vmem>>, vector<1x16xf32>,
      %get3A_610 = vector.shape_cast %get3A_609 : vector<1x16xf32> to vector<16xf32>
      %add3A_611 = arith.addf %add3A_587, %get3A_610 : vector<16xf32>
      %add3A_612 = arith.constant 0 : i32
      %add3A_613 = arith.addi %mul3A_40, %add3A_612 : i32
      %add3A_614 = arith.constant 23 : i32
      %add3A_615 = arith.addi %add3A_613, %add3A_614 : i32
      %get3A_616 = arith.index_cast %add3A_615 : i32 to index
      %get3A_617 = arith.constant 0 : index
      %get3A_618 = tpu.vector_load %arg6[%get3A_616, %get3A_617] {strides = array<i32>} : memref<400x64xf32, #tpu.memory_space<vmem>>, vector<1x16xf32>,
      %get3A_619 = vector.shape_cast %get3A_618 : vector<1x16xf32> to vector<16xf32>
      %add3A_620 = arith.addf %add3A_596, %get3A_619 : vector<16xf32>
      %get3A_621 = arith.index_cast %add3A_615 : i32 to index
      %get3A_622 = arith.constant 16 : index
      %get3A_623 = tpu.vector_load %arg6[%get3A_621, %get3A_622] {strides = array<i32>} : memref<400x64xf32, #tpu.memory_space<vmem>>, vector<1x16xf32>,
      %get3A_624 = vector.shape_cast %get3A_623 : vector<1x16xf32> to vector<16xf32>
      %add3A_625 = arith.addf %add3A_601, %get3A_624 : vector<16xf32>
      %get3A_626 = arith.index_cast %add3A_615 : i32 to index
      %get3A_627 = arith.constant 32 : index
      %get3A_628 = tpu.vector_load %arg6[%get3A_626, %get3A_627] {strides = array<i32>} : memref<400x64xf32, #tpu.memory_space<vmem>>, vector<1x16xf32>,
      %get3A_629 = vector.shape_cast %get3A_628 : vector<1x16xf32> to vector<16xf32>
      %add3A_630 = arith.addf %add3A_606, %get3A_629 : vector<16xf32>
      %get3A_631 = arith.index_cast %add3A_615 : i32 to index
      %get3A_632 = arith.constant 48 : index
      %get3A_633 = tpu.vector_load %arg6[%get3A_631, %get3A_632] {strides = array<i32>} : memref<400x64xf32, #tpu.memory_space<vmem>>, vector<1x16xf32>,
      %get3A_634 = vector.shape_cast %get3A_633 : vector<1x16xf32> to vector<16xf32>
      %add3A_635 = arith.addf %add3A_611, %get3A_634 : vector<16xf32>
      %add3A_636 = arith.constant 0 : i32
      %add3A_637 = arith.addi %mul3A_40, %add3A_636 : i32
      %add3A_638 = arith.constant 24 : i32
      %add3A_639 = arith.addi %add3A_637, %add3A_638 : i32
      %get3A_640 = arith.index_cast %add3A_639 : i32 to index
      %get3A_641 = arith.constant 0 : index
      %get3A_642 = tpu.vector_load %arg6[%get3A_640, %get3A_641] {strides = array<i32>} : memref<400x64xf32, #tpu.memory_space<vmem>>, vector<1x16xf32>,
      %get3A_643 = vector.shape_cast %get3A_642 : vector<1x16xf32> to vector<16xf32>
      %add3A_644 = arith.addf %add3A_620, %get3A_643 : vector<16xf32>
      %get3A_645 = arith.index_cast %add3A_639 : i32 to index
      %get3A_646 = arith.constant 16 : index
      %get3A_647 = tpu.vector_load %arg6[%get3A_645, %get3A_646] {strides = array<i32>} : memref<400x64xf32, #tpu.memory_space<vmem>>, vector<1x16xf32>,
      %get3A_648 = vector.shape_cast %get3A_647 : vector<1x16xf32> to vector<16xf32>
      %add3A_649 = arith.addf %add3A_625, %get3A_648 : vector<16xf32>
      %get3A_650 = arith.index_cast %add3A_639 : i32 to index
      %get3A_651 = arith.constant 32 : index
      %get3A_652 = tpu.vector_load %arg6[%get3A_650, %get3A_651] {strides = array<i32>} : memref<400x64xf32, #tpu.memory_space<vmem>>, vector<1x16xf32>,
      %get3A_653 = vector.shape_cast %get3A_652 : vector<1x16xf32> to vector<16xf32>
      %add3A_654 = arith.addf %add3A_630, %get3A_653 : vector<16xf32>
      %get3A_655 = arith.index_cast %add3A_639 : i32 to index
      %get3A_656 = arith.constant 48 : index
      %get3A_657 = tpu.vector_load %arg6[%get3A_655, %get3A_656] {strides = array<i32>} : memref<400x64xf32, #tpu.memory_space<vmem>>, vector<1x16xf32>,
      %get3A_658 = vector.shape_cast %get3A_657 : vector<1x16xf32> to vector<16xf32>
      %add3A_659 = arith.addf %add3A_635, %get3A_658 : vector<16xf32>
      %add3A_660 = arith.constant 0 : i32
      %add3A_661 = arith.addi %mul3A_40, %add3A_660 : i32
      %add3A_662 = arith.constant 25 : i32
      %add3A_663 = arith.addi %add3A_661, %add3A_662 : i32
      %get3A_664 = arith.index_cast %add3A_663 : i32 to index
      %get3A_665 = arith.constant 0 : index
      %get3A_666 = tpu.vector_load %arg6[%get3A_664, %get3A_665] {strides = array<i32>} : memref<400x64xf32, #tpu.memory_space<vmem>>, vector<1x16xf32>,
      %get3A_667 = vector.shape_cast %get3A_666 : vector<1x16xf32> to vector<16xf32>
      %add3A_668 = arith.addf %add3A_644, %get3A_667 : vector<16xf32>
      %get3A_669 = arith.index_cast %add3A_663 : i32 to index
      %get3A_670 = arith.constant 16 : index
      %get3A_671 = tpu.vector_load %arg6[%get3A_669, %get3A_670] {strides = array<i32>} : memref<400x64xf32, #tpu.memory_space<vmem>>, vector<1x16xf32>,
      %get3A_672 = vector.shape_cast %get3A_671 : vector<1x16xf32> to vector<16xf32>
      %add3A_673 = arith.addf %add3A_649, %get3A_672 : vector<16xf32>
      %get3A_674 = arith.index_cast %add3A_663 : i32 to index
      %get3A_675 = arith.constant 32 : index
      %get3A_676 = tpu.vector_load %arg6[%get3A_674, %get3A_675] {strides = array<i32>} : memref<400x64xf32, #tpu.memory_space<vmem>>, vector<1x16xf32>,
      %get3A_677 = vector.shape_cast %get3A_676 : vector<1x16xf32> to vector<16xf32>
      %add3A_678 = arith.addf %add3A_654, %get3A_677 : vector<16xf32>
      %get3A_679 = arith.index_cast %add3A_663 : i32 to index
      %get3A_680 = arith.constant 48 : index
      %get3A_681 = tpu.vector_load %arg6[%get3A_679, %get3A_680] {strides = array<i32>} : memref<400x64xf32, #tpu.memory_space<vmem>>, vector<1x16xf32>,
      %get3A_682 = vector.shape_cast %get3A_681 : vector<1x16xf32> to vector<16xf32>
      %add3A_683 = arith.addf %add3A_659, %get3A_682 : vector<16xf32>
      %add3A_684 = arith.constant 0 : i32
      %add3A_685 = arith.addi %mul3A_40, %add3A_684 : i32
      %add3A_686 = arith.constant 26 : i32
      %add3A_687 = arith.addi %add3A_685, %add3A_686 : i32
      %get3A_688 = arith.index_cast %add3A_687 : i32 to index
      %get3A_689 = arith.constant 0 : index
      %get3A_690 = tpu.vector_load %arg6[%get3A_688, %get3A_689] {strides = array<i32>} : memref<400x64xf32, #tpu.memory_space<vmem>>, vector<1x16xf32>,
      %get3A_691 = vector.shape_cast %get3A_690 : vector<1x16xf32> to vector<16xf32>
      %add3A_692 = arith.addf %add3A_668, %get3A_691 : vector<16xf32>
      %get3A_693 = arith.index_cast %add3A_687 : i32 to index
      %get3A_694 = arith.constant 16 : index
      %get3A_695 = tpu.vector_load %arg6[%get3A_693, %get3A_694] {strides = array<i32>} : memref<400x64xf32, #tpu.memory_space<vmem>>, vector<1x16xf32>,
      %get3A_696 = vector.shape_cast %get3A_695 : vector<1x16xf32> to vector<16xf32>
      %add3A_697 = arith.addf %add3A_673, %get3A_696 : vector<16xf32>
      %get3A_698 = arith.index_cast %add3A_687 : i32 to index
      %get3A_699 = arith.constant 32 : index
      %get3A_700 = tpu.vector_load %arg6[%get3A_698, %get3A_699] {strides = array<i32>} : memref<400x64xf32, #tpu.memory_space<vmem>>, vector<1x16xf32>,
      %get3A_701 = vector.shape_cast %get3A_700 : vector<1x16xf32> to vector<16xf32>
      %add3A_702 = arith.addf %add3A_678, %get3A_701 : vector<16xf32>
      %get3A_703 = arith.index_cast %add3A_687 : i32 to index
      %get3A_704 = arith.constant 48 : index
      %get3A_705 = tpu.vector_load %arg6[%get3A_703, %get3A_704] {strides = array<i32>} : memref<400x64xf32, #tpu.memory_space<vmem>>, vector<1x16xf32>,
      %get3A_706 = vector.shape_cast %get3A_705 : vector<1x16xf32> to vector<16xf32>
      %add3A_707 = arith.addf %add3A_683, %get3A_706 : vector<16xf32>
      %add3A_708 = arith.constant 0 : i32
      %add3A_709 = arith.addi %mul3A_40, %add3A_708 : i32
      %add3A_710 = arith.constant 27 : i32
      %add3A_711 = arith.addi %add3A_709, %add3A_710 : i32
      %get3A_712 = arith.index_cast %add3A_711 : i32 to index
      %get3A_713 = arith.constant 0 : index
      %get3A_714 = tpu.vector_load %arg6[%get3A_712, %get3A_713] {strides = array<i32>} : memref<400x64xf32, #tpu.memory_space<vmem>>, vector<1x16xf32>,
      %get3A_715 = vector.shape_cast %get3A_714 : vector<1x16xf32> to vector<16xf32>
      %add3A_716 = arith.addf %add3A_692, %get3A_715 : vector<16xf32>
      %get3A_717 = arith.index_cast %add3A_711 : i32 to index
      %get3A_718 = arith.constant 16 : index
      %get3A_719 = tpu.vector_load %arg6[%get3A_717, %get3A_718] {strides = array<i32>} : memref<400x64xf32, #tpu.memory_space<vmem>>, vector<1x16xf32>,
      %get3A_720 = vector.shape_cast %get3A_719 : vector<1x16xf32> to vector<16xf32>
      %add3A_721 = arith.addf %add3A_697, %get3A_720 : vector<16xf32>
      %get3A_722 = arith.index_cast %add3A_711 : i32 to index
      %get3A_723 = arith.constant 32 : index
      %get3A_724 = tpu.vector_load %arg6[%get3A_722, %get3A_723] {strides = array<i32>} : memref<400x64xf32, #tpu.memory_space<vmem>>, vector<1x16xf32>,
      %get3A_725 = vector.shape_cast %get3A_724 : vector<1x16xf32> to vector<16xf32>
      %add3A_726 = arith.addf %add3A_702, %get3A_725 : vector<16xf32>
      %get3A_727 = arith.index_cast %add3A_711 : i32 to index
      %get3A_728 = arith.constant 48 : index
      %get3A_729 = tpu.vector_load %arg6[%get3A_727, %get3A_728] {strides = array<i32>} : memref<400x64xf32, #tpu.memory_space<vmem>>, vector<1x16xf32>,
      %get3A_730 = vector.shape_cast %get3A_729 : vector<1x16xf32> to vector<16xf32>
      %add3A_731 = arith.addf %add3A_707, %get3A_730 : vector<16xf32>
      %add3A_732 = arith.constant 0 : i32
      %add3A_733 = arith.addi %mul3A_40, %add3A_732 : i32
      %add3A_734 = arith.constant 28 : i32
      %add3A_735 = arith.addi %add3A_733, %add3A_734 : i32
      %get3A_736 = arith.index_cast %add3A_735 : i32 to index
      %get3A_737 = arith.constant 0 : index
      %get3A_738 = tpu.vector_load %arg6[%get3A_736, %get3A_737] {strides = array<i32>} : memref<400x64xf32, #tpu.memory_space<vmem>>, vector<1x16xf32>,
      %get3A_739 = vector.shape_cast %get3A_738 : vector<1x16xf32> to vector<16xf32>
      %add3A_740 = arith.addf %add3A_716, %get3A_739 : vector<16xf32>
      %get3A_741 = arith.index_cast %add3A_735 : i32 to index
      %get3A_742 = arith.constant 16 : index
      %get3A_743 = tpu.vector_load %arg6[%get3A_741, %get3A_742] {strides = array<i32>} : memref<400x64xf32, #tpu.memory_space<vmem>>, vector<1x16xf32>,
      %get3A_744 = vector.shape_cast %get3A_743 : vector<1x16xf32> to vector<16xf32>
      %add3A_745 = arith.addf %add3A_721, %get3A_744 : vector<16xf32>
      %get3A_746 = arith.index_cast %add3A_735 : i32 to index
      %get3A_747 = arith.constant 32 : index
      %get3A_748 = tpu.vector_load %arg6[%get3A_746, %get3A_747] {strides = array<i32>} : memref<400x64xf32, #tpu.memory_space<vmem>>, vector<1x16xf32>,
      %get3A_749 = vector.shape_cast %get3A_748 : vector<1x16xf32> to vector<16xf32>
      %add3A_750 = arith.addf %add3A_726, %get3A_749 : vector<16xf32>
      %get3A_751 = arith.index_cast %add3A_735 : i32 to index
      %get3A_752 = arith.constant 48 : index
      %get3A_753 = tpu.vector_load %arg6[%get3A_751, %get3A_752] {strides = array<i32>} : memref<400x64xf32, #tpu.memory_space<vmem>>, vector<1x16xf32>,
      %get3A_754 = vector.shape_cast %get3A_753 : vector<1x16xf32> to vector<16xf32>
      %add3A_755 = arith.addf %add3A_731, %get3A_754 : vector<16xf32>
      %add3A_756 = arith.constant 0 : i32
      %add3A_757 = arith.addi %mul3A_40, %add3A_756 : i32
      %add3A_758 = arith.constant 29 : i32
      %add3A_759 = arith.addi %add3A_757, %add3A_758 : i32
      %get3A_760 = arith.index_cast %add3A_759 : i32 to index
      %get3A_761 = arith.constant 0 : index
      %get3A_762 = tpu.vector_load %arg6[%get3A_760, %get3A_761] {strides = array<i32>} : memref<400x64xf32, #tpu.memory_space<vmem>>, vector<1x16xf32>,
      %get3A_763 = vector.shape_cast %get3A_762 : vector<1x16xf32> to vector<16xf32>
      %add3A_764 = arith.addf %add3A_740, %get3A_763 : vector<16xf32>
      %get3A_765 = arith.index_cast %add3A_759 : i32 to index
      %get3A_766 = arith.constant 16 : index
      %get3A_767 = tpu.vector_load %arg6[%get3A_765, %get3A_766] {strides = array<i32>} : memref<400x64xf32, #tpu.memory_space<vmem>>, vector<1x16xf32>,
      %get3A_768 = vector.shape_cast %get3A_767 : vector<1x16xf32> to vector<16xf32>
      %add3A_769 = arith.addf %add3A_745, %get3A_768 : vector<16xf32>
      %get3A_770 = arith.index_cast %add3A_759 : i32 to index
      %get3A_771 = arith.constant 32 : index
      %get3A_772 = tpu.vector_load %arg6[%get3A_770, %get3A_771] {strides = array<i32>} : memref<400x64xf32, #tpu.memory_space<vmem>>, vector<1x16xf32>,
      %get3A_773 = vector.shape_cast %get3A_772 : vector<1x16xf32> to vector<16xf32>
      %add3A_774 = arith.addf %add3A_750, %get3A_773 : vector<16xf32>
      %get3A_775 = arith.index_cast %add3A_759 : i32 to index
      %get3A_776 = arith.constant 48 : index
      %get3A_777 = tpu.vector_load %arg6[%get3A_775, %get3A_776] {strides = array<i32>} : memref<400x64xf32, #tpu.memory_space<vmem>>, vector<1x16xf32>,
      %get3A_778 = vector.shape_cast %get3A_777 : vector<1x16xf32> to vector<16xf32>
      %add3A_779 = arith.addf %add3A_755, %get3A_778 : vector<16xf32>
      %add3A_780 = arith.constant 0 : i32
      %add3A_781 = arith.addi %mul3A_40, %add3A_780 : i32
      %add3A_782 = arith.constant 30 : i32
      %add3A_783 = arith.addi %add3A_781, %add3A_782 : i32
      %get3A_784 = arith.index_cast %add3A_783 : i32 to index
      %get3A_785 = arith.constant 0 : index
      %get3A_786 = tpu.vector_load %arg6[%get3A_784, %get3A_785] {strides = array<i32>} : memref<400x64xf32, #tpu.memory_space<vmem>>, vector<1x16xf32>,
      %get3A_787 = vector.shape_cast %get3A_786 : vector<1x16xf32> to vector<16xf32>
      %add3A_788 = arith.addf %add3A_764, %get3A_787 : vector<16xf32>
      %get3A_789 = arith.index_cast %add3A_783 : i32 to index
      %get3A_790 = arith.constant 16 : index
      %get3A_791 = tpu.vector_load %arg6[%get3A_789, %get3A_790] {strides = array<i32>} : memref<400x64xf32, #tpu.memory_space<vmem>>, vector<1x16xf32>,
      %get3A_792 = vector.shape_cast %get3A_791 : vector<1x16xf32> to vector<16xf32>
      %add3A_793 = arith.addf %add3A_769, %get3A_792 : vector<16xf32>
      %get3A_794 = arith.index_cast %add3A_783 : i32 to index
      %get3A_795 = arith.constant 32 : index
      %get3A_796 = tpu.vector_load %arg6[%get3A_794, %get3A_795] {strides = array<i32>} : memref<400x64xf32, #tpu.memory_space<vmem>>, vector<1x16xf32>,
      %get3A_797 = vector.shape_cast %get3A_796 : vector<1x16xf32> to vector<16xf32>
      %add3A_798 = arith.addf %add3A_774, %get3A_797 : vector<16xf32>
      %get3A_799 = arith.index_cast %add3A_783 : i32 to index
      %get3A_800 = arith.constant 48 : index
      %get3A_801 = tpu.vector_load %arg6[%get3A_799, %get3A_800] {strides = array<i32>} : memref<400x64xf32, #tpu.memory_space<vmem>>, vector<1x16xf32>,
      %get3A_802 = vector.shape_cast %get3A_801 : vector<1x16xf32> to vector<16xf32>
      %add3A_803 = arith.addf %add3A_779, %get3A_802 : vector<16xf32>
      %add3A_804 = arith.constant 0 : i32
      %add3A_805 = arith.addi %mul3A_40, %add3A_804 : i32
      %add3A_806 = arith.constant 31 : i32
      %add3A_807 = arith.addi %add3A_805, %add3A_806 : i32
      %get3A_808 = arith.index_cast %add3A_807 : i32 to index
      %get3A_809 = arith.constant 0 : index
      %get3A_810 = tpu.vector_load %arg6[%get3A_808, %get3A_809] {strides = array<i32>} : memref<400x64xf32, #tpu.memory_space<vmem>>, vector<1x16xf32>,
      %get3A_811 = vector.shape_cast %get3A_810 : vector<1x16xf32> to vector<16xf32>
      %add3A_812 = arith.addf %add3A_788, %get3A_811 : vector<16xf32>
      %get3A_813 = arith.index_cast %add3A_807 : i32 to index
      %get3A_814 = arith.constant 16 : index
      %get3A_815 = tpu.vector_load %arg6[%get3A_813, %get3A_814] {strides = array<i32>} : memref<400x64xf32, #tpu.memory_space<vmem>>, vector<1x16xf32>,
      %get3A_816 = vector.shape_cast %get3A_815 : vector<1x16xf32> to vector<16xf32>
      %add3A_817 = arith.addf %add3A_793, %get3A_816 : vector<16xf32>
      %get3A_818 = arith.index_cast %add3A_807 : i32 to index
      %get3A_819 = arith.constant 32 : index
      %get3A_820 = tpu.vector_load %arg6[%get3A_818, %get3A_819] {strides = array<i32>} : memref<400x64xf32, #tpu.memory_space<vmem>>, vector<1x16xf32>,
      %get3A_821 = vector.shape_cast %get3A_820 : vector<1x16xf32> to vector<16xf32>
      %add3A_822 = arith.addf %add3A_798, %get3A_821 : vector<16xf32>
      %get3A_823 = arith.index_cast %add3A_807 : i32 to index
      %get3A_824 = arith.constant 48 : index
      %get3A_825 = tpu.vector_load %arg6[%get3A_823, %get3A_824] {strides = array<i32>} : memref<400x64xf32, #tpu.memory_space<vmem>>, vector<1x16xf32>,
      %get3A_826 = vector.shape_cast %get3A_825 : vector<1x16xf32> to vector<16xf32>
      %add3A_827 = arith.addf %add3A_803, %get3A_826 : vector<16xf32>
      %add3A_828 = arith.constant 0 : i32
      %add3A_829 = arith.addi %mul3A_40, %add3A_828 : i32
      %add3A_830 = arith.constant 32 : i32
      %add3A_831 = arith.addi %add3A_829, %add3A_830 : i32
      %get3A_832 = arith.index_cast %add3A_831 : i32 to index
      %get3A_833 = arith.constant 0 : index
      %get3A_834 = tpu.vector_load %arg6[%get3A_832, %get3A_833] {strides = array<i32>} : memref<400x64xf32, #tpu.memory_space<vmem>>, vector<1x16xf32>,
      %get3A_835 = vector.shape_cast %get3A_834 : vector<1x16xf32> to vector<16xf32>
      %add3A_836 = arith.addf %add3A_812, %get3A_835 : vector<16xf32>
      %get3A_837 = arith.index_cast %add3A_831 : i32 to index
      %get3A_838 = arith.constant 16 : index
      %get3A_839 = tpu.vector_load %arg6[%get3A_837, %get3A_838] {strides = array<i32>} : memref<400x64xf32, #tpu.memory_space<vmem>>, vector<1x16xf32>,
      %get3A_840 = vector.shape_cast %get3A_839 : vector<1x16xf32> to vector<16xf32>
      %add3A_841 = arith.addf %add3A_817, %get3A_840 : vector<16xf32>
      %get3A_842 = arith.index_cast %add3A_831 : i32 to index
      %get3A_843 = arith.constant 32 : index
      %get3A_844 = tpu.vector_load %arg6[%get3A_842, %get3A_843] {strides = array<i32>} : memref<400x64xf32, #tpu.memory_space<vmem>>, vector<1x16xf32>,
      %get3A_845 = vector.shape_cast %get3A_844 : vector<1x16xf32> to vector<16xf32>
      %add3A_846 = arith.addf %add3A_822, %get3A_845 : vector<16xf32>
      %get3A_847 = arith.index_cast %add3A_831 : i32 to index
      %get3A_848 = arith.constant 48 : index
      %get3A_849 = tpu.vector_load %arg6[%get3A_847, %get3A_848] {strides = array<i32>} : memref<400x64xf32, #tpu.memory_space<vmem>>, vector<1x16xf32>,
      %get3A_850 = vector.shape_cast %get3A_849 : vector<1x16xf32> to vector<16xf32>
      %add3A_851 = arith.addf %add3A_827, %get3A_850 : vector<16xf32>
      %add3A_852 = arith.constant 0 : i32
      %add3A_853 = arith.addi %mul3A_40, %add3A_852 : i32
      %add3A_854 = arith.constant 33 : i32
      %add3A_855 = arith.addi %add3A_853, %add3A_854 : i32
      %get3A_856 = arith.index_cast %add3A_855 : i32 to index
      %get3A_857 = arith.constant 0 : index
      %get3A_858 = tpu.vector_load %arg6[%get3A_856, %get3A_857] {strides = array<i32>} : memref<400x64xf32, #tpu.memory_space<vmem>>, vector<1x16xf32>,
      %get3A_859 = vector.shape_cast %get3A_858 : vector<1x16xf32> to vector<16xf32>
      %add3A_860 = arith.addf %add3A_836, %get3A_859 : vector<16xf32>
      %get3A_861 = arith.index_cast %add3A_855 : i32 to index
      %get3A_862 = arith.constant 16 : index
      %get3A_863 = tpu.vector_load %arg6[%get3A_861, %get3A_862] {strides = array<i32>} : memref<400x64xf32, #tpu.memory_space<vmem>>, vector<1x16xf32>,
      %get3A_864 = vector.shape_cast %get3A_863 : vector<1x16xf32> to vector<16xf32>
      %add3A_865 = arith.addf %add3A_841, %get3A_864 : vector<16xf32>
      %get3A_866 = arith.index_cast %add3A_855 : i32 to index
      %get3A_867 = arith.constant 32 : index
      %get3A_868 = tpu.vector_load %arg6[%get3A_866, %get3A_867] {strides = array<i32>} : memref<400x64xf32, #tpu.memory_space<vmem>>, vector<1x16xf32>,
      %get3A_869 = vector.shape_cast %get3A_868 : vector<1x16xf32> to vector<16xf32>
      %add3A_870 = arith.addf %add3A_846, %get3A_869 : vector<16xf32>
      %get3A_871 = arith.index_cast %add3A_855 : i32 to index
      %get3A_872 = arith.constant 48 : index
      %get3A_873 = tpu.vector_load %arg6[%get3A_871, %get3A_872] {strides = array<i32>} : memref<400x64xf32, #tpu.memory_space<vmem>>, vector<1x16xf32>,
      %get3A_874 = vector.shape_cast %get3A_873 : vector<1x16xf32> to vector<16xf32>
      %add3A_875 = arith.addf %add3A_851, %get3A_874 : vector<16xf32>
      %add3A_876 = arith.constant 0 : i32
      %add3A_877 = arith.addi %mul3A_40, %add3A_876 : i32
      %add3A_878 = arith.constant 34 : i32
      %add3A_879 = arith.addi %add3A_877, %add3A_878 : i32
      %get3A_880 = arith.index_cast %add3A_879 : i32 to index
      %get3A_881 = arith.constant 0 : index
      %get3A_882 = tpu.vector_load %arg6[%get3A_880, %get3A_881] {strides = array<i32>} : memref<400x64xf32, #tpu.memory_space<vmem>>, vector<1x16xf32>,
      %get3A_883 = vector.shape_cast %get3A_882 : vector<1x16xf32> to vector<16xf32>
      %add3A_884 = arith.addf %add3A_860, %get3A_883 : vector<16xf32>
      %get3A_885 = arith.index_cast %add3A_879 : i32 to index
      %get3A_886 = arith.constant 16 : index
      %get3A_887 = tpu.vector_load %arg6[%get3A_885, %get3A_886] {strides = array<i32>} : memref<400x64xf32, #tpu.memory_space<vmem>>, vector<1x16xf32>,
      %get3A_888 = vector.shape_cast %get3A_887 : vector<1x16xf32> to vector<16xf32>
      %add3A_889 = arith.addf %add3A_865, %get3A_888 : vector<16xf32>
      %get3A_890 = arith.index_cast %add3A_879 : i32 to index
      %get3A_891 = arith.constant 32 : index
      %get3A_892 = tpu.vector_load %arg6[%get3A_890, %get3A_891] {strides = array<i32>} : memref<400x64xf32, #tpu.memory_space<vmem>>, vector<1x16xf32>,
      %get3A_893 = vector.shape_cast %get3A_892 : vector<1x16xf32> to vector<16xf32>
      %add3A_894 = arith.addf %add3A_870, %get3A_893 : vector<16xf32>
      %get3A_895 = arith.index_cast %add3A_879 : i32 to index
      %get3A_896 = arith.constant 48 : index
      %get3A_897 = tpu.vector_load %arg6[%get3A_895, %get3A_896] {strides = array<i32>} : memref<400x64xf32, #tpu.memory_space<vmem>>, vector<1x16xf32>,
      %get3A_898 = vector.shape_cast %get3A_897 : vector<1x16xf32> to vector<16xf32>
      %add3A_899 = arith.addf %add3A_875, %get3A_898 : vector<16xf32>
      %add3A_900 = arith.constant 0 : i32
      %add3A_901 = arith.addi %mul3A_40, %add3A_900 : i32
      %add3A_902 = arith.constant 35 : i32
      %add3A_903 = arith.addi %add3A_901, %add3A_902 : i32
      %get3A_904 = arith.index_cast %add3A_903 : i32 to index
      %get3A_905 = arith.constant 0 : index
      %get3A_906 = tpu.vector_load %arg6[%get3A_904, %get3A_905] {strides = array<i32>} : memref<400x64xf32, #tpu.memory_space<vmem>>, vector<1x16xf32>,
      %get3A_907 = vector.shape_cast %get3A_906 : vector<1x16xf32> to vector<16xf32>
      %add3A_908 = arith.addf %add3A_884, %get3A_907 : vector<16xf32>
      %get3A_909 = arith.index_cast %add3A_903 : i32 to index
      %get3A_910 = arith.constant 16 : index
      %get3A_911 = tpu.vector_load %arg6[%get3A_909, %get3A_910] {strides = array<i32>} : memref<400x64xf32, #tpu.memory_space<vmem>>, vector<1x16xf32>,
      %get3A_912 = vector.shape_cast %get3A_911 : vector<1x16xf32> to vector<16xf32>
      %add3A_913 = arith.addf %add3A_889, %get3A_912 : vector<16xf32>
      %get3A_914 = arith.index_cast %add3A_903 : i32 to index
      %get3A_915 = arith.constant 32 : index
      %get3A_916 = tpu.vector_load %arg6[%get3A_914, %get3A_915] {strides = array<i32>} : memref<400x64xf32, #tpu.memory_space<vmem>>, vector<1x16xf32>,
      %get3A_917 = vector.shape_cast %get3A_916 : vector<1x16xf32> to vector<16xf32>
      %add3A_918 = arith.addf %add3A_894, %get3A_917 : vector<16xf32>
      %get3A_919 = arith.index_cast %add3A_903 : i32 to index
      %get3A_920 = arith.constant 48 : index
      %get3A_921 = tpu.vector_load %arg6[%get3A_919, %get3A_920] {strides = array<i32>} : memref<400x64xf32, #tpu.memory_space<vmem>>, vector<1x16xf32>,
      %get3A_922 = vector.shape_cast %get3A_921 : vector<1x16xf32> to vector<16xf32>
      %add3A_923 = arith.addf %add3A_899, %get3A_922 : vector<16xf32>
      %add3A_924 = arith.constant 0 : i32
      %add3A_925 = arith.addi %mul3A_40, %add3A_924 : i32
      %add3A_926 = arith.constant 36 : i32
      %add3A_927 = arith.addi %add3A_925, %add3A_926 : i32
      %get3A_928 = arith.index_cast %add3A_927 : i32 to index
      %get3A_929 = arith.constant 0 : index
      %get3A_930 = tpu.vector_load %arg6[%get3A_928, %get3A_929] {strides = array<i32>} : memref<400x64xf32, #tpu.memory_space<vmem>>, vector<1x16xf32>,
      %get3A_931 = vector.shape_cast %get3A_930 : vector<1x16xf32> to vector<16xf32>
      %add3A_932 = arith.addf %add3A_908, %get3A_931 : vector<16xf32>
      %get3A_933 = arith.index_cast %add3A_927 : i32 to index
      %get3A_934 = arith.constant 16 : index
      %get3A_935 = tpu.vector_load %arg6[%get3A_933, %get3A_934] {strides = array<i32>} : memref<400x64xf32, #tpu.memory_space<vmem>>, vector<1x16xf32>,
      %get3A_936 = vector.shape_cast %get3A_935 : vector<1x16xf32> to vector<16xf32>
      %add3A_937 = arith.addf %add3A_913, %get3A_936 : vector<16xf32>
      %get3A_938 = arith.index_cast %add3A_927 : i32 to index
      %get3A_939 = arith.constant 32 : index
      %get3A_940 = tpu.vector_load %arg6[%get3A_938, %get3A_939] {strides = array<i32>} : memref<400x64xf32, #tpu.memory_space<vmem>>, vector<1x16xf32>,
      %get3A_941 = vector.shape_cast %get3A_940 : vector<1x16xf32> to vector<16xf32>
      %add3A_942 = arith.addf %add3A_918, %get3A_941 : vector<16xf32>
      %get3A_943 = arith.index_cast %add3A_927 : i32 to index
      %get3A_944 = arith.constant 48 : index
      %get3A_945 = tpu.vector_load %arg6[%get3A_943, %get3A_944] {strides = array<i32>} : memref<400x64xf32, #tpu.memory_space<vmem>>, vector<1x16xf32>,
      %get3A_946 = vector.shape_cast %get3A_945 : vector<1x16xf32> to vector<16xf32>
      %add3A_947 = arith.addf %add3A_923, %get3A_946 : vector<16xf32>
      %add3A_948 = arith.constant 0 : i32
      %add3A_949 = arith.addi %mul3A_40, %add3A_948 : i32
      %add3A_950 = arith.constant 37 : i32
      %add3A_951 = arith.addi %add3A_949, %add3A_950 : i32
      %get3A_952 = arith.index_cast %add3A_951 : i32 to index
      %get3A_953 = arith.constant 0 : index
      %get3A_954 = tpu.vector_load %arg6[%get3A_952, %get3A_953] {strides = array<i32>} : memref<400x64xf32, #tpu.memory_space<vmem>>, vector<1x16xf32>,
      %get3A_955 = vector.shape_cast %get3A_954 : vector<1x16xf32> to vector<16xf32>
      %add3A_956 = arith.addf %add3A_932, %get3A_955 : vector<16xf32>
      %get3A_957 = arith.index_cast %add3A_951 : i32 to index
      %get3A_958 = arith.constant 16 : index
      %get3A_959 = tpu.vector_load %arg6[%get3A_957, %get3A_958] {strides = array<i32>} : memref<400x64xf32, #tpu.memory_space<vmem>>, vector<1x16xf32>,
      %get3A_960 = vector.shape_cast %get3A_959 : vector<1x16xf32> to vector<16xf32>
      %add3A_961 = arith.addf %add3A_937, %get3A_960 : vector<16xf32>
      %get3A_962 = arith.index_cast %add3A_951 : i32 to index
      %get3A_963 = arith.constant 32 : index
      %get3A_964 = tpu.vector_load %arg6[%get3A_962, %get3A_963] {strides = array<i32>} : memref<400x64xf32, #tpu.memory_space<vmem>>, vector<1x16xf32>,
      %get3A_965 = vector.shape_cast %get3A_964 : vector<1x16xf32> to vector<16xf32>
      %add3A_966 = arith.addf %add3A_942, %get3A_965 : vector<16xf32>
      %get3A_967 = arith.index_cast %add3A_951 : i32 to index
      %get3A_968 = arith.constant 48 : index
      %get3A_969 = tpu.vector_load %arg6[%get3A_967, %get3A_968] {strides = array<i32>} : memref<400x64xf32, #tpu.memory_space<vmem>>, vector<1x16xf32>,
      %get3A_970 = vector.shape_cast %get3A_969 : vector<1x16xf32> to vector<16xf32>
      %add3A_971 = arith.addf %add3A_947, %get3A_970 : vector<16xf32>
      %add3A_972 = arith.constant 0 : i32
      %add3A_973 = arith.addi %mul3A_40, %add3A_972 : i32
      %add3A_974 = arith.constant 38 : i32
      %add3A_975 = arith.addi %add3A_973, %add3A_974 : i32
      %get3A_976 = arith.index_cast %add3A_975 : i32 to index
      %get3A_977 = arith.constant 0 : index
      %get3A_978 = tpu.vector_load %arg6[%get3A_976, %get3A_977] {strides = array<i32>} : memref<400x64xf32, #tpu.memory_space<vmem>>, vector<1x16xf32>,
      %get3A_979 = vector.shape_cast %get3A_978 : vector<1x16xf32> to vector<16xf32>
      %add3A_980 = arith.addf %add3A_956, %get3A_979 : vector<16xf32>
      %get3A_981 = arith.index_cast %add3A_975 : i32 to index
      %get3A_982 = arith.constant 16 : index
      %get3A_983 = tpu.vector_load %arg6[%get3A_981, %get3A_982] {strides = array<i32>} : memref<400x64xf32, #tpu.memory_space<vmem>>, vector<1x16xf32>,
      %get3A_984 = vector.shape_cast %get3A_983 : vector<1x16xf32> to vector<16xf32>
      %add3A_985 = arith.addf %add3A_961, %get3A_984 : vector<16xf32>
      %get3A_986 = arith.index_cast %add3A_975 : i32 to index
      %get3A_987 = arith.constant 32 : index
      %get3A_988 = tpu.vector_load %arg6[%get3A_986, %get3A_987] {strides = array<i32>} : memref<400x64xf32, #tpu.memory_space<vmem>>, vector<1x16xf32>,
      %get3A_989 = vector.shape_cast %get3A_988 : vector<1x16xf32> to vector<16xf32>
      %add3A_990 = arith.addf %add3A_966, %get3A_989 : vector<16xf32>
      %get3A_991 = arith.index_cast %add3A_975 : i32 to index
      %get3A_992 = arith.constant 48 : index
      %get3A_993 = tpu.vector_load %arg6[%get3A_991, %get3A_992] {strides = array<i32>} : memref<400x64xf32, #tpu.memory_space<vmem>>, vector<1x16xf32>,
      %get3A_994 = vector.shape_cast %get3A_993 : vector<1x16xf32> to vector<16xf32>
      %add3A_995 = arith.addf %add3A_971, %get3A_994 : vector<16xf32>
      %add3A_996 = arith.constant 0 : i32
      %add3A_997 = arith.addi %mul3A_40, %add3A_996 : i32
      %add3A_998 = arith.constant 39 : i32
      %add3A_999 = arith.addi %add3A_997, %add3A_998 : i32
      %get3A_1000 = arith.index_cast %add3A_999 : i32 to index
      %get3A_1001 = arith.constant 0 : index
      %get3A_1002 = tpu.vector_load %arg6[%get3A_1000, %get3A_1001] {strides = array<i32>} : memref<400x64xf32, #tpu.memory_space<vmem>>, vector<1x16xf32>,
      %get3A_1003 = vector.shape_cast %get3A_1002 : vector<1x16xf32> to vector<16xf32>
      %add3A_1004 = arith.addf %add3A_980, %get3A_1003 : vector<16xf32>
      %get3A_1005 = arith.index_cast %add3A_999 : i32 to index
      %get3A_1006 = arith.constant 16 : index
      %get3A_1007 = tpu.vector_load %arg6[%get3A_1005, %get3A_1006] {strides = array<i32>} : memref<400x64xf32, #tpu.memory_space<vmem>>, vector<1x16xf32>,
      %get3A_1008 = vector.shape_cast %get3A_1007 : vector<1x16xf32> to vector<16xf32>
      %add3A_1009 = arith.addf %add3A_985, %get3A_1008 : vector<16xf32>
      %get3A_1010 = arith.index_cast %add3A_999 : i32 to index
      %get3A_1011 = arith.constant 32 : index
      %get3A_1012 = tpu.vector_load %arg6[%get3A_1010, %get3A_1011] {strides = array<i32>} : memref<400x64xf32, #tpu.memory_space<vmem>>, vector<1x16xf32>,
      %get3A_1013 = vector.shape_cast %get3A_1012 : vector<1x16xf32> to vector<16xf32>
      %add3A_1014 = arith.addf %add3A_990, %get3A_1013 : vector<16xf32>
      %get3A_1015 = arith.index_cast %add3A_999 : i32 to index
      %get3A_1016 = arith.constant 48 : index
      %get3A_1017 = tpu.vector_load %arg6[%get3A_1015, %get3A_1016] {strides = array<i32>} : memref<400x64xf32, #tpu.memory_space<vmem>>, vector<1x16xf32>,
      %get3A_1018 = vector.shape_cast %get3A_1017 : vector<1x16xf32> to vector<16xf32>
      %add3A_1019 = arith.addf %add3A_995, %get3A_1018 : vector<16xf32>
      %add3A_1020 = arith.constant 0 : i32
      %add3A_1021 = arith.addi %mul3A_40, %add3A_1020 : i32
      %add3A_1022 = arith.constant 40 : i32
      %add3A_1023 = arith.addi %add3A_1021, %add3A_1022 : i32
      %get3A_1024 = arith.index_cast %add3A_1023 : i32 to index
      %get3A_1025 = arith.constant 0 : index
      %get3A_1026 = tpu.vector_load %arg6[%get3A_1024, %get3A_1025] {strides = array<i32>} : memref<400x64xf32, #tpu.memory_space<vmem>>, vector<1x16xf32>,
      %get3A_1027 = vector.shape_cast %get3A_1026 : vector<1x16xf32> to vector<16xf32>
      %add3A_1028 = arith.addf %add3A_1004, %get3A_1027 : vector<16xf32>
      %get3A_1029 = arith.index_cast %add3A_1023 : i32 to index
      %get3A_1030 = arith.constant 16 : index
      %get3A_1031 = tpu.vector_load %arg6[%get3A_1029, %get3A_1030] {strides = array<i32>} : memref<400x64xf32, #tpu.memory_space<vmem>>, vector<1x16xf32>,
      %get3A_1032 = vector.shape_cast %get3A_1031 : vector<1x16xf32> to vector<16xf32>
      %add3A_1033 = arith.addf %add3A_1009, %get3A_1032 : vector<16xf32>
      %get3A_1034 = arith.index_cast %add3A_1023 : i32 to index
      %get3A_1035 = arith.constant 32 : index
      %get3A_1036 = tpu.vector_load %arg6[%get3A_1034, %get3A_1035] {strides = array<i32>} : memref<400x64xf32, #tpu.memory_space<vmem>>, vector<1x16xf32>,
      %get3A_1037 = vector.shape_cast %get3A_1036 : vector<1x16xf32> to vector<16xf32>
      %add3A_1038 = arith.addf %add3A_1014, %get3A_1037 : vector<16xf32>
      %get3A_1039 = arith.index_cast %add3A_1023 : i32 to index
      %get3A_1040 = arith.constant 48 : index
      %get3A_1041 = tpu.vector_load %arg6[%get3A_1039, %get3A_1040] {strides = array<i32>} : memref<400x64xf32, #tpu.memory_space<vmem>>, vector<1x16xf32>,
      %get3A_1042 = vector.shape_cast %get3A_1041 : vector<1x16xf32> to vector<16xf32>
      %add3A_1043 = arith.addf %add3A_1019, %get3A_1042 : vector<16xf32>
      %add3A_1044 = arith.constant 0 : i32
      %add3A_1045 = arith.addi %mul3A_40, %add3A_1044 : i32
      %add3A_1046 = arith.constant 41 : i32
      %add3A_1047 = arith.addi %add3A_1045, %add3A_1046 : i32
      %get3A_1048 = arith.index_cast %add3A_1047 : i32 to index
      %get3A_1049 = arith.constant 0 : index
      %get3A_1050 = tpu.vector_load %arg6[%get3A_1048, %get3A_1049] {strides = array<i32>} : memref<400x64xf32, #tpu.memory_space<vmem>>, vector<1x16xf32>,
      %get3A_1051 = vector.shape_cast %get3A_1050 : vector<1x16xf32> to vector<16xf32>
      %add3A_1052 = arith.addf %add3A_1028, %get3A_1051 : vector<16xf32>
      %get3A_1053 = arith.index_cast %add3A_1047 : i32 to index
      %get3A_1054 = arith.constant 16 : index
      %get3A_1055 = tpu.vector_load %arg6[%get3A_1053, %get3A_1054] {strides = array<i32>} : memref<400x64xf32, #tpu.memory_space<vmem>>, vector<1x16xf32>,
      %get3A_1056 = vector.shape_cast %get3A_1055 : vector<1x16xf32> to vector<16xf32>
      %add3A_1057 = arith.addf %add3A_1033, %get3A_1056 : vector<16xf32>
      %get3A_1058 = arith.index_cast %add3A_1047 : i32 to index
      %get3A_1059 = arith.constant 32 : index
      %get3A_1060 = tpu.vector_load %arg6[%get3A_1058, %get3A_1059] {strides = array<i32>} : memref<400x64xf32, #tpu.memory_space<vmem>>, vector<1x16xf32>,
      %get3A_1061 = vector.shape_cast %get3A_1060 : vector<1x16xf32> to vector<16xf32>
      %add3A_1062 = arith.addf %add3A_1038, %get3A_1061 : vector<16xf32>
      %get3A_1063 = arith.index_cast %add3A_1047 : i32 to index
      %get3A_1064 = arith.constant 48 : index
      %get3A_1065 = tpu.vector_load %arg6[%get3A_1063, %get3A_1064] {strides = array<i32>} : memref<400x64xf32, #tpu.memory_space<vmem>>, vector<1x16xf32>,
      %get3A_1066 = vector.shape_cast %get3A_1065 : vector<1x16xf32> to vector<16xf32>
      %add3A_1067 = arith.addf %add3A_1043, %get3A_1066 : vector<16xf32>
      %add3A_1068 = arith.constant 0 : i32
      %add3A_1069 = arith.addi %mul3A_40, %add3A_1068 : i32
      %add3A_1070 = arith.constant 42 : i32
      %add3A_1071 = arith.addi %add3A_1069, %add3A_1070 : i32
      %get3A_1072 = arith.index_cast %add3A_1071 : i32 to index
      %get3A_1073 = arith.constant 0 : index
      %get3A_1074 = tpu.vector_load %arg6[%get3A_1072, %get3A_1073] {strides = array<i32>} : memref<400x64xf32, #tpu.memory_space<vmem>>, vector<1x16xf32>,
      %get3A_1075 = vector.shape_cast %get3A_1074 : vector<1x16xf32> to vector<16xf32>
      %add3A_1076 = arith.addf %add3A_1052, %get3A_1075 : vector<16xf32>
      %get3A_1077 = arith.index_cast %add3A_1071 : i32 to index
      %get3A_1078 = arith.constant 16 : index
      %get3A_1079 = tpu.vector_load %arg6[%get3A_1077, %get3A_1078] {strides = array<i32>} : memref<400x64xf32, #tpu.memory_space<vmem>>, vector<1x16xf32>,
      %get3A_1080 = vector.shape_cast %get3A_1079 : vector<1x16xf32> to vector<16xf32>
      %add3A_1081 = arith.addf %add3A_1057, %get3A_1080 : vector<16xf32>
      %get3A_1082 = arith.index_cast %add3A_1071 : i32 to index
      %get3A_1083 = arith.constant 32 : index
      %get3A_1084 = tpu.vector_load %arg6[%get3A_1082, %get3A_1083] {strides = array<i32>} : memref<400x64xf32, #tpu.memory_space<vmem>>, vector<1x16xf32>,
      %get3A_1085 = vector.shape_cast %get3A_1084 : vector<1x16xf32> to vector<16xf32>
      %add3A_1086 = arith.addf %add3A_1062, %get3A_1085 : vector<16xf32>
      %get3A_1087 = arith.index_cast %add3A_1071 : i32 to index
      %get3A_1088 = arith.constant 48 : index
      %get3A_1089 = tpu.vector_load %arg6[%get3A_1087, %get3A_1088] {strides = array<i32>} : memref<400x64xf32, #tpu.memory_space<vmem>>, vector<1x16xf32>,
      %get3A_1090 = vector.shape_cast %get3A_1089 : vector<1x16xf32> to vector<16xf32>
      %add3A_1091 = arith.addf %add3A_1067, %get3A_1090 : vector<16xf32>
      %add3A_1092 = arith.constant 0 : i32
      %add3A_1093 = arith.addi %mul3A_40, %add3A_1092 : i32
      %add3A_1094 = arith.constant 43 : i32
      %add3A_1095 = arith.addi %add3A_1093, %add3A_1094 : i32
      %get3A_1096 = arith.index_cast %add3A_1095 : i32 to index
      %get3A_1097 = arith.constant 0 : index
      %get3A_1098 = tpu.vector_load %arg6[%get3A_1096, %get3A_1097] {strides = array<i32>} : memref<400x64xf32, #tpu.memory_space<vmem>>, vector<1x16xf32>,
      %get3A_1099 = vector.shape_cast %get3A_1098 : vector<1x16xf32> to vector<16xf32>
      %add3A_1100 = arith.addf %add3A_1076, %get3A_1099 : vector<16xf32>
      %get3A_1101 = arith.index_cast %add3A_1095 : i32 to index
      %get3A_1102 = arith.constant 16 : index
      %get3A_1103 = tpu.vector_load %arg6[%get3A_1101, %get3A_1102] {strides = array<i32>} : memref<400x64xf32, #tpu.memory_space<vmem>>, vector<1x16xf32>,
      %get3A_1104 = vector.shape_cast %get3A_1103 : vector<1x16xf32> to vector<16xf32>
      %add3A_1105 = arith.addf %add3A_1081, %get3A_1104 : vector<16xf32>
      %get3A_1106 = arith.index_cast %add3A_1095 : i32 to index
      %get3A_1107 = arith.constant 32 : index
      %get3A_1108 = tpu.vector_load %arg6[%get3A_1106, %get3A_1107] {strides = array<i32>} : memref<400x64xf32, #tpu.memory_space<vmem>>, vector<1x16xf32>,
      %get3A_1109 = vector.shape_cast %get3A_1108 : vector<1x16xf32> to vector<16xf32>
      %add3A_1110 = arith.addf %add3A_1086, %get3A_1109 : vector<16xf32>
      %get3A_1111 = arith.index_cast %add3A_1095 : i32 to index
      %get3A_1112 = arith.constant 48 : index
      %get3A_1113 = tpu.vector_load %arg6[%get3A_1111, %get3A_1112] {strides = array<i32>} : memref<400x64xf32, #tpu.memory_space<vmem>>, vector<1x16xf32>,
      %get3A_1114 = vector.shape_cast %get3A_1113 : vector<1x16xf32> to vector<16xf32>
      %add3A_1115 = arith.addf %add3A_1091, %get3A_1114 : vector<16xf32>
      %add3A_1116 = arith.constant 0 : i32
      %add3A_1117 = arith.addi %mul3A_40, %add3A_1116 : i32
      %add3A_1118 = arith.constant 44 : i32
      %add3A_1119 = arith.addi %add3A_1117, %add3A_1118 : i32
      %get3A_1120 = arith.index_cast %add3A_1119 : i32 to index
      %get3A_1121 = arith.constant 0 : index
      %get3A_1122 = tpu.vector_load %arg6[%get3A_1120, %get3A_1121] {strides = array<i32>} : memref<400x64xf32, #tpu.memory_space<vmem>>, vector<1x16xf32>,
      %get3A_1123 = vector.shape_cast %get3A_1122 : vector<1x16xf32> to vector<16xf32>
      %add3A_1124 = arith.addf %add3A_1100, %get3A_1123 : vector<16xf32>
      %get3A_1125 = arith.index_cast %add3A_1119 : i32 to index
      %get3A_1126 = arith.constant 16 : index
      %get3A_1127 = tpu.vector_load %arg6[%get3A_1125, %get3A_1126] {strides = array<i32>} : memref<400x64xf32, #tpu.memory_space<vmem>>, vector<1x16xf32>,
      %get3A_1128 = vector.shape_cast %get3A_1127 : vector<1x16xf32> to vector<16xf32>
      %add3A_1129 = arith.addf %add3A_1105, %get3A_1128 : vector<16xf32>
      %get3A_1130 = arith.index_cast %add3A_1119 : i32 to index
      %get3A_1131 = arith.constant 32 : index
      %get3A_1132 = tpu.vector_load %arg6[%get3A_1130, %get3A_1131] {strides = array<i32>} : memref<400x64xf32, #tpu.memory_space<vmem>>, vector<1x16xf32>,
      %get3A_1133 = vector.shape_cast %get3A_1132 : vector<1x16xf32> to vector<16xf32>
      %add3A_1134 = arith.addf %add3A_1110, %get3A_1133 : vector<16xf32>
      %get3A_1135 = arith.index_cast %add3A_1119 : i32 to index
      %get3A_1136 = arith.constant 48 : index
      %get3A_1137 = tpu.vector_load %arg6[%get3A_1135, %get3A_1136] {strides = array<i32>} : memref<400x64xf32, #tpu.memory_space<vmem>>, vector<1x16xf32>,
      %get3A_1138 = vector.shape_cast %get3A_1137 : vector<1x16xf32> to vector<16xf32>
      %add3A_1139 = arith.addf %add3A_1115, %get3A_1138 : vector<16xf32>
      %add3A_1140 = arith.constant 0 : i32
      %add3A_1141 = arith.addi %mul3A_40, %add3A_1140 : i32
      %add3A_1142 = arith.constant 45 : i32
      %add3A_1143 = arith.addi %add3A_1141, %add3A_1142 : i32
      %get3A_1144 = arith.index_cast %add3A_1143 : i32 to index
      %get3A_1145 = arith.constant 0 : index
      %get3A_1146 = tpu.vector_load %arg6[%get3A_1144, %get3A_1145] {strides = array<i32>} : memref<400x64xf32, #tpu.memory_space<vmem>>, vector<1x16xf32>,
      %get3A_1147 = vector.shape_cast %get3A_1146 : vector<1x16xf32> to vector<16xf32>
      %add3A_1148 = arith.addf %add3A_1124, %get3A_1147 : vector<16xf32>
      %get3A_1149 = arith.index_cast %add3A_1143 : i32 to index
      %get3A_1150 = arith.constant 16 : index
      %get3A_1151 = tpu.vector_load %arg6[%get3A_1149, %get3A_1150] {strides = array<i32>} : memref<400x64xf32, #tpu.memory_space<vmem>>, vector<1x16xf32>,
      %get3A_1152 = vector.shape_cast %get3A_1151 : vector<1x16xf32> to vector<16xf32>
      %add3A_1153 = arith.addf %add3A_1129, %get3A_1152 : vector<16xf32>
      %get3A_1154 = arith.index_cast %add3A_1143 : i32 to index
      %get3A_1155 = arith.constant 32 : index
      %get3A_1156 = tpu.vector_load %arg6[%get3A_1154, %get3A_1155] {strides = array<i32>} : memref<400x64xf32, #tpu.memory_space<vmem>>, vector<1x16xf32>,
      %get3A_1157 = vector.shape_cast %get3A_1156 : vector<1x16xf32> to vector<16xf32>
      %add3A_1158 = arith.addf %add3A_1134, %get3A_1157 : vector<16xf32>
      %get3A_1159 = arith.index_cast %add3A_1143 : i32 to index
      %get3A_1160 = arith.constant 48 : index
      %get3A_1161 = tpu.vector_load %arg6[%get3A_1159, %get3A_1160] {strides = array<i32>} : memref<400x64xf32, #tpu.memory_space<vmem>>, vector<1x16xf32>,
      %get3A_1162 = vector.shape_cast %get3A_1161 : vector<1x16xf32> to vector<16xf32>
      %add3A_1163 = arith.addf %add3A_1139, %get3A_1162 : vector<16xf32>
      %add3A_1164 = arith.constant 0 : i32
      %add3A_1165 = arith.addi %mul3A_40, %add3A_1164 : i32
      %add3A_1166 = arith.constant 46 : i32
      %add3A_1167 = arith.addi %add3A_1165, %add3A_1166 : i32
      %get3A_1168 = arith.index_cast %add3A_1167 : i32 to index
      %get3A_1169 = arith.constant 0 : index
      %get3A_1170 = tpu.vector_load %arg6[%get3A_1168, %get3A_1169] {strides = array<i32>} : memref<400x64xf32, #tpu.memory_space<vmem>>, vector<1x16xf32>,
      %get3A_1171 = vector.shape_cast %get3A_1170 : vector<1x16xf32> to vector<16xf32>
      %add3A_1172 = arith.addf %add3A_1148, %get3A_1171 : vector<16xf32>
      %get3A_1173 = arith.index_cast %add3A_1167 : i32 to index
      %get3A_1174 = arith.constant 16 : index
      %get3A_1175 = tpu.vector_load %arg6[%get3A_1173, %get3A_1174] {strides = array<i32>} : memref<400x64xf32, #tpu.memory_space<vmem>>, vector<1x16xf32>,
      %get3A_1176 = vector.shape_cast %get3A_1175 : vector<1x16xf32> to vector<16xf32>
      %add3A_1177 = arith.addf %add3A_1153, %get3A_1176 : vector<16xf32>
      %get3A_1178 = arith.index_cast %add3A_1167 : i32 to index
      %get3A_1179 = arith.constant 32 : index
      %get3A_1180 = tpu.vector_load %arg6[%get3A_1178, %get3A_1179] {strides = array<i32>} : memref<400x64xf32, #tpu.memory_space<vmem>>, vector<1x16xf32>,
      %get3A_1181 = vector.shape_cast %get3A_1180 : vector<1x16xf32> to vector<16xf32>
      %add3A_1182 = arith.addf %add3A_1158, %get3A_1181 : vector<16xf32>
      %get3A_1183 = arith.index_cast %add3A_1167 : i32 to index
      %get3A_1184 = arith.constant 48 : index
      %get3A_1185 = tpu.vector_load %arg6[%get3A_1183, %get3A_1184] {strides = array<i32>} : memref<400x64xf32, #tpu.memory_space<vmem>>, vector<1x16xf32>,
      %get3A_1186 = vector.shape_cast %get3A_1185 : vector<1x16xf32> to vector<16xf32>
      %add3A_1187 = arith.addf %add3A_1163, %get3A_1186 : vector<16xf32>
      %add3A_1188 = arith.constant 0 : i32
      %add3A_1189 = arith.addi %mul3A_40, %add3A_1188 : i32
      %add3A_1190 = arith.constant 47 : i32
      %add3A_1191 = arith.addi %add3A_1189, %add3A_1190 : i32
      %get3A_1192 = arith.index_cast %add3A_1191 : i32 to index
      %get3A_1193 = arith.constant 0 : index
      %get3A_1194 = tpu.vector_load %arg6[%get3A_1192, %get3A_1193] {strides = array<i32>} : memref<400x64xf32, #tpu.memory_space<vmem>>, vector<1x16xf32>,
      %get3A_1195 = vector.shape_cast %get3A_1194 : vector<1x16xf32> to vector<16xf32>
      %add3A_1196 = arith.addf %add3A_1172, %get3A_1195 : vector<16xf32>
      %get3A_1197 = arith.index_cast %add3A_1191 : i32 to index
      %get3A_1198 = arith.constant 16 : index
      %get3A_1199 = tpu.vector_load %arg6[%get3A_1197, %get3A_1198] {strides = array<i32>} : memref<400x64xf32, #tpu.memory_space<vmem>>, vector<1x16xf32>,
      %get3A_1200 = vector.shape_cast %get3A_1199 : vector<1x16xf32> to vector<16xf32>
      %add3A_1201 = arith.addf %add3A_1177, %get3A_1200 : vector<16xf32>
      %get3A_1202 = arith.index_cast %add3A_1191 : i32 to index
      %get3A_1203 = arith.constant 32 : index
      %get3A_1204 = tpu.vector_load %arg6[%get3A_1202, %get3A_1203] {strides = array<i32>} : memref<400x64xf32, #tpu.memory_space<vmem>>, vector<1x16xf32>,
      %get3A_1205 = vector.shape_cast %get3A_1204 : vector<1x16xf32> to vector<16xf32>
      %add3A_1206 = arith.addf %add3A_1182, %get3A_1205 : vector<16xf32>
      %get3A_1207 = arith.index_cast %add3A_1191 : i32 to index
      %get3A_1208 = arith.constant 48 : index
      %get3A_1209 = tpu.vector_load %arg6[%get3A_1207, %get3A_1208] {strides = array<i32>} : memref<400x64xf32, #tpu.memory_space<vmem>>, vector<1x16xf32>,
      %get3A_1210 = vector.shape_cast %get3A_1209 : vector<1x16xf32> to vector<16xf32>
      %add3A_1211 = arith.addf %add3A_1187, %get3A_1210 : vector<16xf32>
      %add3A_1212 = arith.constant 0 : i32
      %add3A_1213 = arith.addi %mul3A_40, %add3A_1212 : i32
      %add3A_1214 = arith.constant 48 : i32
      %add3A_1215 = arith.addi %add3A_1213, %add3A_1214 : i32
      %get3A_1216 = arith.index_cast %add3A_1215 : i32 to index
      %get3A_1217 = arith.constant 0 : index
      %get3A_1218 = tpu.vector_load %arg6[%get3A_1216, %get3A_1217] {strides = array<i32>} : memref<400x64xf32, #tpu.memory_space<vmem>>, vector<1x16xf32>,
      %get3A_1219 = vector.shape_cast %get3A_1218 : vector<1x16xf32> to vector<16xf32>
      %add3A_1220 = arith.addf %add3A_1196, %get3A_1219 : vector<16xf32>
      %get3A_1221 = arith.index_cast %add3A_1215 : i32 to index
      %get3A_1222 = arith.constant 16 : index
      %get3A_1223 = tpu.vector_load %arg6[%get3A_1221, %get3A_1222] {strides = array<i32>} : memref<400x64xf32, #tpu.memory_space<vmem>>, vector<1x16xf32>,
      %get3A_1224 = vector.shape_cast %get3A_1223 : vector<1x16xf32> to vector<16xf32>
      %add3A_1225 = arith.addf %add3A_1201, %get3A_1224 : vector<16xf32>
      %get3A_1226 = arith.index_cast %add3A_1215 : i32 to index
      %get3A_1227 = arith.constant 32 : index
      %get3A_1228 = tpu.vector_load %arg6[%get3A_1226, %get3A_1227] {strides = array<i32>} : memref<400x64xf32, #tpu.memory_space<vmem>>, vector<1x16xf32>,
      %get3A_1229 = vector.shape_cast %get3A_1228 : vector<1x16xf32> to vector<16xf32>
      %add3A_1230 = arith.addf %add3A_1206, %get3A_1229 : vector<16xf32>
      %get3A_1231 = arith.index_cast %add3A_1215 : i32 to index
      %get3A_1232 = arith.constant 48 : index
      %get3A_1233 = tpu.vector_load %arg6[%get3A_1231, %get3A_1232] {strides = array<i32>} : memref<400x64xf32, #tpu.memory_space<vmem>>, vector<1x16xf32>,
      %get3A_1234 = vector.shape_cast %get3A_1233 : vector<1x16xf32> to vector<16xf32>
      %add3A_1235 = arith.addf %add3A_1211, %get3A_1234 : vector<16xf32>
      %add3A_1236 = arith.constant 0 : i32
      %add3A_1237 = arith.addi %mul3A_40, %add3A_1236 : i32
      %add3A_1238 = arith.constant 49 : i32
      %add3A_1239 = arith.addi %add3A_1237, %add3A_1238 : i32
      %get3A_1240 = arith.index_cast %add3A_1239 : i32 to index
      %get3A_1241 = arith.constant 0 : index
      %get3A_1242 = tpu.vector_load %arg6[%get3A_1240, %get3A_1241] {strides = array<i32>} : memref<400x64xf32, #tpu.memory_space<vmem>>, vector<1x16xf32>,
      %get3A_1243 = vector.shape_cast %get3A_1242 : vector<1x16xf32> to vector<16xf32>
      %add3A_1244 = arith.addf %add3A_1220, %get3A_1243 : vector<16xf32>
      %get3A_1245 = arith.index_cast %add3A_1239 : i32 to index
      %get3A_1246 = arith.constant 16 : index
      %get3A_1247 = tpu.vector_load %arg6[%get3A_1245, %get3A_1246] {strides = array<i32>} : memref<400x64xf32, #tpu.memory_space<vmem>>, vector<1x16xf32>,
      %get3A_1248 = vector.shape_cast %get3A_1247 : vector<1x16xf32> to vector<16xf32>
      %add3A_1249 = arith.addf %add3A_1225, %get3A_1248 : vector<16xf32>
      %get3A_1250 = arith.index_cast %add3A_1239 : i32 to index
      %get3A_1251 = arith.constant 32 : index
      %get3A_1252 = tpu.vector_load %arg6[%get3A_1250, %get3A_1251] {strides = array<i32>} : memref<400x64xf32, #tpu.memory_space<vmem>>, vector<1x16xf32>,
      %get3A_1253 = vector.shape_cast %get3A_1252 : vector<1x16xf32> to vector<16xf32>
      %add3A_1254 = arith.addf %add3A_1230, %get3A_1253 : vector<16xf32>
      %get3A_1255 = arith.index_cast %add3A_1239 : i32 to index
      %get3A_1256 = arith.constant 48 : index
      %get3A_1257 = tpu.vector_load %arg6[%get3A_1255, %get3A_1256] {strides = array<i32>} : memref<400x64xf32, #tpu.memory_space<vmem>>, vector<1x16xf32>,
      %get3A_1258 = vector.shape_cast %get3A_1257 : vector<1x16xf32> to vector<16xf32>
      %add3A_1259 = arith.addf %add3A_1235, %get3A_1258 : vector<16xf32>
      %mul3A_1260 = arith.constant 2 : i32
      %mul3A_1261 = arith.muli %scan3A_37, %mul3A_1260 : i32
      %add3A_1262 = arith.constant 0 : i32
      %add3A_1263 = arith.addi %mul3A_1261, %add3A_1262 : i32
      %mul3A_1264 = arith.constant 2.000000e-02 : f32
      %mul3A_1265 = vector.broadcast %mul3A_1264 : f32 to vector<16xf32>
      %mul3A_1266 = arith.mulf %add3A_1244, %mul3A_1265 : vector<16xf32>
      %swap3A = arith.index_cast %add3A_1263 : i32 to index
      %swap3A_1267 = arith.constant 0 : index
      %swap3A_1268 = tpu.vector_load %arg7[%swap3A, %swap3A_1267] {strides = array<i32>} : memref<128x64xf32, #tpu.memory_space<vmem>>, vector<1x16xf32>,
      %swap3A_1269 = vector.shape_cast %swap3A_1268 : vector<1x16xf32> to vector<16xf32>
      %swap3A_1270 = vector.shape_cast %mul3A_1266 : vector<16xf32> to vector<1x16xf32>
      tpu.vector_store %arg7[%swap3A, %swap3A_1267], %swap3A_1270 {strides = array<i32>} : memref<128x64xf32, #tpu.memory_space<vmem>>, vector<1x16xf32>,
      %mul3A_1271 = arith.constant 2.000000e-02 : f32
      %mul3A_1272 = vector.broadcast %mul3A_1271 : f32 to vector<16xf32>
      %mul3A_1273 = arith.mulf %add3A_1249, %mul3A_1272 : vector<16xf32>
      %swap3A_1274 = arith.index_cast %add3A_1263 : i32 to index
      %swap3A_1275 = arith.constant 16 : index
      %swap3A_1276 = tpu.vector_load %arg7[%swap3A_1274, %swap3A_1275] {strides = array<i32>} : memref<128x64xf32, #tpu.memory_space<vmem>>, vector<1x16xf32>,
      %swap3A_1277 = vector.shape_cast %swap3A_1276 : vector<1x16xf32> to vector<16xf32>
      %swap3A_1278 = vector.shape_cast %mul3A_1273 : vector<16xf32> to vector<1x16xf32>
      tpu.vector_store %arg7[%swap3A_1274, %swap3A_1275], %swap3A_1278 {strides = array<i32>} : memref<128x64xf32, #tpu.memory_space<vmem>>, vector<1x16xf32>,
      %mul3A_1279 = arith.constant 2.000000e-02 : f32
      %mul3A_1280 = vector.broadcast %mul3A_1279 : f32 to vector<16xf32>
      %mul3A_1281 = arith.mulf %add3A_1254, %mul3A_1280 : vector<16xf32>
      %swap3A_1282 = arith.index_cast %add3A_1263 : i32 to index
      %swap3A_1283 = arith.constant 32 : index
      %swap3A_1284 = tpu.vector_load %arg7[%swap3A_1282, %swap3A_1283] {strides = array<i32>} : memref<128x64xf32, #tpu.memory_space<vmem>>, vector<1x16xf32>,
      %swap3A_1285 = vector.shape_cast %swap3A_1284 : vector<1x16xf32> to vector<16xf32>
      %swap3A_1286 = vector.shape_cast %mul3A_1281 : vector<16xf32> to vector<1x16xf32>
      tpu.vector_store %arg7[%swap3A_1282, %swap3A_1283], %swap3A_1286 {strides = array<i32>} : memref<128x64xf32, #tpu.memory_space<vmem>>, vector<1x16xf32>,
      %mul3A_1287 = arith.constant 2.000000e-02 : f32
      %mul3A_1288 = vector.broadcast %mul3A_1287 : f32 to vector<16xf32>
      %mul3A_1289 = arith.mulf %add3A_1259, %mul3A_1288 : vector<16xf32>
      %swap3A_1290 = arith.index_cast %add3A_1263 : i32 to index
      %swap3A_1291 = arith.constant 48 : index
      %swap3A_1292 = tpu.vector_load %arg7[%swap3A_1290, %swap3A_1291] {strides = array<i32>} : memref<128x64xf32, #tpu.memory_space<vmem>>, vector<1x16xf32>,
      %swap3A_1293 = vector.shape_cast %swap3A_1292 : vector<1x16xf32> to vector<16xf32>
      %swap3A_1294 = vector.shape_cast %mul3A_1289 : vector<16xf32> to vector<1x16xf32>
      tpu.vector_store %arg7[%swap3A_1290, %swap3A_1291], %swap3A_1294 {strides = array<i32>} : memref<128x64xf32, #tpu.memory_space<vmem>>, vector<1x16xf32>,
      %broadcast_in_dim3A_1295 = arith.constant 0.000000e+00 : f32
      %broadcast_in_dim3A_1296 = vector.broadcast %broadcast_in_dim3A_1295 : f32 to vector<16xf32>
      %broadcast_in_dim3A_1297 = arith.constant 0.000000e+00 : f32
      %broadcast_in_dim3A_1298 = vector.broadcast %broadcast_in_dim3A_1297 : f32 to vector<16xf32>
      %broadcast_in_dim3A_1299 = arith.constant 0.000000e+00 : f32
      %broadcast_in_dim3A_1300 = vector.broadcast %broadcast_in_dim3A_1299 : f32 to vector<16xf32>
      %broadcast_in_dim3A_1301 = arith.constant 0.000000e+00 : f32
      %broadcast_in_dim3A_1302 = vector.broadcast %broadcast_in_dim3A_1301 : f32 to vector<16xf32>
      %add3A_1303 = arith.constant 50 : i32
      %add3A_1304 = arith.addi %mul3A_40, %add3A_1303 : i32
      %add3A_1305 = arith.constant 0 : i32
      %add3A_1306 = arith.addi %add3A_1304, %add3A_1305 : i32
      %get3A_1307 = arith.index_cast %add3A_1306 : i32 to index
      %get3A_1308 = arith.constant 0 : index
      %get3A_1309 = tpu.vector_load %arg6[%get3A_1307, %get3A_1308] {strides = array<i32>} : memref<400x64xf32, #tpu.memory_space<vmem>>, vector<1x16xf32>,
      %get3A_1310 = vector.shape_cast %get3A_1309 : vector<1x16xf32> to vector<16xf32>
      %add3A_1311 = arith.addf %broadcast_in_dim3A_1296, %get3A_1310 : vector<16xf32>
      %get3A_1312 = arith.index_cast %add3A_1306 : i32 to index
      %get3A_1313 = arith.constant 16 : index
      %get3A_1314 = tpu.vector_load %arg6[%get3A_1312, %get3A_1313] {strides = array<i32>} : memref<400x64xf32, #tpu.memory_space<vmem>>, vector<1x16xf32>,
      %get3A_1315 = vector.shape_cast %get3A_1314 : vector<1x16xf32> to vector<16xf32>
      %add3A_1316 = arith.addf %broadcast_in_dim3A_1298, %get3A_1315 : vector<16xf32>
      %get3A_1317 = arith.index_cast %add3A_1306 : i32 to index
      %get3A_1318 = arith.constant 32 : index
      %get3A_1319 = tpu.vector_load %arg6[%get3A_1317, %get3A_1318] {strides = array<i32>} : memref<400x64xf32, #tpu.memory_space<vmem>>, vector<1x16xf32>,
      %get3A_1320 = vector.shape_cast %get3A_1319 : vector<1x16xf32> to vector<16xf32>
      %add3A_1321 = arith.addf %broadcast_in_dim3A_1300, %get3A_1320 : vector<16xf32>
      %get3A_1322 = arith.index_cast %add3A_1306 : i32 to index
      %get3A_1323 = arith.constant 48 : index
      %get3A_1324 = tpu.vector_load %arg6[%get3A_1322, %get3A_1323] {strides = array<i32>} : memref<400x64xf32, #tpu.memory_space<vmem>>, vector<1x16xf32>,
      %get3A_1325 = vector.shape_cast %get3A_1324 : vector<1x16xf32> to vector<16xf32>
      %add3A_1326 = arith.addf %broadcast_in_dim3A_1302, %get3A_1325 : vector<16xf32>
      %add3A_1327 = arith.constant 50 : i32
      %add3A_1328 = arith.addi %mul3A_40, %add3A_1327 : i32
      %add3A_1329 = arith.constant 1 : i32
      %add3A_1330 = arith.addi %add3A_1328, %add3A_1329 : i32
      %get3A_1331 = arith.index_cast %add3A_1330 : i32 to index
      %get3A_1332 = arith.constant 0 : index
      %get3A_1333 = tpu.vector_load %arg6[%get3A_1331, %get3A_1332] {strides = array<i32>} : memref<400x64xf32, #tpu.memory_space<vmem>>, vector<1x16xf32>,
      %get3A_1334 = vector.shape_cast %get3A_1333 : vector<1x16xf32> to vector<16xf32>
      %add3A_1335 = arith.addf %add3A_1311, %get3A_1334 : vector<16xf32>
      %get3A_1336 = arith.index_cast %add3A_1330 : i32 to index
      %get3A_1337 = arith.constant 16 : index
      %get3A_1338 = tpu.vector_load %arg6[%get3A_1336, %get3A_1337] {strides = array<i32>} : memref<400x64xf32, #tpu.memory_space<vmem>>, vector<1x16xf32>,
      %get3A_1339 = vector.shape_cast %get3A_1338 : vector<1x16xf32> to vector<16xf32>
      %add3A_1340 = arith.addf %add3A_1316, %get3A_1339 : vector<16xf32>
      %get3A_1341 = arith.index_cast %add3A_1330 : i32 to index
      %get3A_1342 = arith.constant 32 : index
      %get3A_1343 = tpu.vector_load %arg6[%get3A_1341, %get3A_1342] {strides = array<i32>} : memref<400x64xf32, #tpu.memory_space<vmem>>, vector<1x16xf32>,
      %get3A_1344 = vector.shape_cast %get3A_1343 : vector<1x16xf32> to vector<16xf32>
      %add3A_1345 = arith.addf %add3A_1321, %get3A_1344 : vector<16xf32>
      %get3A_1346 = arith.index_cast %add3A_1330 : i32 to index
      %get3A_1347 = arith.constant 48 : index
      %get3A_1348 = tpu.vector_load %arg6[%get3A_1346, %get3A_1347] {strides = array<i32>} : memref<400x64xf32, #tpu.memory_space<vmem>>, vector<1x16xf32>,
      %get3A_1349 = vector.shape_cast %get3A_1348 : vector<1x16xf32> to vector<16xf32>
      %add3A_1350 = arith.addf %add3A_1326, %get3A_1349 : vector<16xf32>
      %add3A_1351 = arith.constant 50 : i32
      %add3A_1352 = arith.addi %mul3A_40, %add3A_1351 : i32
      %add3A_1353 = arith.constant 2 : i32
      %add3A_1354 = arith.addi %add3A_1352, %add3A_1353 : i32
      %get3A_1355 = arith.index_cast %add3A_1354 : i32 to index
      %get3A_1356 = arith.constant 0 : index
      %get3A_1357 = tpu.vector_load %arg6[%get3A_1355, %get3A_1356] {strides = array<i32>} : memref<400x64xf32, #tpu.memory_space<vmem>>, vector<1x16xf32>,
      %get3A_1358 = vector.shape_cast %get3A_1357 : vector<1x16xf32> to vector<16xf32>
      %add3A_1359 = arith.addf %add3A_1335, %get3A_1358 : vector<16xf32>
      %get3A_1360 = arith.index_cast %add3A_1354 : i32 to index
      %get3A_1361 = arith.constant 16 : index
      %get3A_1362 = tpu.vector_load %arg6[%get3A_1360, %get3A_1361] {strides = array<i32>} : memref<400x64xf32, #tpu.memory_space<vmem>>, vector<1x16xf32>,
      %get3A_1363 = vector.shape_cast %get3A_1362 : vector<1x16xf32> to vector<16xf32>
      %add3A_1364 = arith.addf %add3A_1340, %get3A_1363 : vector<16xf32>
      %get3A_1365 = arith.index_cast %add3A_1354 : i32 to index
      %get3A_1366 = arith.constant 32 : index
      %get3A_1367 = tpu.vector_load %arg6[%get3A_1365, %get3A_1366] {strides = array<i32>} : memref<400x64xf32, #tpu.memory_space<vmem>>, vector<1x16xf32>,
      %get3A_1368 = vector.shape_cast %get3A_1367 : vector<1x16xf32> to vector<16xf32>
      %add3A_1369 = arith.addf %add3A_1345, %get3A_1368 : vector<16xf32>
      %get3A_1370 = arith.index_cast %add3A_1354 : i32 to index
      %get3A_1371 = arith.constant 48 : index
      %get3A_1372 = tpu.vector_load %arg6[%get3A_1370, %get3A_1371] {strides = array<i32>} : memref<400x64xf32, #tpu.memory_space<vmem>>, vector<1x16xf32>,
      %get3A_1373 = vector.shape_cast %get3A_1372 : vector<1x16xf32> to vector<16xf32>
      %add3A_1374 = arith.addf %add3A_1350, %get3A_1373 : vector<16xf32>
      %add3A_1375 = arith.constant 50 : i32
      %add3A_1376 = arith.addi %mul3A_40, %add3A_1375 : i32
      %add3A_1377 = arith.constant 3 : i32
      %add3A_1378 = arith.addi %add3A_1376, %add3A_1377 : i32
      %get3A_1379 = arith.index_cast %add3A_1378 : i32 to index
      %get3A_1380 = arith.constant 0 : index
      %get3A_1381 = tpu.vector_load %arg6[%get3A_1379, %get3A_1380] {strides = array<i32>} : memref<400x64xf32, #tpu.memory_space<vmem>>, vector<1x16xf32>,
      %get3A_1382 = vector.shape_cast %get3A_1381 : vector<1x16xf32> to vector<16xf32>
      %add3A_1383 = arith.addf %add3A_1359, %get3A_1382 : vector<16xf32>
      %get3A_1384 = arith.index_cast %add3A_1378 : i32 to index
      %get3A_1385 = arith.constant 16 : index
      %get3A_1386 = tpu.vector_load %arg6[%get3A_1384, %get3A_1385] {strides = array<i32>} : memref<400x64xf32, #tpu.memory_space<vmem>>, vector<1x16xf32>,
      %get3A_1387 = vector.shape_cast %get3A_1386 : vector<1x16xf32> to vector<16xf32>
      %add3A_1388 = arith.addf %add3A_1364, %get3A_1387 : vector<16xf32>
      %get3A_1389 = arith.index_cast %add3A_1378 : i32 to index
      %get3A_1390 = arith.constant 32 : index
      %get3A_1391 = tpu.vector_load %arg6[%get3A_1389, %get3A_1390] {strides = array<i32>} : memref<400x64xf32, #tpu.memory_space<vmem>>, vector<1x16xf32>,
      %get3A_1392 = vector.shape_cast %get3A_1391 : vector<1x16xf32> to vector<16xf32>
      %add3A_1393 = arith.addf %add3A_1369, %get3A_1392 : vector<16xf32>
      %get3A_1394 = arith.index_cast %add3A_1378 : i32 to index
      %get3A_1395 = arith.constant 48 : index
      %get3A_1396 = tpu.vector_load %arg6[%get3A_1394, %get3A_1395] {strides = array<i32>} : memref<400x64xf32, #tpu.memory_space<vmem>>, vector<1x16xf32>,
      %get3A_1397 = vector.shape_cast %get3A_1396 : vector<1x16xf32> to vector<16xf32>
      %add3A_1398 = arith.addf %add3A_1374, %get3A_1397 : vector<16xf32>
      %add3A_1399 = arith.constant 50 : i32
      %add3A_1400 = arith.addi %mul3A_40, %add3A_1399 : i32
      %add3A_1401 = arith.constant 4 : i32
      %add3A_1402 = arith.addi %add3A_1400, %add3A_1401 : i32
      %get3A_1403 = arith.index_cast %add3A_1402 : i32 to index
      %get3A_1404 = arith.constant 0 : index
      %get3A_1405 = tpu.vector_load %arg6[%get3A_1403, %get3A_1404] {strides = array<i32>} : memref<400x64xf32, #tpu.memory_space<vmem>>, vector<1x16xf32>,
      %get3A_1406 = vector.shape_cast %get3A_1405 : vector<1x16xf32> to vector<16xf32>
      %add3A_1407 = arith.addf %add3A_1383, %get3A_1406 : vector<16xf32>
      %get3A_1408 = arith.index_cast %add3A_1402 : i32 to index
      %get3A_1409 = arith.constant 16 : index
      %get3A_1410 = tpu.vector_load %arg6[%get3A_1408, %get3A_1409] {strides = array<i32>} : memref<400x64xf32, #tpu.memory_space<vmem>>, vector<1x16xf32>,
      %get3A_1411 = vector.shape_cast %get3A_1410 : vector<1x16xf32> to vector<16xf32>
      %add3A_1412 = arith.addf %add3A_1388, %get3A_1411 : vector<16xf32>
      %get3A_1413 = arith.index_cast %add3A_1402 : i32 to index
      %get3A_1414 = arith.constant 32 : index
      %get3A_1415 = tpu.vector_load %arg6[%get3A_1413, %get3A_1414] {strides = array<i32>} : memref<400x64xf32, #tpu.memory_space<vmem>>, vector<1x16xf32>,
      %get3A_1416 = vector.shape_cast %get3A_1415 : vector<1x16xf32> to vector<16xf32>
      %add3A_1417 = arith.addf %add3A_1393, %get3A_1416 : vector<16xf32>
      %get3A_1418 = arith.index_cast %add3A_1402 : i32 to index
      %get3A_1419 = arith.constant 48 : index
      %get3A_1420 = tpu.vector_load %arg6[%get3A_1418, %get3A_1419] {strides = array<i32>} : memref<400x64xf32, #tpu.memory_space<vmem>>, vector<1x16xf32>,
      %get3A_1421 = vector.shape_cast %get3A_1420 : vector<1x16xf32> to vector<16xf32>
      %add3A_1422 = arith.addf %add3A_1398, %get3A_1421 : vector<16xf32>
      %add3A_1423 = arith.constant 50 : i32
      %add3A_1424 = arith.addi %mul3A_40, %add3A_1423 : i32
      %add3A_1425 = arith.constant 5 : i32
      %add3A_1426 = arith.addi %add3A_1424, %add3A_1425 : i32
      %get3A_1427 = arith.index_cast %add3A_1426 : i32 to index
      %get3A_1428 = arith.constant 0 : index
      %get3A_1429 = tpu.vector_load %arg6[%get3A_1427, %get3A_1428] {strides = array<i32>} : memref<400x64xf32, #tpu.memory_space<vmem>>, vector<1x16xf32>,
      %get3A_1430 = vector.shape_cast %get3A_1429 : vector<1x16xf32> to vector<16xf32>
      %add3A_1431 = arith.addf %add3A_1407, %get3A_1430 : vector<16xf32>
      %get3A_1432 = arith.index_cast %add3A_1426 : i32 to index
      %get3A_1433 = arith.constant 16 : index
      %get3A_1434 = tpu.vector_load %arg6[%get3A_1432, %get3A_1433] {strides = array<i32>} : memref<400x64xf32, #tpu.memory_space<vmem>>, vector<1x16xf32>,
      %get3A_1435 = vector.shape_cast %get3A_1434 : vector<1x16xf32> to vector<16xf32>
      %add3A_1436 = arith.addf %add3A_1412, %get3A_1435 : vector<16xf32>
      %get3A_1437 = arith.index_cast %add3A_1426 : i32 to index
      %get3A_1438 = arith.constant 32 : index
      %get3A_1439 = tpu.vector_load %arg6[%get3A_1437, %get3A_1438] {strides = array<i32>} : memref<400x64xf32, #tpu.memory_space<vmem>>, vector<1x16xf32>,
      %get3A_1440 = vector.shape_cast %get3A_1439 : vector<1x16xf32> to vector<16xf32>
      %add3A_1441 = arith.addf %add3A_1417, %get3A_1440 : vector<16xf32>
      %get3A_1442 = arith.index_cast %add3A_1426 : i32 to index
      %get3A_1443 = arith.constant 48 : index
      %get3A_1444 = tpu.vector_load %arg6[%get3A_1442, %get3A_1443] {strides = array<i32>} : memref<400x64xf32, #tpu.memory_space<vmem>>, vector<1x16xf32>,
      %get3A_1445 = vector.shape_cast %get3A_1444 : vector<1x16xf32> to vector<16xf32>
      %add3A_1446 = arith.addf %add3A_1422, %get3A_1445 : vector<16xf32>
      %add3A_1447 = arith.constant 50 : i32
      %add3A_1448 = arith.addi %mul3A_40, %add3A_1447 : i32
      %add3A_1449 = arith.constant 6 : i32
      %add3A_1450 = arith.addi %add3A_1448, %add3A_1449 : i32
      %get3A_1451 = arith.index_cast %add3A_1450 : i32 to index
      %get3A_1452 = arith.constant 0 : index
      %get3A_1453 = tpu.vector_load %arg6[%get3A_1451, %get3A_1452] {strides = array<i32>} : memref<400x64xf32, #tpu.memory_space<vmem>>, vector<1x16xf32>,
      %get3A_1454 = vector.shape_cast %get3A_1453 : vector<1x16xf32> to vector<16xf32>
      %add3A_1455 = arith.addf %add3A_1431, %get3A_1454 : vector<16xf32>
      %get3A_1456 = arith.index_cast %add3A_1450 : i32 to index
      %get3A_1457 = arith.constant 16 : index
      %get3A_1458 = tpu.vector_load %arg6[%get3A_1456, %get3A_1457] {strides = array<i32>} : memref<400x64xf32, #tpu.memory_space<vmem>>, vector<1x16xf32>,
      %get3A_1459 = vector.shape_cast %get3A_1458 : vector<1x16xf32> to vector<16xf32>
      %add3A_1460 = arith.addf %add3A_1436, %get3A_1459 : vector<16xf32>
      %get3A_1461 = arith.index_cast %add3A_1450 : i32 to index
      %get3A_1462 = arith.constant 32 : index
      %get3A_1463 = tpu.vector_load %arg6[%get3A_1461, %get3A_1462] {strides = array<i32>} : memref<400x64xf32, #tpu.memory_space<vmem>>, vector<1x16xf32>,
      %get3A_1464 = vector.shape_cast %get3A_1463 : vector<1x16xf32> to vector<16xf32>
      %add3A_1465 = arith.addf %add3A_1441, %get3A_1464 : vector<16xf32>
      %get3A_1466 = arith.index_cast %add3A_1450 : i32 to index
      %get3A_1467 = arith.constant 48 : index
      %get3A_1468 = tpu.vector_load %arg6[%get3A_1466, %get3A_1467] {strides = array<i32>} : memref<400x64xf32, #tpu.memory_space<vmem>>, vector<1x16xf32>,
      %get3A_1469 = vector.shape_cast %get3A_1468 : vector<1x16xf32> to vector<16xf32>
      %add3A_1470 = arith.addf %add3A_1446, %get3A_1469 : vector<16xf32>
      %add3A_1471 = arith.constant 50 : i32
      %add3A_1472 = arith.addi %mul3A_40, %add3A_1471 : i32
      %add3A_1473 = arith.constant 7 : i32
      %add3A_1474 = arith.addi %add3A_1472, %add3A_1473 : i32
      %get3A_1475 = arith.index_cast %add3A_1474 : i32 to index
      %get3A_1476 = arith.constant 0 : index
      %get3A_1477 = tpu.vector_load %arg6[%get3A_1475, %get3A_1476] {strides = array<i32>} : memref<400x64xf32, #tpu.memory_space<vmem>>, vector<1x16xf32>,
      %get3A_1478 = vector.shape_cast %get3A_1477 : vector<1x16xf32> to vector<16xf32>
      %add3A_1479 = arith.addf %add3A_1455, %get3A_1478 : vector<16xf32>
      %get3A_1480 = arith.index_cast %add3A_1474 : i32 to index
      %get3A_1481 = arith.constant 16 : index
      %get3A_1482 = tpu.vector_load %arg6[%get3A_1480, %get3A_1481] {strides = array<i32>} : memref<400x64xf32, #tpu.memory_space<vmem>>, vector<1x16xf32>,
      %get3A_1483 = vector.shape_cast %get3A_1482 : vector<1x16xf32> to vector<16xf32>
      %add3A_1484 = arith.addf %add3A_1460, %get3A_1483 : vector<16xf32>
      %get3A_1485 = arith.index_cast %add3A_1474 : i32 to index
      %get3A_1486 = arith.constant 32 : index
      %get3A_1487 = tpu.vector_load %arg6[%get3A_1485, %get3A_1486] {strides = array<i32>} : memref<400x64xf32, #tpu.memory_space<vmem>>, vector<1x16xf32>,
      %get3A_1488 = vector.shape_cast %get3A_1487 : vector<1x16xf32> to vector<16xf32>
      %add3A_1489 = arith.addf %add3A_1465, %get3A_1488 : vector<16xf32>
      %get3A_1490 = arith.index_cast %add3A_1474 : i32 to index
      %get3A_1491 = arith.constant 48 : index
      %get3A_1492 = tpu.vector_load %arg6[%get3A_1490, %get3A_1491] {strides = array<i32>} : memref<400x64xf32, #tpu.memory_space<vmem>>, vector<1x16xf32>,
      %get3A_1493 = vector.shape_cast %get3A_1492 : vector<1x16xf32> to vector<16xf32>
      %add3A_1494 = arith.addf %add3A_1470, %get3A_1493 : vector<16xf32>
      %add3A_1495 = arith.constant 50 : i32
      %add3A_1496 = arith.addi %mul3A_40, %add3A_1495 : i32
      %add3A_1497 = arith.constant 8 : i32
      %add3A_1498 = arith.addi %add3A_1496, %add3A_1497 : i32
      %get3A_1499 = arith.index_cast %add3A_1498 : i32 to index
      %get3A_1500 = arith.constant 0 : index
      %get3A_1501 = tpu.vector_load %arg6[%get3A_1499, %get3A_1500] {strides = array<i32>} : memref<400x64xf32, #tpu.memory_space<vmem>>, vector<1x16xf32>,
      %get3A_1502 = vector.shape_cast %get3A_1501 : vector<1x16xf32> to vector<16xf32>
      %add3A_1503 = arith.addf %add3A_1479, %get3A_1502 : vector<16xf32>
      %get3A_1504 = arith.index_cast %add3A_1498 : i32 to index
      %get3A_1505 = arith.constant 16 : index
      %get3A_1506 = tpu.vector_load %arg6[%get3A_1504, %get3A_1505] {strides = array<i32>} : memref<400x64xf32, #tpu.memory_space<vmem>>, vector<1x16xf32>,
      %get3A_1507 = vector.shape_cast %get3A_1506 : vector<1x16xf32> to vector<16xf32>
      %add3A_1508 = arith.addf %add3A_1484, %get3A_1507 : vector<16xf32>
      %get3A_1509 = arith.index_cast %add3A_1498 : i32 to index
      %get3A_1510 = arith.constant 32 : index
      %get3A_1511 = tpu.vector_load %arg6[%get3A_1509, %get3A_1510] {strides = array<i32>} : memref<400x64xf32, #tpu.memory_space<vmem>>, vector<1x16xf32>,
      %get3A_1512 = vector.shape_cast %get3A_1511 : vector<1x16xf32> to vector<16xf32>
      %add3A_1513 = arith.addf %add3A_1489, %get3A_1512 : vector<16xf32>
      %get3A_1514 = arith.index_cast %add3A_1498 : i32 to index
      %get3A_1515 = arith.constant 48 : index
      %get3A_1516 = tpu.vector_load %arg6[%get3A_1514, %get3A_1515] {strides = array<i32>} : memref<400x64xf32, #tpu.memory_space<vmem>>, vector<1x16xf32>,
      %get3A_1517 = vector.shape_cast %get3A_1516 : vector<1x16xf32> to vector<16xf32>
      %add3A_1518 = arith.addf %add3A_1494, %get3A_1517 : vector<16xf32>
      %add3A_1519 = arith.constant 50 : i32
      %add3A_1520 = arith.addi %mul3A_40, %add3A_1519 : i32
      %add3A_1521 = arith.constant 9 : i32
      %add3A_1522 = arith.addi %add3A_1520, %add3A_1521 : i32
      %get3A_1523 = arith.index_cast %add3A_1522 : i32 to index
      %get3A_1524 = arith.constant 0 : index
      %get3A_1525 = tpu.vector_load %arg6[%get3A_1523, %get3A_1524] {strides = array<i32>} : memref<400x64xf32, #tpu.memory_space<vmem>>, vector<1x16xf32>,
      %get3A_1526 = vector.shape_cast %get3A_1525 : vector<1x16xf32> to vector<16xf32>
      %add3A_1527 = arith.addf %add3A_1503, %get3A_1526 : vector<16xf32>
      %get3A_1528 = arith.index_cast %add3A_1522 : i32 to index
      %get3A_1529 = arith.constant 16 : index
      %get3A_1530 = tpu.vector_load %arg6[%get3A_1528, %get3A_1529] {strides = array<i32>} : memref<400x64xf32, #tpu.memory_space<vmem>>, vector<1x16xf32>,
      %get3A_1531 = vector.shape_cast %get3A_1530 : vector<1x16xf32> to vector<16xf32>
      %add3A_1532 = arith.addf %add3A_1508, %get3A_1531 : vector<16xf32>
      %get3A_1533 = arith.index_cast %add3A_1522 : i32 to index
      %get3A_1534 = arith.constant 32 : index
      %get3A_1535 = tpu.vector_load %arg6[%get3A_1533, %get3A_1534] {strides = array<i32>} : memref<400x64xf32, #tpu.memory_space<vmem>>, vector<1x16xf32>,
      %get3A_1536 = vector.shape_cast %get3A_1535 : vector<1x16xf32> to vector<16xf32>
      %add3A_1537 = arith.addf %add3A_1513, %get3A_1536 : vector<16xf32>
      %get3A_1538 = arith.index_cast %add3A_1522 : i32 to index
      %get3A_1539 = arith.constant 48 : index
      %get3A_1540 = tpu.vector_load %arg6[%get3A_1538, %get3A_1539] {strides = array<i32>} : memref<400x64xf32, #tpu.memory_space<vmem>>, vector<1x16xf32>,
      %get3A_1541 = vector.shape_cast %get3A_1540 : vector<1x16xf32> to vector<16xf32>
      %add3A_1542 = arith.addf %add3A_1518, %get3A_1541 : vector<16xf32>
      %add3A_1543 = arith.constant 50 : i32
      %add3A_1544 = arith.addi %mul3A_40, %add3A_1543 : i32
      %add3A_1545 = arith.constant 10 : i32
      %add3A_1546 = arith.addi %add3A_1544, %add3A_1545 : i32
      %get3A_1547 = arith.index_cast %add3A_1546 : i32 to index
      %get3A_1548 = arith.constant 0 : index
      %get3A_1549 = tpu.vector_load %arg6[%get3A_1547, %get3A_1548] {strides = array<i32>} : memref<400x64xf32, #tpu.memory_space<vmem>>, vector<1x16xf32>,
      %get3A_1550 = vector.shape_cast %get3A_1549 : vector<1x16xf32> to vector<16xf32>
      %add3A_1551 = arith.addf %add3A_1527, %get3A_1550 : vector<16xf32>
      %get3A_1552 = arith.index_cast %add3A_1546 : i32 to index
      %get3A_1553 = arith.constant 16 : index
      %get3A_1554 = tpu.vector_load %arg6[%get3A_1552, %get3A_1553] {strides = array<i32>} : memref<400x64xf32, #tpu.memory_space<vmem>>, vector<1x16xf32>,
      %get3A_1555 = vector.shape_cast %get3A_1554 : vector<1x16xf32> to vector<16xf32>
      %add3A_1556 = arith.addf %add3A_1532, %get3A_1555 : vector<16xf32>
      %get3A_1557 = arith.index_cast %add3A_1546 : i32 to index
      %get3A_1558 = arith.constant 32 : index
      %get3A_1559 = tpu.vector_load %arg6[%get3A_1557, %get3A_1558] {strides = array<i32>} : memref<400x64xf32, #tpu.memory_space<vmem>>, vector<1x16xf32>,
      %get3A_1560 = vector.shape_cast %get3A_1559 : vector<1x16xf32> to vector<16xf32>
      %add3A_1561 = arith.addf %add3A_1537, %get3A_1560 : vector<16xf32>
      %get3A_1562 = arith.index_cast %add3A_1546 : i32 to index
      %get3A_1563 = arith.constant 48 : index
      %get3A_1564 = tpu.vector_load %arg6[%get3A_1562, %get3A_1563] {strides = array<i32>} : memref<400x64xf32, #tpu.memory_space<vmem>>, vector<1x16xf32>,
      %get3A_1565 = vector.shape_cast %get3A_1564 : vector<1x16xf32> to vector<16xf32>
      %add3A_1566 = arith.addf %add3A_1542, %get3A_1565 : vector<16xf32>
      %add3A_1567 = arith.constant 50 : i32
      %add3A_1568 = arith.addi %mul3A_40, %add3A_1567 : i32
      %add3A_1569 = arith.constant 11 : i32
      %add3A_1570 = arith.addi %add3A_1568, %add3A_1569 : i32
      %get3A_1571 = arith.index_cast %add3A_1570 : i32 to index
      %get3A_1572 = arith.constant 0 : index
      %get3A_1573 = tpu.vector_load %arg6[%get3A_1571, %get3A_1572] {strides = array<i32>} : memref<400x64xf32, #tpu.memory_space<vmem>>, vector<1x16xf32>,
      %get3A_1574 = vector.shape_cast %get3A_1573 : vector<1x16xf32> to vector<16xf32>
      %add3A_1575 = arith.addf %add3A_1551, %get3A_1574 : vector<16xf32>
      %get3A_1576 = arith.index_cast %add3A_1570 : i32 to index
      %get3A_1577 = arith.constant 16 : index
      %get3A_1578 = tpu.vector_load %arg6[%get3A_1576, %get3A_1577] {strides = array<i32>} : memref<400x64xf32, #tpu.memory_space<vmem>>, vector<1x16xf32>,
      %get3A_1579 = vector.shape_cast %get3A_1578 : vector<1x16xf32> to vector<16xf32>
      %add3A_1580 = arith.addf %add3A_1556, %get3A_1579 : vector<16xf32>
      %get3A_1581 = arith.index_cast %add3A_1570 : i32 to index
      %get3A_1582 = arith.constant 32 : index
      %get3A_1583 = tpu.vector_load %arg6[%get3A_1581, %get3A_1582] {strides = array<i32>} : memref<400x64xf32, #tpu.memory_space<vmem>>, vector<1x16xf32>,
      %get3A_1584 = vector.shape_cast %get3A_1583 : vector<1x16xf32> to vector<16xf32>
      %add3A_1585 = arith.addf %add3A_1561, %get3A_1584 : vector<16xf32>
      %get3A_1586 = arith.index_cast %add3A_1570 : i32 to index
      %get3A_1587 = arith.constant 48 : index
      %get3A_1588 = tpu.vector_load %arg6[%get3A_1586, %get3A_1587] {strides = array<i32>} : memref<400x64xf32, #tpu.memory_space<vmem>>, vector<1x16xf32>,
      %get3A_1589 = vector.shape_cast %get3A_1588 : vector<1x16xf32> to vector<16xf32>
      %add3A_1590 = arith.addf %add3A_1566, %get3A_1589 : vector<16xf32>
      %add3A_1591 = arith.constant 50 : i32
      %add3A_1592 = arith.addi %mul3A_40, %add3A_1591 : i32
      %add3A_1593 = arith.constant 12 : i32
      %add3A_1594 = arith.addi %add3A_1592, %add3A_1593 : i32
      %get3A_1595 = arith.index_cast %add3A_1594 : i32 to index
      %get3A_1596 = arith.constant 0 : index
      %get3A_1597 = tpu.vector_load %arg6[%get3A_1595, %get3A_1596] {strides = array<i32>} : memref<400x64xf32, #tpu.memory_space<vmem>>, vector<1x16xf32>,
      %get3A_1598 = vector.shape_cast %get3A_1597 : vector<1x16xf32> to vector<16xf32>
      %add3A_1599 = arith.addf %add3A_1575, %get3A_1598 : vector<16xf32>
      %get3A_1600 = arith.index_cast %add3A_1594 : i32 to index
      %get3A_1601 = arith.constant 16 : index
      %get3A_1602 = tpu.vector_load %arg6[%get3A_1600, %get3A_1601] {strides = array<i32>} : memref<400x64xf32, #tpu.memory_space<vmem>>, vector<1x16xf32>,
      %get3A_1603 = vector.shape_cast %get3A_1602 : vector<1x16xf32> to vector<16xf32>
      %add3A_1604 = arith.addf %add3A_1580, %get3A_1603 : vector<16xf32>
      %get3A_1605 = arith.index_cast %add3A_1594 : i32 to index
      %get3A_1606 = arith.constant 32 : index
      %get3A_1607 = tpu.vector_load %arg6[%get3A_1605, %get3A_1606] {strides = array<i32>} : memref<400x64xf32, #tpu.memory_space<vmem>>, vector<1x16xf32>,
      %get3A_1608 = vector.shape_cast %get3A_1607 : vector<1x16xf32> to vector<16xf32>
      %add3A_1609 = arith.addf %add3A_1585, %get3A_1608 : vector<16xf32>
      %get3A_1610 = arith.index_cast %add3A_1594 : i32 to index
      %get3A_1611 = arith.constant 48 : index
      %get3A_1612 = tpu.vector_load %arg6[%get3A_1610, %get3A_1611] {strides = array<i32>} : memref<400x64xf32, #tpu.memory_space<vmem>>, vector<1x16xf32>,
      %get3A_1613 = vector.shape_cast %get3A_1612 : vector<1x16xf32> to vector<16xf32>
      %add3A_1614 = arith.addf %add3A_1590, %get3A_1613 : vector<16xf32>
      %add3A_1615 = arith.constant 50 : i32
      %add3A_1616 = arith.addi %mul3A_40, %add3A_1615 : i32
      %add3A_1617 = arith.constant 13 : i32
      %add3A_1618 = arith.addi %add3A_1616, %add3A_1617 : i32
      %get3A_1619 = arith.index_cast %add3A_1618 : i32 to index
      %get3A_1620 = arith.constant 0 : index
      %get3A_1621 = tpu.vector_load %arg6[%get3A_1619, %get3A_1620] {strides = array<i32>} : memref<400x64xf32, #tpu.memory_space<vmem>>, vector<1x16xf32>,
      %get3A_1622 = vector.shape_cast %get3A_1621 : vector<1x16xf32> to vector<16xf32>
      %add3A_1623 = arith.addf %add3A_1599, %get3A_1622 : vector<16xf32>
      %get3A_1624 = arith.index_cast %add3A_1618 : i32 to index
      %get3A_1625 = arith.constant 16 : index
      %get3A_1626 = tpu.vector_load %arg6[%get3A_1624, %get3A_1625] {strides = array<i32>} : memref<400x64xf32, #tpu.memory_space<vmem>>, vector<1x16xf32>,
      %get3A_1627 = vector.shape_cast %get3A_1626 : vector<1x16xf32> to vector<16xf32>
      %add3A_1628 = arith.addf %add3A_1604, %get3A_1627 : vector<16xf32>
      %get3A_1629 = arith.index_cast %add3A_1618 : i32 to index
      %get3A_1630 = arith.constant 32 : index
      %get3A_1631 = tpu.vector_load %arg6[%get3A_1629, %get3A_1630] {strides = array<i32>} : memref<400x64xf32, #tpu.memory_space<vmem>>, vector<1x16xf32>,
      %get3A_1632 = vector.shape_cast %get3A_1631 : vector<1x16xf32> to vector<16xf32>
      %add3A_1633 = arith.addf %add3A_1609, %get3A_1632 : vector<16xf32>
      %get3A_1634 = arith.index_cast %add3A_1618 : i32 to index
      %get3A_1635 = arith.constant 48 : index
      %get3A_1636 = tpu.vector_load %arg6[%get3A_1634, %get3A_1635] {strides = array<i32>} : memref<400x64xf32, #tpu.memory_space<vmem>>, vector<1x16xf32>,
      %get3A_1637 = vector.shape_cast %get3A_1636 : vector<1x16xf32> to vector<16xf32>
      %add3A_1638 = arith.addf %add3A_1614, %get3A_1637 : vector<16xf32>
      %add3A_1639 = arith.constant 50 : i32
      %add3A_1640 = arith.addi %mul3A_40, %add3A_1639 : i32
      %add3A_1641 = arith.constant 14 : i32
      %add3A_1642 = arith.addi %add3A_1640, %add3A_1641 : i32
      %get3A_1643 = arith.index_cast %add3A_1642 : i32 to index
      %get3A_1644 = arith.constant 0 : index
      %get3A_1645 = tpu.vector_load %arg6[%get3A_1643, %get3A_1644] {strides = array<i32>} : memref<400x64xf32, #tpu.memory_space<vmem>>, vector<1x16xf32>,
      %get3A_1646 = vector.shape_cast %get3A_1645 : vector<1x16xf32> to vector<16xf32>
      %add3A_1647 = arith.addf %add3A_1623, %get3A_1646 : vector<16xf32>
      %get3A_1648 = arith.index_cast %add3A_1642 : i32 to index
      %get3A_1649 = arith.constant 16 : index
      %get3A_1650 = tpu.vector_load %arg6[%get3A_1648, %get3A_1649] {strides = array<i32>} : memref<400x64xf32, #tpu.memory_space<vmem>>, vector<1x16xf32>,
      %get3A_1651 = vector.shape_cast %get3A_1650 : vector<1x16xf32> to vector<16xf32>
      %add3A_1652 = arith.addf %add3A_1628, %get3A_1651 : vector<16xf32>
      %get3A_1653 = arith.index_cast %add3A_1642 : i32 to index
      %get3A_1654 = arith.constant 32 : index
      %get3A_1655 = tpu.vector_load %arg6[%get3A_1653, %get3A_1654] {strides = array<i32>} : memref<400x64xf32, #tpu.memory_space<vmem>>, vector<1x16xf32>,
      %get3A_1656 = vector.shape_cast %get3A_1655 : vector<1x16xf32> to vector<16xf32>
      %add3A_1657 = arith.addf %add3A_1633, %get3A_1656 : vector<16xf32>
      %get3A_1658 = arith.index_cast %add3A_1642 : i32 to index
      %get3A_1659 = arith.constant 48 : index
      %get3A_1660 = tpu.vector_load %arg6[%get3A_1658, %get3A_1659] {strides = array<i32>} : memref<400x64xf32, #tpu.memory_space<vmem>>, vector<1x16xf32>,
      %get3A_1661 = vector.shape_cast %get3A_1660 : vector<1x16xf32> to vector<16xf32>
      %add3A_1662 = arith.addf %add3A_1638, %get3A_1661 : vector<16xf32>
      %add3A_1663 = arith.constant 50 : i32
      %add3A_1664 = arith.addi %mul3A_40, %add3A_1663 : i32
      %add3A_1665 = arith.constant 15 : i32
      %add3A_1666 = arith.addi %add3A_1664, %add3A_1665 : i32
      %get3A_1667 = arith.index_cast %add3A_1666 : i32 to index
      %get3A_1668 = arith.constant 0 : index
      %get3A_1669 = tpu.vector_load %arg6[%get3A_1667, %get3A_1668] {strides = array<i32>} : memref<400x64xf32, #tpu.memory_space<vmem>>, vector<1x16xf32>,
      %get3A_1670 = vector.shape_cast %get3A_1669 : vector<1x16xf32> to vector<16xf32>
      %add3A_1671 = arith.addf %add3A_1647, %get3A_1670 : vector<16xf32>
      %get3A_1672 = arith.index_cast %add3A_1666 : i32 to index
      %get3A_1673 = arith.constant 16 : index
      %get3A_1674 = tpu.vector_load %arg6[%get3A_1672, %get3A_1673] {strides = array<i32>} : memref<400x64xf32, #tpu.memory_space<vmem>>, vector<1x16xf32>,
      %get3A_1675 = vector.shape_cast %get3A_1674 : vector<1x16xf32> to vector<16xf32>
      %add3A_1676 = arith.addf %add3A_1652, %get3A_1675 : vector<16xf32>
      %get3A_1677 = arith.index_cast %add3A_1666 : i32 to index
      %get3A_1678 = arith.constant 32 : index
      %get3A_1679 = tpu.vector_load %arg6[%get3A_1677, %get3A_1678] {strides = array<i32>} : memref<400x64xf32, #tpu.memory_space<vmem>>, vector<1x16xf32>,
      %get3A_1680 = vector.shape_cast %get3A_1679 : vector<1x16xf32> to vector<16xf32>
      %add3A_1681 = arith.addf %add3A_1657, %get3A_1680 : vector<16xf32>
      %get3A_1682 = arith.index_cast %add3A_1666 : i32 to index
      %get3A_1683 = arith.constant 48 : index
      %get3A_1684 = tpu.vector_load %arg6[%get3A_1682, %get3A_1683] {strides = array<i32>} : memref<400x64xf32, #tpu.memory_space<vmem>>, vector<1x16xf32>,
      %get3A_1685 = vector.shape_cast %get3A_1684 : vector<1x16xf32> to vector<16xf32>
      %add3A_1686 = arith.addf %add3A_1662, %get3A_1685 : vector<16xf32>
      %add3A_1687 = arith.constant 50 : i32
      %add3A_1688 = arith.addi %mul3A_40, %add3A_1687 : i32
      %add3A_1689 = arith.constant 16 : i32
      %add3A_1690 = arith.addi %add3A_1688, %add3A_1689 : i32
      %get3A_1691 = arith.index_cast %add3A_1690 : i32 to index
      %get3A_1692 = arith.constant 0 : index
      %get3A_1693 = tpu.vector_load %arg6[%get3A_1691, %get3A_1692] {strides = array<i32>} : memref<400x64xf32, #tpu.memory_space<vmem>>, vector<1x16xf32>,
      %get3A_1694 = vector.shape_cast %get3A_1693 : vector<1x16xf32> to vector<16xf32>
      %add3A_1695 = arith.addf %add3A_1671, %get3A_1694 : vector<16xf32>
      %get3A_1696 = arith.index_cast %add3A_1690 : i32 to index
      %get3A_1697 = arith.constant 16 : index
      %get3A_1698 = tpu.vector_load %arg6[%get3A_1696, %get3A_1697] {strides = array<i32>} : memref<400x64xf32, #tpu.memory_space<vmem>>, vector<1x16xf32>,
      %get3A_1699 = vector.shape_cast %get3A_1698 : vector<1x16xf32> to vector<16xf32>
      %add3A_1700 = arith.addf %add3A_1676, %get3A_1699 : vector<16xf32>
      %get3A_1701 = arith.index_cast %add3A_1690 : i32 to index
      %get3A_1702 = arith.constant 32 : index
      %get3A_1703 = tpu.vector_load %arg6[%get3A_1701, %get3A_1702] {strides = array<i32>} : memref<400x64xf32, #tpu.memory_space<vmem>>, vector<1x16xf32>,
      %get3A_1704 = vector.shape_cast %get3A_1703 : vector<1x16xf32> to vector<16xf32>
      %add3A_1705 = arith.addf %add3A_1681, %get3A_1704 : vector<16xf32>
      %get3A_1706 = arith.index_cast %add3A_1690 : i32 to index
      %get3A_1707 = arith.constant 48 : index
      %get3A_1708 = tpu.vector_load %arg6[%get3A_1706, %get3A_1707] {strides = array<i32>} : memref<400x64xf32, #tpu.memory_space<vmem>>, vector<1x16xf32>,
      %get3A_1709 = vector.shape_cast %get3A_1708 : vector<1x16xf32> to vector<16xf32>
      %add3A_1710 = arith.addf %add3A_1686, %get3A_1709 : vector<16xf32>
      %add3A_1711 = arith.constant 50 : i32
      %add3A_1712 = arith.addi %mul3A_40, %add3A_1711 : i32
      %add3A_1713 = arith.constant 17 : i32
      %add3A_1714 = arith.addi %add3A_1712, %add3A_1713 : i32
      %get3A_1715 = arith.index_cast %add3A_1714 : i32 to index
      %get3A_1716 = arith.constant 0 : index
      %get3A_1717 = tpu.vector_load %arg6[%get3A_1715, %get3A_1716] {strides = array<i32>} : memref<400x64xf32, #tpu.memory_space<vmem>>, vector<1x16xf32>,
      %get3A_1718 = vector.shape_cast %get3A_1717 : vector<1x16xf32> to vector<16xf32>
      %add3A_1719 = arith.addf %add3A_1695, %get3A_1718 : vector<16xf32>
      %get3A_1720 = arith.index_cast %add3A_1714 : i32 to index
      %get3A_1721 = arith.constant 16 : index
      %get3A_1722 = tpu.vector_load %arg6[%get3A_1720, %get3A_1721] {strides = array<i32>} : memref<400x64xf32, #tpu.memory_space<vmem>>, vector<1x16xf32>,
      %get3A_1723 = vector.shape_cast %get3A_1722 : vector<1x16xf32> to vector<16xf32>
      %add3A_1724 = arith.addf %add3A_1700, %get3A_1723 : vector<16xf32>
      %get3A_1725 = arith.index_cast %add3A_1714 : i32 to index
      %get3A_1726 = arith.constant 32 : index
      %get3A_1727 = tpu.vector_load %arg6[%get3A_1725, %get3A_1726] {strides = array<i32>} : memref<400x64xf32, #tpu.memory_space<vmem>>, vector<1x16xf32>,
      %get3A_1728 = vector.shape_cast %get3A_1727 : vector<1x16xf32> to vector<16xf32>
      %add3A_1729 = arith.addf %add3A_1705, %get3A_1728 : vector<16xf32>
      %get3A_1730 = arith.index_cast %add3A_1714 : i32 to index
      %get3A_1731 = arith.constant 48 : index
      %get3A_1732 = tpu.vector_load %arg6[%get3A_1730, %get3A_1731] {strides = array<i32>} : memref<400x64xf32, #tpu.memory_space<vmem>>, vector<1x16xf32>,
      %get3A_1733 = vector.shape_cast %get3A_1732 : vector<1x16xf32> to vector<16xf32>
      %add3A_1734 = arith.addf %add3A_1710, %get3A_1733 : vector<16xf32>
      %add3A_1735 = arith.constant 50 : i32
      %add3A_1736 = arith.addi %mul3A_40, %add3A_1735 : i32
      %add3A_1737 = arith.constant 18 : i32
      %add3A_1738 = arith.addi %add3A_1736, %add3A_1737 : i32
      %get3A_1739 = arith.index_cast %add3A_1738 : i32 to index
      %get3A_1740 = arith.constant 0 : index
      %get3A_1741 = tpu.vector_load %arg6[%get3A_1739, %get3A_1740] {strides = array<i32>} : memref<400x64xf32, #tpu.memory_space<vmem>>, vector<1x16xf32>,
      %get3A_1742 = vector.shape_cast %get3A_1741 : vector<1x16xf32> to vector<16xf32>
      %add3A_1743 = arith.addf %add3A_1719, %get3A_1742 : vector<16xf32>
      %get3A_1744 = arith.index_cast %add3A_1738 : i32 to index
      %get3A_1745 = arith.constant 16 : index
      %get3A_1746 = tpu.vector_load %arg6[%get3A_1744, %get3A_1745] {strides = array<i32>} : memref<400x64xf32, #tpu.memory_space<vmem>>, vector<1x16xf32>,
      %get3A_1747 = vector.shape_cast %get3A_1746 : vector<1x16xf32> to vector<16xf32>
      %add3A_1748 = arith.addf %add3A_1724, %get3A_1747 : vector<16xf32>
      %get3A_1749 = arith.index_cast %add3A_1738 : i32 to index
      %get3A_1750 = arith.constant 32 : index
      %get3A_1751 = tpu.vector_load %arg6[%get3A_1749, %get3A_1750] {strides = array<i32>} : memref<400x64xf32, #tpu.memory_space<vmem>>, vector<1x16xf32>,
      %get3A_1752 = vector.shape_cast %get3A_1751 : vector<1x16xf32> to vector<16xf32>
      %add3A_1753 = arith.addf %add3A_1729, %get3A_1752 : vector<16xf32>
      %get3A_1754 = arith.index_cast %add3A_1738 : i32 to index
      %get3A_1755 = arith.constant 48 : index
      %get3A_1756 = tpu.vector_load %arg6[%get3A_1754, %get3A_1755] {strides = array<i32>} : memref<400x64xf32, #tpu.memory_space<vmem>>, vector<1x16xf32>,
      %get3A_1757 = vector.shape_cast %get3A_1756 : vector<1x16xf32> to vector<16xf32>
      %add3A_1758 = arith.addf %add3A_1734, %get3A_1757 : vector<16xf32>
      %add3A_1759 = arith.constant 50 : i32
      %add3A_1760 = arith.addi %mul3A_40, %add3A_1759 : i32
      %add3A_1761 = arith.constant 19 : i32
      %add3A_1762 = arith.addi %add3A_1760, %add3A_1761 : i32
      %get3A_1763 = arith.index_cast %add3A_1762 : i32 to index
      %get3A_1764 = arith.constant 0 : index
      %get3A_1765 = tpu.vector_load %arg6[%get3A_1763, %get3A_1764] {strides = array<i32>} : memref<400x64xf32, #tpu.memory_space<vmem>>, vector<1x16xf32>,
      %get3A_1766 = vector.shape_cast %get3A_1765 : vector<1x16xf32> to vector<16xf32>
      %add3A_1767 = arith.addf %add3A_1743, %get3A_1766 : vector<16xf32>
      %get3A_1768 = arith.index_cast %add3A_1762 : i32 to index
      %get3A_1769 = arith.constant 16 : index
      %get3A_1770 = tpu.vector_load %arg6[%get3A_1768, %get3A_1769] {strides = array<i32>} : memref<400x64xf32, #tpu.memory_space<vmem>>, vector<1x16xf32>,
      %get3A_1771 = vector.shape_cast %get3A_1770 : vector<1x16xf32> to vector<16xf32>
      %add3A_1772 = arith.addf %add3A_1748, %get3A_1771 : vector<16xf32>
      %get3A_1773 = arith.index_cast %add3A_1762 : i32 to index
      %get3A_1774 = arith.constant 32 : index
      %get3A_1775 = tpu.vector_load %arg6[%get3A_1773, %get3A_1774] {strides = array<i32>} : memref<400x64xf32, #tpu.memory_space<vmem>>, vector<1x16xf32>,
      %get3A_1776 = vector.shape_cast %get3A_1775 : vector<1x16xf32> to vector<16xf32>
      %add3A_1777 = arith.addf %add3A_1753, %get3A_1776 : vector<16xf32>
      %get3A_1778 = arith.index_cast %add3A_1762 : i32 to index
      %get3A_1779 = arith.constant 48 : index
      %get3A_1780 = tpu.vector_load %arg6[%get3A_1778, %get3A_1779] {strides = array<i32>} : memref<400x64xf32, #tpu.memory_space<vmem>>, vector<1x16xf32>,
      %get3A_1781 = vector.shape_cast %get3A_1780 : vector<1x16xf32> to vector<16xf32>
      %add3A_1782 = arith.addf %add3A_1758, %get3A_1781 : vector<16xf32>
      %add3A_1783 = arith.constant 50 : i32
      %add3A_1784 = arith.addi %mul3A_40, %add3A_1783 : i32
      %add3A_1785 = arith.constant 20 : i32
      %add3A_1786 = arith.addi %add3A_1784, %add3A_1785 : i32
      %get3A_1787 = arith.index_cast %add3A_1786 : i32 to index
      %get3A_1788 = arith.constant 0 : index
      %get3A_1789 = tpu.vector_load %arg6[%get3A_1787, %get3A_1788] {strides = array<i32>} : memref<400x64xf32, #tpu.memory_space<vmem>>, vector<1x16xf32>,
      %get3A_1790 = vector.shape_cast %get3A_1789 : vector<1x16xf32> to vector<16xf32>
      %add3A_1791 = arith.addf %add3A_1767, %get3A_1790 : vector<16xf32>
      %get3A_1792 = arith.index_cast %add3A_1786 : i32 to index
      %get3A_1793 = arith.constant 16 : index
      %get3A_1794 = tpu.vector_load %arg6[%get3A_1792, %get3A_1793] {strides = array<i32>} : memref<400x64xf32, #tpu.memory_space<vmem>>, vector<1x16xf32>,
      %get3A_1795 = vector.shape_cast %get3A_1794 : vector<1x16xf32> to vector<16xf32>
      %add3A_1796 = arith.addf %add3A_1772, %get3A_1795 : vector<16xf32>
      %get3A_1797 = arith.index_cast %add3A_1786 : i32 to index
      %get3A_1798 = arith.constant 32 : index
      %get3A_1799 = tpu.vector_load %arg6[%get3A_1797, %get3A_1798] {strides = array<i32>} : memref<400x64xf32, #tpu.memory_space<vmem>>, vector<1x16xf32>,
      %get3A_1800 = vector.shape_cast %get3A_1799 : vector<1x16xf32> to vector<16xf32>
      %add3A_1801 = arith.addf %add3A_1777, %get3A_1800 : vector<16xf32>
      %get3A_1802 = arith.index_cast %add3A_1786 : i32 to index
      %get3A_1803 = arith.constant 48 : index
      %get3A_1804 = tpu.vector_load %arg6[%get3A_1802, %get3A_1803] {strides = array<i32>} : memref<400x64xf32, #tpu.memory_space<vmem>>, vector<1x16xf32>,
      %get3A_1805 = vector.shape_cast %get3A_1804 : vector<1x16xf32> to vector<16xf32>
      %add3A_1806 = arith.addf %add3A_1782, %get3A_1805 : vector<16xf32>
      %add3A_1807 = arith.constant 50 : i32
      %add3A_1808 = arith.addi %mul3A_40, %add3A_1807 : i32
      %add3A_1809 = arith.constant 21 : i32
      %add3A_1810 = arith.addi %add3A_1808, %add3A_1809 : i32
      %get3A_1811 = arith.index_cast %add3A_1810 : i32 to index
      %get3A_1812 = arith.constant 0 : index
      %get3A_1813 = tpu.vector_load %arg6[%get3A_1811, %get3A_1812] {strides = array<i32>} : memref<400x64xf32, #tpu.memory_space<vmem>>, vector<1x16xf32>,
      %get3A_1814 = vector.shape_cast %get3A_1813 : vector<1x16xf32> to vector<16xf32>
      %add3A_1815 = arith.addf %add3A_1791, %get3A_1814 : vector<16xf32>
      %get3A_1816 = arith.index_cast %add3A_1810 : i32 to index
      %get3A_1817 = arith.constant 16 : index
      %get3A_1818 = tpu.vector_load %arg6[%get3A_1816, %get3A_1817] {strides = array<i32>} : memref<400x64xf32, #tpu.memory_space<vmem>>, vector<1x16xf32>,
      %get3A_1819 = vector.shape_cast %get3A_1818 : vector<1x16xf32> to vector<16xf32>
      %add3A_1820 = arith.addf %add3A_1796, %get3A_1819 : vector<16xf32>
      %get3A_1821 = arith.index_cast %add3A_1810 : i32 to index
      %get3A_1822 = arith.constant 32 : index
      %get3A_1823 = tpu.vector_load %arg6[%get3A_1821, %get3A_1822] {strides = array<i32>} : memref<400x64xf32, #tpu.memory_space<vmem>>, vector<1x16xf32>,
      %get3A_1824 = vector.shape_cast %get3A_1823 : vector<1x16xf32> to vector<16xf32>
      %add3A_1825 = arith.addf %add3A_1801, %get3A_1824 : vector<16xf32>
      %get3A_1826 = arith.index_cast %add3A_1810 : i32 to index
      %get3A_1827 = arith.constant 48 : index
      %get3A_1828 = tpu.vector_load %arg6[%get3A_1826, %get3A_1827] {strides = array<i32>} : memref<400x64xf32, #tpu.memory_space<vmem>>, vector<1x16xf32>,
      %get3A_1829 = vector.shape_cast %get3A_1828 : vector<1x16xf32> to vector<16xf32>
      %add3A_1830 = arith.addf %add3A_1806, %get3A_1829 : vector<16xf32>
      %add3A_1831 = arith.constant 50 : i32
      %add3A_1832 = arith.addi %mul3A_40, %add3A_1831 : i32
      %add3A_1833 = arith.constant 22 : i32
      %add3A_1834 = arith.addi %add3A_1832, %add3A_1833 : i32
      %get3A_1835 = arith.index_cast %add3A_1834 : i32 to index
      %get3A_1836 = arith.constant 0 : index
      %get3A_1837 = tpu.vector_load %arg6[%get3A_1835, %get3A_1836] {strides = array<i32>} : memref<400x64xf32, #tpu.memory_space<vmem>>, vector<1x16xf32>,
      %get3A_1838 = vector.shape_cast %get3A_1837 : vector<1x16xf32> to vector<16xf32>
      %add3A_1839 = arith.addf %add3A_1815, %get3A_1838 : vector<16xf32>
      %get3A_1840 = arith.index_cast %add3A_1834 : i32 to index
      %get3A_1841 = arith.constant 16 : index
      %get3A_1842 = tpu.vector_load %arg6[%get3A_1840, %get3A_1841] {strides = array<i32>} : memref<400x64xf32, #tpu.memory_space<vmem>>, vector<1x16xf32>,
      %get3A_1843 = vector.shape_cast %get3A_1842 : vector<1x16xf32> to vector<16xf32>
      %add3A_1844 = arith.addf %add3A_1820, %get3A_1843 : vector<16xf32>
      %get3A_1845 = arith.index_cast %add3A_1834 : i32 to index
      %get3A_1846 = arith.constant 32 : index
      %get3A_1847 = tpu.vector_load %arg6[%get3A_1845, %get3A_1846] {strides = array<i32>} : memref<400x64xf32, #tpu.memory_space<vmem>>, vector<1x16xf32>,
      %get3A_1848 = vector.shape_cast %get3A_1847 : vector<1x16xf32> to vector<16xf32>
      %add3A_1849 = arith.addf %add3A_1825, %get3A_1848 : vector<16xf32>
      %get3A_1850 = arith.index_cast %add3A_1834 : i32 to index
      %get3A_1851 = arith.constant 48 : index
      %get3A_1852 = tpu.vector_load %arg6[%get3A_1850, %get3A_1851] {strides = array<i32>} : memref<400x64xf32, #tpu.memory_space<vmem>>, vector<1x16xf32>,
      %get3A_1853 = vector.shape_cast %get3A_1852 : vector<1x16xf32> to vector<16xf32>
      %add3A_1854 = arith.addf %add3A_1830, %get3A_1853 : vector<16xf32>
      %add3A_1855 = arith.constant 50 : i32
      %add3A_1856 = arith.addi %mul3A_40, %add3A_1855 : i32
      %add3A_1857 = arith.constant 23 : i32
      %add3A_1858 = arith.addi %add3A_1856, %add3A_1857 : i32
      %get3A_1859 = arith.index_cast %add3A_1858 : i32 to index
      %get3A_1860 = arith.constant 0 : index
      %get3A_1861 = tpu.vector_load %arg6[%get3A_1859, %get3A_1860] {strides = array<i32>} : memref<400x64xf32, #tpu.memory_space<vmem>>, vector<1x16xf32>,
      %get3A_1862 = vector.shape_cast %get3A_1861 : vector<1x16xf32> to vector<16xf32>
      %add3A_1863 = arith.addf %add3A_1839, %get3A_1862 : vector<16xf32>
      %get3A_1864 = arith.index_cast %add3A_1858 : i32 to index
      %get3A_1865 = arith.constant 16 : index
      %get3A_1866 = tpu.vector_load %arg6[%get3A_1864, %get3A_1865] {strides = array<i32>} : memref<400x64xf32, #tpu.memory_space<vmem>>, vector<1x16xf32>,
      %get3A_1867 = vector.shape_cast %get3A_1866 : vector<1x16xf32> to vector<16xf32>
      %add3A_1868 = arith.addf %add3A_1844, %get3A_1867 : vector<16xf32>
      %get3A_1869 = arith.index_cast %add3A_1858 : i32 to index
      %get3A_1870 = arith.constant 32 : index
      %get3A_1871 = tpu.vector_load %arg6[%get3A_1869, %get3A_1870] {strides = array<i32>} : memref<400x64xf32, #tpu.memory_space<vmem>>, vector<1x16xf32>,
      %get3A_1872 = vector.shape_cast %get3A_1871 : vector<1x16xf32> to vector<16xf32>
      %add3A_1873 = arith.addf %add3A_1849, %get3A_1872 : vector<16xf32>
      %get3A_1874 = arith.index_cast %add3A_1858 : i32 to index
      %get3A_1875 = arith.constant 48 : index
      %get3A_1876 = tpu.vector_load %arg6[%get3A_1874, %get3A_1875] {strides = array<i32>} : memref<400x64xf32, #tpu.memory_space<vmem>>, vector<1x16xf32>,
      %get3A_1877 = vector.shape_cast %get3A_1876 : vector<1x16xf32> to vector<16xf32>
      %add3A_1878 = arith.addf %add3A_1854, %get3A_1877 : vector<16xf32>
      %add3A_1879 = arith.constant 50 : i32
      %add3A_1880 = arith.addi %mul3A_40, %add3A_1879 : i32
      %add3A_1881 = arith.constant 24 : i32
      %add3A_1882 = arith.addi %add3A_1880, %add3A_1881 : i32
      %get3A_1883 = arith.index_cast %add3A_1882 : i32 to index
      %get3A_1884 = arith.constant 0 : index
      %get3A_1885 = tpu.vector_load %arg6[%get3A_1883, %get3A_1884] {strides = array<i32>} : memref<400x64xf32, #tpu.memory_space<vmem>>, vector<1x16xf32>,
      %get3A_1886 = vector.shape_cast %get3A_1885 : vector<1x16xf32> to vector<16xf32>
      %add3A_1887 = arith.addf %add3A_1863, %get3A_1886 : vector<16xf32>
      %get3A_1888 = arith.index_cast %add3A_1882 : i32 to index
      %get3A_1889 = arith.constant 16 : index
      %get3A_1890 = tpu.vector_load %arg6[%get3A_1888, %get3A_1889] {strides = array<i32>} : memref<400x64xf32, #tpu.memory_space<vmem>>, vector<1x16xf32>,
      %get3A_1891 = vector.shape_cast %get3A_1890 : vector<1x16xf32> to vector<16xf32>
      %add3A_1892 = arith.addf %add3A_1868, %get3A_1891 : vector<16xf32>
      %get3A_1893 = arith.index_cast %add3A_1882 : i32 to index
      %get3A_1894 = arith.constant 32 : index
      %get3A_1895 = tpu.vector_load %arg6[%get3A_1893, %get3A_1894] {strides = array<i32>} : memref<400x64xf32, #tpu.memory_space<vmem>>, vector<1x16xf32>,
      %get3A_1896 = vector.shape_cast %get3A_1895 : vector<1x16xf32> to vector<16xf32>
      %add3A_1897 = arith.addf %add3A_1873, %get3A_1896 : vector<16xf32>
      %get3A_1898 = arith.index_cast %add3A_1882 : i32 to index
      %get3A_1899 = arith.constant 48 : index
      %get3A_1900 = tpu.vector_load %arg6[%get3A_1898, %get3A_1899] {strides = array<i32>} : memref<400x64xf32, #tpu.memory_space<vmem>>, vector<1x16xf32>,
      %get3A_1901 = vector.shape_cast %get3A_1900 : vector<1x16xf32> to vector<16xf32>
      %add3A_1902 = arith.addf %add3A_1878, %get3A_1901 : vector<16xf32>
      %add3A_1903 = arith.constant 50 : i32
      %add3A_1904 = arith.addi %mul3A_40, %add3A_1903 : i32
      %add3A_1905 = arith.constant 25 : i32
      %add3A_1906 = arith.addi %add3A_1904, %add3A_1905 : i32
      %get3A_1907 = arith.index_cast %add3A_1906 : i32 to index
      %get3A_1908 = arith.constant 0 : index
      %get3A_1909 = tpu.vector_load %arg6[%get3A_1907, %get3A_1908] {strides = array<i32>} : memref<400x64xf32, #tpu.memory_space<vmem>>, vector<1x16xf32>,
      %get3A_1910 = vector.shape_cast %get3A_1909 : vector<1x16xf32> to vector<16xf32>
      %add3A_1911 = arith.addf %add3A_1887, %get3A_1910 : vector<16xf32>
      %get3A_1912 = arith.index_cast %add3A_1906 : i32 to index
      %get3A_1913 = arith.constant 16 : index
      %get3A_1914 = tpu.vector_load %arg6[%get3A_1912, %get3A_1913] {strides = array<i32>} : memref<400x64xf32, #tpu.memory_space<vmem>>, vector<1x16xf32>,
      %get3A_1915 = vector.shape_cast %get3A_1914 : vector<1x16xf32> to vector<16xf32>
      %add3A_1916 = arith.addf %add3A_1892, %get3A_1915 : vector<16xf32>
      %get3A_1917 = arith.index_cast %add3A_1906 : i32 to index
      %get3A_1918 = arith.constant 32 : index
      %get3A_1919 = tpu.vector_load %arg6[%get3A_1917, %get3A_1918] {strides = array<i32>} : memref<400x64xf32, #tpu.memory_space<vmem>>, vector<1x16xf32>,
      %get3A_1920 = vector.shape_cast %get3A_1919 : vector<1x16xf32> to vector<16xf32>
      %add3A_1921 = arith.addf %add3A_1897, %get3A_1920 : vector<16xf32>
      %get3A_1922 = arith.index_cast %add3A_1906 : i32 to index
      %get3A_1923 = arith.constant 48 : index
      %get3A_1924 = tpu.vector_load %arg6[%get3A_1922, %get3A_1923] {strides = array<i32>} : memref<400x64xf32, #tpu.memory_space<vmem>>, vector<1x16xf32>,
      %get3A_1925 = vector.shape_cast %get3A_1924 : vector<1x16xf32> to vector<16xf32>
      %add3A_1926 = arith.addf %add3A_1902, %get3A_1925 : vector<16xf32>
      %add3A_1927 = arith.constant 50 : i32
      %add3A_1928 = arith.addi %mul3A_40, %add3A_1927 : i32
      %add3A_1929 = arith.constant 26 : i32
      %add3A_1930 = arith.addi %add3A_1928, %add3A_1929 : i32
      %get3A_1931 = arith.index_cast %add3A_1930 : i32 to index
      %get3A_1932 = arith.constant 0 : index
      %get3A_1933 = tpu.vector_load %arg6[%get3A_1931, %get3A_1932] {strides = array<i32>} : memref<400x64xf32, #tpu.memory_space<vmem>>, vector<1x16xf32>,
      %get3A_1934 = vector.shape_cast %get3A_1933 : vector<1x16xf32> to vector<16xf32>
      %add3A_1935 = arith.addf %add3A_1911, %get3A_1934 : vector<16xf32>
      %get3A_1936 = arith.index_cast %add3A_1930 : i32 to index
      %get3A_1937 = arith.constant 16 : index
      %get3A_1938 = tpu.vector_load %arg6[%get3A_1936, %get3A_1937] {strides = array<i32>} : memref<400x64xf32, #tpu.memory_space<vmem>>, vector<1x16xf32>,
      %get3A_1939 = vector.shape_cast %get3A_1938 : vector<1x16xf32> to vector<16xf32>
      %add3A_1940 = arith.addf %add3A_1916, %get3A_1939 : vector<16xf32>
      %get3A_1941 = arith.index_cast %add3A_1930 : i32 to index
      %get3A_1942 = arith.constant 32 : index
      %get3A_1943 = tpu.vector_load %arg6[%get3A_1941, %get3A_1942] {strides = array<i32>} : memref<400x64xf32, #tpu.memory_space<vmem>>, vector<1x16xf32>,
      %get3A_1944 = vector.shape_cast %get3A_1943 : vector<1x16xf32> to vector<16xf32>
      %add3A_1945 = arith.addf %add3A_1921, %get3A_1944 : vector<16xf32>
      %get3A_1946 = arith.index_cast %add3A_1930 : i32 to index
      %get3A_1947 = arith.constant 48 : index
      %get3A_1948 = tpu.vector_load %arg6[%get3A_1946, %get3A_1947] {strides = array<i32>} : memref<400x64xf32, #tpu.memory_space<vmem>>, vector<1x16xf32>,
      %get3A_1949 = vector.shape_cast %get3A_1948 : vector<1x16xf32> to vector<16xf32>
      %add3A_1950 = arith.addf %add3A_1926, %get3A_1949 : vector<16xf32>
      %add3A_1951 = arith.constant 50 : i32
      %add3A_1952 = arith.addi %mul3A_40, %add3A_1951 : i32
      %add3A_1953 = arith.constant 27 : i32
      %add3A_1954 = arith.addi %add3A_1952, %add3A_1953 : i32
      %get3A_1955 = arith.index_cast %add3A_1954 : i32 to index
      %get3A_1956 = arith.constant 0 : index
      %get3A_1957 = tpu.vector_load %arg6[%get3A_1955, %get3A_1956] {strides = array<i32>} : memref<400x64xf32, #tpu.memory_space<vmem>>, vector<1x16xf32>,
      %get3A_1958 = vector.shape_cast %get3A_1957 : vector<1x16xf32> to vector<16xf32>
      %add3A_1959 = arith.addf %add3A_1935, %get3A_1958 : vector<16xf32>
      %get3A_1960 = arith.index_cast %add3A_1954 : i32 to index
      %get3A_1961 = arith.constant 16 : index
      %get3A_1962 = tpu.vector_load %arg6[%get3A_1960, %get3A_1961] {strides = array<i32>} : memref<400x64xf32, #tpu.memory_space<vmem>>, vector<1x16xf32>,
      %get3A_1963 = vector.shape_cast %get3A_1962 : vector<1x16xf32> to vector<16xf32>
      %add3A_1964 = arith.addf %add3A_1940, %get3A_1963 : vector<16xf32>
      %get3A_1965 = arith.index_cast %add3A_1954 : i32 to index
      %get3A_1966 = arith.constant 32 : index
      %get3A_1967 = tpu.vector_load %arg6[%get3A_1965, %get3A_1966] {strides = array<i32>} : memref<400x64xf32, #tpu.memory_space<vmem>>, vector<1x16xf32>,
      %get3A_1968 = vector.shape_cast %get3A_1967 : vector<1x16xf32> to vector<16xf32>
      %add3A_1969 = arith.addf %add3A_1945, %get3A_1968 : vector<16xf32>
      %get3A_1970 = arith.index_cast %add3A_1954 : i32 to index
      %get3A_1971 = arith.constant 48 : index
      %get3A_1972 = tpu.vector_load %arg6[%get3A_1970, %get3A_1971] {strides = array<i32>} : memref<400x64xf32, #tpu.memory_space<vmem>>, vector<1x16xf32>,
      %get3A_1973 = vector.shape_cast %get3A_1972 : vector<1x16xf32> to vector<16xf32>
      %add3A_1974 = arith.addf %add3A_1950, %get3A_1973 : vector<16xf32>
      %add3A_1975 = arith.constant 50 : i32
      %add3A_1976 = arith.addi %mul3A_40, %add3A_1975 : i32
      %add3A_1977 = arith.constant 28 : i32
      %add3A_1978 = arith.addi %add3A_1976, %add3A_1977 : i32
      %get3A_1979 = arith.index_cast %add3A_1978 : i32 to index
      %get3A_1980 = arith.constant 0 : index
      %get3A_1981 = tpu.vector_load %arg6[%get3A_1979, %get3A_1980] {strides = array<i32>} : memref<400x64xf32, #tpu.memory_space<vmem>>, vector<1x16xf32>,
      %get3A_1982 = vector.shape_cast %get3A_1981 : vector<1x16xf32> to vector<16xf32>
      %add3A_1983 = arith.addf %add3A_1959, %get3A_1982 : vector<16xf32>
      %get3A_1984 = arith.index_cast %add3A_1978 : i32 to index
      %get3A_1985 = arith.constant 16 : index
      %get3A_1986 = tpu.vector_load %arg6[%get3A_1984, %get3A_1985] {strides = array<i32>} : memref<400x64xf32, #tpu.memory_space<vmem>>, vector<1x16xf32>,
      %get3A_1987 = vector.shape_cast %get3A_1986 : vector<1x16xf32> to vector<16xf32>
      %add3A_1988 = arith.addf %add3A_1964, %get3A_1987 : vector<16xf32>
      %get3A_1989 = arith.index_cast %add3A_1978 : i32 to index
      %get3A_1990 = arith.constant 32 : index
      %get3A_1991 = tpu.vector_load %arg6[%get3A_1989, %get3A_1990] {strides = array<i32>} : memref<400x64xf32, #tpu.memory_space<vmem>>, vector<1x16xf32>,
      %get3A_1992 = vector.shape_cast %get3A_1991 : vector<1x16xf32> to vector<16xf32>
      %add3A_1993 = arith.addf %add3A_1969, %get3A_1992 : vector<16xf32>
      %get3A_1994 = arith.index_cast %add3A_1978 : i32 to index
      %get3A_1995 = arith.constant 48 : index
      %get3A_1996 = tpu.vector_load %arg6[%get3A_1994, %get3A_1995] {strides = array<i32>} : memref<400x64xf32, #tpu.memory_space<vmem>>, vector<1x16xf32>,
      %get3A_1997 = vector.shape_cast %get3A_1996 : vector<1x16xf32> to vector<16xf32>
      %add3A_1998 = arith.addf %add3A_1974, %get3A_1997 : vector<16xf32>
      %add3A_1999 = arith.constant 50 : i32
      %add3A_2000 = arith.addi %mul3A_40, %add3A_1999 : i32
      %add3A_2001 = arith.constant 29 : i32
      %add3A_2002 = arith.addi %add3A_2000, %add3A_2001 : i32
      %get3A_2003 = arith.index_cast %add3A_2002 : i32 to index
      %get3A_2004 = arith.constant 0 : index
      %get3A_2005 = tpu.vector_load %arg6[%get3A_2003, %get3A_2004] {strides = array<i32>} : memref<400x64xf32, #tpu.memory_space<vmem>>, vector<1x16xf32>,
      %get3A_2006 = vector.shape_cast %get3A_2005 : vector<1x16xf32> to vector<16xf32>
      %add3A_2007 = arith.addf %add3A_1983, %get3A_2006 : vector<16xf32>
      %get3A_2008 = arith.index_cast %add3A_2002 : i32 to index
      %get3A_2009 = arith.constant 16 : index
      %get3A_2010 = tpu.vector_load %arg6[%get3A_2008, %get3A_2009] {strides = array<i32>} : memref<400x64xf32, #tpu.memory_space<vmem>>, vector<1x16xf32>,
      %get3A_2011 = vector.shape_cast %get3A_2010 : vector<1x16xf32> to vector<16xf32>
      %add3A_2012 = arith.addf %add3A_1988, %get3A_2011 : vector<16xf32>
      %get3A_2013 = arith.index_cast %add3A_2002 : i32 to index
      %get3A_2014 = arith.constant 32 : index
      %get3A_2015 = tpu.vector_load %arg6[%get3A_2013, %get3A_2014] {strides = array<i32>} : memref<400x64xf32, #tpu.memory_space<vmem>>, vector<1x16xf32>,
      %get3A_2016 = vector.shape_cast %get3A_2015 : vector<1x16xf32> to vector<16xf32>
      %add3A_2017 = arith.addf %add3A_1993, %get3A_2016 : vector<16xf32>
      %get3A_2018 = arith.index_cast %add3A_2002 : i32 to index
      %get3A_2019 = arith.constant 48 : index
      %get3A_2020 = tpu.vector_load %arg6[%get3A_2018, %get3A_2019] {strides = array<i32>} : memref<400x64xf32, #tpu.memory_space<vmem>>, vector<1x16xf32>,
      %get3A_2021 = vector.shape_cast %get3A_2020 : vector<1x16xf32> to vector<16xf32>
      %add3A_2022 = arith.addf %add3A_1998, %get3A_2021 : vector<16xf32>
      %add3A_2023 = arith.constant 50 : i32
      %add3A_2024 = arith.addi %mul3A_40, %add3A_2023 : i32
      %add3A_2025 = arith.constant 30 : i32
      %add3A_2026 = arith.addi %add3A_2024, %add3A_2025 : i32
      %get3A_2027 = arith.index_cast %add3A_2026 : i32 to index
      %get3A_2028 = arith.constant 0 : index
      %get3A_2029 = tpu.vector_load %arg6[%get3A_2027, %get3A_2028] {strides = array<i32>} : memref<400x64xf32, #tpu.memory_space<vmem>>, vector<1x16xf32>,
      %get3A_2030 = vector.shape_cast %get3A_2029 : vector<1x16xf32> to vector<16xf32>
      %add3A_2031 = arith.addf %add3A_2007, %get3A_2030 : vector<16xf32>
      %get3A_2032 = arith.index_cast %add3A_2026 : i32 to index
      %get3A_2033 = arith.constant 16 : index
      %get3A_2034 = tpu.vector_load %arg6[%get3A_2032, %get3A_2033] {strides = array<i32>} : memref<400x64xf32, #tpu.memory_space<vmem>>, vector<1x16xf32>,
      %get3A_2035 = vector.shape_cast %get3A_2034 : vector<1x16xf32> to vector<16xf32>
      %add3A_2036 = arith.addf %add3A_2012, %get3A_2035 : vector<16xf32>
      %get3A_2037 = arith.index_cast %add3A_2026 : i32 to index
      %get3A_2038 = arith.constant 32 : index
      %get3A_2039 = tpu.vector_load %arg6[%get3A_2037, %get3A_2038] {strides = array<i32>} : memref<400x64xf32, #tpu.memory_space<vmem>>, vector<1x16xf32>,
      %get3A_2040 = vector.shape_cast %get3A_2039 : vector<1x16xf32> to vector<16xf32>
      %add3A_2041 = arith.addf %add3A_2017, %get3A_2040 : vector<16xf32>
      %get3A_2042 = arith.index_cast %add3A_2026 : i32 to index
      %get3A_2043 = arith.constant 48 : index
      %get3A_2044 = tpu.vector_load %arg6[%get3A_2042, %get3A_2043] {strides = array<i32>} : memref<400x64xf32, #tpu.memory_space<vmem>>, vector<1x16xf32>,
      %get3A_2045 = vector.shape_cast %get3A_2044 : vector<1x16xf32> to vector<16xf32>
      %add3A_2046 = arith.addf %add3A_2022, %get3A_2045 : vector<16xf32>
      %add3A_2047 = arith.constant 50 : i32
      %add3A_2048 = arith.addi %mul3A_40, %add3A_2047 : i32
      %add3A_2049 = arith.constant 31 : i32
      %add3A_2050 = arith.addi %add3A_2048, %add3A_2049 : i32
      %get3A_2051 = arith.index_cast %add3A_2050 : i32 to index
      %get3A_2052 = arith.constant 0 : index
      %get3A_2053 = tpu.vector_load %arg6[%get3A_2051, %get3A_2052] {strides = array<i32>} : memref<400x64xf32, #tpu.memory_space<vmem>>, vector<1x16xf32>,
      %get3A_2054 = vector.shape_cast %get3A_2053 : vector<1x16xf32> to vector<16xf32>
      %add3A_2055 = arith.addf %add3A_2031, %get3A_2054 : vector<16xf32>
      %get3A_2056 = arith.index_cast %add3A_2050 : i32 to index
      %get3A_2057 = arith.constant 16 : index
      %get3A_2058 = tpu.vector_load %arg6[%get3A_2056, %get3A_2057] {strides = array<i32>} : memref<400x64xf32, #tpu.memory_space<vmem>>, vector<1x16xf32>,
      %get3A_2059 = vector.shape_cast %get3A_2058 : vector<1x16xf32> to vector<16xf32>
      %add3A_2060 = arith.addf %add3A_2036, %get3A_2059 : vector<16xf32>
      %get3A_2061 = arith.index_cast %add3A_2050 : i32 to index
      %get3A_2062 = arith.constant 32 : index
      %get3A_2063 = tpu.vector_load %arg6[%get3A_2061, %get3A_2062] {strides = array<i32>} : memref<400x64xf32, #tpu.memory_space<vmem>>, vector<1x16xf32>,
      %get3A_2064 = vector.shape_cast %get3A_2063 : vector<1x16xf32> to vector<16xf32>
      %add3A_2065 = arith.addf %add3A_2041, %get3A_2064 : vector<16xf32>
      %get3A_2066 = arith.index_cast %add3A_2050 : i32 to index
      %get3A_2067 = arith.constant 48 : index
      %get3A_2068 = tpu.vector_load %arg6[%get3A_2066, %get3A_2067] {strides = array<i32>} : memref<400x64xf32, #tpu.memory_space<vmem>>, vector<1x16xf32>,
      %get3A_2069 = vector.shape_cast %get3A_2068 : vector<1x16xf32> to vector<16xf32>
      %add3A_2070 = arith.addf %add3A_2046, %get3A_2069 : vector<16xf32>
      %add3A_2071 = arith.constant 50 : i32
      %add3A_2072 = arith.addi %mul3A_40, %add3A_2071 : i32
      %add3A_2073 = arith.constant 32 : i32
      %add3A_2074 = arith.addi %add3A_2072, %add3A_2073 : i32
      %get3A_2075 = arith.index_cast %add3A_2074 : i32 to index
      %get3A_2076 = arith.constant 0 : index
      %get3A_2077 = tpu.vector_load %arg6[%get3A_2075, %get3A_2076] {strides = array<i32>} : memref<400x64xf32, #tpu.memory_space<vmem>>, vector<1x16xf32>,
      %get3A_2078 = vector.shape_cast %get3A_2077 : vector<1x16xf32> to vector<16xf32>
      %add3A_2079 = arith.addf %add3A_2055, %get3A_2078 : vector<16xf32>
      %get3A_2080 = arith.index_cast %add3A_2074 : i32 to index
      %get3A_2081 = arith.constant 16 : index
      %get3A_2082 = tpu.vector_load %arg6[%get3A_2080, %get3A_2081] {strides = array<i32>} : memref<400x64xf32, #tpu.memory_space<vmem>>, vector<1x16xf32>,
      %get3A_2083 = vector.shape_cast %get3A_2082 : vector<1x16xf32> to vector<16xf32>
      %add3A_2084 = arith.addf %add3A_2060, %get3A_2083 : vector<16xf32>
      %get3A_2085 = arith.index_cast %add3A_2074 : i32 to index
      %get3A_2086 = arith.constant 32 : index
      %get3A_2087 = tpu.vector_load %arg6[%get3A_2085, %get3A_2086] {strides = array<i32>} : memref<400x64xf32, #tpu.memory_space<vmem>>, vector<1x16xf32>,
      %get3A_2088 = vector.shape_cast %get3A_2087 : vector<1x16xf32> to vector<16xf32>
      %add3A_2089 = arith.addf %add3A_2065, %get3A_2088 : vector<16xf32>
      %get3A_2090 = arith.index_cast %add3A_2074 : i32 to index
      %get3A_2091 = arith.constant 48 : index
      %get3A_2092 = tpu.vector_load %arg6[%get3A_2090, %get3A_2091] {strides = array<i32>} : memref<400x64xf32, #tpu.memory_space<vmem>>, vector<1x16xf32>,
      %get3A_2093 = vector.shape_cast %get3A_2092 : vector<1x16xf32> to vector<16xf32>
      %add3A_2094 = arith.addf %add3A_2070, %get3A_2093 : vector<16xf32>
      %add3A_2095 = arith.constant 50 : i32
      %add3A_2096 = arith.addi %mul3A_40, %add3A_2095 : i32
      %add3A_2097 = arith.constant 33 : i32
      %add3A_2098 = arith.addi %add3A_2096, %add3A_2097 : i32
      %get3A_2099 = arith.index_cast %add3A_2098 : i32 to index
      %get3A_2100 = arith.constant 0 : index
      %get3A_2101 = tpu.vector_load %arg6[%get3A_2099, %get3A_2100] {strides = array<i32>} : memref<400x64xf32, #tpu.memory_space<vmem>>, vector<1x16xf32>,
      %get3A_2102 = vector.shape_cast %get3A_2101 : vector<1x16xf32> to vector<16xf32>
      %add3A_2103 = arith.addf %add3A_2079, %get3A_2102 : vector<16xf32>
      %get3A_2104 = arith.index_cast %add3A_2098 : i32 to index
      %get3A_2105 = arith.constant 16 : index
      %get3A_2106 = tpu.vector_load %arg6[%get3A_2104, %get3A_2105] {strides = array<i32>} : memref<400x64xf32, #tpu.memory_space<vmem>>, vector<1x16xf32>,
      %get3A_2107 = vector.shape_cast %get3A_2106 : vector<1x16xf32> to vector<16xf32>
      %add3A_2108 = arith.addf %add3A_2084, %get3A_2107 : vector<16xf32>
      %get3A_2109 = arith.index_cast %add3A_2098 : i32 to index
      %get3A_2110 = arith.constant 32 : index
      %get3A_2111 = tpu.vector_load %arg6[%get3A_2109, %get3A_2110] {strides = array<i32>} : memref<400x64xf32, #tpu.memory_space<vmem>>, vector<1x16xf32>,
      %get3A_2112 = vector.shape_cast %get3A_2111 : vector<1x16xf32> to vector<16xf32>
      %add3A_2113 = arith.addf %add3A_2089, %get3A_2112 : vector<16xf32>
      %get3A_2114 = arith.index_cast %add3A_2098 : i32 to index
      %get3A_2115 = arith.constant 48 : index
      %get3A_2116 = tpu.vector_load %arg6[%get3A_2114, %get3A_2115] {strides = array<i32>} : memref<400x64xf32, #tpu.memory_space<vmem>>, vector<1x16xf32>,
      %get3A_2117 = vector.shape_cast %get3A_2116 : vector<1x16xf32> to vector<16xf32>
      %add3A_2118 = arith.addf %add3A_2094, %get3A_2117 : vector<16xf32>
      %add3A_2119 = arith.constant 50 : i32
      %add3A_2120 = arith.addi %mul3A_40, %add3A_2119 : i32
      %add3A_2121 = arith.constant 34 : i32
      %add3A_2122 = arith.addi %add3A_2120, %add3A_2121 : i32
      %get3A_2123 = arith.index_cast %add3A_2122 : i32 to index
      %get3A_2124 = arith.constant 0 : index
      %get3A_2125 = tpu.vector_load %arg6[%get3A_2123, %get3A_2124] {strides = array<i32>} : memref<400x64xf32, #tpu.memory_space<vmem>>, vector<1x16xf32>,
      %get3A_2126 = vector.shape_cast %get3A_2125 : vector<1x16xf32> to vector<16xf32>
      %add3A_2127 = arith.addf %add3A_2103, %get3A_2126 : vector<16xf32>
      %get3A_2128 = arith.index_cast %add3A_2122 : i32 to index
      %get3A_2129 = arith.constant 16 : index
      %get3A_2130 = tpu.vector_load %arg6[%get3A_2128, %get3A_2129] {strides = array<i32>} : memref<400x64xf32, #tpu.memory_space<vmem>>, vector<1x16xf32>,
      %get3A_2131 = vector.shape_cast %get3A_2130 : vector<1x16xf32> to vector<16xf32>
      %add3A_2132 = arith.addf %add3A_2108, %get3A_2131 : vector<16xf32>
      %get3A_2133 = arith.index_cast %add3A_2122 : i32 to index
      %get3A_2134 = arith.constant 32 : index
      %get3A_2135 = tpu.vector_load %arg6[%get3A_2133, %get3A_2134] {strides = array<i32>} : memref<400x64xf32, #tpu.memory_space<vmem>>, vector<1x16xf32>,
      %get3A_2136 = vector.shape_cast %get3A_2135 : vector<1x16xf32> to vector<16xf32>
      %add3A_2137 = arith.addf %add3A_2113, %get3A_2136 : vector<16xf32>
      %get3A_2138 = arith.index_cast %add3A_2122 : i32 to index
      %get3A_2139 = arith.constant 48 : index
      %get3A_2140 = tpu.vector_load %arg6[%get3A_2138, %get3A_2139] {strides = array<i32>} : memref<400x64xf32, #tpu.memory_space<vmem>>, vector<1x16xf32>,
      %get3A_2141 = vector.shape_cast %get3A_2140 : vector<1x16xf32> to vector<16xf32>
      %add3A_2142 = arith.addf %add3A_2118, %get3A_2141 : vector<16xf32>
      %add3A_2143 = arith.constant 50 : i32
      %add3A_2144 = arith.addi %mul3A_40, %add3A_2143 : i32
      %add3A_2145 = arith.constant 35 : i32
      %add3A_2146 = arith.addi %add3A_2144, %add3A_2145 : i32
      %get3A_2147 = arith.index_cast %add3A_2146 : i32 to index
      %get3A_2148 = arith.constant 0 : index
      %get3A_2149 = tpu.vector_load %arg6[%get3A_2147, %get3A_2148] {strides = array<i32>} : memref<400x64xf32, #tpu.memory_space<vmem>>, vector<1x16xf32>,
      %get3A_2150 = vector.shape_cast %get3A_2149 : vector<1x16xf32> to vector<16xf32>
      %add3A_2151 = arith.addf %add3A_2127, %get3A_2150 : vector<16xf32>
      %get3A_2152 = arith.index_cast %add3A_2146 : i32 to index
      %get3A_2153 = arith.constant 16 : index
      %get3A_2154 = tpu.vector_load %arg6[%get3A_2152, %get3A_2153] {strides = array<i32>} : memref<400x64xf32, #tpu.memory_space<vmem>>, vector<1x16xf32>,
      %get3A_2155 = vector.shape_cast %get3A_2154 : vector<1x16xf32> to vector<16xf32>
      %add3A_2156 = arith.addf %add3A_2132, %get3A_2155 : vector<16xf32>
      %get3A_2157 = arith.index_cast %add3A_2146 : i32 to index
      %get3A_2158 = arith.constant 32 : index
      %get3A_2159 = tpu.vector_load %arg6[%get3A_2157, %get3A_2158] {strides = array<i32>} : memref<400x64xf32, #tpu.memory_space<vmem>>, vector<1x16xf32>,
      %get3A_2160 = vector.shape_cast %get3A_2159 : vector<1x16xf32> to vector<16xf32>
      %add3A_2161 = arith.addf %add3A_2137, %get3A_2160 : vector<16xf32>
      %get3A_2162 = arith.index_cast %add3A_2146 : i32 to index
      %get3A_2163 = arith.constant 48 : index
      %get3A_2164 = tpu.vector_load %arg6[%get3A_2162, %get3A_2163] {strides = array<i32>} : memref<400x64xf32, #tpu.memory_space<vmem>>, vector<1x16xf32>,
      %get3A_2165 = vector.shape_cast %get3A_2164 : vector<1x16xf32> to vector<16xf32>
      %add3A_2166 = arith.addf %add3A_2142, %get3A_2165 : vector<16xf32>
      %add3A_2167 = arith.constant 50 : i32
      %add3A_2168 = arith.addi %mul3A_40, %add3A_2167 : i32
      %add3A_2169 = arith.constant 36 : i32
      %add3A_2170 = arith.addi %add3A_2168, %add3A_2169 : i32
      %get3A_2171 = arith.index_cast %add3A_2170 : i32 to index
      %get3A_2172 = arith.constant 0 : index
      %get3A_2173 = tpu.vector_load %arg6[%get3A_2171, %get3A_2172] {strides = array<i32>} : memref<400x64xf32, #tpu.memory_space<vmem>>, vector<1x16xf32>,
      %get3A_2174 = vector.shape_cast %get3A_2173 : vector<1x16xf32> to vector<16xf32>
      %add3A_2175 = arith.addf %add3A_2151, %get3A_2174 : vector<16xf32>
      %get3A_2176 = arith.index_cast %add3A_2170 : i32 to index
      %get3A_2177 = arith.constant 16 : index
      %get3A_2178 = tpu.vector_load %arg6[%get3A_2176, %get3A_2177] {strides = array<i32>} : memref<400x64xf32, #tpu.memory_space<vmem>>, vector<1x16xf32>,
      %get3A_2179 = vector.shape_cast %get3A_2178 : vector<1x16xf32> to vector<16xf32>
      %add3A_2180 = arith.addf %add3A_2156, %get3A_2179 : vector<16xf32>
      %get3A_2181 = arith.index_cast %add3A_2170 : i32 to index
      %get3A_2182 = arith.constant 32 : index
      %get3A_2183 = tpu.vector_load %arg6[%get3A_2181, %get3A_2182] {strides = array<i32>} : memref<400x64xf32, #tpu.memory_space<vmem>>, vector<1x16xf32>,
      %get3A_2184 = vector.shape_cast %get3A_2183 : vector<1x16xf32> to vector<16xf32>
      %add3A_2185 = arith.addf %add3A_2161, %get3A_2184 : vector<16xf32>
      %get3A_2186 = arith.index_cast %add3A_2170 : i32 to index
      %get3A_2187 = arith.constant 48 : index
      %get3A_2188 = tpu.vector_load %arg6[%get3A_2186, %get3A_2187] {strides = array<i32>} : memref<400x64xf32, #tpu.memory_space<vmem>>, vector<1x16xf32>,
      %get3A_2189 = vector.shape_cast %get3A_2188 : vector<1x16xf32> to vector<16xf32>
      %add3A_2190 = arith.addf %add3A_2166, %get3A_2189 : vector<16xf32>
      %add3A_2191 = arith.constant 50 : i32
      %add3A_2192 = arith.addi %mul3A_40, %add3A_2191 : i32
      %add3A_2193 = arith.constant 37 : i32
      %add3A_2194 = arith.addi %add3A_2192, %add3A_2193 : i32
      %get3A_2195 = arith.index_cast %add3A_2194 : i32 to index
      %get3A_2196 = arith.constant 0 : index
      %get3A_2197 = tpu.vector_load %arg6[%get3A_2195, %get3A_2196] {strides = array<i32>} : memref<400x64xf32, #tpu.memory_space<vmem>>, vector<1x16xf32>,
      %get3A_2198 = vector.shape_cast %get3A_2197 : vector<1x16xf32> to vector<16xf32>
      %add3A_2199 = arith.addf %add3A_2175, %get3A_2198 : vector<16xf32>
      %get3A_2200 = arith.index_cast %add3A_2194 : i32 to index
      %get3A_2201 = arith.constant 16 : index
      %get3A_2202 = tpu.vector_load %arg6[%get3A_2200, %get3A_2201] {strides = array<i32>} : memref<400x64xf32, #tpu.memory_space<vmem>>, vector<1x16xf32>,
      %get3A_2203 = vector.shape_cast %get3A_2202 : vector<1x16xf32> to vector<16xf32>
      %add3A_2204 = arith.addf %add3A_2180, %get3A_2203 : vector<16xf32>
      %get3A_2205 = arith.index_cast %add3A_2194 : i32 to index
      %get3A_2206 = arith.constant 32 : index
      %get3A_2207 = tpu.vector_load %arg6[%get3A_2205, %get3A_2206] {strides = array<i32>} : memref<400x64xf32, #tpu.memory_space<vmem>>, vector<1x16xf32>,
      %get3A_2208 = vector.shape_cast %get3A_2207 : vector<1x16xf32> to vector<16xf32>
      %add3A_2209 = arith.addf %add3A_2185, %get3A_2208 : vector<16xf32>
      %get3A_2210 = arith.index_cast %add3A_2194 : i32 to index
      %get3A_2211 = arith.constant 48 : index
      %get3A_2212 = tpu.vector_load %arg6[%get3A_2210, %get3A_2211] {strides = array<i32>} : memref<400x64xf32, #tpu.memory_space<vmem>>, vector<1x16xf32>,
      %get3A_2213 = vector.shape_cast %get3A_2212 : vector<1x16xf32> to vector<16xf32>
      %add3A_2214 = arith.addf %add3A_2190, %get3A_2213 : vector<16xf32>
      %add3A_2215 = arith.constant 50 : i32
      %add3A_2216 = arith.addi %mul3A_40, %add3A_2215 : i32
      %add3A_2217 = arith.constant 38 : i32
      %add3A_2218 = arith.addi %add3A_2216, %add3A_2217 : i32
      %get3A_2219 = arith.index_cast %add3A_2218 : i32 to index
      %get3A_2220 = arith.constant 0 : index
      %get3A_2221 = tpu.vector_load %arg6[%get3A_2219, %get3A_2220] {strides = array<i32>} : memref<400x64xf32, #tpu.memory_space<vmem>>, vector<1x16xf32>,
      %get3A_2222 = vector.shape_cast %get3A_2221 : vector<1x16xf32> to vector<16xf32>
      %add3A_2223 = arith.addf %add3A_2199, %get3A_2222 : vector<16xf32>
      %get3A_2224 = arith.index_cast %add3A_2218 : i32 to index
      %get3A_2225 = arith.constant 16 : index
      %get3A_2226 = tpu.vector_load %arg6[%get3A_2224, %get3A_2225] {strides = array<i32>} : memref<400x64xf32, #tpu.memory_space<vmem>>, vector<1x16xf32>,
      %get3A_2227 = vector.shape_cast %get3A_2226 : vector<1x16xf32> to vector<16xf32>
      %add3A_2228 = arith.addf %add3A_2204, %get3A_2227 : vector<16xf32>
      %get3A_2229 = arith.index_cast %add3A_2218 : i32 to index
      %get3A_2230 = arith.constant 32 : index
      %get3A_2231 = tpu.vector_load %arg6[%get3A_2229, %get3A_2230] {strides = array<i32>} : memref<400x64xf32, #tpu.memory_space<vmem>>, vector<1x16xf32>,
      %get3A_2232 = vector.shape_cast %get3A_2231 : vector<1x16xf32> to vector<16xf32>
      %add3A_2233 = arith.addf %add3A_2209, %get3A_2232 : vector<16xf32>
      %get3A_2234 = arith.index_cast %add3A_2218 : i32 to index
      %get3A_2235 = arith.constant 48 : index
      %get3A_2236 = tpu.vector_load %arg6[%get3A_2234, %get3A_2235] {strides = array<i32>} : memref<400x64xf32, #tpu.memory_space<vmem>>, vector<1x16xf32>,
      %get3A_2237 = vector.shape_cast %get3A_2236 : vector<1x16xf32> to vector<16xf32>
      %add3A_2238 = arith.addf %add3A_2214, %get3A_2237 : vector<16xf32>
      %add3A_2239 = arith.constant 50 : i32
      %add3A_2240 = arith.addi %mul3A_40, %add3A_2239 : i32
      %add3A_2241 = arith.constant 39 : i32
      %add3A_2242 = arith.addi %add3A_2240, %add3A_2241 : i32
      %get3A_2243 = arith.index_cast %add3A_2242 : i32 to index
      %get3A_2244 = arith.constant 0 : index
      %get3A_2245 = tpu.vector_load %arg6[%get3A_2243, %get3A_2244] {strides = array<i32>} : memref<400x64xf32, #tpu.memory_space<vmem>>, vector<1x16xf32>,
      %get3A_2246 = vector.shape_cast %get3A_2245 : vector<1x16xf32> to vector<16xf32>
      %add3A_2247 = arith.addf %add3A_2223, %get3A_2246 : vector<16xf32>
      %get3A_2248 = arith.index_cast %add3A_2242 : i32 to index
      %get3A_2249 = arith.constant 16 : index
      %get3A_2250 = tpu.vector_load %arg6[%get3A_2248, %get3A_2249] {strides = array<i32>} : memref<400x64xf32, #tpu.memory_space<vmem>>, vector<1x16xf32>,
      %get3A_2251 = vector.shape_cast %get3A_2250 : vector<1x16xf32> to vector<16xf32>
      %add3A_2252 = arith.addf %add3A_2228, %get3A_2251 : vector<16xf32>
      %get3A_2253 = arith.index_cast %add3A_2242 : i32 to index
      %get3A_2254 = arith.constant 32 : index
      %get3A_2255 = tpu.vector_load %arg6[%get3A_2253, %get3A_2254] {strides = array<i32>} : memref<400x64xf32, #tpu.memory_space<vmem>>, vector<1x16xf32>,
      %get3A_2256 = vector.shape_cast %get3A_2255 : vector<1x16xf32> to vector<16xf32>
      %add3A_2257 = arith.addf %add3A_2233, %get3A_2256 : vector<16xf32>
      %get3A_2258 = arith.index_cast %add3A_2242 : i32 to index
      %get3A_2259 = arith.constant 48 : index
      %get3A_2260 = tpu.vector_load %arg6[%get3A_2258, %get3A_2259] {strides = array<i32>} : memref<400x64xf32, #tpu.memory_space<vmem>>, vector<1x16xf32>,
      %get3A_2261 = vector.shape_cast %get3A_2260 : vector<1x16xf32> to vector<16xf32>
      %add3A_2262 = arith.addf %add3A_2238, %get3A_2261 : vector<16xf32>
      %add3A_2263 = arith.constant 50 : i32
      %add3A_2264 = arith.addi %mul3A_40, %add3A_2263 : i32
      %add3A_2265 = arith.constant 40 : i32
      %add3A_2266 = arith.addi %add3A_2264, %add3A_2265 : i32
      %get3A_2267 = arith.index_cast %add3A_2266 : i32 to index
      %get3A_2268 = arith.constant 0 : index
      %get3A_2269 = tpu.vector_load %arg6[%get3A_2267, %get3A_2268] {strides = array<i32>} : memref<400x64xf32, #tpu.memory_space<vmem>>, vector<1x16xf32>,
      %get3A_2270 = vector.shape_cast %get3A_2269 : vector<1x16xf32> to vector<16xf32>
      %add3A_2271 = arith.addf %add3A_2247, %get3A_2270 : vector<16xf32>
      %get3A_2272 = arith.index_cast %add3A_2266 : i32 to index
      %get3A_2273 = arith.constant 16 : index
      %get3A_2274 = tpu.vector_load %arg6[%get3A_2272, %get3A_2273] {strides = array<i32>} : memref<400x64xf32, #tpu.memory_space<vmem>>, vector<1x16xf32>,
      %get3A_2275 = vector.shape_cast %get3A_2274 : vector<1x16xf32> to vector<16xf32>
      %add3A_2276 = arith.addf %add3A_2252, %get3A_2275 : vector<16xf32>
      %get3A_2277 = arith.index_cast %add3A_2266 : i32 to index
      %get3A_2278 = arith.constant 32 : index
      %get3A_2279 = tpu.vector_load %arg6[%get3A_2277, %get3A_2278] {strides = array<i32>} : memref<400x64xf32, #tpu.memory_space<vmem>>, vector<1x16xf32>,
      %get3A_2280 = vector.shape_cast %get3A_2279 : vector<1x16xf32> to vector<16xf32>
      %add3A_2281 = arith.addf %add3A_2257, %get3A_2280 : vector<16xf32>
      %get3A_2282 = arith.index_cast %add3A_2266 : i32 to index
      %get3A_2283 = arith.constant 48 : index
      %get3A_2284 = tpu.vector_load %arg6[%get3A_2282, %get3A_2283] {strides = array<i32>} : memref<400x64xf32, #tpu.memory_space<vmem>>, vector<1x16xf32>,
      %get3A_2285 = vector.shape_cast %get3A_2284 : vector<1x16xf32> to vector<16xf32>
      %add3A_2286 = arith.addf %add3A_2262, %get3A_2285 : vector<16xf32>
      %add3A_2287 = arith.constant 50 : i32
      %add3A_2288 = arith.addi %mul3A_40, %add3A_2287 : i32
      %add3A_2289 = arith.constant 41 : i32
      %add3A_2290 = arith.addi %add3A_2288, %add3A_2289 : i32
      %get3A_2291 = arith.index_cast %add3A_2290 : i32 to index
      %get3A_2292 = arith.constant 0 : index
      %get3A_2293 = tpu.vector_load %arg6[%get3A_2291, %get3A_2292] {strides = array<i32>} : memref<400x64xf32, #tpu.memory_space<vmem>>, vector<1x16xf32>,
      %get3A_2294 = vector.shape_cast %get3A_2293 : vector<1x16xf32> to vector<16xf32>
      %add3A_2295 = arith.addf %add3A_2271, %get3A_2294 : vector<16xf32>
      %get3A_2296 = arith.index_cast %add3A_2290 : i32 to index
      %get3A_2297 = arith.constant 16 : index
      %get3A_2298 = tpu.vector_load %arg6[%get3A_2296, %get3A_2297] {strides = array<i32>} : memref<400x64xf32, #tpu.memory_space<vmem>>, vector<1x16xf32>,
      %get3A_2299 = vector.shape_cast %get3A_2298 : vector<1x16xf32> to vector<16xf32>
      %add3A_2300 = arith.addf %add3A_2276, %get3A_2299 : vector<16xf32>
      %get3A_2301 = arith.index_cast %add3A_2290 : i32 to index
      %get3A_2302 = arith.constant 32 : index
      %get3A_2303 = tpu.vector_load %arg6[%get3A_2301, %get3A_2302] {strides = array<i32>} : memref<400x64xf32, #tpu.memory_space<vmem>>, vector<1x16xf32>,
      %get3A_2304 = vector.shape_cast %get3A_2303 : vector<1x16xf32> to vector<16xf32>
      %add3A_2305 = arith.addf %add3A_2281, %get3A_2304 : vector<16xf32>
      %get3A_2306 = arith.index_cast %add3A_2290 : i32 to index
      %get3A_2307 = arith.constant 48 : index
      %get3A_2308 = tpu.vector_load %arg6[%get3A_2306, %get3A_2307] {strides = array<i32>} : memref<400x64xf32, #tpu.memory_space<vmem>>, vector<1x16xf32>,
      %get3A_2309 = vector.shape_cast %get3A_2308 : vector<1x16xf32> to vector<16xf32>
      %add3A_2310 = arith.addf %add3A_2286, %get3A_2309 : vector<16xf32>
      %add3A_2311 = arith.constant 50 : i32
      %add3A_2312 = arith.addi %mul3A_40, %add3A_2311 : i32
      %add3A_2313 = arith.constant 42 : i32
      %add3A_2314 = arith.addi %add3A_2312, %add3A_2313 : i32
      %get3A_2315 = arith.index_cast %add3A_2314 : i32 to index
      %get3A_2316 = arith.constant 0 : index
      %get3A_2317 = tpu.vector_load %arg6[%get3A_2315, %get3A_2316] {strides = array<i32>} : memref<400x64xf32, #tpu.memory_space<vmem>>, vector<1x16xf32>,
      %get3A_2318 = vector.shape_cast %get3A_2317 : vector<1x16xf32> to vector<16xf32>
      %add3A_2319 = arith.addf %add3A_2295, %get3A_2318 : vector<16xf32>
      %get3A_2320 = arith.index_cast %add3A_2314 : i32 to index
      %get3A_2321 = arith.constant 16 : index
      %get3A_2322 = tpu.vector_load %arg6[%get3A_2320, %get3A_2321] {strides = array<i32>} : memref<400x64xf32, #tpu.memory_space<vmem>>, vector<1x16xf32>,
      %get3A_2323 = vector.shape_cast %get3A_2322 : vector<1x16xf32> to vector<16xf32>
      %add3A_2324 = arith.addf %add3A_2300, %get3A_2323 : vector<16xf32>
      %get3A_2325 = arith.index_cast %add3A_2314 : i32 to index
      %get3A_2326 = arith.constant 32 : index
      %get3A_2327 = tpu.vector_load %arg6[%get3A_2325, %get3A_2326] {strides = array<i32>} : memref<400x64xf32, #tpu.memory_space<vmem>>, vector<1x16xf32>,
      %get3A_2328 = vector.shape_cast %get3A_2327 : vector<1x16xf32> to vector<16xf32>
      %add3A_2329 = arith.addf %add3A_2305, %get3A_2328 : vector<16xf32>
      %get3A_2330 = arith.index_cast %add3A_2314 : i32 to index
      %get3A_2331 = arith.constant 48 : index
      %get3A_2332 = tpu.vector_load %arg6[%get3A_2330, %get3A_2331] {strides = array<i32>} : memref<400x64xf32, #tpu.memory_space<vmem>>, vector<1x16xf32>,
      %get3A_2333 = vector.shape_cast %get3A_2332 : vector<1x16xf32> to vector<16xf32>
      %add3A_2334 = arith.addf %add3A_2310, %get3A_2333 : vector<16xf32>
      %add3A_2335 = arith.constant 50 : i32
      %add3A_2336 = arith.addi %mul3A_40, %add3A_2335 : i32
      %add3A_2337 = arith.constant 43 : i32
      %add3A_2338 = arith.addi %add3A_2336, %add3A_2337 : i32
      %get3A_2339 = arith.index_cast %add3A_2338 : i32 to index
      %get3A_2340 = arith.constant 0 : index
      %get3A_2341 = tpu.vector_load %arg6[%get3A_2339, %get3A_2340] {strides = array<i32>} : memref<400x64xf32, #tpu.memory_space<vmem>>, vector<1x16xf32>,
      %get3A_2342 = vector.shape_cast %get3A_2341 : vector<1x16xf32> to vector<16xf32>
      %add3A_2343 = arith.addf %add3A_2319, %get3A_2342 : vector<16xf32>
      %get3A_2344 = arith.index_cast %add3A_2338 : i32 to index
      %get3A_2345 = arith.constant 16 : index
      %get3A_2346 = tpu.vector_load %arg6[%get3A_2344, %get3A_2345] {strides = array<i32>} : memref<400x64xf32, #tpu.memory_space<vmem>>, vector<1x16xf32>,
      %get3A_2347 = vector.shape_cast %get3A_2346 : vector<1x16xf32> to vector<16xf32>
      %add3A_2348 = arith.addf %add3A_2324, %get3A_2347 : vector<16xf32>
      %get3A_2349 = arith.index_cast %add3A_2338 : i32 to index
      %get3A_2350 = arith.constant 32 : index
      %get3A_2351 = tpu.vector_load %arg6[%get3A_2349, %get3A_2350] {strides = array<i32>} : memref<400x64xf32, #tpu.memory_space<vmem>>, vector<1x16xf32>,
      %get3A_2352 = vector.shape_cast %get3A_2351 : vector<1x16xf32> to vector<16xf32>
      %add3A_2353 = arith.addf %add3A_2329, %get3A_2352 : vector<16xf32>
      %get3A_2354 = arith.index_cast %add3A_2338 : i32 to index
      %get3A_2355 = arith.constant 48 : index
      %get3A_2356 = tpu.vector_load %arg6[%get3A_2354, %get3A_2355] {strides = array<i32>} : memref<400x64xf32, #tpu.memory_space<vmem>>, vector<1x16xf32>,
      %get3A_2357 = vector.shape_cast %get3A_2356 : vector<1x16xf32> to vector<16xf32>
      %add3A_2358 = arith.addf %add3A_2334, %get3A_2357 : vector<16xf32>
      %add3A_2359 = arith.constant 50 : i32
      %add3A_2360 = arith.addi %mul3A_40, %add3A_2359 : i32
      %add3A_2361 = arith.constant 44 : i32
      %add3A_2362 = arith.addi %add3A_2360, %add3A_2361 : i32
      %get3A_2363 = arith.index_cast %add3A_2362 : i32 to index
      %get3A_2364 = arith.constant 0 : index
      %get3A_2365 = tpu.vector_load %arg6[%get3A_2363, %get3A_2364] {strides = array<i32>} : memref<400x64xf32, #tpu.memory_space<vmem>>, vector<1x16xf32>,
      %get3A_2366 = vector.shape_cast %get3A_2365 : vector<1x16xf32> to vector<16xf32>
      %add3A_2367 = arith.addf %add3A_2343, %get3A_2366 : vector<16xf32>
      %get3A_2368 = arith.index_cast %add3A_2362 : i32 to index
      %get3A_2369 = arith.constant 16 : index
      %get3A_2370 = tpu.vector_load %arg6[%get3A_2368, %get3A_2369] {strides = array<i32>} : memref<400x64xf32, #tpu.memory_space<vmem>>, vector<1x16xf32>,
      %get3A_2371 = vector.shape_cast %get3A_2370 : vector<1x16xf32> to vector<16xf32>
      %add3A_2372 = arith.addf %add3A_2348, %get3A_2371 : vector<16xf32>
      %get3A_2373 = arith.index_cast %add3A_2362 : i32 to index
      %get3A_2374 = arith.constant 32 : index
      %get3A_2375 = tpu.vector_load %arg6[%get3A_2373, %get3A_2374] {strides = array<i32>} : memref<400x64xf32, #tpu.memory_space<vmem>>, vector<1x16xf32>,
      %get3A_2376 = vector.shape_cast %get3A_2375 : vector<1x16xf32> to vector<16xf32>
      %add3A_2377 = arith.addf %add3A_2353, %get3A_2376 : vector<16xf32>
      %get3A_2378 = arith.index_cast %add3A_2362 : i32 to index
      %get3A_2379 = arith.constant 48 : index
      %get3A_2380 = tpu.vector_load %arg6[%get3A_2378, %get3A_2379] {strides = array<i32>} : memref<400x64xf32, #tpu.memory_space<vmem>>, vector<1x16xf32>,
      %get3A_2381 = vector.shape_cast %get3A_2380 : vector<1x16xf32> to vector<16xf32>
      %add3A_2382 = arith.addf %add3A_2358, %get3A_2381 : vector<16xf32>
      %add3A_2383 = arith.constant 50 : i32
      %add3A_2384 = arith.addi %mul3A_40, %add3A_2383 : i32
      %add3A_2385 = arith.constant 45 : i32
      %add3A_2386 = arith.addi %add3A_2384, %add3A_2385 : i32
      %get3A_2387 = arith.index_cast %add3A_2386 : i32 to index
      %get3A_2388 = arith.constant 0 : index
      %get3A_2389 = tpu.vector_load %arg6[%get3A_2387, %get3A_2388] {strides = array<i32>} : memref<400x64xf32, #tpu.memory_space<vmem>>, vector<1x16xf32>,
      %get3A_2390 = vector.shape_cast %get3A_2389 : vector<1x16xf32> to vector<16xf32>
      %add3A_2391 = arith.addf %add3A_2367, %get3A_2390 : vector<16xf32>
      %get3A_2392 = arith.index_cast %add3A_2386 : i32 to index
      %get3A_2393 = arith.constant 16 : index
      %get3A_2394 = tpu.vector_load %arg6[%get3A_2392, %get3A_2393] {strides = array<i32>} : memref<400x64xf32, #tpu.memory_space<vmem>>, vector<1x16xf32>,
      %get3A_2395 = vector.shape_cast %get3A_2394 : vector<1x16xf32> to vector<16xf32>
      %add3A_2396 = arith.addf %add3A_2372, %get3A_2395 : vector<16xf32>
      %get3A_2397 = arith.index_cast %add3A_2386 : i32 to index
      %get3A_2398 = arith.constant 32 : index
      %get3A_2399 = tpu.vector_load %arg6[%get3A_2397, %get3A_2398] {strides = array<i32>} : memref<400x64xf32, #tpu.memory_space<vmem>>, vector<1x16xf32>,
      %get3A_2400 = vector.shape_cast %get3A_2399 : vector<1x16xf32> to vector<16xf32>
      %add3A_2401 = arith.addf %add3A_2377, %get3A_2400 : vector<16xf32>
      %get3A_2402 = arith.index_cast %add3A_2386 : i32 to index
      %get3A_2403 = arith.constant 48 : index
      %get3A_2404 = tpu.vector_load %arg6[%get3A_2402, %get3A_2403] {strides = array<i32>} : memref<400x64xf32, #tpu.memory_space<vmem>>, vector<1x16xf32>,
      %get3A_2405 = vector.shape_cast %get3A_2404 : vector<1x16xf32> to vector<16xf32>
      %add3A_2406 = arith.addf %add3A_2382, %get3A_2405 : vector<16xf32>
      %add3A_2407 = arith.constant 50 : i32
      %add3A_2408 = arith.addi %mul3A_40, %add3A_2407 : i32
      %add3A_2409 = arith.constant 46 : i32
      %add3A_2410 = arith.addi %add3A_2408, %add3A_2409 : i32
      %get3A_2411 = arith.index_cast %add3A_2410 : i32 to index
      %get3A_2412 = arith.constant 0 : index
      %get3A_2413 = tpu.vector_load %arg6[%get3A_2411, %get3A_2412] {strides = array<i32>} : memref<400x64xf32, #tpu.memory_space<vmem>>, vector<1x16xf32>,
      %get3A_2414 = vector.shape_cast %get3A_2413 : vector<1x16xf32> to vector<16xf32>
      %add3A_2415 = arith.addf %add3A_2391, %get3A_2414 : vector<16xf32>
      %get3A_2416 = arith.index_cast %add3A_2410 : i32 to index
      %get3A_2417 = arith.constant 16 : index
      %get3A_2418 = tpu.vector_load %arg6[%get3A_2416, %get3A_2417] {strides = array<i32>} : memref<400x64xf32, #tpu.memory_space<vmem>>, vector<1x16xf32>,
      %get3A_2419 = vector.shape_cast %get3A_2418 : vector<1x16xf32> to vector<16xf32>
      %add3A_2420 = arith.addf %add3A_2396, %get3A_2419 : vector<16xf32>
      %get3A_2421 = arith.index_cast %add3A_2410 : i32 to index
      %get3A_2422 = arith.constant 32 : index
      %get3A_2423 = tpu.vector_load %arg6[%get3A_2421, %get3A_2422] {strides = array<i32>} : memref<400x64xf32, #tpu.memory_space<vmem>>, vector<1x16xf32>,
      %get3A_2424 = vector.shape_cast %get3A_2423 : vector<1x16xf32> to vector<16xf32>
      %add3A_2425 = arith.addf %add3A_2401, %get3A_2424 : vector<16xf32>
      %get3A_2426 = arith.index_cast %add3A_2410 : i32 to index
      %get3A_2427 = arith.constant 48 : index
      %get3A_2428 = tpu.vector_load %arg6[%get3A_2426, %get3A_2427] {strides = array<i32>} : memref<400x64xf32, #tpu.memory_space<vmem>>, vector<1x16xf32>,
      %get3A_2429 = vector.shape_cast %get3A_2428 : vector<1x16xf32> to vector<16xf32>
      %add3A_2430 = arith.addf %add3A_2406, %get3A_2429 : vector<16xf32>
      %add3A_2431 = arith.constant 50 : i32
      %add3A_2432 = arith.addi %mul3A_40, %add3A_2431 : i32
      %add3A_2433 = arith.constant 47 : i32
      %add3A_2434 = arith.addi %add3A_2432, %add3A_2433 : i32
      %get3A_2435 = arith.index_cast %add3A_2434 : i32 to index
      %get3A_2436 = arith.constant 0 : index
      %get3A_2437 = tpu.vector_load %arg6[%get3A_2435, %get3A_2436] {strides = array<i32>} : memref<400x64xf32, #tpu.memory_space<vmem>>, vector<1x16xf32>,
      %get3A_2438 = vector.shape_cast %get3A_2437 : vector<1x16xf32> to vector<16xf32>
      %add3A_2439 = arith.addf %add3A_2415, %get3A_2438 : vector<16xf32>
      %get3A_2440 = arith.index_cast %add3A_2434 : i32 to index
      %get3A_2441 = arith.constant 16 : index
      %get3A_2442 = tpu.vector_load %arg6[%get3A_2440, %get3A_2441] {strides = array<i32>} : memref<400x64xf32, #tpu.memory_space<vmem>>, vector<1x16xf32>,
      %get3A_2443 = vector.shape_cast %get3A_2442 : vector<1x16xf32> to vector<16xf32>
      %add3A_2444 = arith.addf %add3A_2420, %get3A_2443 : vector<16xf32>
      %get3A_2445 = arith.index_cast %add3A_2434 : i32 to index
      %get3A_2446 = arith.constant 32 : index
      %get3A_2447 = tpu.vector_load %arg6[%get3A_2445, %get3A_2446] {strides = array<i32>} : memref<400x64xf32, #tpu.memory_space<vmem>>, vector<1x16xf32>,
      %get3A_2448 = vector.shape_cast %get3A_2447 : vector<1x16xf32> to vector<16xf32>
      %add3A_2449 = arith.addf %add3A_2425, %get3A_2448 : vector<16xf32>
      %get3A_2450 = arith.index_cast %add3A_2434 : i32 to index
      %get3A_2451 = arith.constant 48 : index
      %get3A_2452 = tpu.vector_load %arg6[%get3A_2450, %get3A_2451] {strides = array<i32>} : memref<400x64xf32, #tpu.memory_space<vmem>>, vector<1x16xf32>,
      %get3A_2453 = vector.shape_cast %get3A_2452 : vector<1x16xf32> to vector<16xf32>
      %add3A_2454 = arith.addf %add3A_2430, %get3A_2453 : vector<16xf32>
      %add3A_2455 = arith.constant 50 : i32
      %add3A_2456 = arith.addi %mul3A_40, %add3A_2455 : i32
      %add3A_2457 = arith.constant 48 : i32
      %add3A_2458 = arith.addi %add3A_2456, %add3A_2457 : i32
      %get3A_2459 = arith.index_cast %add3A_2458 : i32 to index
      %get3A_2460 = arith.constant 0 : index
      %get3A_2461 = tpu.vector_load %arg6[%get3A_2459, %get3A_2460] {strides = array<i32>} : memref<400x64xf32, #tpu.memory_space<vmem>>, vector<1x16xf32>,
      %get3A_2462 = vector.shape_cast %get3A_2461 : vector<1x16xf32> to vector<16xf32>
      %add3A_2463 = arith.addf %add3A_2439, %get3A_2462 : vector<16xf32>
      %get3A_2464 = arith.index_cast %add3A_2458 : i32 to index
      %get3A_2465 = arith.constant 16 : index
      %get3A_2466 = tpu.vector_load %arg6[%get3A_2464, %get3A_2465] {strides = array<i32>} : memref<400x64xf32, #tpu.memory_space<vmem>>, vector<1x16xf32>,
      %get3A_2467 = vector.shape_cast %get3A_2466 : vector<1x16xf32> to vector<16xf32>
      %add3A_2468 = arith.addf %add3A_2444, %get3A_2467 : vector<16xf32>
      %get3A_2469 = arith.index_cast %add3A_2458 : i32 to index
      %get3A_2470 = arith.constant 32 : index
      %get3A_2471 = tpu.vector_load %arg6[%get3A_2469, %get3A_2470] {strides = array<i32>} : memref<400x64xf32, #tpu.memory_space<vmem>>, vector<1x16xf32>,
      %get3A_2472 = vector.shape_cast %get3A_2471 : vector<1x16xf32> to vector<16xf32>
      %add3A_2473 = arith.addf %add3A_2449, %get3A_2472 : vector<16xf32>
      %get3A_2474 = arith.index_cast %add3A_2458 : i32 to index
      %get3A_2475 = arith.constant 48 : index
      %get3A_2476 = tpu.vector_load %arg6[%get3A_2474, %get3A_2475] {strides = array<i32>} : memref<400x64xf32, #tpu.memory_space<vmem>>, vector<1x16xf32>,
      %get3A_2477 = vector.shape_cast %get3A_2476 : vector<1x16xf32> to vector<16xf32>
      %add3A_2478 = arith.addf %add3A_2454, %get3A_2477 : vector<16xf32>
      %add3A_2479 = arith.constant 50 : i32
      %add3A_2480 = arith.addi %mul3A_40, %add3A_2479 : i32
      %add3A_2481 = arith.constant 49 : i32
      %add3A_2482 = arith.addi %add3A_2480, %add3A_2481 : i32
      %get3A_2483 = arith.index_cast %add3A_2482 : i32 to index
      %get3A_2484 = arith.constant 0 : index
      %get3A_2485 = tpu.vector_load %arg6[%get3A_2483, %get3A_2484] {strides = array<i32>} : memref<400x64xf32, #tpu.memory_space<vmem>>, vector<1x16xf32>,
      %get3A_2486 = vector.shape_cast %get3A_2485 : vector<1x16xf32> to vector<16xf32>
      %add3A_2487 = arith.addf %add3A_2463, %get3A_2486 : vector<16xf32>
      %get3A_2488 = arith.index_cast %add3A_2482 : i32 to index
      %get3A_2489 = arith.constant 16 : index
      %get3A_2490 = tpu.vector_load %arg6[%get3A_2488, %get3A_2489] {strides = array<i32>} : memref<400x64xf32, #tpu.memory_space<vmem>>, vector<1x16xf32>,
      %get3A_2491 = vector.shape_cast %get3A_2490 : vector<1x16xf32> to vector<16xf32>
      %add3A_2492 = arith.addf %add3A_2468, %get3A_2491 : vector<16xf32>
      %get3A_2493 = arith.index_cast %add3A_2482 : i32 to index
      %get3A_2494 = arith.constant 32 : index
      %get3A_2495 = tpu.vector_load %arg6[%get3A_2493, %get3A_2494] {strides = array<i32>} : memref<400x64xf32, #tpu.memory_space<vmem>>, vector<1x16xf32>,
      %get3A_2496 = vector.shape_cast %get3A_2495 : vector<1x16xf32> to vector<16xf32>
      %add3A_2497 = arith.addf %add3A_2473, %get3A_2496 : vector<16xf32>
      %get3A_2498 = arith.index_cast %add3A_2482 : i32 to index
      %get3A_2499 = arith.constant 48 : index
      %get3A_2500 = tpu.vector_load %arg6[%get3A_2498, %get3A_2499] {strides = array<i32>} : memref<400x64xf32, #tpu.memory_space<vmem>>, vector<1x16xf32>,
      %get3A_2501 = vector.shape_cast %get3A_2500 : vector<1x16xf32> to vector<16xf32>
      %add3A_2502 = arith.addf %add3A_2478, %get3A_2501 : vector<16xf32>
      %mul3A_2503 = arith.constant 2 : i32
      %mul3A_2504 = arith.muli %scan3A_37, %mul3A_2503 : i32
      %add3A_2505 = arith.constant 1 : i32
      %add3A_2506 = arith.addi %mul3A_2504, %add3A_2505 : i32
      %mul3A_2507 = arith.constant 2.000000e-02 : f32
      %mul3A_2508 = vector.broadcast %mul3A_2507 : f32 to vector<16xf32>
      %mul3A_2509 = arith.mulf %add3A_2487, %mul3A_2508 : vector<16xf32>
      %swap3A_2510 = arith.index_cast %add3A_2506 : i32 to index
      %swap3A_2511 = arith.constant 0 : index
      %swap3A_2512 = tpu.vector_load %arg7[%swap3A_2510, %swap3A_2511] {strides = array<i32>} : memref<128x64xf32, #tpu.memory_space<vmem>>, vector<1x16xf32>,
      %swap3A_2513 = vector.shape_cast %swap3A_2512 : vector<1x16xf32> to vector<16xf32>
      %swap3A_2514 = vector.shape_cast %mul3A_2509 : vector<16xf32> to vector<1x16xf32>
      tpu.vector_store %arg7[%swap3A_2510, %swap3A_2511], %swap3A_2514 {strides = array<i32>} : memref<128x64xf32, #tpu.memory_space<vmem>>, vector<1x16xf32>,
      %mul3A_2515 = arith.constant 2.000000e-02 : f32
      %mul3A_2516 = vector.broadcast %mul3A_2515 : f32 to vector<16xf32>
      %mul3A_2517 = arith.mulf %add3A_2492, %mul3A_2516 : vector<16xf32>
      %swap3A_2518 = arith.index_cast %add3A_2506 : i32 to index
      %swap3A_2519 = arith.constant 16 : index
      %swap3A_2520 = tpu.vector_load %arg7[%swap3A_2518, %swap3A_2519] {strides = array<i32>} : memref<128x64xf32, #tpu.memory_space<vmem>>, vector<1x16xf32>,
      %swap3A_2521 = vector.shape_cast %swap3A_2520 : vector<1x16xf32> to vector<16xf32>
      %swap3A_2522 = vector.shape_cast %mul3A_2517 : vector<16xf32> to vector<1x16xf32>
      tpu.vector_store %arg7[%swap3A_2518, %swap3A_2519], %swap3A_2522 {strides = array<i32>} : memref<128x64xf32, #tpu.memory_space<vmem>>, vector<1x16xf32>,
      %mul3A_2523 = arith.constant 2.000000e-02 : f32
      %mul3A_2524 = vector.broadcast %mul3A_2523 : f32 to vector<16xf32>
      %mul3A_2525 = arith.mulf %add3A_2497, %mul3A_2524 : vector<16xf32>
      %swap3A_2526 = arith.index_cast %add3A_2506 : i32 to index
      %swap3A_2527 = arith.constant 32 : index
      %swap3A_2528 = tpu.vector_load %arg7[%swap3A_2526, %swap3A_2527] {strides = array<i32>} : memref<128x64xf32, #tpu.memory_space<vmem>>, vector<1x16xf32>,
      %swap3A_2529 = vector.shape_cast %swap3A_2528 : vector<1x16xf32> to vector<16xf32>
      %swap3A_2530 = vector.shape_cast %mul3A_2525 : vector<16xf32> to vector<1x16xf32>
      tpu.vector_store %arg7[%swap3A_2526, %swap3A_2527], %swap3A_2530 {strides = array<i32>} : memref<128x64xf32, #tpu.memory_space<vmem>>, vector<1x16xf32>,
      %mul3A_2531 = arith.constant 2.000000e-02 : f32
      %mul3A_2532 = vector.broadcast %mul3A_2531 : f32 to vector<16xf32>
      %mul3A_2533 = arith.mulf %add3A_2502, %mul3A_2532 : vector<16xf32>
      %swap3A_2534 = arith.index_cast %add3A_2506 : i32 to index
      %swap3A_2535 = arith.constant 48 : index
      %swap3A_2536 = tpu.vector_load %arg7[%swap3A_2534, %swap3A_2535] {strides = array<i32>} : memref<128x64xf32, #tpu.memory_space<vmem>>, vector<1x16xf32>,
      %swap3A_2537 = vector.shape_cast %swap3A_2536 : vector<1x16xf32> to vector<16xf32>
      %swap3A_2538 = vector.shape_cast %mul3A_2533 : vector<16xf32> to vector<1x16xf32>
      tpu.vector_store %arg7[%swap3A_2534, %swap3A_2535], %swap3A_2538 {strides = array<i32>} : memref<128x64xf32, #tpu.memory_space<vmem>>, vector<1x16xf32>,
      %scan3A_2539 = arith.constant 1 : i32
      %scan3A_2540 = arith.addi %scan3A_37, %scan3A_2539 : i32
      %rem3A_2541 = arith.constant 4 : i32
      %rem3A_2542 = arith.remsi %scan3A_2540, %rem3A_2541 : i32
      %mul3A_2543 = arith.constant 100 : i32
      %mul3A_2544 = arith.muli %rem3A_2542, %mul3A_2543 : i32
      %dma_wait3A_2545 = arith.constant 0 : i32
      %dma_wait3A_2546 = arith.constant 0 : i32
      %dma_wait3A_2547 = tpu.memref_slice %arg6[%dma_wait3A_2545, %dma_wait3A_2546] : memref<400x64xf32, #tpu.memory_space<vmem>> -> memref<100x64xf32, #tpu.memory_space<vmem>>
      %dma_wait3A_2548 = arith.constant 0 : i32
      %dma_wait3A_2549 = tpu.memref_slice %arg5[%scan3A_2540, %dma_wait3A_2548] : memref<64x100xi32, #tpu.memory_space<vmem>> -> memref<1x100xi32, #tpu.memory_space<vmem>>
      %dma_wait3A_2550 = tpu.memref_squeeze %dma_wait3A_2549 : memref<1x100xi32, #tpu.memory_space<vmem>> -> memref<100xi32, #tpu.memory_space<vmem>>
      %dma_wait3A_2551 = arith.constant 0 : i32
      %dma_wait3A_2552 = arith.constant 0 : i32
      %dma_wait3A_2553 = tpu.memref_slice %arg2[%dma_wait3A_2551, %dma_wait3A_2552] : memref<114688x64xf32, #tpu.memory_space<hbm>> -> memref<114688x64xf32, #tpu.memory_space<hbm>>
      tpu.wait_indirect_dma semaphore(%arg8 : memref<!tpu.dma_semaphore, #tpu.memory_space<semaphore_mem>>) src(%dma_wait3A_2553 : memref<114688x64xf32, #tpu.memory_space<hbm>>) dst(%dma_wait3A_2547 : memref<100x64xf32, #tpu.memory_space<vmem>>)
      %add3A_2554 = arith.constant 4 : i32
      %add3A_2555 = arith.addi %scan3A_2540, %add3A_2554 : i32
      %sub3A_2556 = arith.constant 1 : i32
      %sub3A_2557 = arith.subi %add3A_2555, %sub3A_2556 : i32
      %lt3A_2558 = arith.constant 64 : i32
      %lt3A_2559 = arith.cmpi slt, %sub3A_2557, %lt3A_2558 : i32
      %convert_element_type3A_2560 = arith.extui %lt3A_2559 : i1 to i32
      %cond3A_2561 = arith.constant 0 : i32
      %cond3A_2562 = arith.cmpi ne, %convert_element_type3A_2560, %cond3A_2561 : i32
      scf.if %cond3A_2562 {
        %add3A_5051 = arith.constant 4 : i32
        %add3A_5052 = arith.addi %scan3A_2540, %add3A_5051 : i32
        %sub3A_5053 = arith.constant 1 : i32
        %sub3A_5054 = arith.subi %add3A_5052, %sub3A_5053 : i32
        %add3A_5055 = arith.constant 4 : i32
        %add3A_5056 = arith.addi %scan3A_2540, %add3A_5055 : i32
        %sub3A_5057 = arith.constant 1 : i32
        %sub3A_5058 = arith.subi %add3A_5056, %sub3A_5057 : i32
        %rem3A_5059 = arith.constant 4 : i32
        %rem3A_5060 = arith.remsi %sub3A_5058, %rem3A_5059 : i32
        %mul3A_5061 = arith.constant 100 : i32
        %mul3A_5062 = arith.muli %rem3A_5060, %mul3A_5061 : i32
        %dma_start3A_5063 = arith.constant 0 : i32
        %dma_start3A_5064 = tpu.memref_slice %arg6[%mul3A_5062, %dma_start3A_5063] : memref<400x64xf32, #tpu.memory_space<vmem>> -> memref<100x64xf32, #tpu.memory_space<vmem>>
        %dma_start3A_5065 = arith.constant 0 : i32
        %dma_start3A_5066 = tpu.memref_slice %arg5[%sub3A_5054, %dma_start3A_5065] : memref<64x100xi32, #tpu.memory_space<vmem>> -> memref<1x100xi32, #tpu.memory_space<vmem>>
        %dma_start3A_5067 = tpu.memref_squeeze %dma_start3A_5066 : memref<1x100xi32, #tpu.memory_space<vmem>> -> memref<100xi32, #tpu.memory_space<vmem>>
        %dma_start3A_5068 = arith.constant 0 : i32
        %dma_start3A_5069 = arith.constant 0 : i32
        %dma_start3A_5070 = tpu.memref_slice %arg2[%dma_start3A_5068, %dma_start3A_5069] : memref<114688x64xf32, #tpu.memory_space<hbm>> -> memref<114688x64xf32, #tpu.memory_space<hbm>>
        tpu.enqueue_indirect_dma source(%dma_start3A_5070 : memref<114688x64xf32, #tpu.memory_space<hbm>>) target(%dma_start3A_5064 : memref<100x64xf32, #tpu.memory_space<vmem>>) offsets(%dma_start3A_5067 : memref<100xi32, #tpu.memory_space<vmem>>) semaphore(%arg8 : memref<!tpu.dma_semaphore, #tpu.memory_space<semaphore_mem>>)
      } else {
      }
      %broadcast_in_dim3A_2563 = arith.constant 0.000000e+00 : f32
      %broadcast_in_dim3A_2564 = vector.broadcast %broadcast_in_dim3A_2563 : f32 to vector<16xf32>
      %broadcast_in_dim3A_2565 = arith.constant 0.000000e+00 : f32
      %broadcast_in_dim3A_2566 = vector.broadcast %broadcast_in_dim3A_2565 : f32 to vector<16xf32>
      %broadcast_in_dim3A_2567 = arith.constant 0.000000e+00 : f32
      %broadcast_in_dim3A_2568 = vector.broadcast %broadcast_in_dim3A_2567 : f32 to vector<16xf32>
      %broadcast_in_dim3A_2569 = arith.constant 0.000000e+00 : f32
      %broadcast_in_dim3A_2570 = vector.broadcast %broadcast_in_dim3A_2569 : f32 to vector<16xf32>
      %add3A_2571 = arith.constant 0 : i32
      %add3A_2572 = arith.addi %mul3A_2544, %add3A_2571 : i32
      %add3A_2573 = arith.constant 0 : i32
      %add3A_2574 = arith.addi %add3A_2572, %add3A_2573 : i32
      %get3A_2575 = arith.index_cast %add3A_2574 : i32 to index
      %get3A_2576 = arith.constant 0 : index
      %get3A_2577 = tpu.vector_load %arg6[%get3A_2575, %get3A_2576] {strides = array<i32>} : memref<400x64xf32, #tpu.memory_space<vmem>>, vector<1x16xf32>,
      %get3A_2578 = vector.shape_cast %get3A_2577 : vector<1x16xf32> to vector<16xf32>
      %add3A_2579 = arith.addf %broadcast_in_dim3A_2564, %get3A_2578 : vector<16xf32>
      %get3A_2580 = arith.index_cast %add3A_2574 : i32 to index
      %get3A_2581 = arith.constant 16 : index
      %get3A_2582 = tpu.vector_load %arg6[%get3A_2580, %get3A_2581] {strides = array<i32>} : memref<400x64xf32, #tpu.memory_space<vmem>>, vector<1x16xf32>,
      %get3A_2583 = vector.shape_cast %get3A_2582 : vector<1x16xf32> to vector<16xf32>
      %add3A_2584 = arith.addf %broadcast_in_dim3A_2566, %get3A_2583 : vector<16xf32>
      %get3A_2585 = arith.index_cast %add3A_2574 : i32 to index
      %get3A_2586 = arith.constant 32 : index
      %get3A_2587 = tpu.vector_load %arg6[%get3A_2585, %get3A_2586] {strides = array<i32>} : memref<400x64xf32, #tpu.memory_space<vmem>>, vector<1x16xf32>,
      %get3A_2588 = vector.shape_cast %get3A_2587 : vector<1x16xf32> to vector<16xf32>
      %add3A_2589 = arith.addf %broadcast_in_dim3A_2568, %get3A_2588 : vector<16xf32>
      %get3A_2590 = arith.index_cast %add3A_2574 : i32 to index
      %get3A_2591 = arith.constant 48 : index
      %get3A_2592 = tpu.vector_load %arg6[%get3A_2590, %get3A_2591] {strides = array<i32>} : memref<400x64xf32, #tpu.memory_space<vmem>>, vector<1x16xf32>,
      %get3A_2593 = vector.shape_cast %get3A_2592 : vector<1x16xf32> to vector<16xf32>
      %add3A_2594 = arith.addf %broadcast_in_dim3A_2570, %get3A_2593 : vector<16xf32>
      %add3A_2595 = arith.constant 0 : i32
      %add3A_2596 = arith.addi %mul3A_2544, %add3A_2595 : i32
      %add3A_2597 = arith.constant 1 : i32
      %add3A_2598 = arith.addi %add3A_2596, %add3A_2597 : i32
      %get3A_2599 = arith.index_cast %add3A_2598 : i32 to index
      %get3A_2600 = arith.constant 0 : index
      %get3A_2601 = tpu.vector_load %arg6[%get3A_2599, %get3A_2600] {strides = array<i32>} : memref<400x64xf32, #tpu.memory_space<vmem>>, vector<1x16xf32>,
      %get3A_2602 = vector.shape_cast %get3A_2601 : vector<1x16xf32> to vector<16xf32>
      %add3A_2603 = arith.addf %add3A_2579, %get3A_2602 : vector<16xf32>
      %get3A_2604 = arith.index_cast %add3A_2598 : i32 to index
      %get3A_2605 = arith.constant 16 : index
      %get3A_2606 = tpu.vector_load %arg6[%get3A_2604, %get3A_2605] {strides = array<i32>} : memref<400x64xf32, #tpu.memory_space<vmem>>, vector<1x16xf32>,
      %get3A_2607 = vector.shape_cast %get3A_2606 : vector<1x16xf32> to vector<16xf32>
      %add3A_2608 = arith.addf %add3A_2584, %get3A_2607 : vector<16xf32>
      %get3A_2609 = arith.index_cast %add3A_2598 : i32 to index
      %get3A_2610 = arith.constant 32 : index
      %get3A_2611 = tpu.vector_load %arg6[%get3A_2609, %get3A_2610] {strides = array<i32>} : memref<400x64xf32, #tpu.memory_space<vmem>>, vector<1x16xf32>,
      %get3A_2612 = vector.shape_cast %get3A_2611 : vector<1x16xf32> to vector<16xf32>
      %add3A_2613 = arith.addf %add3A_2589, %get3A_2612 : vector<16xf32>
      %get3A_2614 = arith.index_cast %add3A_2598 : i32 to index
      %get3A_2615 = arith.constant 48 : index
      %get3A_2616 = tpu.vector_load %arg6[%get3A_2614, %get3A_2615] {strides = array<i32>} : memref<400x64xf32, #tpu.memory_space<vmem>>, vector<1x16xf32>,
      %get3A_2617 = vector.shape_cast %get3A_2616 : vector<1x16xf32> to vector<16xf32>
      %add3A_2618 = arith.addf %add3A_2594, %get3A_2617 : vector<16xf32>
      %add3A_2619 = arith.constant 0 : i32
      %add3A_2620 = arith.addi %mul3A_2544, %add3A_2619 : i32
      %add3A_2621 = arith.constant 2 : i32
      %add3A_2622 = arith.addi %add3A_2620, %add3A_2621 : i32
      %get3A_2623 = arith.index_cast %add3A_2622 : i32 to index
      %get3A_2624 = arith.constant 0 : index
      %get3A_2625 = tpu.vector_load %arg6[%get3A_2623, %get3A_2624] {strides = array<i32>} : memref<400x64xf32, #tpu.memory_space<vmem>>, vector<1x16xf32>,
      %get3A_2626 = vector.shape_cast %get3A_2625 : vector<1x16xf32> to vector<16xf32>
      %add3A_2627 = arith.addf %add3A_2603, %get3A_2626 : vector<16xf32>
      %get3A_2628 = arith.index_cast %add3A_2622 : i32 to index
      %get3A_2629 = arith.constant 16 : index
      %get3A_2630 = tpu.vector_load %arg6[%get3A_2628, %get3A_2629] {strides = array<i32>} : memref<400x64xf32, #tpu.memory_space<vmem>>, vector<1x16xf32>,
      %get3A_2631 = vector.shape_cast %get3A_2630 : vector<1x16xf32> to vector<16xf32>
      %add3A_2632 = arith.addf %add3A_2608, %get3A_2631 : vector<16xf32>
      %get3A_2633 = arith.index_cast %add3A_2622 : i32 to index
      %get3A_2634 = arith.constant 32 : index
      %get3A_2635 = tpu.vector_load %arg6[%get3A_2633, %get3A_2634] {strides = array<i32>} : memref<400x64xf32, #tpu.memory_space<vmem>>, vector<1x16xf32>,
      %get3A_2636 = vector.shape_cast %get3A_2635 : vector<1x16xf32> to vector<16xf32>
      %add3A_2637 = arith.addf %add3A_2613, %get3A_2636 : vector<16xf32>
      %get3A_2638 = arith.index_cast %add3A_2622 : i32 to index
      %get3A_2639 = arith.constant 48 : index
      %get3A_2640 = tpu.vector_load %arg6[%get3A_2638, %get3A_2639] {strides = array<i32>} : memref<400x64xf32, #tpu.memory_space<vmem>>, vector<1x16xf32>,
      %get3A_2641 = vector.shape_cast %get3A_2640 : vector<1x16xf32> to vector<16xf32>
      %add3A_2642 = arith.addf %add3A_2618, %get3A_2641 : vector<16xf32>
      %add3A_2643 = arith.constant 0 : i32
      %add3A_2644 = arith.addi %mul3A_2544, %add3A_2643 : i32
      %add3A_2645 = arith.constant 3 : i32
      %add3A_2646 = arith.addi %add3A_2644, %add3A_2645 : i32
      %get3A_2647 = arith.index_cast %add3A_2646 : i32 to index
      %get3A_2648 = arith.constant 0 : index
      %get3A_2649 = tpu.vector_load %arg6[%get3A_2647, %get3A_2648] {strides = array<i32>} : memref<400x64xf32, #tpu.memory_space<vmem>>, vector<1x16xf32>,
      %get3A_2650 = vector.shape_cast %get3A_2649 : vector<1x16xf32> to vector<16xf32>
      %add3A_2651 = arith.addf %add3A_2627, %get3A_2650 : vector<16xf32>
      %get3A_2652 = arith.index_cast %add3A_2646 : i32 to index
      %get3A_2653 = arith.constant 16 : index
      %get3A_2654 = tpu.vector_load %arg6[%get3A_2652, %get3A_2653] {strides = array<i32>} : memref<400x64xf32, #tpu.memory_space<vmem>>, vector<1x16xf32>,
      %get3A_2655 = vector.shape_cast %get3A_2654 : vector<1x16xf32> to vector<16xf32>
      %add3A_2656 = arith.addf %add3A_2632, %get3A_2655 : vector<16xf32>
      %get3A_2657 = arith.index_cast %add3A_2646 : i32 to index
      %get3A_2658 = arith.constant 32 : index
      %get3A_2659 = tpu.vector_load %arg6[%get3A_2657, %get3A_2658] {strides = array<i32>} : memref<400x64xf32, #tpu.memory_space<vmem>>, vector<1x16xf32>,
      %get3A_2660 = vector.shape_cast %get3A_2659 : vector<1x16xf32> to vector<16xf32>
      %add3A_2661 = arith.addf %add3A_2637, %get3A_2660 : vector<16xf32>
      %get3A_2662 = arith.index_cast %add3A_2646 : i32 to index
      %get3A_2663 = arith.constant 48 : index
      %get3A_2664 = tpu.vector_load %arg6[%get3A_2662, %get3A_2663] {strides = array<i32>} : memref<400x64xf32, #tpu.memory_space<vmem>>, vector<1x16xf32>,
      %get3A_2665 = vector.shape_cast %get3A_2664 : vector<1x16xf32> to vector<16xf32>
      %add3A_2666 = arith.addf %add3A_2642, %get3A_2665 : vector<16xf32>
      %add3A_2667 = arith.constant 0 : i32
      %add3A_2668 = arith.addi %mul3A_2544, %add3A_2667 : i32
      %add3A_2669 = arith.constant 4 : i32
      %add3A_2670 = arith.addi %add3A_2668, %add3A_2669 : i32
      %get3A_2671 = arith.index_cast %add3A_2670 : i32 to index
      %get3A_2672 = arith.constant 0 : index
      %get3A_2673 = tpu.vector_load %arg6[%get3A_2671, %get3A_2672] {strides = array<i32>} : memref<400x64xf32, #tpu.memory_space<vmem>>, vector<1x16xf32>,
      %get3A_2674 = vector.shape_cast %get3A_2673 : vector<1x16xf32> to vector<16xf32>
      %add3A_2675 = arith.addf %add3A_2651, %get3A_2674 : vector<16xf32>
      %get3A_2676 = arith.index_cast %add3A_2670 : i32 to index
      %get3A_2677 = arith.constant 16 : index
      %get3A_2678 = tpu.vector_load %arg6[%get3A_2676, %get3A_2677] {strides = array<i32>} : memref<400x64xf32, #tpu.memory_space<vmem>>, vector<1x16xf32>,
      %get3A_2679 = vector.shape_cast %get3A_2678 : vector<1x16xf32> to vector<16xf32>
      %add3A_2680 = arith.addf %add3A_2656, %get3A_2679 : vector<16xf32>
      %get3A_2681 = arith.index_cast %add3A_2670 : i32 to index
      %get3A_2682 = arith.constant 32 : index
      %get3A_2683 = tpu.vector_load %arg6[%get3A_2681, %get3A_2682] {strides = array<i32>} : memref<400x64xf32, #tpu.memory_space<vmem>>, vector<1x16xf32>,
      %get3A_2684 = vector.shape_cast %get3A_2683 : vector<1x16xf32> to vector<16xf32>
      %add3A_2685 = arith.addf %add3A_2661, %get3A_2684 : vector<16xf32>
      %get3A_2686 = arith.index_cast %add3A_2670 : i32 to index
      %get3A_2687 = arith.constant 48 : index
      %get3A_2688 = tpu.vector_load %arg6[%get3A_2686, %get3A_2687] {strides = array<i32>} : memref<400x64xf32, #tpu.memory_space<vmem>>, vector<1x16xf32>,
      %get3A_2689 = vector.shape_cast %get3A_2688 : vector<1x16xf32> to vector<16xf32>
      %add3A_2690 = arith.addf %add3A_2666, %get3A_2689 : vector<16xf32>
      %add3A_2691 = arith.constant 0 : i32
      %add3A_2692 = arith.addi %mul3A_2544, %add3A_2691 : i32
      %add3A_2693 = arith.constant 5 : i32
      %add3A_2694 = arith.addi %add3A_2692, %add3A_2693 : i32
      %get3A_2695 = arith.index_cast %add3A_2694 : i32 to index
      %get3A_2696 = arith.constant 0 : index
      %get3A_2697 = tpu.vector_load %arg6[%get3A_2695, %get3A_2696] {strides = array<i32>} : memref<400x64xf32, #tpu.memory_space<vmem>>, vector<1x16xf32>,
      %get3A_2698 = vector.shape_cast %get3A_2697 : vector<1x16xf32> to vector<16xf32>
      %add3A_2699 = arith.addf %add3A_2675, %get3A_2698 : vector<16xf32>
      %get3A_2700 = arith.index_cast %add3A_2694 : i32 to index
      %get3A_2701 = arith.constant 16 : index
      %get3A_2702 = tpu.vector_load %arg6[%get3A_2700, %get3A_2701] {strides = array<i32>} : memref<400x64xf32, #tpu.memory_space<vmem>>, vector<1x16xf32>,
      %get3A_2703 = vector.shape_cast %get3A_2702 : vector<1x16xf32> to vector<16xf32>
      %add3A_2704 = arith.addf %add3A_2680, %get3A_2703 : vector<16xf32>
      %get3A_2705 = arith.index_cast %add3A_2694 : i32 to index
      %get3A_2706 = arith.constant 32 : index
      %get3A_2707 = tpu.vector_load %arg6[%get3A_2705, %get3A_2706] {strides = array<i32>} : memref<400x64xf32, #tpu.memory_space<vmem>>, vector<1x16xf32>,
      %get3A_2708 = vector.shape_cast %get3A_2707 : vector<1x16xf32> to vector<16xf32>
      %add3A_2709 = arith.addf %add3A_2685, %get3A_2708 : vector<16xf32>
      %get3A_2710 = arith.index_cast %add3A_2694 : i32 to index
      %get3A_2711 = arith.constant 48 : index
      %get3A_2712 = tpu.vector_load %arg6[%get3A_2710, %get3A_2711] {strides = array<i32>} : memref<400x64xf32, #tpu.memory_space<vmem>>, vector<1x16xf32>,
      %get3A_2713 = vector.shape_cast %get3A_2712 : vector<1x16xf32> to vector<16xf32>
      %add3A_2714 = arith.addf %add3A_2690, %get3A_2713 : vector<16xf32>
      %add3A_2715 = arith.constant 0 : i32
      %add3A_2716 = arith.addi %mul3A_2544, %add3A_2715 : i32
      %add3A_2717 = arith.constant 6 : i32
      %add3A_2718 = arith.addi %add3A_2716, %add3A_2717 : i32
      %get3A_2719 = arith.index_cast %add3A_2718 : i32 to index
      %get3A_2720 = arith.constant 0 : index
      %get3A_2721 = tpu.vector_load %arg6[%get3A_2719, %get3A_2720] {strides = array<i32>} : memref<400x64xf32, #tpu.memory_space<vmem>>, vector<1x16xf32>,
      %get3A_2722 = vector.shape_cast %get3A_2721 : vector<1x16xf32> to vector<16xf32>
      %add3A_2723 = arith.addf %add3A_2699, %get3A_2722 : vector<16xf32>
      %get3A_2724 = arith.index_cast %add3A_2718 : i32 to index
      %get3A_2725 = arith.constant 16 : index
      %get3A_2726 = tpu.vector_load %arg6[%get3A_2724, %get3A_2725] {strides = array<i32>} : memref<400x64xf32, #tpu.memory_space<vmem>>, vector<1x16xf32>,
      %get3A_2727 = vector.shape_cast %get3A_2726 : vector<1x16xf32> to vector<16xf32>
      %add3A_2728 = arith.addf %add3A_2704, %get3A_2727 : vector<16xf32>
      %get3A_2729 = arith.index_cast %add3A_2718 : i32 to index
      %get3A_2730 = arith.constant 32 : index
      %get3A_2731 = tpu.vector_load %arg6[%get3A_2729, %get3A_2730] {strides = array<i32>} : memref<400x64xf32, #tpu.memory_space<vmem>>, vector<1x16xf32>,
      %get3A_2732 = vector.shape_cast %get3A_2731 : vector<1x16xf32> to vector<16xf32>
      %add3A_2733 = arith.addf %add3A_2709, %get3A_2732 : vector<16xf32>
      %get3A_2734 = arith.index_cast %add3A_2718 : i32 to index
      %get3A_2735 = arith.constant 48 : index
      %get3A_2736 = tpu.vector_load %arg6[%get3A_2734, %get3A_2735] {strides = array<i32>} : memref<400x64xf32, #tpu.memory_space<vmem>>, vector<1x16xf32>,
      %get3A_2737 = vector.shape_cast %get3A_2736 : vector<1x16xf32> to vector<16xf32>
      %add3A_2738 = arith.addf %add3A_2714, %get3A_2737 : vector<16xf32>
      %add3A_2739 = arith.constant 0 : i32
      %add3A_2740 = arith.addi %mul3A_2544, %add3A_2739 : i32
      %add3A_2741 = arith.constant 7 : i32
      %add3A_2742 = arith.addi %add3A_2740, %add3A_2741 : i32
      %get3A_2743 = arith.index_cast %add3A_2742 : i32 to index
      %get3A_2744 = arith.constant 0 : index
      %get3A_2745 = tpu.vector_load %arg6[%get3A_2743, %get3A_2744] {strides = array<i32>} : memref<400x64xf32, #tpu.memory_space<vmem>>, vector<1x16xf32>,
      %get3A_2746 = vector.shape_cast %get3A_2745 : vector<1x16xf32> to vector<16xf32>
      %add3A_2747 = arith.addf %add3A_2723, %get3A_2746 : vector<16xf32>
      %get3A_2748 = arith.index_cast %add3A_2742 : i32 to index
      %get3A_2749 = arith.constant 16 : index
      %get3A_2750 = tpu.vector_load %arg6[%get3A_2748, %get3A_2749] {strides = array<i32>} : memref<400x64xf32, #tpu.memory_space<vmem>>, vector<1x16xf32>,
      %get3A_2751 = vector.shape_cast %get3A_2750 : vector<1x16xf32> to vector<16xf32>
      %add3A_2752 = arith.addf %add3A_2728, %get3A_2751 : vector<16xf32>
      %get3A_2753 = arith.index_cast %add3A_2742 : i32 to index
      %get3A_2754 = arith.constant 32 : index
      %get3A_2755 = tpu.vector_load %arg6[%get3A_2753, %get3A_2754] {strides = array<i32>} : memref<400x64xf32, #tpu.memory_space<vmem>>, vector<1x16xf32>,
      %get3A_2756 = vector.shape_cast %get3A_2755 : vector<1x16xf32> to vector<16xf32>
      %add3A_2757 = arith.addf %add3A_2733, %get3A_2756 : vector<16xf32>
      %get3A_2758 = arith.index_cast %add3A_2742 : i32 to index
      %get3A_2759 = arith.constant 48 : index
      %get3A_2760 = tpu.vector_load %arg6[%get3A_2758, %get3A_2759] {strides = array<i32>} : memref<400x64xf32, #tpu.memory_space<vmem>>, vector<1x16xf32>,
      %get3A_2761 = vector.shape_cast %get3A_2760 : vector<1x16xf32> to vector<16xf32>
      %add3A_2762 = arith.addf %add3A_2738, %get3A_2761 : vector<16xf32>
      %add3A_2763 = arith.constant 0 : i32
      %add3A_2764 = arith.addi %mul3A_2544, %add3A_2763 : i32
      %add3A_2765 = arith.constant 8 : i32
      %add3A_2766 = arith.addi %add3A_2764, %add3A_2765 : i32
      %get3A_2767 = arith.index_cast %add3A_2766 : i32 to index
      %get3A_2768 = arith.constant 0 : index
      %get3A_2769 = tpu.vector_load %arg6[%get3A_2767, %get3A_2768] {strides = array<i32>} : memref<400x64xf32, #tpu.memory_space<vmem>>, vector<1x16xf32>,
      %get3A_2770 = vector.shape_cast %get3A_2769 : vector<1x16xf32> to vector<16xf32>
      %add3A_2771 = arith.addf %add3A_2747, %get3A_2770 : vector<16xf32>
      %get3A_2772 = arith.index_cast %add3A_2766 : i32 to index
      %get3A_2773 = arith.constant 16 : index
      %get3A_2774 = tpu.vector_load %arg6[%get3A_2772, %get3A_2773] {strides = array<i32>} : memref<400x64xf32, #tpu.memory_space<vmem>>, vector<1x16xf32>,
      %get3A_2775 = vector.shape_cast %get3A_2774 : vector<1x16xf32> to vector<16xf32>
      %add3A_2776 = arith.addf %add3A_2752, %get3A_2775 : vector<16xf32>
      %get3A_2777 = arith.index_cast %add3A_2766 : i32 to index
      %get3A_2778 = arith.constant 32 : index
      %get3A_2779 = tpu.vector_load %arg6[%get3A_2777, %get3A_2778] {strides = array<i32>} : memref<400x64xf32, #tpu.memory_space<vmem>>, vector<1x16xf32>,
      %get3A_2780 = vector.shape_cast %get3A_2779 : vector<1x16xf32> to vector<16xf32>
      %add3A_2781 = arith.addf %add3A_2757, %get3A_2780 : vector<16xf32>
      %get3A_2782 = arith.index_cast %add3A_2766 : i32 to index
      %get3A_2783 = arith.constant 48 : index
      %get3A_2784 = tpu.vector_load %arg6[%get3A_2782, %get3A_2783] {strides = array<i32>} : memref<400x64xf32, #tpu.memory_space<vmem>>, vector<1x16xf32>,
      %get3A_2785 = vector.shape_cast %get3A_2784 : vector<1x16xf32> to vector<16xf32>
      %add3A_2786 = arith.addf %add3A_2762, %get3A_2785 : vector<16xf32>
      %add3A_2787 = arith.constant 0 : i32
      %add3A_2788 = arith.addi %mul3A_2544, %add3A_2787 : i32
      %add3A_2789 = arith.constant 9 : i32
      %add3A_2790 = arith.addi %add3A_2788, %add3A_2789 : i32
      %get3A_2791 = arith.index_cast %add3A_2790 : i32 to index
      %get3A_2792 = arith.constant 0 : index
      %get3A_2793 = tpu.vector_load %arg6[%get3A_2791, %get3A_2792] {strides = array<i32>} : memref<400x64xf32, #tpu.memory_space<vmem>>, vector<1x16xf32>,
      %get3A_2794 = vector.shape_cast %get3A_2793 : vector<1x16xf32> to vector<16xf32>
      %add3A_2795 = arith.addf %add3A_2771, %get3A_2794 : vector<16xf32>
      %get3A_2796 = arith.index_cast %add3A_2790 : i32 to index
      %get3A_2797 = arith.constant 16 : index
      %get3A_2798 = tpu.vector_load %arg6[%get3A_2796, %get3A_2797] {strides = array<i32>} : memref<400x64xf32, #tpu.memory_space<vmem>>, vector<1x16xf32>,
      %get3A_2799 = vector.shape_cast %get3A_2798 : vector<1x16xf32> to vector<16xf32>
      %add3A_2800 = arith.addf %add3A_2776, %get3A_2799 : vector<16xf32>
      %get3A_2801 = arith.index_cast %add3A_2790 : i32 to index
      %get3A_2802 = arith.constant 32 : index
      %get3A_2803 = tpu.vector_load %arg6[%get3A_2801, %get3A_2802] {strides = array<i32>} : memref<400x64xf32, #tpu.memory_space<vmem>>, vector<1x16xf32>,
      %get3A_2804 = vector.shape_cast %get3A_2803 : vector<1x16xf32> to vector<16xf32>
      %add3A_2805 = arith.addf %add3A_2781, %get3A_2804 : vector<16xf32>
      %get3A_2806 = arith.index_cast %add3A_2790 : i32 to index
      %get3A_2807 = arith.constant 48 : index
      %get3A_2808 = tpu.vector_load %arg6[%get3A_2806, %get3A_2807] {strides = array<i32>} : memref<400x64xf32, #tpu.memory_space<vmem>>, vector<1x16xf32>,
      %get3A_2809 = vector.shape_cast %get3A_2808 : vector<1x16xf32> to vector<16xf32>
      %add3A_2810 = arith.addf %add3A_2786, %get3A_2809 : vector<16xf32>
      %add3A_2811 = arith.constant 0 : i32
      %add3A_2812 = arith.addi %mul3A_2544, %add3A_2811 : i32
      %add3A_2813 = arith.constant 10 : i32
      %add3A_2814 = arith.addi %add3A_2812, %add3A_2813 : i32
      %get3A_2815 = arith.index_cast %add3A_2814 : i32 to index
      %get3A_2816 = arith.constant 0 : index
      %get3A_2817 = tpu.vector_load %arg6[%get3A_2815, %get3A_2816] {strides = array<i32>} : memref<400x64xf32, #tpu.memory_space<vmem>>, vector<1x16xf32>,
      %get3A_2818 = vector.shape_cast %get3A_2817 : vector<1x16xf32> to vector<16xf32>
      %add3A_2819 = arith.addf %add3A_2795, %get3A_2818 : vector<16xf32>
      %get3A_2820 = arith.index_cast %add3A_2814 : i32 to index
      %get3A_2821 = arith.constant 16 : index
      %get3A_2822 = tpu.vector_load %arg6[%get3A_2820, %get3A_2821] {strides = array<i32>} : memref<400x64xf32, #tpu.memory_space<vmem>>, vector<1x16xf32>,
      %get3A_2823 = vector.shape_cast %get3A_2822 : vector<1x16xf32> to vector<16xf32>
      %add3A_2824 = arith.addf %add3A_2800, %get3A_2823 : vector<16xf32>
      %get3A_2825 = arith.index_cast %add3A_2814 : i32 to index
      %get3A_2826 = arith.constant 32 : index
      %get3A_2827 = tpu.vector_load %arg6[%get3A_2825, %get3A_2826] {strides = array<i32>} : memref<400x64xf32, #tpu.memory_space<vmem>>, vector<1x16xf32>,
      %get3A_2828 = vector.shape_cast %get3A_2827 : vector<1x16xf32> to vector<16xf32>
      %add3A_2829 = arith.addf %add3A_2805, %get3A_2828 : vector<16xf32>
      %get3A_2830 = arith.index_cast %add3A_2814 : i32 to index
      %get3A_2831 = arith.constant 48 : index
      %get3A_2832 = tpu.vector_load %arg6[%get3A_2830, %get3A_2831] {strides = array<i32>} : memref<400x64xf32, #tpu.memory_space<vmem>>, vector<1x16xf32>,
      %get3A_2833 = vector.shape_cast %get3A_2832 : vector<1x16xf32> to vector<16xf32>
      %add3A_2834 = arith.addf %add3A_2810, %get3A_2833 : vector<16xf32>
      %add3A_2835 = arith.constant 0 : i32
      %add3A_2836 = arith.addi %mul3A_2544, %add3A_2835 : i32
      %add3A_2837 = arith.constant 11 : i32
      %add3A_2838 = arith.addi %add3A_2836, %add3A_2837 : i32
      %get3A_2839 = arith.index_cast %add3A_2838 : i32 to index
      %get3A_2840 = arith.constant 0 : index
      %get3A_2841 = tpu.vector_load %arg6[%get3A_2839, %get3A_2840] {strides = array<i32>} : memref<400x64xf32, #tpu.memory_space<vmem>>, vector<1x16xf32>,
      %get3A_2842 = vector.shape_cast %get3A_2841 : vector<1x16xf32> to vector<16xf32>
      %add3A_2843 = arith.addf %add3A_2819, %get3A_2842 : vector<16xf32>
      %get3A_2844 = arith.index_cast %add3A_2838 : i32 to index
      %get3A_2845 = arith.constant 16 : index
      %get3A_2846 = tpu.vector_load %arg6[%get3A_2844, %get3A_2845] {strides = array<i32>} : memref<400x64xf32, #tpu.memory_space<vmem>>, vector<1x16xf32>,
      %get3A_2847 = vector.shape_cast %get3A_2846 : vector<1x16xf32> to vector<16xf32>
      %add3A_2848 = arith.addf %add3A_2824, %get3A_2847 : vector<16xf32>
      %get3A_2849 = arith.index_cast %add3A_2838 : i32 to index
      %get3A_2850 = arith.constant 32 : index
      %get3A_2851 = tpu.vector_load %arg6[%get3A_2849, %get3A_2850] {strides = array<i32>} : memref<400x64xf32, #tpu.memory_space<vmem>>, vector<1x16xf32>,
      %get3A_2852 = vector.shape_cast %get3A_2851 : vector<1x16xf32> to vector<16xf32>
      %add3A_2853 = arith.addf %add3A_2829, %get3A_2852 : vector<16xf32>
      %get3A_2854 = arith.index_cast %add3A_2838 : i32 to index
      %get3A_2855 = arith.constant 48 : index
      %get3A_2856 = tpu.vector_load %arg6[%get3A_2854, %get3A_2855] {strides = array<i32>} : memref<400x64xf32, #tpu.memory_space<vmem>>, vector<1x16xf32>,
      %get3A_2857 = vector.shape_cast %get3A_2856 : vector<1x16xf32> to vector<16xf32>
      %add3A_2858 = arith.addf %add3A_2834, %get3A_2857 : vector<16xf32>
      %add3A_2859 = arith.constant 0 : i32
      %add3A_2860 = arith.addi %mul3A_2544, %add3A_2859 : i32
      %add3A_2861 = arith.constant 12 : i32
      %add3A_2862 = arith.addi %add3A_2860, %add3A_2861 : i32
      %get3A_2863 = arith.index_cast %add3A_2862 : i32 to index
      %get3A_2864 = arith.constant 0 : index
      %get3A_2865 = tpu.vector_load %arg6[%get3A_2863, %get3A_2864] {strides = array<i32>} : memref<400x64xf32, #tpu.memory_space<vmem>>, vector<1x16xf32>,
      %get3A_2866 = vector.shape_cast %get3A_2865 : vector<1x16xf32> to vector<16xf32>
      %add3A_2867 = arith.addf %add3A_2843, %get3A_2866 : vector<16xf32>
      %get3A_2868 = arith.index_cast %add3A_2862 : i32 to index
      %get3A_2869 = arith.constant 16 : index
      %get3A_2870 = tpu.vector_load %arg6[%get3A_2868, %get3A_2869] {strides = array<i32>} : memref<400x64xf32, #tpu.memory_space<vmem>>, vector<1x16xf32>,
      %get3A_2871 = vector.shape_cast %get3A_2870 : vector<1x16xf32> to vector<16xf32>
      %add3A_2872 = arith.addf %add3A_2848, %get3A_2871 : vector<16xf32>
      %get3A_2873 = arith.index_cast %add3A_2862 : i32 to index
      %get3A_2874 = arith.constant 32 : index
      %get3A_2875 = tpu.vector_load %arg6[%get3A_2873, %get3A_2874] {strides = array<i32>} : memref<400x64xf32, #tpu.memory_space<vmem>>, vector<1x16xf32>,
      %get3A_2876 = vector.shape_cast %get3A_2875 : vector<1x16xf32> to vector<16xf32>
      %add3A_2877 = arith.addf %add3A_2853, %get3A_2876 : vector<16xf32>
      %get3A_2878 = arith.index_cast %add3A_2862 : i32 to index
      %get3A_2879 = arith.constant 48 : index
      %get3A_2880 = tpu.vector_load %arg6[%get3A_2878, %get3A_2879] {strides = array<i32>} : memref<400x64xf32, #tpu.memory_space<vmem>>, vector<1x16xf32>,
      %get3A_2881 = vector.shape_cast %get3A_2880 : vector<1x16xf32> to vector<16xf32>
      %add3A_2882 = arith.addf %add3A_2858, %get3A_2881 : vector<16xf32>
      %add3A_2883 = arith.constant 0 : i32
      %add3A_2884 = arith.addi %mul3A_2544, %add3A_2883 : i32
      %add3A_2885 = arith.constant 13 : i32
      %add3A_2886 = arith.addi %add3A_2884, %add3A_2885 : i32
      %get3A_2887 = arith.index_cast %add3A_2886 : i32 to index
      %get3A_2888 = arith.constant 0 : index
      %get3A_2889 = tpu.vector_load %arg6[%get3A_2887, %get3A_2888] {strides = array<i32>} : memref<400x64xf32, #tpu.memory_space<vmem>>, vector<1x16xf32>,
      %get3A_2890 = vector.shape_cast %get3A_2889 : vector<1x16xf32> to vector<16xf32>
      %add3A_2891 = arith.addf %add3A_2867, %get3A_2890 : vector<16xf32>
      %get3A_2892 = arith.index_cast %add3A_2886 : i32 to index
      %get3A_2893 = arith.constant 16 : index
      %get3A_2894 = tpu.vector_load %arg6[%get3A_2892, %get3A_2893] {strides = array<i32>} : memref<400x64xf32, #tpu.memory_space<vmem>>, vector<1x16xf32>,
      %get3A_2895 = vector.shape_cast %get3A_2894 : vector<1x16xf32> to vector<16xf32>
      %add3A_2896 = arith.addf %add3A_2872, %get3A_2895 : vector<16xf32>
      %get3A_2897 = arith.index_cast %add3A_2886 : i32 to index
      %get3A_2898 = arith.constant 32 : index
      %get3A_2899 = tpu.vector_load %arg6[%get3A_2897, %get3A_2898] {strides = array<i32>} : memref<400x64xf32, #tpu.memory_space<vmem>>, vector<1x16xf32>,
      %get3A_2900 = vector.shape_cast %get3A_2899 : vector<1x16xf32> to vector<16xf32>
      %add3A_2901 = arith.addf %add3A_2877, %get3A_2900 : vector<16xf32>
      %get3A_2902 = arith.index_cast %add3A_2886 : i32 to index
      %get3A_2903 = arith.constant 48 : index
      %get3A_2904 = tpu.vector_load %arg6[%get3A_2902, %get3A_2903] {strides = array<i32>} : memref<400x64xf32, #tpu.memory_space<vmem>>, vector<1x16xf32>,
      %get3A_2905 = vector.shape_cast %get3A_2904 : vector<1x16xf32> to vector<16xf32>
      %add3A_2906 = arith.addf %add3A_2882, %get3A_2905 : vector<16xf32>
      %add3A_2907 = arith.constant 0 : i32
      %add3A_2908 = arith.addi %mul3A_2544, %add3A_2907 : i32
      %add3A_2909 = arith.constant 14 : i32
      %add3A_2910 = arith.addi %add3A_2908, %add3A_2909 : i32
      %get3A_2911 = arith.index_cast %add3A_2910 : i32 to index
      %get3A_2912 = arith.constant 0 : index
      %get3A_2913 = tpu.vector_load %arg6[%get3A_2911, %get3A_2912] {strides = array<i32>} : memref<400x64xf32, #tpu.memory_space<vmem>>, vector<1x16xf32>,
      %get3A_2914 = vector.shape_cast %get3A_2913 : vector<1x16xf32> to vector<16xf32>
      %add3A_2915 = arith.addf %add3A_2891, %get3A_2914 : vector<16xf32>
      %get3A_2916 = arith.index_cast %add3A_2910 : i32 to index
      %get3A_2917 = arith.constant 16 : index
      %get3A_2918 = tpu.vector_load %arg6[%get3A_2916, %get3A_2917] {strides = array<i32>} : memref<400x64xf32, #tpu.memory_space<vmem>>, vector<1x16xf32>,
      %get3A_2919 = vector.shape_cast %get3A_2918 : vector<1x16xf32> to vector<16xf32>
      %add3A_2920 = arith.addf %add3A_2896, %get3A_2919 : vector<16xf32>
      %get3A_2921 = arith.index_cast %add3A_2910 : i32 to index
      %get3A_2922 = arith.constant 32 : index
      %get3A_2923 = tpu.vector_load %arg6[%get3A_2921, %get3A_2922] {strides = array<i32>} : memref<400x64xf32, #tpu.memory_space<vmem>>, vector<1x16xf32>,
      %get3A_2924 = vector.shape_cast %get3A_2923 : vector<1x16xf32> to vector<16xf32>
      %add3A_2925 = arith.addf %add3A_2901, %get3A_2924 : vector<16xf32>
      %get3A_2926 = arith.index_cast %add3A_2910 : i32 to index
      %get3A_2927 = arith.constant 48 : index
      %get3A_2928 = tpu.vector_load %arg6[%get3A_2926, %get3A_2927] {strides = array<i32>} : memref<400x64xf32, #tpu.memory_space<vmem>>, vector<1x16xf32>,
      %get3A_2929 = vector.shape_cast %get3A_2928 : vector<1x16xf32> to vector<16xf32>
      %add3A_2930 = arith.addf %add3A_2906, %get3A_2929 : vector<16xf32>
      %add3A_2931 = arith.constant 0 : i32
      %add3A_2932 = arith.addi %mul3A_2544, %add3A_2931 : i32
      %add3A_2933 = arith.constant 15 : i32
      %add3A_2934 = arith.addi %add3A_2932, %add3A_2933 : i32
      %get3A_2935 = arith.index_cast %add3A_2934 : i32 to index
      %get3A_2936 = arith.constant 0 : index
      %get3A_2937 = tpu.vector_load %arg6[%get3A_2935, %get3A_2936] {strides = array<i32>} : memref<400x64xf32, #tpu.memory_space<vmem>>, vector<1x16xf32>,
      %get3A_2938 = vector.shape_cast %get3A_2937 : vector<1x16xf32> to vector<16xf32>
      %add3A_2939 = arith.addf %add3A_2915, %get3A_2938 : vector<16xf32>
      %get3A_2940 = arith.index_cast %add3A_2934 : i32 to index
      %get3A_2941 = arith.constant 16 : index
      %get3A_2942 = tpu.vector_load %arg6[%get3A_2940, %get3A_2941] {strides = array<i32>} : memref<400x64xf32, #tpu.memory_space<vmem>>, vector<1x16xf32>,
      %get3A_2943 = vector.shape_cast %get3A_2942 : vector<1x16xf32> to vector<16xf32>
      %add3A_2944 = arith.addf %add3A_2920, %get3A_2943 : vector<16xf32>
      %get3A_2945 = arith.index_cast %add3A_2934 : i32 to index
      %get3A_2946 = arith.constant 32 : index
      %get3A_2947 = tpu.vector_load %arg6[%get3A_2945, %get3A_2946] {strides = array<i32>} : memref<400x64xf32, #tpu.memory_space<vmem>>, vector<1x16xf32>,
      %get3A_2948 = vector.shape_cast %get3A_2947 : vector<1x16xf32> to vector<16xf32>
      %add3A_2949 = arith.addf %add3A_2925, %get3A_2948 : vector<16xf32>
      %get3A_2950 = arith.index_cast %add3A_2934 : i32 to index
      %get3A_2951 = arith.constant 48 : index
      %get3A_2952 = tpu.vector_load %arg6[%get3A_2950, %get3A_2951] {strides = array<i32>} : memref<400x64xf32, #tpu.memory_space<vmem>>, vector<1x16xf32>,
      %get3A_2953 = vector.shape_cast %get3A_2952 : vector<1x16xf32> to vector<16xf32>
      %add3A_2954 = arith.addf %add3A_2930, %get3A_2953 : vector<16xf32>
      %add3A_2955 = arith.constant 0 : i32
      %add3A_2956 = arith.addi %mul3A_2544, %add3A_2955 : i32
      %add3A_2957 = arith.constant 16 : i32
      %add3A_2958 = arith.addi %add3A_2956, %add3A_2957 : i32
      %get3A_2959 = arith.index_cast %add3A_2958 : i32 to index
      %get3A_2960 = arith.constant 0 : index
      %get3A_2961 = tpu.vector_load %arg6[%get3A_2959, %get3A_2960] {strides = array<i32>} : memref<400x64xf32, #tpu.memory_space<vmem>>, vector<1x16xf32>,
      %get3A_2962 = vector.shape_cast %get3A_2961 : vector<1x16xf32> to vector<16xf32>
      %add3A_2963 = arith.addf %add3A_2939, %get3A_2962 : vector<16xf32>
      %get3A_2964 = arith.index_cast %add3A_2958 : i32 to index
      %get3A_2965 = arith.constant 16 : index
      %get3A_2966 = tpu.vector_load %arg6[%get3A_2964, %get3A_2965] {strides = array<i32>} : memref<400x64xf32, #tpu.memory_space<vmem>>, vector<1x16xf32>,
      %get3A_2967 = vector.shape_cast %get3A_2966 : vector<1x16xf32> to vector<16xf32>
      %add3A_2968 = arith.addf %add3A_2944, %get3A_2967 : vector<16xf32>
      %get3A_2969 = arith.index_cast %add3A_2958 : i32 to index
      %get3A_2970 = arith.constant 32 : index
      %get3A_2971 = tpu.vector_load %arg6[%get3A_2969, %get3A_2970] {strides = array<i32>} : memref<400x64xf32, #tpu.memory_space<vmem>>, vector<1x16xf32>,
      %get3A_2972 = vector.shape_cast %get3A_2971 : vector<1x16xf32> to vector<16xf32>
      %add3A_2973 = arith.addf %add3A_2949, %get3A_2972 : vector<16xf32>
      %get3A_2974 = arith.index_cast %add3A_2958 : i32 to index
      %get3A_2975 = arith.constant 48 : index
      %get3A_2976 = tpu.vector_load %arg6[%get3A_2974, %get3A_2975] {strides = array<i32>} : memref<400x64xf32, #tpu.memory_space<vmem>>, vector<1x16xf32>,
      %get3A_2977 = vector.shape_cast %get3A_2976 : vector<1x16xf32> to vector<16xf32>
      %add3A_2978 = arith.addf %add3A_2954, %get3A_2977 : vector<16xf32>
      %add3A_2979 = arith.constant 0 : i32
      %add3A_2980 = arith.addi %mul3A_2544, %add3A_2979 : i32
      %add3A_2981 = arith.constant 17 : i32
      %add3A_2982 = arith.addi %add3A_2980, %add3A_2981 : i32
      %get3A_2983 = arith.index_cast %add3A_2982 : i32 to index
      %get3A_2984 = arith.constant 0 : index
      %get3A_2985 = tpu.vector_load %arg6[%get3A_2983, %get3A_2984] {strides = array<i32>} : memref<400x64xf32, #tpu.memory_space<vmem>>, vector<1x16xf32>,
      %get3A_2986 = vector.shape_cast %get3A_2985 : vector<1x16xf32> to vector<16xf32>
      %add3A_2987 = arith.addf %add3A_2963, %get3A_2986 : vector<16xf32>
      %get3A_2988 = arith.index_cast %add3A_2982 : i32 to index
      %get3A_2989 = arith.constant 16 : index
      %get3A_2990 = tpu.vector_load %arg6[%get3A_2988, %get3A_2989] {strides = array<i32>} : memref<400x64xf32, #tpu.memory_space<vmem>>, vector<1x16xf32>,
      %get3A_2991 = vector.shape_cast %get3A_2990 : vector<1x16xf32> to vector<16xf32>
      %add3A_2992 = arith.addf %add3A_2968, %get3A_2991 : vector<16xf32>
      %get3A_2993 = arith.index_cast %add3A_2982 : i32 to index
      %get3A_2994 = arith.constant 32 : index
      %get3A_2995 = tpu.vector_load %arg6[%get3A_2993, %get3A_2994] {strides = array<i32>} : memref<400x64xf32, #tpu.memory_space<vmem>>, vector<1x16xf32>,
      %get3A_2996 = vector.shape_cast %get3A_2995 : vector<1x16xf32> to vector<16xf32>
      %add3A_2997 = arith.addf %add3A_2973, %get3A_2996 : vector<16xf32>
      %get3A_2998 = arith.index_cast %add3A_2982 : i32 to index
      %get3A_2999 = arith.constant 48 : index
      %get3A_3000 = tpu.vector_load %arg6[%get3A_2998, %get3A_2999] {strides = array<i32>} : memref<400x64xf32, #tpu.memory_space<vmem>>, vector<1x16xf32>,
      %get3A_3001 = vector.shape_cast %get3A_3000 : vector<1x16xf32> to vector<16xf32>
      %add3A_3002 = arith.addf %add3A_2978, %get3A_3001 : vector<16xf32>
      %add3A_3003 = arith.constant 0 : i32
      %add3A_3004 = arith.addi %mul3A_2544, %add3A_3003 : i32
      %add3A_3005 = arith.constant 18 : i32
      %add3A_3006 = arith.addi %add3A_3004, %add3A_3005 : i32
      %get3A_3007 = arith.index_cast %add3A_3006 : i32 to index
      %get3A_3008 = arith.constant 0 : index
      %get3A_3009 = tpu.vector_load %arg6[%get3A_3007, %get3A_3008] {strides = array<i32>} : memref<400x64xf32, #tpu.memory_space<vmem>>, vector<1x16xf32>,
      %get3A_3010 = vector.shape_cast %get3A_3009 : vector<1x16xf32> to vector<16xf32>
      %add3A_3011 = arith.addf %add3A_2987, %get3A_3010 : vector<16xf32>
      %get3A_3012 = arith.index_cast %add3A_3006 : i32 to index
      %get3A_3013 = arith.constant 16 : index
      %get3A_3014 = tpu.vector_load %arg6[%get3A_3012, %get3A_3013] {strides = array<i32>} : memref<400x64xf32, #tpu.memory_space<vmem>>, vector<1x16xf32>,
      %get3A_3015 = vector.shape_cast %get3A_3014 : vector<1x16xf32> to vector<16xf32>
      %add3A_3016 = arith.addf %add3A_2992, %get3A_3015 : vector<16xf32>
      %get3A_3017 = arith.index_cast %add3A_3006 : i32 to index
      %get3A_3018 = arith.constant 32 : index
      %get3A_3019 = tpu.vector_load %arg6[%get3A_3017, %get3A_3018] {strides = array<i32>} : memref<400x64xf32, #tpu.memory_space<vmem>>, vector<1x16xf32>,
      %get3A_3020 = vector.shape_cast %get3A_3019 : vector<1x16xf32> to vector<16xf32>
      %add3A_3021 = arith.addf %add3A_2997, %get3A_3020 : vector<16xf32>
      %get3A_3022 = arith.index_cast %add3A_3006 : i32 to index
      %get3A_3023 = arith.constant 48 : index
      %get3A_3024 = tpu.vector_load %arg6[%get3A_3022, %get3A_3023] {strides = array<i32>} : memref<400x64xf32, #tpu.memory_space<vmem>>, vector<1x16xf32>,
      %get3A_3025 = vector.shape_cast %get3A_3024 : vector<1x16xf32> to vector<16xf32>
      %add3A_3026 = arith.addf %add3A_3002, %get3A_3025 : vector<16xf32>
      %add3A_3027 = arith.constant 0 : i32
      %add3A_3028 = arith.addi %mul3A_2544, %add3A_3027 : i32
      %add3A_3029 = arith.constant 19 : i32
      %add3A_3030 = arith.addi %add3A_3028, %add3A_3029 : i32
      %get3A_3031 = arith.index_cast %add3A_3030 : i32 to index
      %get3A_3032 = arith.constant 0 : index
      %get3A_3033 = tpu.vector_load %arg6[%get3A_3031, %get3A_3032] {strides = array<i32>} : memref<400x64xf32, #tpu.memory_space<vmem>>, vector<1x16xf32>,
      %get3A_3034 = vector.shape_cast %get3A_3033 : vector<1x16xf32> to vector<16xf32>
      %add3A_3035 = arith.addf %add3A_3011, %get3A_3034 : vector<16xf32>
      %get3A_3036 = arith.index_cast %add3A_3030 : i32 to index
      %get3A_3037 = arith.constant 16 : index
      %get3A_3038 = tpu.vector_load %arg6[%get3A_3036, %get3A_3037] {strides = array<i32>} : memref<400x64xf32, #tpu.memory_space<vmem>>, vector<1x16xf32>,
      %get3A_3039 = vector.shape_cast %get3A_3038 : vector<1x16xf32> to vector<16xf32>
      %add3A_3040 = arith.addf %add3A_3016, %get3A_3039 : vector<16xf32>
      %get3A_3041 = arith.index_cast %add3A_3030 : i32 to index
      %get3A_3042 = arith.constant 32 : index
      %get3A_3043 = tpu.vector_load %arg6[%get3A_3041, %get3A_3042] {strides = array<i32>} : memref<400x64xf32, #tpu.memory_space<vmem>>, vector<1x16xf32>,
      %get3A_3044 = vector.shape_cast %get3A_3043 : vector<1x16xf32> to vector<16xf32>
      %add3A_3045 = arith.addf %add3A_3021, %get3A_3044 : vector<16xf32>
      %get3A_3046 = arith.index_cast %add3A_3030 : i32 to index
      %get3A_3047 = arith.constant 48 : index
      %get3A_3048 = tpu.vector_load %arg6[%get3A_3046, %get3A_3047] {strides = array<i32>} : memref<400x64xf32, #tpu.memory_space<vmem>>, vector<1x16xf32>,
      %get3A_3049 = vector.shape_cast %get3A_3048 : vector<1x16xf32> to vector<16xf32>
      %add3A_3050 = arith.addf %add3A_3026, %get3A_3049 : vector<16xf32>
      %add3A_3051 = arith.constant 0 : i32
      %add3A_3052 = arith.addi %mul3A_2544, %add3A_3051 : i32
      %add3A_3053 = arith.constant 20 : i32
      %add3A_3054 = arith.addi %add3A_3052, %add3A_3053 : i32
      %get3A_3055 = arith.index_cast %add3A_3054 : i32 to index
      %get3A_3056 = arith.constant 0 : index
      %get3A_3057 = tpu.vector_load %arg6[%get3A_3055, %get3A_3056] {strides = array<i32>} : memref<400x64xf32, #tpu.memory_space<vmem>>, vector<1x16xf32>,
      %get3A_3058 = vector.shape_cast %get3A_3057 : vector<1x16xf32> to vector<16xf32>
      %add3A_3059 = arith.addf %add3A_3035, %get3A_3058 : vector<16xf32>
      %get3A_3060 = arith.index_cast %add3A_3054 : i32 to index
      %get3A_3061 = arith.constant 16 : index
      %get3A_3062 = tpu.vector_load %arg6[%get3A_3060, %get3A_3061] {strides = array<i32>} : memref<400x64xf32, #tpu.memory_space<vmem>>, vector<1x16xf32>,
      %get3A_3063 = vector.shape_cast %get3A_3062 : vector<1x16xf32> to vector<16xf32>
      %add3A_3064 = arith.addf %add3A_3040, %get3A_3063 : vector<16xf32>
      %get3A_3065 = arith.index_cast %add3A_3054 : i32 to index
      %get3A_3066 = arith.constant 32 : index
      %get3A_3067 = tpu.vector_load %arg6[%get3A_3065, %get3A_3066] {strides = array<i32>} : memref<400x64xf32, #tpu.memory_space<vmem>>, vector<1x16xf32>,
      %get3A_3068 = vector.shape_cast %get3A_3067 : vector<1x16xf32> to vector<16xf32>
      %add3A_3069 = arith.addf %add3A_3045, %get3A_3068 : vector<16xf32>
      %get3A_3070 = arith.index_cast %add3A_3054 : i32 to index
      %get3A_3071 = arith.constant 48 : index
      %get3A_3072 = tpu.vector_load %arg6[%get3A_3070, %get3A_3071] {strides = array<i32>} : memref<400x64xf32, #tpu.memory_space<vmem>>, vector<1x16xf32>,
      %get3A_3073 = vector.shape_cast %get3A_3072 : vector<1x16xf32> to vector<16xf32>
      %add3A_3074 = arith.addf %add3A_3050, %get3A_3073 : vector<16xf32>
      %add3A_3075 = arith.constant 0 : i32
      %add3A_3076 = arith.addi %mul3A_2544, %add3A_3075 : i32
      %add3A_3077 = arith.constant 21 : i32
      %add3A_3078 = arith.addi %add3A_3076, %add3A_3077 : i32
      %get3A_3079 = arith.index_cast %add3A_3078 : i32 to index
      %get3A_3080 = arith.constant 0 : index
      %get3A_3081 = tpu.vector_load %arg6[%get3A_3079, %get3A_3080] {strides = array<i32>} : memref<400x64xf32, #tpu.memory_space<vmem>>, vector<1x16xf32>,
      %get3A_3082 = vector.shape_cast %get3A_3081 : vector<1x16xf32> to vector<16xf32>
      %add3A_3083 = arith.addf %add3A_3059, %get3A_3082 : vector<16xf32>
      %get3A_3084 = arith.index_cast %add3A_3078 : i32 to index
      %get3A_3085 = arith.constant 16 : index
      %get3A_3086 = tpu.vector_load %arg6[%get3A_3084, %get3A_3085] {strides = array<i32>} : memref<400x64xf32, #tpu.memory_space<vmem>>, vector<1x16xf32>,
      %get3A_3087 = vector.shape_cast %get3A_3086 : vector<1x16xf32> to vector<16xf32>
      %add3A_3088 = arith.addf %add3A_3064, %get3A_3087 : vector<16xf32>
      %get3A_3089 = arith.index_cast %add3A_3078 : i32 to index
      %get3A_3090 = arith.constant 32 : index
      %get3A_3091 = tpu.vector_load %arg6[%get3A_3089, %get3A_3090] {strides = array<i32>} : memref<400x64xf32, #tpu.memory_space<vmem>>, vector<1x16xf32>,
      %get3A_3092 = vector.shape_cast %get3A_3091 : vector<1x16xf32> to vector<16xf32>
      %add3A_3093 = arith.addf %add3A_3069, %get3A_3092 : vector<16xf32>
      %get3A_3094 = arith.index_cast %add3A_3078 : i32 to index
      %get3A_3095 = arith.constant 48 : index
      %get3A_3096 = tpu.vector_load %arg6[%get3A_3094, %get3A_3095] {strides = array<i32>} : memref<400x64xf32, #tpu.memory_space<vmem>>, vector<1x16xf32>,
      %get3A_3097 = vector.shape_cast %get3A_3096 : vector<1x16xf32> to vector<16xf32>
      %add3A_3098 = arith.addf %add3A_3074, %get3A_3097 : vector<16xf32>
      %add3A_3099 = arith.constant 0 : i32
      %add3A_3100 = arith.addi %mul3A_2544, %add3A_3099 : i32
      %add3A_3101 = arith.constant 22 : i32
      %add3A_3102 = arith.addi %add3A_3100, %add3A_3101 : i32
      %get3A_3103 = arith.index_cast %add3A_3102 : i32 to index
      %get3A_3104 = arith.constant 0 : index
      %get3A_3105 = tpu.vector_load %arg6[%get3A_3103, %get3A_3104] {strides = array<i32>} : memref<400x64xf32, #tpu.memory_space<vmem>>, vector<1x16xf32>,
      %get3A_3106 = vector.shape_cast %get3A_3105 : vector<1x16xf32> to vector<16xf32>
      %add3A_3107 = arith.addf %add3A_3083, %get3A_3106 : vector<16xf32>
      %get3A_3108 = arith.index_cast %add3A_3102 : i32 to index
      %get3A_3109 = arith.constant 16 : index
      %get3A_3110 = tpu.vector_load %arg6[%get3A_3108, %get3A_3109] {strides = array<i32>} : memref<400x64xf32, #tpu.memory_space<vmem>>, vector<1x16xf32>,
      %get3A_3111 = vector.shape_cast %get3A_3110 : vector<1x16xf32> to vector<16xf32>
      %add3A_3112 = arith.addf %add3A_3088, %get3A_3111 : vector<16xf32>
      %get3A_3113 = arith.index_cast %add3A_3102 : i32 to index
      %get3A_3114 = arith.constant 32 : index
      %get3A_3115 = tpu.vector_load %arg6[%get3A_3113, %get3A_3114] {strides = array<i32>} : memref<400x64xf32, #tpu.memory_space<vmem>>, vector<1x16xf32>,
      %get3A_3116 = vector.shape_cast %get3A_3115 : vector<1x16xf32> to vector<16xf32>
      %add3A_3117 = arith.addf %add3A_3093, %get3A_3116 : vector<16xf32>
      %get3A_3118 = arith.index_cast %add3A_3102 : i32 to index
      %get3A_3119 = arith.constant 48 : index
      %get3A_3120 = tpu.vector_load %arg6[%get3A_3118, %get3A_3119] {strides = array<i32>} : memref<400x64xf32, #tpu.memory_space<vmem>>, vector<1x16xf32>,
      %get3A_3121 = vector.shape_cast %get3A_3120 : vector<1x16xf32> to vector<16xf32>
      %add3A_3122 = arith.addf %add3A_3098, %get3A_3121 : vector<16xf32>
      %add3A_3123 = arith.constant 0 : i32
      %add3A_3124 = arith.addi %mul3A_2544, %add3A_3123 : i32
      %add3A_3125 = arith.constant 23 : i32
      %add3A_3126 = arith.addi %add3A_3124, %add3A_3125 : i32
      %get3A_3127 = arith.index_cast %add3A_3126 : i32 to index
      %get3A_3128 = arith.constant 0 : index
      %get3A_3129 = tpu.vector_load %arg6[%get3A_3127, %get3A_3128] {strides = array<i32>} : memref<400x64xf32, #tpu.memory_space<vmem>>, vector<1x16xf32>,
      %get3A_3130 = vector.shape_cast %get3A_3129 : vector<1x16xf32> to vector<16xf32>
      %add3A_3131 = arith.addf %add3A_3107, %get3A_3130 : vector<16xf32>
      %get3A_3132 = arith.index_cast %add3A_3126 : i32 to index
      %get3A_3133 = arith.constant 16 : index
      %get3A_3134 = tpu.vector_load %arg6[%get3A_3132, %get3A_3133] {strides = array<i32>} : memref<400x64xf32, #tpu.memory_space<vmem>>, vector<1x16xf32>,
      %get3A_3135 = vector.shape_cast %get3A_3134 : vector<1x16xf32> to vector<16xf32>
      %add3A_3136 = arith.addf %add3A_3112, %get3A_3135 : vector<16xf32>
      %get3A_3137 = arith.index_cast %add3A_3126 : i32 to index
      %get3A_3138 = arith.constant 32 : index
      %get3A_3139 = tpu.vector_load %arg6[%get3A_3137, %get3A_3138] {strides = array<i32>} : memref<400x64xf32, #tpu.memory_space<vmem>>, vector<1x16xf32>,
      %get3A_3140 = vector.shape_cast %get3A_3139 : vector<1x16xf32> to vector<16xf32>
      %add3A_3141 = arith.addf %add3A_3117, %get3A_3140 : vector<16xf32>
      %get3A_3142 = arith.index_cast %add3A_3126 : i32 to index
      %get3A_3143 = arith.constant 48 : index
      %get3A_3144 = tpu.vector_load %arg6[%get3A_3142, %get3A_3143] {strides = array<i32>} : memref<400x64xf32, #tpu.memory_space<vmem>>, vector<1x16xf32>,
      %get3A_3145 = vector.shape_cast %get3A_3144 : vector<1x16xf32> to vector<16xf32>
      %add3A_3146 = arith.addf %add3A_3122, %get3A_3145 : vector<16xf32>
      %add3A_3147 = arith.constant 0 : i32
      %add3A_3148 = arith.addi %mul3A_2544, %add3A_3147 : i32
      %add3A_3149 = arith.constant 24 : i32
      %add3A_3150 = arith.addi %add3A_3148, %add3A_3149 : i32
      %get3A_3151 = arith.index_cast %add3A_3150 : i32 to index
      %get3A_3152 = arith.constant 0 : index
      %get3A_3153 = tpu.vector_load %arg6[%get3A_3151, %get3A_3152] {strides = array<i32>} : memref<400x64xf32, #tpu.memory_space<vmem>>, vector<1x16xf32>,
      %get3A_3154 = vector.shape_cast %get3A_3153 : vector<1x16xf32> to vector<16xf32>
      %add3A_3155 = arith.addf %add3A_3131, %get3A_3154 : vector<16xf32>
      %get3A_3156 = arith.index_cast %add3A_3150 : i32 to index
      %get3A_3157 = arith.constant 16 : index
      %get3A_3158 = tpu.vector_load %arg6[%get3A_3156, %get3A_3157] {strides = array<i32>} : memref<400x64xf32, #tpu.memory_space<vmem>>, vector<1x16xf32>,
      %get3A_3159 = vector.shape_cast %get3A_3158 : vector<1x16xf32> to vector<16xf32>
      %add3A_3160 = arith.addf %add3A_3136, %get3A_3159 : vector<16xf32>
      %get3A_3161 = arith.index_cast %add3A_3150 : i32 to index
      %get3A_3162 = arith.constant 32 : index
      %get3A_3163 = tpu.vector_load %arg6[%get3A_3161, %get3A_3162] {strides = array<i32>} : memref<400x64xf32, #tpu.memory_space<vmem>>, vector<1x16xf32>,
      %get3A_3164 = vector.shape_cast %get3A_3163 : vector<1x16xf32> to vector<16xf32>
      %add3A_3165 = arith.addf %add3A_3141, %get3A_3164 : vector<16xf32>
      %get3A_3166 = arith.index_cast %add3A_3150 : i32 to index
      %get3A_3167 = arith.constant 48 : index
      %get3A_3168 = tpu.vector_load %arg6[%get3A_3166, %get3A_3167] {strides = array<i32>} : memref<400x64xf32, #tpu.memory_space<vmem>>, vector<1x16xf32>,
      %get3A_3169 = vector.shape_cast %get3A_3168 : vector<1x16xf32> to vector<16xf32>
      %add3A_3170 = arith.addf %add3A_3146, %get3A_3169 : vector<16xf32>
      %add3A_3171 = arith.constant 0 : i32
      %add3A_3172 = arith.addi %mul3A_2544, %add3A_3171 : i32
      %add3A_3173 = arith.constant 25 : i32
      %add3A_3174 = arith.addi %add3A_3172, %add3A_3173 : i32
      %get3A_3175 = arith.index_cast %add3A_3174 : i32 to index
      %get3A_3176 = arith.constant 0 : index
      %get3A_3177 = tpu.vector_load %arg6[%get3A_3175, %get3A_3176] {strides = array<i32>} : memref<400x64xf32, #tpu.memory_space<vmem>>, vector<1x16xf32>,
      %get3A_3178 = vector.shape_cast %get3A_3177 : vector<1x16xf32> to vector<16xf32>
      %add3A_3179 = arith.addf %add3A_3155, %get3A_3178 : vector<16xf32>
      %get3A_3180 = arith.index_cast %add3A_3174 : i32 to index
      %get3A_3181 = arith.constant 16 : index
      %get3A_3182 = tpu.vector_load %arg6[%get3A_3180, %get3A_3181] {strides = array<i32>} : memref<400x64xf32, #tpu.memory_space<vmem>>, vector<1x16xf32>,
      %get3A_3183 = vector.shape_cast %get3A_3182 : vector<1x16xf32> to vector<16xf32>
      %add3A_3184 = arith.addf %add3A_3160, %get3A_3183 : vector<16xf32>
      %get3A_3185 = arith.index_cast %add3A_3174 : i32 to index
      %get3A_3186 = arith.constant 32 : index
      %get3A_3187 = tpu.vector_load %arg6[%get3A_3185, %get3A_3186] {strides = array<i32>} : memref<400x64xf32, #tpu.memory_space<vmem>>, vector<1x16xf32>,
      %get3A_3188 = vector.shape_cast %get3A_3187 : vector<1x16xf32> to vector<16xf32>
      %add3A_3189 = arith.addf %add3A_3165, %get3A_3188 : vector<16xf32>
      %get3A_3190 = arith.index_cast %add3A_3174 : i32 to index
      %get3A_3191 = arith.constant 48 : index
      %get3A_3192 = tpu.vector_load %arg6[%get3A_3190, %get3A_3191] {strides = array<i32>} : memref<400x64xf32, #tpu.memory_space<vmem>>, vector<1x16xf32>,
      %get3A_3193 = vector.shape_cast %get3A_3192 : vector<1x16xf32> to vector<16xf32>
      %add3A_3194 = arith.addf %add3A_3170, %get3A_3193 : vector<16xf32>
      %add3A_3195 = arith.constant 0 : i32
      %add3A_3196 = arith.addi %mul3A_2544, %add3A_3195 : i32
      %add3A_3197 = arith.constant 26 : i32
      %add3A_3198 = arith.addi %add3A_3196, %add3A_3197 : i32
      %get3A_3199 = arith.index_cast %add3A_3198 : i32 to index
      %get3A_3200 = arith.constant 0 : index
      %get3A_3201 = tpu.vector_load %arg6[%get3A_3199, %get3A_3200] {strides = array<i32>} : memref<400x64xf32, #tpu.memory_space<vmem>>, vector<1x16xf32>,
      %get3A_3202 = vector.shape_cast %get3A_3201 : vector<1x16xf32> to vector<16xf32>
      %add3A_3203 = arith.addf %add3A_3179, %get3A_3202 : vector<16xf32>
      %get3A_3204 = arith.index_cast %add3A_3198 : i32 to index
      %get3A_3205 = arith.constant 16 : index
      %get3A_3206 = tpu.vector_load %arg6[%get3A_3204, %get3A_3205] {strides = array<i32>} : memref<400x64xf32, #tpu.memory_space<vmem>>, vector<1x16xf32>,
      %get3A_3207 = vector.shape_cast %get3A_3206 : vector<1x16xf32> to vector<16xf32>
      %add3A_3208 = arith.addf %add3A_3184, %get3A_3207 : vector<16xf32>
      %get3A_3209 = arith.index_cast %add3A_3198 : i32 to index
      %get3A_3210 = arith.constant 32 : index
      %get3A_3211 = tpu.vector_load %arg6[%get3A_3209, %get3A_3210] {strides = array<i32>} : memref<400x64xf32, #tpu.memory_space<vmem>>, vector<1x16xf32>,
      %get3A_3212 = vector.shape_cast %get3A_3211 : vector<1x16xf32> to vector<16xf32>
      %add3A_3213 = arith.addf %add3A_3189, %get3A_3212 : vector<16xf32>
      %get3A_3214 = arith.index_cast %add3A_3198 : i32 to index
      %get3A_3215 = arith.constant 48 : index
      %get3A_3216 = tpu.vector_load %arg6[%get3A_3214, %get3A_3215] {strides = array<i32>} : memref<400x64xf32, #tpu.memory_space<vmem>>, vector<1x16xf32>,
      %get3A_3217 = vector.shape_cast %get3A_3216 : vector<1x16xf32> to vector<16xf32>
      %add3A_3218 = arith.addf %add3A_3194, %get3A_3217 : vector<16xf32>
      %add3A_3219 = arith.constant 0 : i32
      %add3A_3220 = arith.addi %mul3A_2544, %add3A_3219 : i32
      %add3A_3221 = arith.constant 27 : i32
      %add3A_3222 = arith.addi %add3A_3220, %add3A_3221 : i32
      %get3A_3223 = arith.index_cast %add3A_3222 : i32 to index
      %get3A_3224 = arith.constant 0 : index
      %get3A_3225 = tpu.vector_load %arg6[%get3A_3223, %get3A_3224] {strides = array<i32>} : memref<400x64xf32, #tpu.memory_space<vmem>>, vector<1x16xf32>,
      %get3A_3226 = vector.shape_cast %get3A_3225 : vector<1x16xf32> to vector<16xf32>
      %add3A_3227 = arith.addf %add3A_3203, %get3A_3226 : vector<16xf32>
      %get3A_3228 = arith.index_cast %add3A_3222 : i32 to index
      %get3A_3229 = arith.constant 16 : index
      %get3A_3230 = tpu.vector_load %arg6[%get3A_3228, %get3A_3229] {strides = array<i32>} : memref<400x64xf32, #tpu.memory_space<vmem>>, vector<1x16xf32>,
      %get3A_3231 = vector.shape_cast %get3A_3230 : vector<1x16xf32> to vector<16xf32>
      %add3A_3232 = arith.addf %add3A_3208, %get3A_3231 : vector<16xf32>
      %get3A_3233 = arith.index_cast %add3A_3222 : i32 to index
      %get3A_3234 = arith.constant 32 : index
      %get3A_3235 = tpu.vector_load %arg6[%get3A_3233, %get3A_3234] {strides = array<i32>} : memref<400x64xf32, #tpu.memory_space<vmem>>, vector<1x16xf32>,
      %get3A_3236 = vector.shape_cast %get3A_3235 : vector<1x16xf32> to vector<16xf32>
      %add3A_3237 = arith.addf %add3A_3213, %get3A_3236 : vector<16xf32>
      %get3A_3238 = arith.index_cast %add3A_3222 : i32 to index
      %get3A_3239 = arith.constant 48 : index
      %get3A_3240 = tpu.vector_load %arg6[%get3A_3238, %get3A_3239] {strides = array<i32>} : memref<400x64xf32, #tpu.memory_space<vmem>>, vector<1x16xf32>,
      %get3A_3241 = vector.shape_cast %get3A_3240 : vector<1x16xf32> to vector<16xf32>
      %add3A_3242 = arith.addf %add3A_3218, %get3A_3241 : vector<16xf32>
      %add3A_3243 = arith.constant 0 : i32
      %add3A_3244 = arith.addi %mul3A_2544, %add3A_3243 : i32
      %add3A_3245 = arith.constant 28 : i32
      %add3A_3246 = arith.addi %add3A_3244, %add3A_3245 : i32
      %get3A_3247 = arith.index_cast %add3A_3246 : i32 to index
      %get3A_3248 = arith.constant 0 : index
      %get3A_3249 = tpu.vector_load %arg6[%get3A_3247, %get3A_3248] {strides = array<i32>} : memref<400x64xf32, #tpu.memory_space<vmem>>, vector<1x16xf32>,
      %get3A_3250 = vector.shape_cast %get3A_3249 : vector<1x16xf32> to vector<16xf32>
      %add3A_3251 = arith.addf %add3A_3227, %get3A_3250 : vector<16xf32>
      %get3A_3252 = arith.index_cast %add3A_3246 : i32 to index
      %get3A_3253 = arith.constant 16 : index
      %get3A_3254 = tpu.vector_load %arg6[%get3A_3252, %get3A_3253] {strides = array<i32>} : memref<400x64xf32, #tpu.memory_space<vmem>>, vector<1x16xf32>,
      %get3A_3255 = vector.shape_cast %get3A_3254 : vector<1x16xf32> to vector<16xf32>
      %add3A_3256 = arith.addf %add3A_3232, %get3A_3255 : vector<16xf32>
      %get3A_3257 = arith.index_cast %add3A_3246 : i32 to index
      %get3A_3258 = arith.constant 32 : index
      %get3A_3259 = tpu.vector_load %arg6[%get3A_3257, %get3A_3258] {strides = array<i32>} : memref<400x64xf32, #tpu.memory_space<vmem>>, vector<1x16xf32>,
      %get3A_3260 = vector.shape_cast %get3A_3259 : vector<1x16xf32> to vector<16xf32>
      %add3A_3261 = arith.addf %add3A_3237, %get3A_3260 : vector<16xf32>
      %get3A_3262 = arith.index_cast %add3A_3246 : i32 to index
      %get3A_3263 = arith.constant 48 : index
      %get3A_3264 = tpu.vector_load %arg6[%get3A_3262, %get3A_3263] {strides = array<i32>} : memref<400x64xf32, #tpu.memory_space<vmem>>, vector<1x16xf32>,
      %get3A_3265 = vector.shape_cast %get3A_3264 : vector<1x16xf32> to vector<16xf32>
      %add3A_3266 = arith.addf %add3A_3242, %get3A_3265 : vector<16xf32>
      %add3A_3267 = arith.constant 0 : i32
      %add3A_3268 = arith.addi %mul3A_2544, %add3A_3267 : i32
      %add3A_3269 = arith.constant 29 : i32
      %add3A_3270 = arith.addi %add3A_3268, %add3A_3269 : i32
      %get3A_3271 = arith.index_cast %add3A_3270 : i32 to index
      %get3A_3272 = arith.constant 0 : index
      %get3A_3273 = tpu.vector_load %arg6[%get3A_3271, %get3A_3272] {strides = array<i32>} : memref<400x64xf32, #tpu.memory_space<vmem>>, vector<1x16xf32>,
      %get3A_3274 = vector.shape_cast %get3A_3273 : vector<1x16xf32> to vector<16xf32>
      %add3A_3275 = arith.addf %add3A_3251, %get3A_3274 : vector<16xf32>
      %get3A_3276 = arith.index_cast %add3A_3270 : i32 to index
      %get3A_3277 = arith.constant 16 : index
      %get3A_3278 = tpu.vector_load %arg6[%get3A_3276, %get3A_3277] {strides = array<i32>} : memref<400x64xf32, #tpu.memory_space<vmem>>, vector<1x16xf32>,
      %get3A_3279 = vector.shape_cast %get3A_3278 : vector<1x16xf32> to vector<16xf32>
      %add3A_3280 = arith.addf %add3A_3256, %get3A_3279 : vector<16xf32>
      %get3A_3281 = arith.index_cast %add3A_3270 : i32 to index
      %get3A_3282 = arith.constant 32 : index
      %get3A_3283 = tpu.vector_load %arg6[%get3A_3281, %get3A_3282] {strides = array<i32>} : memref<400x64xf32, #tpu.memory_space<vmem>>, vector<1x16xf32>,
      %get3A_3284 = vector.shape_cast %get3A_3283 : vector<1x16xf32> to vector<16xf32>
      %add3A_3285 = arith.addf %add3A_3261, %get3A_3284 : vector<16xf32>
      %get3A_3286 = arith.index_cast %add3A_3270 : i32 to index
      %get3A_3287 = arith.constant 48 : index
      %get3A_3288 = tpu.vector_load %arg6[%get3A_3286, %get3A_3287] {strides = array<i32>} : memref<400x64xf32, #tpu.memory_space<vmem>>, vector<1x16xf32>,
      %get3A_3289 = vector.shape_cast %get3A_3288 : vector<1x16xf32> to vector<16xf32>
      %add3A_3290 = arith.addf %add3A_3266, %get3A_3289 : vector<16xf32>
      %add3A_3291 = arith.constant 0 : i32
      %add3A_3292 = arith.addi %mul3A_2544, %add3A_3291 : i32
      %add3A_3293 = arith.constant 30 : i32
      %add3A_3294 = arith.addi %add3A_3292, %add3A_3293 : i32
      %get3A_3295 = arith.index_cast %add3A_3294 : i32 to index
      %get3A_3296 = arith.constant 0 : index
      %get3A_3297 = tpu.vector_load %arg6[%get3A_3295, %get3A_3296] {strides = array<i32>} : memref<400x64xf32, #tpu.memory_space<vmem>>, vector<1x16xf32>,
      %get3A_3298 = vector.shape_cast %get3A_3297 : vector<1x16xf32> to vector<16xf32>
      %add3A_3299 = arith.addf %add3A_3275, %get3A_3298 : vector<16xf32>
      %get3A_3300 = arith.index_cast %add3A_3294 : i32 to index
      %get3A_3301 = arith.constant 16 : index
      %get3A_3302 = tpu.vector_load %arg6[%get3A_3300, %get3A_3301] {strides = array<i32>} : memref<400x64xf32, #tpu.memory_space<vmem>>, vector<1x16xf32>,
      %get3A_3303 = vector.shape_cast %get3A_3302 : vector<1x16xf32> to vector<16xf32>
      %add3A_3304 = arith.addf %add3A_3280, %get3A_3303 : vector<16xf32>
      %get3A_3305 = arith.index_cast %add3A_3294 : i32 to index
      %get3A_3306 = arith.constant 32 : index
      %get3A_3307 = tpu.vector_load %arg6[%get3A_3305, %get3A_3306] {strides = array<i32>} : memref<400x64xf32, #tpu.memory_space<vmem>>, vector<1x16xf32>,
      %get3A_3308 = vector.shape_cast %get3A_3307 : vector<1x16xf32> to vector<16xf32>
      %add3A_3309 = arith.addf %add3A_3285, %get3A_3308 : vector<16xf32>
      %get3A_3310 = arith.index_cast %add3A_3294 : i32 to index
      %get3A_3311 = arith.constant 48 : index
      %get3A_3312 = tpu.vector_load %arg6[%get3A_3310, %get3A_3311] {strides = array<i32>} : memref<400x64xf32, #tpu.memory_space<vmem>>, vector<1x16xf32>,
      %get3A_3313 = vector.shape_cast %get3A_3312 : vector<1x16xf32> to vector<16xf32>
      %add3A_3314 = arith.addf %add3A_3290, %get3A_3313 : vector<16xf32>
      %add3A_3315 = arith.constant 0 : i32
      %add3A_3316 = arith.addi %mul3A_2544, %add3A_3315 : i32
      %add3A_3317 = arith.constant 31 : i32
      %add3A_3318 = arith.addi %add3A_3316, %add3A_3317 : i32
      %get3A_3319 = arith.index_cast %add3A_3318 : i32 to index
      %get3A_3320 = arith.constant 0 : index
      %get3A_3321 = tpu.vector_load %arg6[%get3A_3319, %get3A_3320] {strides = array<i32>} : memref<400x64xf32, #tpu.memory_space<vmem>>, vector<1x16xf32>,
      %get3A_3322 = vector.shape_cast %get3A_3321 : vector<1x16xf32> to vector<16xf32>
      %add3A_3323 = arith.addf %add3A_3299, %get3A_3322 : vector<16xf32>
      %get3A_3324 = arith.index_cast %add3A_3318 : i32 to index
      %get3A_3325 = arith.constant 16 : index
      %get3A_3326 = tpu.vector_load %arg6[%get3A_3324, %get3A_3325] {strides = array<i32>} : memref<400x64xf32, #tpu.memory_space<vmem>>, vector<1x16xf32>,
      %get3A_3327 = vector.shape_cast %get3A_3326 : vector<1x16xf32> to vector<16xf32>
      %add3A_3328 = arith.addf %add3A_3304, %get3A_3327 : vector<16xf32>
      %get3A_3329 = arith.index_cast %add3A_3318 : i32 to index
      %get3A_3330 = arith.constant 32 : index
      %get3A_3331 = tpu.vector_load %arg6[%get3A_3329, %get3A_3330] {strides = array<i32>} : memref<400x64xf32, #tpu.memory_space<vmem>>, vector<1x16xf32>,
      %get3A_3332 = vector.shape_cast %get3A_3331 : vector<1x16xf32> to vector<16xf32>
      %add3A_3333 = arith.addf %add3A_3309, %get3A_3332 : vector<16xf32>
      %get3A_3334 = arith.index_cast %add3A_3318 : i32 to index
      %get3A_3335 = arith.constant 48 : index
      %get3A_3336 = tpu.vector_load %arg6[%get3A_3334, %get3A_3335] {strides = array<i32>} : memref<400x64xf32, #tpu.memory_space<vmem>>, vector<1x16xf32>,
      %get3A_3337 = vector.shape_cast %get3A_3336 : vector<1x16xf32> to vector<16xf32>
      %add3A_3338 = arith.addf %add3A_3314, %get3A_3337 : vector<16xf32>
      %add3A_3339 = arith.constant 0 : i32
      %add3A_3340 = arith.addi %mul3A_2544, %add3A_3339 : i32
      %add3A_3341 = arith.constant 32 : i32
      %add3A_3342 = arith.addi %add3A_3340, %add3A_3341 : i32
      %get3A_3343 = arith.index_cast %add3A_3342 : i32 to index
      %get3A_3344 = arith.constant 0 : index
      %get3A_3345 = tpu.vector_load %arg6[%get3A_3343, %get3A_3344] {strides = array<i32>} : memref<400x64xf32, #tpu.memory_space<vmem>>, vector<1x16xf32>,
      %get3A_3346 = vector.shape_cast %get3A_3345 : vector<1x16xf32> to vector<16xf32>
      %add3A_3347 = arith.addf %add3A_3323, %get3A_3346 : vector<16xf32>
      %get3A_3348 = arith.index_cast %add3A_3342 : i32 to index
      %get3A_3349 = arith.constant 16 : index
      %get3A_3350 = tpu.vector_load %arg6[%get3A_3348, %get3A_3349] {strides = array<i32>} : memref<400x64xf32, #tpu.memory_space<vmem>>, vector<1x16xf32>,
      %get3A_3351 = vector.shape_cast %get3A_3350 : vector<1x16xf32> to vector<16xf32>
      %add3A_3352 = arith.addf %add3A_3328, %get3A_3351 : vector<16xf32>
      %get3A_3353 = arith.index_cast %add3A_3342 : i32 to index
      %get3A_3354 = arith.constant 32 : index
      %get3A_3355 = tpu.vector_load %arg6[%get3A_3353, %get3A_3354] {strides = array<i32>} : memref<400x64xf32, #tpu.memory_space<vmem>>, vector<1x16xf32>,
      %get3A_3356 = vector.shape_cast %get3A_3355 : vector<1x16xf32> to vector<16xf32>
      %add3A_3357 = arith.addf %add3A_3333, %get3A_3356 : vector<16xf32>
      %get3A_3358 = arith.index_cast %add3A_3342 : i32 to index
      %get3A_3359 = arith.constant 48 : index
      %get3A_3360 = tpu.vector_load %arg6[%get3A_3358, %get3A_3359] {strides = array<i32>} : memref<400x64xf32, #tpu.memory_space<vmem>>, vector<1x16xf32>,
      %get3A_3361 = vector.shape_cast %get3A_3360 : vector<1x16xf32> to vector<16xf32>
      %add3A_3362 = arith.addf %add3A_3338, %get3A_3361 : vector<16xf32>
      %add3A_3363 = arith.constant 0 : i32
      %add3A_3364 = arith.addi %mul3A_2544, %add3A_3363 : i32
      %add3A_3365 = arith.constant 33 : i32
      %add3A_3366 = arith.addi %add3A_3364, %add3A_3365 : i32
      %get3A_3367 = arith.index_cast %add3A_3366 : i32 to index
      %get3A_3368 = arith.constant 0 : index
      %get3A_3369 = tpu.vector_load %arg6[%get3A_3367, %get3A_3368] {strides = array<i32>} : memref<400x64xf32, #tpu.memory_space<vmem>>, vector<1x16xf32>,
      %get3A_3370 = vector.shape_cast %get3A_3369 : vector<1x16xf32> to vector<16xf32>
      %add3A_3371 = arith.addf %add3A_3347, %get3A_3370 : vector<16xf32>
      %get3A_3372 = arith.index_cast %add3A_3366 : i32 to index
      %get3A_3373 = arith.constant 16 : index
      %get3A_3374 = tpu.vector_load %arg6[%get3A_3372, %get3A_3373] {strides = array<i32>} : memref<400x64xf32, #tpu.memory_space<vmem>>, vector<1x16xf32>,
      %get3A_3375 = vector.shape_cast %get3A_3374 : vector<1x16xf32> to vector<16xf32>
      %add3A_3376 = arith.addf %add3A_3352, %get3A_3375 : vector<16xf32>
      %get3A_3377 = arith.index_cast %add3A_3366 : i32 to index
      %get3A_3378 = arith.constant 32 : index
      %get3A_3379 = tpu.vector_load %arg6[%get3A_3377, %get3A_3378] {strides = array<i32>} : memref<400x64xf32, #tpu.memory_space<vmem>>, vector<1x16xf32>,
      %get3A_3380 = vector.shape_cast %get3A_3379 : vector<1x16xf32> to vector<16xf32>
      %add3A_3381 = arith.addf %add3A_3357, %get3A_3380 : vector<16xf32>
      %get3A_3382 = arith.index_cast %add3A_3366 : i32 to index
      %get3A_3383 = arith.constant 48 : index
      %get3A_3384 = tpu.vector_load %arg6[%get3A_3382, %get3A_3383] {strides = array<i32>} : memref<400x64xf32, #tpu.memory_space<vmem>>, vector<1x16xf32>,
      %get3A_3385 = vector.shape_cast %get3A_3384 : vector<1x16xf32> to vector<16xf32>
      %add3A_3386 = arith.addf %add3A_3362, %get3A_3385 : vector<16xf32>
      %add3A_3387 = arith.constant 0 : i32
      %add3A_3388 = arith.addi %mul3A_2544, %add3A_3387 : i32
      %add3A_3389 = arith.constant 34 : i32
      %add3A_3390 = arith.addi %add3A_3388, %add3A_3389 : i32
      %get3A_3391 = arith.index_cast %add3A_3390 : i32 to index
      %get3A_3392 = arith.constant 0 : index
      %get3A_3393 = tpu.vector_load %arg6[%get3A_3391, %get3A_3392] {strides = array<i32>} : memref<400x64xf32, #tpu.memory_space<vmem>>, vector<1x16xf32>,
      %get3A_3394 = vector.shape_cast %get3A_3393 : vector<1x16xf32> to vector<16xf32>
      %add3A_3395 = arith.addf %add3A_3371, %get3A_3394 : vector<16xf32>
      %get3A_3396 = arith.index_cast %add3A_3390 : i32 to index
      %get3A_3397 = arith.constant 16 : index
      %get3A_3398 = tpu.vector_load %arg6[%get3A_3396, %get3A_3397] {strides = array<i32>} : memref<400x64xf32, #tpu.memory_space<vmem>>, vector<1x16xf32>,
      %get3A_3399 = vector.shape_cast %get3A_3398 : vector<1x16xf32> to vector<16xf32>
      %add3A_3400 = arith.addf %add3A_3376, %get3A_3399 : vector<16xf32>
      %get3A_3401 = arith.index_cast %add3A_3390 : i32 to index
      %get3A_3402 = arith.constant 32 : index
      %get3A_3403 = tpu.vector_load %arg6[%get3A_3401, %get3A_3402] {strides = array<i32>} : memref<400x64xf32, #tpu.memory_space<vmem>>, vector<1x16xf32>,
      %get3A_3404 = vector.shape_cast %get3A_3403 : vector<1x16xf32> to vector<16xf32>
      %add3A_3405 = arith.addf %add3A_3381, %get3A_3404 : vector<16xf32>
      %get3A_3406 = arith.index_cast %add3A_3390 : i32 to index
      %get3A_3407 = arith.constant 48 : index
      %get3A_3408 = tpu.vector_load %arg6[%get3A_3406, %get3A_3407] {strides = array<i32>} : memref<400x64xf32, #tpu.memory_space<vmem>>, vector<1x16xf32>,
      %get3A_3409 = vector.shape_cast %get3A_3408 : vector<1x16xf32> to vector<16xf32>
      %add3A_3410 = arith.addf %add3A_3386, %get3A_3409 : vector<16xf32>
      %add3A_3411 = arith.constant 0 : i32
      %add3A_3412 = arith.addi %mul3A_2544, %add3A_3411 : i32
      %add3A_3413 = arith.constant 35 : i32
      %add3A_3414 = arith.addi %add3A_3412, %add3A_3413 : i32
      %get3A_3415 = arith.index_cast %add3A_3414 : i32 to index
      %get3A_3416 = arith.constant 0 : index
      %get3A_3417 = tpu.vector_load %arg6[%get3A_3415, %get3A_3416] {strides = array<i32>} : memref<400x64xf32, #tpu.memory_space<vmem>>, vector<1x16xf32>,
      %get3A_3418 = vector.shape_cast %get3A_3417 : vector<1x16xf32> to vector<16xf32>
      %add3A_3419 = arith.addf %add3A_3395, %get3A_3418 : vector<16xf32>
      %get3A_3420 = arith.index_cast %add3A_3414 : i32 to index
      %get3A_3421 = arith.constant 16 : index
      %get3A_3422 = tpu.vector_load %arg6[%get3A_3420, %get3A_3421] {strides = array<i32>} : memref<400x64xf32, #tpu.memory_space<vmem>>, vector<1x16xf32>,
      %get3A_3423 = vector.shape_cast %get3A_3422 : vector<1x16xf32> to vector<16xf32>
      %add3A_3424 = arith.addf %add3A_3400, %get3A_3423 : vector<16xf32>
      %get3A_3425 = arith.index_cast %add3A_3414 : i32 to index
      %get3A_3426 = arith.constant 32 : index
      %get3A_3427 = tpu.vector_load %arg6[%get3A_3425, %get3A_3426] {strides = array<i32>} : memref<400x64xf32, #tpu.memory_space<vmem>>, vector<1x16xf32>,
      %get3A_3428 = vector.shape_cast %get3A_3427 : vector<1x16xf32> to vector<16xf32>
      %add3A_3429 = arith.addf %add3A_3405, %get3A_3428 : vector<16xf32>
      %get3A_3430 = arith.index_cast %add3A_3414 : i32 to index
      %get3A_3431 = arith.constant 48 : index
      %get3A_3432 = tpu.vector_load %arg6[%get3A_3430, %get3A_3431] {strides = array<i32>} : memref<400x64xf32, #tpu.memory_space<vmem>>, vector<1x16xf32>,
      %get3A_3433 = vector.shape_cast %get3A_3432 : vector<1x16xf32> to vector<16xf32>
      %add3A_3434 = arith.addf %add3A_3410, %get3A_3433 : vector<16xf32>
      %add3A_3435 = arith.constant 0 : i32
      %add3A_3436 = arith.addi %mul3A_2544, %add3A_3435 : i32
      %add3A_3437 = arith.constant 36 : i32
      %add3A_3438 = arith.addi %add3A_3436, %add3A_3437 : i32
      %get3A_3439 = arith.index_cast %add3A_3438 : i32 to index
      %get3A_3440 = arith.constant 0 : index
      %get3A_3441 = tpu.vector_load %arg6[%get3A_3439, %get3A_3440] {strides = array<i32>} : memref<400x64xf32, #tpu.memory_space<vmem>>, vector<1x16xf32>,
      %get3A_3442 = vector.shape_cast %get3A_3441 : vector<1x16xf32> to vector<16xf32>
      %add3A_3443 = arith.addf %add3A_3419, %get3A_3442 : vector<16xf32>
      %get3A_3444 = arith.index_cast %add3A_3438 : i32 to index
      %get3A_3445 = arith.constant 16 : index
      %get3A_3446 = tpu.vector_load %arg6[%get3A_3444, %get3A_3445] {strides = array<i32>} : memref<400x64xf32, #tpu.memory_space<vmem>>, vector<1x16xf32>,
      %get3A_3447 = vector.shape_cast %get3A_3446 : vector<1x16xf32> to vector<16xf32>
      %add3A_3448 = arith.addf %add3A_3424, %get3A_3447 : vector<16xf32>
      %get3A_3449 = arith.index_cast %add3A_3438 : i32 to index
      %get3A_3450 = arith.constant 32 : index
      %get3A_3451 = tpu.vector_load %arg6[%get3A_3449, %get3A_3450] {strides = array<i32>} : memref<400x64xf32, #tpu.memory_space<vmem>>, vector<1x16xf32>,
      %get3A_3452 = vector.shape_cast %get3A_3451 : vector<1x16xf32> to vector<16xf32>
      %add3A_3453 = arith.addf %add3A_3429, %get3A_3452 : vector<16xf32>
      %get3A_3454 = arith.index_cast %add3A_3438 : i32 to index
      %get3A_3455 = arith.constant 48 : index
      %get3A_3456 = tpu.vector_load %arg6[%get3A_3454, %get3A_3455] {strides = array<i32>} : memref<400x64xf32, #tpu.memory_space<vmem>>, vector<1x16xf32>,
      %get3A_3457 = vector.shape_cast %get3A_3456 : vector<1x16xf32> to vector<16xf32>
      %add3A_3458 = arith.addf %add3A_3434, %get3A_3457 : vector<16xf32>
      %add3A_3459 = arith.constant 0 : i32
      %add3A_3460 = arith.addi %mul3A_2544, %add3A_3459 : i32
      %add3A_3461 = arith.constant 37 : i32
      %add3A_3462 = arith.addi %add3A_3460, %add3A_3461 : i32
      %get3A_3463 = arith.index_cast %add3A_3462 : i32 to index
      %get3A_3464 = arith.constant 0 : index
      %get3A_3465 = tpu.vector_load %arg6[%get3A_3463, %get3A_3464] {strides = array<i32>} : memref<400x64xf32, #tpu.memory_space<vmem>>, vector<1x16xf32>,
      %get3A_3466 = vector.shape_cast %get3A_3465 : vector<1x16xf32> to vector<16xf32>
      %add3A_3467 = arith.addf %add3A_3443, %get3A_3466 : vector<16xf32>
      %get3A_3468 = arith.index_cast %add3A_3462 : i32 to index
      %get3A_3469 = arith.constant 16 : index
      %get3A_3470 = tpu.vector_load %arg6[%get3A_3468, %get3A_3469] {strides = array<i32>} : memref<400x64xf32, #tpu.memory_space<vmem>>, vector<1x16xf32>,
      %get3A_3471 = vector.shape_cast %get3A_3470 : vector<1x16xf32> to vector<16xf32>
      %add3A_3472 = arith.addf %add3A_3448, %get3A_3471 : vector<16xf32>
      %get3A_3473 = arith.index_cast %add3A_3462 : i32 to index
      %get3A_3474 = arith.constant 32 : index
      %get3A_3475 = tpu.vector_load %arg6[%get3A_3473, %get3A_3474] {strides = array<i32>} : memref<400x64xf32, #tpu.memory_space<vmem>>, vector<1x16xf32>,
      %get3A_3476 = vector.shape_cast %get3A_3475 : vector<1x16xf32> to vector<16xf32>
      %add3A_3477 = arith.addf %add3A_3453, %get3A_3476 : vector<16xf32>
      %get3A_3478 = arith.index_cast %add3A_3462 : i32 to index
      %get3A_3479 = arith.constant 48 : index
      %get3A_3480 = tpu.vector_load %arg6[%get3A_3478, %get3A_3479] {strides = array<i32>} : memref<400x64xf32, #tpu.memory_space<vmem>>, vector<1x16xf32>,
      %get3A_3481 = vector.shape_cast %get3A_3480 : vector<1x16xf32> to vector<16xf32>
      %add3A_3482 = arith.addf %add3A_3458, %get3A_3481 : vector<16xf32>
      %add3A_3483 = arith.constant 0 : i32
      %add3A_3484 = arith.addi %mul3A_2544, %add3A_3483 : i32
      %add3A_3485 = arith.constant 38 : i32
      %add3A_3486 = arith.addi %add3A_3484, %add3A_3485 : i32
      %get3A_3487 = arith.index_cast %add3A_3486 : i32 to index
      %get3A_3488 = arith.constant 0 : index
      %get3A_3489 = tpu.vector_load %arg6[%get3A_3487, %get3A_3488] {strides = array<i32>} : memref<400x64xf32, #tpu.memory_space<vmem>>, vector<1x16xf32>,
      %get3A_3490 = vector.shape_cast %get3A_3489 : vector<1x16xf32> to vector<16xf32>
      %add3A_3491 = arith.addf %add3A_3467, %get3A_3490 : vector<16xf32>
      %get3A_3492 = arith.index_cast %add3A_3486 : i32 to index
      %get3A_3493 = arith.constant 16 : index
      %get3A_3494 = tpu.vector_load %arg6[%get3A_3492, %get3A_3493] {strides = array<i32>} : memref<400x64xf32, #tpu.memory_space<vmem>>, vector<1x16xf32>,
      %get3A_3495 = vector.shape_cast %get3A_3494 : vector<1x16xf32> to vector<16xf32>
      %add3A_3496 = arith.addf %add3A_3472, %get3A_3495 : vector<16xf32>
      %get3A_3497 = arith.index_cast %add3A_3486 : i32 to index
      %get3A_3498 = arith.constant 32 : index
      %get3A_3499 = tpu.vector_load %arg6[%get3A_3497, %get3A_3498] {strides = array<i32>} : memref<400x64xf32, #tpu.memory_space<vmem>>, vector<1x16xf32>,
      %get3A_3500 = vector.shape_cast %get3A_3499 : vector<1x16xf32> to vector<16xf32>
      %add3A_3501 = arith.addf %add3A_3477, %get3A_3500 : vector<16xf32>
      %get3A_3502 = arith.index_cast %add3A_3486 : i32 to index
      %get3A_3503 = arith.constant 48 : index
      %get3A_3504 = tpu.vector_load %arg6[%get3A_3502, %get3A_3503] {strides = array<i32>} : memref<400x64xf32, #tpu.memory_space<vmem>>, vector<1x16xf32>,
      %get3A_3505 = vector.shape_cast %get3A_3504 : vector<1x16xf32> to vector<16xf32>
      %add3A_3506 = arith.addf %add3A_3482, %get3A_3505 : vector<16xf32>
      %add3A_3507 = arith.constant 0 : i32
      %add3A_3508 = arith.addi %mul3A_2544, %add3A_3507 : i32
      %add3A_3509 = arith.constant 39 : i32
      %add3A_3510 = arith.addi %add3A_3508, %add3A_3509 : i32
      %get3A_3511 = arith.index_cast %add3A_3510 : i32 to index
      %get3A_3512 = arith.constant 0 : index
      %get3A_3513 = tpu.vector_load %arg6[%get3A_3511, %get3A_3512] {strides = array<i32>} : memref<400x64xf32, #tpu.memory_space<vmem>>, vector<1x16xf32>,
      %get3A_3514 = vector.shape_cast %get3A_3513 : vector<1x16xf32> to vector<16xf32>
      %add3A_3515 = arith.addf %add3A_3491, %get3A_3514 : vector<16xf32>
      %get3A_3516 = arith.index_cast %add3A_3510 : i32 to index
      %get3A_3517 = arith.constant 16 : index
      %get3A_3518 = tpu.vector_load %arg6[%get3A_3516, %get3A_3517] {strides = array<i32>} : memref<400x64xf32, #tpu.memory_space<vmem>>, vector<1x16xf32>,
      %get3A_3519 = vector.shape_cast %get3A_3518 : vector<1x16xf32> to vector<16xf32>
      %add3A_3520 = arith.addf %add3A_3496, %get3A_3519 : vector<16xf32>
      %get3A_3521 = arith.index_cast %add3A_3510 : i32 to index
      %get3A_3522 = arith.constant 32 : index
      %get3A_3523 = tpu.vector_load %arg6[%get3A_3521, %get3A_3522] {strides = array<i32>} : memref<400x64xf32, #tpu.memory_space<vmem>>, vector<1x16xf32>,
      %get3A_3524 = vector.shape_cast %get3A_3523 : vector<1x16xf32> to vector<16xf32>
      %add3A_3525 = arith.addf %add3A_3501, %get3A_3524 : vector<16xf32>
      %get3A_3526 = arith.index_cast %add3A_3510 : i32 to index
      %get3A_3527 = arith.constant 48 : index
      %get3A_3528 = tpu.vector_load %arg6[%get3A_3526, %get3A_3527] {strides = array<i32>} : memref<400x64xf32, #tpu.memory_space<vmem>>, vector<1x16xf32>,
      %get3A_3529 = vector.shape_cast %get3A_3528 : vector<1x16xf32> to vector<16xf32>
      %add3A_3530 = arith.addf %add3A_3506, %get3A_3529 : vector<16xf32>
      %add3A_3531 = arith.constant 0 : i32
      %add3A_3532 = arith.addi %mul3A_2544, %add3A_3531 : i32
      %add3A_3533 = arith.constant 40 : i32
      %add3A_3534 = arith.addi %add3A_3532, %add3A_3533 : i32
      %get3A_3535 = arith.index_cast %add3A_3534 : i32 to index
      %get3A_3536 = arith.constant 0 : index
      %get3A_3537 = tpu.vector_load %arg6[%get3A_3535, %get3A_3536] {strides = array<i32>} : memref<400x64xf32, #tpu.memory_space<vmem>>, vector<1x16xf32>,
      %get3A_3538 = vector.shape_cast %get3A_3537 : vector<1x16xf32> to vector<16xf32>
      %add3A_3539 = arith.addf %add3A_3515, %get3A_3538 : vector<16xf32>
      %get3A_3540 = arith.index_cast %add3A_3534 : i32 to index
      %get3A_3541 = arith.constant 16 : index
      %get3A_3542 = tpu.vector_load %arg6[%get3A_3540, %get3A_3541] {strides = array<i32>} : memref<400x64xf32, #tpu.memory_space<vmem>>, vector<1x16xf32>,
      %get3A_3543 = vector.shape_cast %get3A_3542 : vector<1x16xf32> to vector<16xf32>
      %add3A_3544 = arith.addf %add3A_3520, %get3A_3543 : vector<16xf32>
      %get3A_3545 = arith.index_cast %add3A_3534 : i32 to index
      %get3A_3546 = arith.constant 32 : index
      %get3A_3547 = tpu.vector_load %arg6[%get3A_3545, %get3A_3546] {strides = array<i32>} : memref<400x64xf32, #tpu.memory_space<vmem>>, vector<1x16xf32>,
      %get3A_3548 = vector.shape_cast %get3A_3547 : vector<1x16xf32> to vector<16xf32>
      %add3A_3549 = arith.addf %add3A_3525, %get3A_3548 : vector<16xf32>
      %get3A_3550 = arith.index_cast %add3A_3534 : i32 to index
      %get3A_3551 = arith.constant 48 : index
      %get3A_3552 = tpu.vector_load %arg6[%get3A_3550, %get3A_3551] {strides = array<i32>} : memref<400x64xf32, #tpu.memory_space<vmem>>, vector<1x16xf32>,
      %get3A_3553 = vector.shape_cast %get3A_3552 : vector<1x16xf32> to vector<16xf32>
      %add3A_3554 = arith.addf %add3A_3530, %get3A_3553 : vector<16xf32>
      %add3A_3555 = arith.constant 0 : i32
      %add3A_3556 = arith.addi %mul3A_2544, %add3A_3555 : i32
      %add3A_3557 = arith.constant 41 : i32
      %add3A_3558 = arith.addi %add3A_3556, %add3A_3557 : i32
      %get3A_3559 = arith.index_cast %add3A_3558 : i32 to index
      %get3A_3560 = arith.constant 0 : index
      %get3A_3561 = tpu.vector_load %arg6[%get3A_3559, %get3A_3560] {strides = array<i32>} : memref<400x64xf32, #tpu.memory_space<vmem>>, vector<1x16xf32>,
      %get3A_3562 = vector.shape_cast %get3A_3561 : vector<1x16xf32> to vector<16xf32>
      %add3A_3563 = arith.addf %add3A_3539, %get3A_3562 : vector<16xf32>
      %get3A_3564 = arith.index_cast %add3A_3558 : i32 to index
      %get3A_3565 = arith.constant 16 : index
      %get3A_3566 = tpu.vector_load %arg6[%get3A_3564, %get3A_3565] {strides = array<i32>} : memref<400x64xf32, #tpu.memory_space<vmem>>, vector<1x16xf32>,
      %get3A_3567 = vector.shape_cast %get3A_3566 : vector<1x16xf32> to vector<16xf32>
      %add3A_3568 = arith.addf %add3A_3544, %get3A_3567 : vector<16xf32>
      %get3A_3569 = arith.index_cast %add3A_3558 : i32 to index
      %get3A_3570 = arith.constant 32 : index
      %get3A_3571 = tpu.vector_load %arg6[%get3A_3569, %get3A_3570] {strides = array<i32>} : memref<400x64xf32, #tpu.memory_space<vmem>>, vector<1x16xf32>,
      %get3A_3572 = vector.shape_cast %get3A_3571 : vector<1x16xf32> to vector<16xf32>
      %add3A_3573 = arith.addf %add3A_3549, %get3A_3572 : vector<16xf32>
      %get3A_3574 = arith.index_cast %add3A_3558 : i32 to index
      %get3A_3575 = arith.constant 48 : index
      %get3A_3576 = tpu.vector_load %arg6[%get3A_3574, %get3A_3575] {strides = array<i32>} : memref<400x64xf32, #tpu.memory_space<vmem>>, vector<1x16xf32>,
      %get3A_3577 = vector.shape_cast %get3A_3576 : vector<1x16xf32> to vector<16xf32>
      %add3A_3578 = arith.addf %add3A_3554, %get3A_3577 : vector<16xf32>
      %add3A_3579 = arith.constant 0 : i32
      %add3A_3580 = arith.addi %mul3A_2544, %add3A_3579 : i32
      %add3A_3581 = arith.constant 42 : i32
      %add3A_3582 = arith.addi %add3A_3580, %add3A_3581 : i32
      %get3A_3583 = arith.index_cast %add3A_3582 : i32 to index
      %get3A_3584 = arith.constant 0 : index
      %get3A_3585 = tpu.vector_load %arg6[%get3A_3583, %get3A_3584] {strides = array<i32>} : memref<400x64xf32, #tpu.memory_space<vmem>>, vector<1x16xf32>,
      %get3A_3586 = vector.shape_cast %get3A_3585 : vector<1x16xf32> to vector<16xf32>
      %add3A_3587 = arith.addf %add3A_3563, %get3A_3586 : vector<16xf32>
      %get3A_3588 = arith.index_cast %add3A_3582 : i32 to index
      %get3A_3589 = arith.constant 16 : index
      %get3A_3590 = tpu.vector_load %arg6[%get3A_3588, %get3A_3589] {strides = array<i32>} : memref<400x64xf32, #tpu.memory_space<vmem>>, vector<1x16xf32>,
      %get3A_3591 = vector.shape_cast %get3A_3590 : vector<1x16xf32> to vector<16xf32>
      %add3A_3592 = arith.addf %add3A_3568, %get3A_3591 : vector<16xf32>
      %get3A_3593 = arith.index_cast %add3A_3582 : i32 to index
      %get3A_3594 = arith.constant 32 : index
      %get3A_3595 = tpu.vector_load %arg6[%get3A_3593, %get3A_3594] {strides = array<i32>} : memref<400x64xf32, #tpu.memory_space<vmem>>, vector<1x16xf32>,
      %get3A_3596 = vector.shape_cast %get3A_3595 : vector<1x16xf32> to vector<16xf32>
      %add3A_3597 = arith.addf %add3A_3573, %get3A_3596 : vector<16xf32>
      %get3A_3598 = arith.index_cast %add3A_3582 : i32 to index
      %get3A_3599 = arith.constant 48 : index
      %get3A_3600 = tpu.vector_load %arg6[%get3A_3598, %get3A_3599] {strides = array<i32>} : memref<400x64xf32, #tpu.memory_space<vmem>>, vector<1x16xf32>,
      %get3A_3601 = vector.shape_cast %get3A_3600 : vector<1x16xf32> to vector<16xf32>
      %add3A_3602 = arith.addf %add3A_3578, %get3A_3601 : vector<16xf32>
      %add3A_3603 = arith.constant 0 : i32
      %add3A_3604 = arith.addi %mul3A_2544, %add3A_3603 : i32
      %add3A_3605 = arith.constant 43 : i32
      %add3A_3606 = arith.addi %add3A_3604, %add3A_3605 : i32
      %get3A_3607 = arith.index_cast %add3A_3606 : i32 to index
      %get3A_3608 = arith.constant 0 : index
      %get3A_3609 = tpu.vector_load %arg6[%get3A_3607, %get3A_3608] {strides = array<i32>} : memref<400x64xf32, #tpu.memory_space<vmem>>, vector<1x16xf32>,
      %get3A_3610 = vector.shape_cast %get3A_3609 : vector<1x16xf32> to vector<16xf32>
      %add3A_3611 = arith.addf %add3A_3587, %get3A_3610 : vector<16xf32>
      %get3A_3612 = arith.index_cast %add3A_3606 : i32 to index
      %get3A_3613 = arith.constant 16 : index
      %get3A_3614 = tpu.vector_load %arg6[%get3A_3612, %get3A_3613] {strides = array<i32>} : memref<400x64xf32, #tpu.memory_space<vmem>>, vector<1x16xf32>,
      %get3A_3615 = vector.shape_cast %get3A_3614 : vector<1x16xf32> to vector<16xf32>
      %add3A_3616 = arith.addf %add3A_3592, %get3A_3615 : vector<16xf32>
      %get3A_3617 = arith.index_cast %add3A_3606 : i32 to index
      %get3A_3618 = arith.constant 32 : index
      %get3A_3619 = tpu.vector_load %arg6[%get3A_3617, %get3A_3618] {strides = array<i32>} : memref<400x64xf32, #tpu.memory_space<vmem>>, vector<1x16xf32>,
      %get3A_3620 = vector.shape_cast %get3A_3619 : vector<1x16xf32> to vector<16xf32>
      %add3A_3621 = arith.addf %add3A_3597, %get3A_3620 : vector<16xf32>
      %get3A_3622 = arith.index_cast %add3A_3606 : i32 to index
      %get3A_3623 = arith.constant 48 : index
      %get3A_3624 = tpu.vector_load %arg6[%get3A_3622, %get3A_3623] {strides = array<i32>} : memref<400x64xf32, #tpu.memory_space<vmem>>, vector<1x16xf32>,
      %get3A_3625 = vector.shape_cast %get3A_3624 : vector<1x16xf32> to vector<16xf32>
      %add3A_3626 = arith.addf %add3A_3602, %get3A_3625 : vector<16xf32>
      %add3A_3627 = arith.constant 0 : i32
      %add3A_3628 = arith.addi %mul3A_2544, %add3A_3627 : i32
      %add3A_3629 = arith.constant 44 : i32
      %add3A_3630 = arith.addi %add3A_3628, %add3A_3629 : i32
      %get3A_3631 = arith.index_cast %add3A_3630 : i32 to index
      %get3A_3632 = arith.constant 0 : index
      %get3A_3633 = tpu.vector_load %arg6[%get3A_3631, %get3A_3632] {strides = array<i32>} : memref<400x64xf32, #tpu.memory_space<vmem>>, vector<1x16xf32>,
      %get3A_3634 = vector.shape_cast %get3A_3633 : vector<1x16xf32> to vector<16xf32>
      %add3A_3635 = arith.addf %add3A_3611, %get3A_3634 : vector<16xf32>
      %get3A_3636 = arith.index_cast %add3A_3630 : i32 to index
      %get3A_3637 = arith.constant 16 : index
      %get3A_3638 = tpu.vector_load %arg6[%get3A_3636, %get3A_3637] {strides = array<i32>} : memref<400x64xf32, #tpu.memory_space<vmem>>, vector<1x16xf32>,
      %get3A_3639 = vector.shape_cast %get3A_3638 : vector<1x16xf32> to vector<16xf32>
      %add3A_3640 = arith.addf %add3A_3616, %get3A_3639 : vector<16xf32>
      %get3A_3641 = arith.index_cast %add3A_3630 : i32 to index
      %get3A_3642 = arith.constant 32 : index
      %get3A_3643 = tpu.vector_load %arg6[%get3A_3641, %get3A_3642] {strides = array<i32>} : memref<400x64xf32, #tpu.memory_space<vmem>>, vector<1x16xf32>,
      %get3A_3644 = vector.shape_cast %get3A_3643 : vector<1x16xf32> to vector<16xf32>
      %add3A_3645 = arith.addf %add3A_3621, %get3A_3644 : vector<16xf32>
      %get3A_3646 = arith.index_cast %add3A_3630 : i32 to index
      %get3A_3647 = arith.constant 48 : index
      %get3A_3648 = tpu.vector_load %arg6[%get3A_3646, %get3A_3647] {strides = array<i32>} : memref<400x64xf32, #tpu.memory_space<vmem>>, vector<1x16xf32>,
      %get3A_3649 = vector.shape_cast %get3A_3648 : vector<1x16xf32> to vector<16xf32>
      %add3A_3650 = arith.addf %add3A_3626, %get3A_3649 : vector<16xf32>
      %add3A_3651 = arith.constant 0 : i32
      %add3A_3652 = arith.addi %mul3A_2544, %add3A_3651 : i32
      %add3A_3653 = arith.constant 45 : i32
      %add3A_3654 = arith.addi %add3A_3652, %add3A_3653 : i32
      %get3A_3655 = arith.index_cast %add3A_3654 : i32 to index
      %get3A_3656 = arith.constant 0 : index
      %get3A_3657 = tpu.vector_load %arg6[%get3A_3655, %get3A_3656] {strides = array<i32>} : memref<400x64xf32, #tpu.memory_space<vmem>>, vector<1x16xf32>,
      %get3A_3658 = vector.shape_cast %get3A_3657 : vector<1x16xf32> to vector<16xf32>
      %add3A_3659 = arith.addf %add3A_3635, %get3A_3658 : vector<16xf32>
      %get3A_3660 = arith.index_cast %add3A_3654 : i32 to index
      %get3A_3661 = arith.constant 16 : index
      %get3A_3662 = tpu.vector_load %arg6[%get3A_3660, %get3A_3661] {strides = array<i32>} : memref<400x64xf32, #tpu.memory_space<vmem>>, vector<1x16xf32>,
      %get3A_3663 = vector.shape_cast %get3A_3662 : vector<1x16xf32> to vector<16xf32>
      %add3A_3664 = arith.addf %add3A_3640, %get3A_3663 : vector<16xf32>
      %get3A_3665 = arith.index_cast %add3A_3654 : i32 to index
      %get3A_3666 = arith.constant 32 : index
      %get3A_3667 = tpu.vector_load %arg6[%get3A_3665, %get3A_3666] {strides = array<i32>} : memref<400x64xf32, #tpu.memory_space<vmem>>, vector<1x16xf32>,
      %get3A_3668 = vector.shape_cast %get3A_3667 : vector<1x16xf32> to vector<16xf32>
      %add3A_3669 = arith.addf %add3A_3645, %get3A_3668 : vector<16xf32>
      %get3A_3670 = arith.index_cast %add3A_3654 : i32 to index
      %get3A_3671 = arith.constant 48 : index
      %get3A_3672 = tpu.vector_load %arg6[%get3A_3670, %get3A_3671] {strides = array<i32>} : memref<400x64xf32, #tpu.memory_space<vmem>>, vector<1x16xf32>,
      %get3A_3673 = vector.shape_cast %get3A_3672 : vector<1x16xf32> to vector<16xf32>
      %add3A_3674 = arith.addf %add3A_3650, %get3A_3673 : vector<16xf32>
      %add3A_3675 = arith.constant 0 : i32
      %add3A_3676 = arith.addi %mul3A_2544, %add3A_3675 : i32
      %add3A_3677 = arith.constant 46 : i32
      %add3A_3678 = arith.addi %add3A_3676, %add3A_3677 : i32
      %get3A_3679 = arith.index_cast %add3A_3678 : i32 to index
      %get3A_3680 = arith.constant 0 : index
      %get3A_3681 = tpu.vector_load %arg6[%get3A_3679, %get3A_3680] {strides = array<i32>} : memref<400x64xf32, #tpu.memory_space<vmem>>, vector<1x16xf32>,
      %get3A_3682 = vector.shape_cast %get3A_3681 : vector<1x16xf32> to vector<16xf32>
      %add3A_3683 = arith.addf %add3A_3659, %get3A_3682 : vector<16xf32>
      %get3A_3684 = arith.index_cast %add3A_3678 : i32 to index
      %get3A_3685 = arith.constant 16 : index
      %get3A_3686 = tpu.vector_load %arg6[%get3A_3684, %get3A_3685] {strides = array<i32>} : memref<400x64xf32, #tpu.memory_space<vmem>>, vector<1x16xf32>,
      %get3A_3687 = vector.shape_cast %get3A_3686 : vector<1x16xf32> to vector<16xf32>
      %add3A_3688 = arith.addf %add3A_3664, %get3A_3687 : vector<16xf32>
      %get3A_3689 = arith.index_cast %add3A_3678 : i32 to index
      %get3A_3690 = arith.constant 32 : index
      %get3A_3691 = tpu.vector_load %arg6[%get3A_3689, %get3A_3690] {strides = array<i32>} : memref<400x64xf32, #tpu.memory_space<vmem>>, vector<1x16xf32>,
      %get3A_3692 = vector.shape_cast %get3A_3691 : vector<1x16xf32> to vector<16xf32>
      %add3A_3693 = arith.addf %add3A_3669, %get3A_3692 : vector<16xf32>
      %get3A_3694 = arith.index_cast %add3A_3678 : i32 to index
      %get3A_3695 = arith.constant 48 : index
      %get3A_3696 = tpu.vector_load %arg6[%get3A_3694, %get3A_3695] {strides = array<i32>} : memref<400x64xf32, #tpu.memory_space<vmem>>, vector<1x16xf32>,
      %get3A_3697 = vector.shape_cast %get3A_3696 : vector<1x16xf32> to vector<16xf32>
      %add3A_3698 = arith.addf %add3A_3674, %get3A_3697 : vector<16xf32>
      %add3A_3699 = arith.constant 0 : i32
      %add3A_3700 = arith.addi %mul3A_2544, %add3A_3699 : i32
      %add3A_3701 = arith.constant 47 : i32
      %add3A_3702 = arith.addi %add3A_3700, %add3A_3701 : i32
      %get3A_3703 = arith.index_cast %add3A_3702 : i32 to index
      %get3A_3704 = arith.constant 0 : index
      %get3A_3705 = tpu.vector_load %arg6[%get3A_3703, %get3A_3704] {strides = array<i32>} : memref<400x64xf32, #tpu.memory_space<vmem>>, vector<1x16xf32>,
      %get3A_3706 = vector.shape_cast %get3A_3705 : vector<1x16xf32> to vector<16xf32>
      %add3A_3707 = arith.addf %add3A_3683, %get3A_3706 : vector<16xf32>
      %get3A_3708 = arith.index_cast %add3A_3702 : i32 to index
      %get3A_3709 = arith.constant 16 : index
      %get3A_3710 = tpu.vector_load %arg6[%get3A_3708, %get3A_3709] {strides = array<i32>} : memref<400x64xf32, #tpu.memory_space<vmem>>, vector<1x16xf32>,
      %get3A_3711 = vector.shape_cast %get3A_3710 : vector<1x16xf32> to vector<16xf32>
      %add3A_3712 = arith.addf %add3A_3688, %get3A_3711 : vector<16xf32>
      %get3A_3713 = arith.index_cast %add3A_3702 : i32 to index
      %get3A_3714 = arith.constant 32 : index
      %get3A_3715 = tpu.vector_load %arg6[%get3A_3713, %get3A_3714] {strides = array<i32>} : memref<400x64xf32, #tpu.memory_space<vmem>>, vector<1x16xf32>,
      %get3A_3716 = vector.shape_cast %get3A_3715 : vector<1x16xf32> to vector<16xf32>
      %add3A_3717 = arith.addf %add3A_3693, %get3A_3716 : vector<16xf32>
      %get3A_3718 = arith.index_cast %add3A_3702 : i32 to index
      %get3A_3719 = arith.constant 48 : index
      %get3A_3720 = tpu.vector_load %arg6[%get3A_3718, %get3A_3719] {strides = array<i32>} : memref<400x64xf32, #tpu.memory_space<vmem>>, vector<1x16xf32>,
      %get3A_3721 = vector.shape_cast %get3A_3720 : vector<1x16xf32> to vector<16xf32>
      %add3A_3722 = arith.addf %add3A_3698, %get3A_3721 : vector<16xf32>
      %add3A_3723 = arith.constant 0 : i32
      %add3A_3724 = arith.addi %mul3A_2544, %add3A_3723 : i32
      %add3A_3725 = arith.constant 48 : i32
      %add3A_3726 = arith.addi %add3A_3724, %add3A_3725 : i32
      %get3A_3727 = arith.index_cast %add3A_3726 : i32 to index
      %get3A_3728 = arith.constant 0 : index
      %get3A_3729 = tpu.vector_load %arg6[%get3A_3727, %get3A_3728] {strides = array<i32>} : memref<400x64xf32, #tpu.memory_space<vmem>>, vector<1x16xf32>,
      %get3A_3730 = vector.shape_cast %get3A_3729 : vector<1x16xf32> to vector<16xf32>
      %add3A_3731 = arith.addf %add3A_3707, %get3A_3730 : vector<16xf32>
      %get3A_3732 = arith.index_cast %add3A_3726 : i32 to index
      %get3A_3733 = arith.constant 16 : index
      %get3A_3734 = tpu.vector_load %arg6[%get3A_3732, %get3A_3733] {strides = array<i32>} : memref<400x64xf32, #tpu.memory_space<vmem>>, vector<1x16xf32>,
      %get3A_3735 = vector.shape_cast %get3A_3734 : vector<1x16xf32> to vector<16xf32>
      %add3A_3736 = arith.addf %add3A_3712, %get3A_3735 : vector<16xf32>
      %get3A_3737 = arith.index_cast %add3A_3726 : i32 to index
      %get3A_3738 = arith.constant 32 : index
      %get3A_3739 = tpu.vector_load %arg6[%get3A_3737, %get3A_3738] {strides = array<i32>} : memref<400x64xf32, #tpu.memory_space<vmem>>, vector<1x16xf32>,
      %get3A_3740 = vector.shape_cast %get3A_3739 : vector<1x16xf32> to vector<16xf32>
      %add3A_3741 = arith.addf %add3A_3717, %get3A_3740 : vector<16xf32>
      %get3A_3742 = arith.index_cast %add3A_3726 : i32 to index
      %get3A_3743 = arith.constant 48 : index
      %get3A_3744 = tpu.vector_load %arg6[%get3A_3742, %get3A_3743] {strides = array<i32>} : memref<400x64xf32, #tpu.memory_space<vmem>>, vector<1x16xf32>,
      %get3A_3745 = vector.shape_cast %get3A_3744 : vector<1x16xf32> to vector<16xf32>
      %add3A_3746 = arith.addf %add3A_3722, %get3A_3745 : vector<16xf32>
      %add3A_3747 = arith.constant 0 : i32
      %add3A_3748 = arith.addi %mul3A_2544, %add3A_3747 : i32
      %add3A_3749 = arith.constant 49 : i32
      %add3A_3750 = arith.addi %add3A_3748, %add3A_3749 : i32
      %get3A_3751 = arith.index_cast %add3A_3750 : i32 to index
      %get3A_3752 = arith.constant 0 : index
      %get3A_3753 = tpu.vector_load %arg6[%get3A_3751, %get3A_3752] {strides = array<i32>} : memref<400x64xf32, #tpu.memory_space<vmem>>, vector<1x16xf32>,
      %get3A_3754 = vector.shape_cast %get3A_3753 : vector<1x16xf32> to vector<16xf32>
      %add3A_3755 = arith.addf %add3A_3731, %get3A_3754 : vector<16xf32>
      %get3A_3756 = arith.index_cast %add3A_3750 : i32 to index
      %get3A_3757 = arith.constant 16 : index
      %get3A_3758 = tpu.vector_load %arg6[%get3A_3756, %get3A_3757] {strides = array<i32>} : memref<400x64xf32, #tpu.memory_space<vmem>>, vector<1x16xf32>,
      %get3A_3759 = vector.shape_cast %get3A_3758 : vector<1x16xf32> to vector<16xf32>
      %add3A_3760 = arith.addf %add3A_3736, %get3A_3759 : vector<16xf32>
      %get3A_3761 = arith.index_cast %add3A_3750 : i32 to index
      %get3A_3762 = arith.constant 32 : index
      %get3A_3763 = tpu.vector_load %arg6[%get3A_3761, %get3A_3762] {strides = array<i32>} : memref<400x64xf32, #tpu.memory_space<vmem>>, vector<1x16xf32>,
      %get3A_3764 = vector.shape_cast %get3A_3763 : vector<1x16xf32> to vector<16xf32>
      %add3A_3765 = arith.addf %add3A_3741, %get3A_3764 : vector<16xf32>
      %get3A_3766 = arith.index_cast %add3A_3750 : i32 to index
      %get3A_3767 = arith.constant 48 : index
      %get3A_3768 = tpu.vector_load %arg6[%get3A_3766, %get3A_3767] {strides = array<i32>} : memref<400x64xf32, #tpu.memory_space<vmem>>, vector<1x16xf32>,
      %get3A_3769 = vector.shape_cast %get3A_3768 : vector<1x16xf32> to vector<16xf32>
      %add3A_3770 = arith.addf %add3A_3746, %get3A_3769 : vector<16xf32>
      %mul3A_3771 = arith.constant 2 : i32
      %mul3A_3772 = arith.muli %scan3A_2540, %mul3A_3771 : i32
      %add3A_3773 = arith.constant 0 : i32
      %add3A_3774 = arith.addi %mul3A_3772, %add3A_3773 : i32
      %mul3A_3775 = arith.constant 2.000000e-02 : f32
      %mul3A_3776 = vector.broadcast %mul3A_3775 : f32 to vector<16xf32>
      %mul3A_3777 = arith.mulf %add3A_3755, %mul3A_3776 : vector<16xf32>
      %swap3A_3778 = arith.index_cast %add3A_3774 : i32 to index
      %swap3A_3779 = arith.constant 0 : index
      %swap3A_3780 = tpu.vector_load %arg7[%swap3A_3778, %swap3A_3779] {strides = array<i32>} : memref<128x64xf32, #tpu.memory_space<vmem>>, vector<1x16xf32>,
      %swap3A_3781 = vector.shape_cast %swap3A_3780 : vector<1x16xf32> to vector<16xf32>
      %swap3A_3782 = vector.shape_cast %mul3A_3777 : vector<16xf32> to vector<1x16xf32>
      tpu.vector_store %arg7[%swap3A_3778, %swap3A_3779], %swap3A_3782 {strides = array<i32>} : memref<128x64xf32, #tpu.memory_space<vmem>>, vector<1x16xf32>,
      %mul3A_3783 = arith.constant 2.000000e-02 : f32
      %mul3A_3784 = vector.broadcast %mul3A_3783 : f32 to vector<16xf32>
      %mul3A_3785 = arith.mulf %add3A_3760, %mul3A_3784 : vector<16xf32>
      %swap3A_3786 = arith.index_cast %add3A_3774 : i32 to index
      %swap3A_3787 = arith.constant 16 : index
      %swap3A_3788 = tpu.vector_load %arg7[%swap3A_3786, %swap3A_3787] {strides = array<i32>} : memref<128x64xf32, #tpu.memory_space<vmem>>, vector<1x16xf32>,
      %swap3A_3789 = vector.shape_cast %swap3A_3788 : vector<1x16xf32> to vector<16xf32>
      %swap3A_3790 = vector.shape_cast %mul3A_3785 : vector<16xf32> to vector<1x16xf32>
      tpu.vector_store %arg7[%swap3A_3786, %swap3A_3787], %swap3A_3790 {strides = array<i32>} : memref<128x64xf32, #tpu.memory_space<vmem>>, vector<1x16xf32>,
      %mul3A_3791 = arith.constant 2.000000e-02 : f32
      %mul3A_3792 = vector.broadcast %mul3A_3791 : f32 to vector<16xf32>
      %mul3A_3793 = arith.mulf %add3A_3765, %mul3A_3792 : vector<16xf32>
      %swap3A_3794 = arith.index_cast %add3A_3774 : i32 to index
      %swap3A_3795 = arith.constant 32 : index
      %swap3A_3796 = tpu.vector_load %arg7[%swap3A_3794, %swap3A_3795] {strides = array<i32>} : memref<128x64xf32, #tpu.memory_space<vmem>>, vector<1x16xf32>,
      %swap3A_3797 = vector.shape_cast %swap3A_3796 : vector<1x16xf32> to vector<16xf32>
      %swap3A_3798 = vector.shape_cast %mul3A_3793 : vector<16xf32> to vector<1x16xf32>
      tpu.vector_store %arg7[%swap3A_3794, %swap3A_3795], %swap3A_3798 {strides = array<i32>} : memref<128x64xf32, #tpu.memory_space<vmem>>, vector<1x16xf32>,
      %mul3A_3799 = arith.constant 2.000000e-02 : f32
      %mul3A_3800 = vector.broadcast %mul3A_3799 : f32 to vector<16xf32>
      %mul3A_3801 = arith.mulf %add3A_3770, %mul3A_3800 : vector<16xf32>
      %swap3A_3802 = arith.index_cast %add3A_3774 : i32 to index
      %swap3A_3803 = arith.constant 48 : index
      %swap3A_3804 = tpu.vector_load %arg7[%swap3A_3802, %swap3A_3803] {strides = array<i32>} : memref<128x64xf32, #tpu.memory_space<vmem>>, vector<1x16xf32>,
      %swap3A_3805 = vector.shape_cast %swap3A_3804 : vector<1x16xf32> to vector<16xf32>
      %swap3A_3806 = vector.shape_cast %mul3A_3801 : vector<16xf32> to vector<1x16xf32>
      tpu.vector_store %arg7[%swap3A_3802, %swap3A_3803], %swap3A_3806 {strides = array<i32>} : memref<128x64xf32, #tpu.memory_space<vmem>>, vector<1x16xf32>,
      %broadcast_in_dim3A_3807 = arith.constant 0.000000e+00 : f32
      %broadcast_in_dim3A_3808 = vector.broadcast %broadcast_in_dim3A_3807 : f32 to vector<16xf32>
      %broadcast_in_dim3A_3809 = arith.constant 0.000000e+00 : f32
      %broadcast_in_dim3A_3810 = vector.broadcast %broadcast_in_dim3A_3809 : f32 to vector<16xf32>
      %broadcast_in_dim3A_3811 = arith.constant 0.000000e+00 : f32
      %broadcast_in_dim3A_3812 = vector.broadcast %broadcast_in_dim3A_3811 : f32 to vector<16xf32>
      %broadcast_in_dim3A_3813 = arith.constant 0.000000e+00 : f32
      %broadcast_in_dim3A_3814 = vector.broadcast %broadcast_in_dim3A_3813 : f32 to vector<16xf32>
      %add3A_3815 = arith.constant 50 : i32
      %add3A_3816 = arith.addi %mul3A_2544, %add3A_3815 : i32
      %add3A_3817 = arith.constant 0 : i32
      %add3A_3818 = arith.addi %add3A_3816, %add3A_3817 : i32
      %get3A_3819 = arith.index_cast %add3A_3818 : i32 to index
      %get3A_3820 = arith.constant 0 : index
      %get3A_3821 = tpu.vector_load %arg6[%get3A_3819, %get3A_3820] {strides = array<i32>} : memref<400x64xf32, #tpu.memory_space<vmem>>, vector<1x16xf32>,
      %get3A_3822 = vector.shape_cast %get3A_3821 : vector<1x16xf32> to vector<16xf32>
      %add3A_3823 = arith.addf %broadcast_in_dim3A_3808, %get3A_3822 : vector<16xf32>
      %get3A_3824 = arith.index_cast %add3A_3818 : i32 to index
      %get3A_3825 = arith.constant 16 : index
      %get3A_3826 = tpu.vector_load %arg6[%get3A_3824, %get3A_3825] {strides = array<i32>} : memref<400x64xf32, #tpu.memory_space<vmem>>, vector<1x16xf32>,
      %get3A_3827 = vector.shape_cast %get3A_3826 : vector<1x16xf32> to vector<16xf32>
      %add3A_3828 = arith.addf %broadcast_in_dim3A_3810, %get3A_3827 : vector<16xf32>
      %get3A_3829 = arith.index_cast %add3A_3818 : i32 to index
      %get3A_3830 = arith.constant 32 : index
      %get3A_3831 = tpu.vector_load %arg6[%get3A_3829, %get3A_3830] {strides = array<i32>} : memref<400x64xf32, #tpu.memory_space<vmem>>, vector<1x16xf32>,
      %get3A_3832 = vector.shape_cast %get3A_3831 : vector<1x16xf32> to vector<16xf32>
      %add3A_3833 = arith.addf %broadcast_in_dim3A_3812, %get3A_3832 : vector<16xf32>
      %get3A_3834 = arith.index_cast %add3A_3818 : i32 to index
      %get3A_3835 = arith.constant 48 : index
      %get3A_3836 = tpu.vector_load %arg6[%get3A_3834, %get3A_3835] {strides = array<i32>} : memref<400x64xf32, #tpu.memory_space<vmem>>, vector<1x16xf32>,
      %get3A_3837 = vector.shape_cast %get3A_3836 : vector<1x16xf32> to vector<16xf32>
      %add3A_3838 = arith.addf %broadcast_in_dim3A_3814, %get3A_3837 : vector<16xf32>
      %add3A_3839 = arith.constant 50 : i32
      %add3A_3840 = arith.addi %mul3A_2544, %add3A_3839 : i32
      %add3A_3841 = arith.constant 1 : i32
      %add3A_3842 = arith.addi %add3A_3840, %add3A_3841 : i32
      %get3A_3843 = arith.index_cast %add3A_3842 : i32 to index
      %get3A_3844 = arith.constant 0 : index
      %get3A_3845 = tpu.vector_load %arg6[%get3A_3843, %get3A_3844] {strides = array<i32>} : memref<400x64xf32, #tpu.memory_space<vmem>>, vector<1x16xf32>,
      %get3A_3846 = vector.shape_cast %get3A_3845 : vector<1x16xf32> to vector<16xf32>
      %add3A_3847 = arith.addf %add3A_3823, %get3A_3846 : vector<16xf32>
      %get3A_3848 = arith.index_cast %add3A_3842 : i32 to index
      %get3A_3849 = arith.constant 16 : index
      %get3A_3850 = tpu.vector_load %arg6[%get3A_3848, %get3A_3849] {strides = array<i32>} : memref<400x64xf32, #tpu.memory_space<vmem>>, vector<1x16xf32>,
      %get3A_3851 = vector.shape_cast %get3A_3850 : vector<1x16xf32> to vector<16xf32>
      %add3A_3852 = arith.addf %add3A_3828, %get3A_3851 : vector<16xf32>
      %get3A_3853 = arith.index_cast %add3A_3842 : i32 to index
      %get3A_3854 = arith.constant 32 : index
      %get3A_3855 = tpu.vector_load %arg6[%get3A_3853, %get3A_3854] {strides = array<i32>} : memref<400x64xf32, #tpu.memory_space<vmem>>, vector<1x16xf32>,
      %get3A_3856 = vector.shape_cast %get3A_3855 : vector<1x16xf32> to vector<16xf32>
      %add3A_3857 = arith.addf %add3A_3833, %get3A_3856 : vector<16xf32>
      %get3A_3858 = arith.index_cast %add3A_3842 : i32 to index
      %get3A_3859 = arith.constant 48 : index
      %get3A_3860 = tpu.vector_load %arg6[%get3A_3858, %get3A_3859] {strides = array<i32>} : memref<400x64xf32, #tpu.memory_space<vmem>>, vector<1x16xf32>,
      %get3A_3861 = vector.shape_cast %get3A_3860 : vector<1x16xf32> to vector<16xf32>
      %add3A_3862 = arith.addf %add3A_3838, %get3A_3861 : vector<16xf32>
      %add3A_3863 = arith.constant 50 : i32
      %add3A_3864 = arith.addi %mul3A_2544, %add3A_3863 : i32
      %add3A_3865 = arith.constant 2 : i32
      %add3A_3866 = arith.addi %add3A_3864, %add3A_3865 : i32
      %get3A_3867 = arith.index_cast %add3A_3866 : i32 to index
      %get3A_3868 = arith.constant 0 : index
      %get3A_3869 = tpu.vector_load %arg6[%get3A_3867, %get3A_3868] {strides = array<i32>} : memref<400x64xf32, #tpu.memory_space<vmem>>, vector<1x16xf32>,
      %get3A_3870 = vector.shape_cast %get3A_3869 : vector<1x16xf32> to vector<16xf32>
      %add3A_3871 = arith.addf %add3A_3847, %get3A_3870 : vector<16xf32>
      %get3A_3872 = arith.index_cast %add3A_3866 : i32 to index
      %get3A_3873 = arith.constant 16 : index
      %get3A_3874 = tpu.vector_load %arg6[%get3A_3872, %get3A_3873] {strides = array<i32>} : memref<400x64xf32, #tpu.memory_space<vmem>>, vector<1x16xf32>,
      %get3A_3875 = vector.shape_cast %get3A_3874 : vector<1x16xf32> to vector<16xf32>
      %add3A_3876 = arith.addf %add3A_3852, %get3A_3875 : vector<16xf32>
      %get3A_3877 = arith.index_cast %add3A_3866 : i32 to index
      %get3A_3878 = arith.constant 32 : index
      %get3A_3879 = tpu.vector_load %arg6[%get3A_3877, %get3A_3878] {strides = array<i32>} : memref<400x64xf32, #tpu.memory_space<vmem>>, vector<1x16xf32>,
      %get3A_3880 = vector.shape_cast %get3A_3879 : vector<1x16xf32> to vector<16xf32>
      %add3A_3881 = arith.addf %add3A_3857, %get3A_3880 : vector<16xf32>
      %get3A_3882 = arith.index_cast %add3A_3866 : i32 to index
      %get3A_3883 = arith.constant 48 : index
      %get3A_3884 = tpu.vector_load %arg6[%get3A_3882, %get3A_3883] {strides = array<i32>} : memref<400x64xf32, #tpu.memory_space<vmem>>, vector<1x16xf32>,
      %get3A_3885 = vector.shape_cast %get3A_3884 : vector<1x16xf32> to vector<16xf32>
      %add3A_3886 = arith.addf %add3A_3862, %get3A_3885 : vector<16xf32>
      %add3A_3887 = arith.constant 50 : i32
      %add3A_3888 = arith.addi %mul3A_2544, %add3A_3887 : i32
      %add3A_3889 = arith.constant 3 : i32
      %add3A_3890 = arith.addi %add3A_3888, %add3A_3889 : i32
      %get3A_3891 = arith.index_cast %add3A_3890 : i32 to index
      %get3A_3892 = arith.constant 0 : index
      %get3A_3893 = tpu.vector_load %arg6[%get3A_3891, %get3A_3892] {strides = array<i32>} : memref<400x64xf32, #tpu.memory_space<vmem>>, vector<1x16xf32>,
      %get3A_3894 = vector.shape_cast %get3A_3893 : vector<1x16xf32> to vector<16xf32>
      %add3A_3895 = arith.addf %add3A_3871, %get3A_3894 : vector<16xf32>
      %get3A_3896 = arith.index_cast %add3A_3890 : i32 to index
      %get3A_3897 = arith.constant 16 : index
      %get3A_3898 = tpu.vector_load %arg6[%get3A_3896, %get3A_3897] {strides = array<i32>} : memref<400x64xf32, #tpu.memory_space<vmem>>, vector<1x16xf32>,
      %get3A_3899 = vector.shape_cast %get3A_3898 : vector<1x16xf32> to vector<16xf32>
      %add3A_3900 = arith.addf %add3A_3876, %get3A_3899 : vector<16xf32>
      %get3A_3901 = arith.index_cast %add3A_3890 : i32 to index
      %get3A_3902 = arith.constant 32 : index
      %get3A_3903 = tpu.vector_load %arg6[%get3A_3901, %get3A_3902] {strides = array<i32>} : memref<400x64xf32, #tpu.memory_space<vmem>>, vector<1x16xf32>,
      %get3A_3904 = vector.shape_cast %get3A_3903 : vector<1x16xf32> to vector<16xf32>
      %add3A_3905 = arith.addf %add3A_3881, %get3A_3904 : vector<16xf32>
      %get3A_3906 = arith.index_cast %add3A_3890 : i32 to index
      %get3A_3907 = arith.constant 48 : index
      %get3A_3908 = tpu.vector_load %arg6[%get3A_3906, %get3A_3907] {strides = array<i32>} : memref<400x64xf32, #tpu.memory_space<vmem>>, vector<1x16xf32>,
      %get3A_3909 = vector.shape_cast %get3A_3908 : vector<1x16xf32> to vector<16xf32>
      %add3A_3910 = arith.addf %add3A_3886, %get3A_3909 : vector<16xf32>
      %add3A_3911 = arith.constant 50 : i32
      %add3A_3912 = arith.addi %mul3A_2544, %add3A_3911 : i32
      %add3A_3913 = arith.constant 4 : i32
      %add3A_3914 = arith.addi %add3A_3912, %add3A_3913 : i32
      %get3A_3915 = arith.index_cast %add3A_3914 : i32 to index
      %get3A_3916 = arith.constant 0 : index
      %get3A_3917 = tpu.vector_load %arg6[%get3A_3915, %get3A_3916] {strides = array<i32>} : memref<400x64xf32, #tpu.memory_space<vmem>>, vector<1x16xf32>,
      %get3A_3918 = vector.shape_cast %get3A_3917 : vector<1x16xf32> to vector<16xf32>
      %add3A_3919 = arith.addf %add3A_3895, %get3A_3918 : vector<16xf32>
      %get3A_3920 = arith.index_cast %add3A_3914 : i32 to index
      %get3A_3921 = arith.constant 16 : index
      %get3A_3922 = tpu.vector_load %arg6[%get3A_3920, %get3A_3921] {strides = array<i32>} : memref<400x64xf32, #tpu.memory_space<vmem>>, vector<1x16xf32>,
      %get3A_3923 = vector.shape_cast %get3A_3922 : vector<1x16xf32> to vector<16xf32>
      %add3A_3924 = arith.addf %add3A_3900, %get3A_3923 : vector<16xf32>
      %get3A_3925 = arith.index_cast %add3A_3914 : i32 to index
      %get3A_3926 = arith.constant 32 : index
      %get3A_3927 = tpu.vector_load %arg6[%get3A_3925, %get3A_3926] {strides = array<i32>} : memref<400x64xf32, #tpu.memory_space<vmem>>, vector<1x16xf32>,
      %get3A_3928 = vector.shape_cast %get3A_3927 : vector<1x16xf32> to vector<16xf32>
      %add3A_3929 = arith.addf %add3A_3905, %get3A_3928 : vector<16xf32>
      %get3A_3930 = arith.index_cast %add3A_3914 : i32 to index
      %get3A_3931 = arith.constant 48 : index
      %get3A_3932 = tpu.vector_load %arg6[%get3A_3930, %get3A_3931] {strides = array<i32>} : memref<400x64xf32, #tpu.memory_space<vmem>>, vector<1x16xf32>,
      %get3A_3933 = vector.shape_cast %get3A_3932 : vector<1x16xf32> to vector<16xf32>
      %add3A_3934 = arith.addf %add3A_3910, %get3A_3933 : vector<16xf32>
      %add3A_3935 = arith.constant 50 : i32
      %add3A_3936 = arith.addi %mul3A_2544, %add3A_3935 : i32
      %add3A_3937 = arith.constant 5 : i32
      %add3A_3938 = arith.addi %add3A_3936, %add3A_3937 : i32
      %get3A_3939 = arith.index_cast %add3A_3938 : i32 to index
      %get3A_3940 = arith.constant 0 : index
      %get3A_3941 = tpu.vector_load %arg6[%get3A_3939, %get3A_3940] {strides = array<i32>} : memref<400x64xf32, #tpu.memory_space<vmem>>, vector<1x16xf32>,
      %get3A_3942 = vector.shape_cast %get3A_3941 : vector<1x16xf32> to vector<16xf32>
      %add3A_3943 = arith.addf %add3A_3919, %get3A_3942 : vector<16xf32>
      %get3A_3944 = arith.index_cast %add3A_3938 : i32 to index
      %get3A_3945 = arith.constant 16 : index
      %get3A_3946 = tpu.vector_load %arg6[%get3A_3944, %get3A_3945] {strides = array<i32>} : memref<400x64xf32, #tpu.memory_space<vmem>>, vector<1x16xf32>,
      %get3A_3947 = vector.shape_cast %get3A_3946 : vector<1x16xf32> to vector<16xf32>
      %add3A_3948 = arith.addf %add3A_3924, %get3A_3947 : vector<16xf32>
      %get3A_3949 = arith.index_cast %add3A_3938 : i32 to index
      %get3A_3950 = arith.constant 32 : index
      %get3A_3951 = tpu.vector_load %arg6[%get3A_3949, %get3A_3950] {strides = array<i32>} : memref<400x64xf32, #tpu.memory_space<vmem>>, vector<1x16xf32>,
      %get3A_3952 = vector.shape_cast %get3A_3951 : vector<1x16xf32> to vector<16xf32>
      %add3A_3953 = arith.addf %add3A_3929, %get3A_3952 : vector<16xf32>
      %get3A_3954 = arith.index_cast %add3A_3938 : i32 to index
      %get3A_3955 = arith.constant 48 : index
      %get3A_3956 = tpu.vector_load %arg6[%get3A_3954, %get3A_3955] {strides = array<i32>} : memref<400x64xf32, #tpu.memory_space<vmem>>, vector<1x16xf32>,
      %get3A_3957 = vector.shape_cast %get3A_3956 : vector<1x16xf32> to vector<16xf32>
      %add3A_3958 = arith.addf %add3A_3934, %get3A_3957 : vector<16xf32>
      %add3A_3959 = arith.constant 50 : i32
      %add3A_3960 = arith.addi %mul3A_2544, %add3A_3959 : i32
      %add3A_3961 = arith.constant 6 : i32
      %add3A_3962 = arith.addi %add3A_3960, %add3A_3961 : i32
      %get3A_3963 = arith.index_cast %add3A_3962 : i32 to index
      %get3A_3964 = arith.constant 0 : index
      %get3A_3965 = tpu.vector_load %arg6[%get3A_3963, %get3A_3964] {strides = array<i32>} : memref<400x64xf32, #tpu.memory_space<vmem>>, vector<1x16xf32>,
      %get3A_3966 = vector.shape_cast %get3A_3965 : vector<1x16xf32> to vector<16xf32>
      %add3A_3967 = arith.addf %add3A_3943, %get3A_3966 : vector<16xf32>
      %get3A_3968 = arith.index_cast %add3A_3962 : i32 to index
      %get3A_3969 = arith.constant 16 : index
      %get3A_3970 = tpu.vector_load %arg6[%get3A_3968, %get3A_3969] {strides = array<i32>} : memref<400x64xf32, #tpu.memory_space<vmem>>, vector<1x16xf32>,
      %get3A_3971 = vector.shape_cast %get3A_3970 : vector<1x16xf32> to vector<16xf32>
      %add3A_3972 = arith.addf %add3A_3948, %get3A_3971 : vector<16xf32>
      %get3A_3973 = arith.index_cast %add3A_3962 : i32 to index
      %get3A_3974 = arith.constant 32 : index
      %get3A_3975 = tpu.vector_load %arg6[%get3A_3973, %get3A_3974] {strides = array<i32>} : memref<400x64xf32, #tpu.memory_space<vmem>>, vector<1x16xf32>,
      %get3A_3976 = vector.shape_cast %get3A_3975 : vector<1x16xf32> to vector<16xf32>
      %add3A_3977 = arith.addf %add3A_3953, %get3A_3976 : vector<16xf32>
      %get3A_3978 = arith.index_cast %add3A_3962 : i32 to index
      %get3A_3979 = arith.constant 48 : index
      %get3A_3980 = tpu.vector_load %arg6[%get3A_3978, %get3A_3979] {strides = array<i32>} : memref<400x64xf32, #tpu.memory_space<vmem>>, vector<1x16xf32>,
      %get3A_3981 = vector.shape_cast %get3A_3980 : vector<1x16xf32> to vector<16xf32>
      %add3A_3982 = arith.addf %add3A_3958, %get3A_3981 : vector<16xf32>
      %add3A_3983 = arith.constant 50 : i32
      %add3A_3984 = arith.addi %mul3A_2544, %add3A_3983 : i32
      %add3A_3985 = arith.constant 7 : i32
      %add3A_3986 = arith.addi %add3A_3984, %add3A_3985 : i32
      %get3A_3987 = arith.index_cast %add3A_3986 : i32 to index
      %get3A_3988 = arith.constant 0 : index
      %get3A_3989 = tpu.vector_load %arg6[%get3A_3987, %get3A_3988] {strides = array<i32>} : memref<400x64xf32, #tpu.memory_space<vmem>>, vector<1x16xf32>,
      %get3A_3990 = vector.shape_cast %get3A_3989 : vector<1x16xf32> to vector<16xf32>
      %add3A_3991 = arith.addf %add3A_3967, %get3A_3990 : vector<16xf32>
      %get3A_3992 = arith.index_cast %add3A_3986 : i32 to index
      %get3A_3993 = arith.constant 16 : index
      %get3A_3994 = tpu.vector_load %arg6[%get3A_3992, %get3A_3993] {strides = array<i32>} : memref<400x64xf32, #tpu.memory_space<vmem>>, vector<1x16xf32>,
      %get3A_3995 = vector.shape_cast %get3A_3994 : vector<1x16xf32> to vector<16xf32>
      %add3A_3996 = arith.addf %add3A_3972, %get3A_3995 : vector<16xf32>
      %get3A_3997 = arith.index_cast %add3A_3986 : i32 to index
      %get3A_3998 = arith.constant 32 : index
      %get3A_3999 = tpu.vector_load %arg6[%get3A_3997, %get3A_3998] {strides = array<i32>} : memref<400x64xf32, #tpu.memory_space<vmem>>, vector<1x16xf32>,
      %get3A_4000 = vector.shape_cast %get3A_3999 : vector<1x16xf32> to vector<16xf32>
      %add3A_4001 = arith.addf %add3A_3977, %get3A_4000 : vector<16xf32>
      %get3A_4002 = arith.index_cast %add3A_3986 : i32 to index
      %get3A_4003 = arith.constant 48 : index
      %get3A_4004 = tpu.vector_load %arg6[%get3A_4002, %get3A_4003] {strides = array<i32>} : memref<400x64xf32, #tpu.memory_space<vmem>>, vector<1x16xf32>,
      %get3A_4005 = vector.shape_cast %get3A_4004 : vector<1x16xf32> to vector<16xf32>
      %add3A_4006 = arith.addf %add3A_3982, %get3A_4005 : vector<16xf32>
      %add3A_4007 = arith.constant 50 : i32
      %add3A_4008 = arith.addi %mul3A_2544, %add3A_4007 : i32
      %add3A_4009 = arith.constant 8 : i32
      %add3A_4010 = arith.addi %add3A_4008, %add3A_4009 : i32
      %get3A_4011 = arith.index_cast %add3A_4010 : i32 to index
      %get3A_4012 = arith.constant 0 : index
      %get3A_4013 = tpu.vector_load %arg6[%get3A_4011, %get3A_4012] {strides = array<i32>} : memref<400x64xf32, #tpu.memory_space<vmem>>, vector<1x16xf32>,
      %get3A_4014 = vector.shape_cast %get3A_4013 : vector<1x16xf32> to vector<16xf32>
      %add3A_4015 = arith.addf %add3A_3991, %get3A_4014 : vector<16xf32>
      %get3A_4016 = arith.index_cast %add3A_4010 : i32 to index
      %get3A_4017 = arith.constant 16 : index
      %get3A_4018 = tpu.vector_load %arg6[%get3A_4016, %get3A_4017] {strides = array<i32>} : memref<400x64xf32, #tpu.memory_space<vmem>>, vector<1x16xf32>,
      %get3A_4019 = vector.shape_cast %get3A_4018 : vector<1x16xf32> to vector<16xf32>
      %add3A_4020 = arith.addf %add3A_3996, %get3A_4019 : vector<16xf32>
      %get3A_4021 = arith.index_cast %add3A_4010 : i32 to index
      %get3A_4022 = arith.constant 32 : index
      %get3A_4023 = tpu.vector_load %arg6[%get3A_4021, %get3A_4022] {strides = array<i32>} : memref<400x64xf32, #tpu.memory_space<vmem>>, vector<1x16xf32>,
      %get3A_4024 = vector.shape_cast %get3A_4023 : vector<1x16xf32> to vector<16xf32>
      %add3A_4025 = arith.addf %add3A_4001, %get3A_4024 : vector<16xf32>
      %get3A_4026 = arith.index_cast %add3A_4010 : i32 to index
      %get3A_4027 = arith.constant 48 : index
      %get3A_4028 = tpu.vector_load %arg6[%get3A_4026, %get3A_4027] {strides = array<i32>} : memref<400x64xf32, #tpu.memory_space<vmem>>, vector<1x16xf32>,
      %get3A_4029 = vector.shape_cast %get3A_4028 : vector<1x16xf32> to vector<16xf32>
      %add3A_4030 = arith.addf %add3A_4006, %get3A_4029 : vector<16xf32>
      %add3A_4031 = arith.constant 50 : i32
      %add3A_4032 = arith.addi %mul3A_2544, %add3A_4031 : i32
      %add3A_4033 = arith.constant 9 : i32
      %add3A_4034 = arith.addi %add3A_4032, %add3A_4033 : i32
      %get3A_4035 = arith.index_cast %add3A_4034 : i32 to index
      %get3A_4036 = arith.constant 0 : index
      %get3A_4037 = tpu.vector_load %arg6[%get3A_4035, %get3A_4036] {strides = array<i32>} : memref<400x64xf32, #tpu.memory_space<vmem>>, vector<1x16xf32>,
      %get3A_4038 = vector.shape_cast %get3A_4037 : vector<1x16xf32> to vector<16xf32>
      %add3A_4039 = arith.addf %add3A_4015, %get3A_4038 : vector<16xf32>
      %get3A_4040 = arith.index_cast %add3A_4034 : i32 to index
      %get3A_4041 = arith.constant 16 : index
      %get3A_4042 = tpu.vector_load %arg6[%get3A_4040, %get3A_4041] {strides = array<i32>} : memref<400x64xf32, #tpu.memory_space<vmem>>, vector<1x16xf32>,
      %get3A_4043 = vector.shape_cast %get3A_4042 : vector<1x16xf32> to vector<16xf32>
      %add3A_4044 = arith.addf %add3A_4020, %get3A_4043 : vector<16xf32>
      %get3A_4045 = arith.index_cast %add3A_4034 : i32 to index
      %get3A_4046 = arith.constant 32 : index
      %get3A_4047 = tpu.vector_load %arg6[%get3A_4045, %get3A_4046] {strides = array<i32>} : memref<400x64xf32, #tpu.memory_space<vmem>>, vector<1x16xf32>,
      %get3A_4048 = vector.shape_cast %get3A_4047 : vector<1x16xf32> to vector<16xf32>
      %add3A_4049 = arith.addf %add3A_4025, %get3A_4048 : vector<16xf32>
      %get3A_4050 = arith.index_cast %add3A_4034 : i32 to index
      %get3A_4051 = arith.constant 48 : index
      %get3A_4052 = tpu.vector_load %arg6[%get3A_4050, %get3A_4051] {strides = array<i32>} : memref<400x64xf32, #tpu.memory_space<vmem>>, vector<1x16xf32>,
      %get3A_4053 = vector.shape_cast %get3A_4052 : vector<1x16xf32> to vector<16xf32>
      %add3A_4054 = arith.addf %add3A_4030, %get3A_4053 : vector<16xf32>
      %add3A_4055 = arith.constant 50 : i32
      %add3A_4056 = arith.addi %mul3A_2544, %add3A_4055 : i32
      %add3A_4057 = arith.constant 10 : i32
      %add3A_4058 = arith.addi %add3A_4056, %add3A_4057 : i32
      %get3A_4059 = arith.index_cast %add3A_4058 : i32 to index
      %get3A_4060 = arith.constant 0 : index
      %get3A_4061 = tpu.vector_load %arg6[%get3A_4059, %get3A_4060] {strides = array<i32>} : memref<400x64xf32, #tpu.memory_space<vmem>>, vector<1x16xf32>,
      %get3A_4062 = vector.shape_cast %get3A_4061 : vector<1x16xf32> to vector<16xf32>
      %add3A_4063 = arith.addf %add3A_4039, %get3A_4062 : vector<16xf32>
      %get3A_4064 = arith.index_cast %add3A_4058 : i32 to index
      %get3A_4065 = arith.constant 16 : index
      %get3A_4066 = tpu.vector_load %arg6[%get3A_4064, %get3A_4065] {strides = array<i32>} : memref<400x64xf32, #tpu.memory_space<vmem>>, vector<1x16xf32>,
      %get3A_4067 = vector.shape_cast %get3A_4066 : vector<1x16xf32> to vector<16xf32>
      %add3A_4068 = arith.addf %add3A_4044, %get3A_4067 : vector<16xf32>
      %get3A_4069 = arith.index_cast %add3A_4058 : i32 to index
      %get3A_4070 = arith.constant 32 : index
      %get3A_4071 = tpu.vector_load %arg6[%get3A_4069, %get3A_4070] {strides = array<i32>} : memref<400x64xf32, #tpu.memory_space<vmem>>, vector<1x16xf32>,
      %get3A_4072 = vector.shape_cast %get3A_4071 : vector<1x16xf32> to vector<16xf32>
      %add3A_4073 = arith.addf %add3A_4049, %get3A_4072 : vector<16xf32>
      %get3A_4074 = arith.index_cast %add3A_4058 : i32 to index
      %get3A_4075 = arith.constant 48 : index
      %get3A_4076 = tpu.vector_load %arg6[%get3A_4074, %get3A_4075] {strides = array<i32>} : memref<400x64xf32, #tpu.memory_space<vmem>>, vector<1x16xf32>,
      %get3A_4077 = vector.shape_cast %get3A_4076 : vector<1x16xf32> to vector<16xf32>
      %add3A_4078 = arith.addf %add3A_4054, %get3A_4077 : vector<16xf32>
      %add3A_4079 = arith.constant 50 : i32
      %add3A_4080 = arith.addi %mul3A_2544, %add3A_4079 : i32
      %add3A_4081 = arith.constant 11 : i32
      %add3A_4082 = arith.addi %add3A_4080, %add3A_4081 : i32
      %get3A_4083 = arith.index_cast %add3A_4082 : i32 to index
      %get3A_4084 = arith.constant 0 : index
      %get3A_4085 = tpu.vector_load %arg6[%get3A_4083, %get3A_4084] {strides = array<i32>} : memref<400x64xf32, #tpu.memory_space<vmem>>, vector<1x16xf32>,
      %get3A_4086 = vector.shape_cast %get3A_4085 : vector<1x16xf32> to vector<16xf32>
      %add3A_4087 = arith.addf %add3A_4063, %get3A_4086 : vector<16xf32>
      %get3A_4088 = arith.index_cast %add3A_4082 : i32 to index
      %get3A_4089 = arith.constant 16 : index
      %get3A_4090 = tpu.vector_load %arg6[%get3A_4088, %get3A_4089] {strides = array<i32>} : memref<400x64xf32, #tpu.memory_space<vmem>>, vector<1x16xf32>,
      %get3A_4091 = vector.shape_cast %get3A_4090 : vector<1x16xf32> to vector<16xf32>
      %add3A_4092 = arith.addf %add3A_4068, %get3A_4091 : vector<16xf32>
      %get3A_4093 = arith.index_cast %add3A_4082 : i32 to index
      %get3A_4094 = arith.constant 32 : index
      %get3A_4095 = tpu.vector_load %arg6[%get3A_4093, %get3A_4094] {strides = array<i32>} : memref<400x64xf32, #tpu.memory_space<vmem>>, vector<1x16xf32>,
      %get3A_4096 = vector.shape_cast %get3A_4095 : vector<1x16xf32> to vector<16xf32>
      %add3A_4097 = arith.addf %add3A_4073, %get3A_4096 : vector<16xf32>
      %get3A_4098 = arith.index_cast %add3A_4082 : i32 to index
      %get3A_4099 = arith.constant 48 : index
      %get3A_4100 = tpu.vector_load %arg6[%get3A_4098, %get3A_4099] {strides = array<i32>} : memref<400x64xf32, #tpu.memory_space<vmem>>, vector<1x16xf32>,
      %get3A_4101 = vector.shape_cast %get3A_4100 : vector<1x16xf32> to vector<16xf32>
      %add3A_4102 = arith.addf %add3A_4078, %get3A_4101 : vector<16xf32>
      %add3A_4103 = arith.constant 50 : i32
      %add3A_4104 = arith.addi %mul3A_2544, %add3A_4103 : i32
      %add3A_4105 = arith.constant 12 : i32
      %add3A_4106 = arith.addi %add3A_4104, %add3A_4105 : i32
      %get3A_4107 = arith.index_cast %add3A_4106 : i32 to index
      %get3A_4108 = arith.constant 0 : index
      %get3A_4109 = tpu.vector_load %arg6[%get3A_4107, %get3A_4108] {strides = array<i32>} : memref<400x64xf32, #tpu.memory_space<vmem>>, vector<1x16xf32>,
      %get3A_4110 = vector.shape_cast %get3A_4109 : vector<1x16xf32> to vector<16xf32>
      %add3A_4111 = arith.addf %add3A_4087, %get3A_4110 : vector<16xf32>
      %get3A_4112 = arith.index_cast %add3A_4106 : i32 to index
      %get3A_4113 = arith.constant 16 : index
      %get3A_4114 = tpu.vector_load %arg6[%get3A_4112, %get3A_4113] {strides = array<i32>} : memref<400x64xf32, #tpu.memory_space<vmem>>, vector<1x16xf32>,
      %get3A_4115 = vector.shape_cast %get3A_4114 : vector<1x16xf32> to vector<16xf32>
      %add3A_4116 = arith.addf %add3A_4092, %get3A_4115 : vector<16xf32>
      %get3A_4117 = arith.index_cast %add3A_4106 : i32 to index
      %get3A_4118 = arith.constant 32 : index
      %get3A_4119 = tpu.vector_load %arg6[%get3A_4117, %get3A_4118] {strides = array<i32>} : memref<400x64xf32, #tpu.memory_space<vmem>>, vector<1x16xf32>,
      %get3A_4120 = vector.shape_cast %get3A_4119 : vector<1x16xf32> to vector<16xf32>
      %add3A_4121 = arith.addf %add3A_4097, %get3A_4120 : vector<16xf32>
      %get3A_4122 = arith.index_cast %add3A_4106 : i32 to index
      %get3A_4123 = arith.constant 48 : index
      %get3A_4124 = tpu.vector_load %arg6[%get3A_4122, %get3A_4123] {strides = array<i32>} : memref<400x64xf32, #tpu.memory_space<vmem>>, vector<1x16xf32>,
      %get3A_4125 = vector.shape_cast %get3A_4124 : vector<1x16xf32> to vector<16xf32>
      %add3A_4126 = arith.addf %add3A_4102, %get3A_4125 : vector<16xf32>
      %add3A_4127 = arith.constant 50 : i32
      %add3A_4128 = arith.addi %mul3A_2544, %add3A_4127 : i32
      %add3A_4129 = arith.constant 13 : i32
      %add3A_4130 = arith.addi %add3A_4128, %add3A_4129 : i32
      %get3A_4131 = arith.index_cast %add3A_4130 : i32 to index
      %get3A_4132 = arith.constant 0 : index
      %get3A_4133 = tpu.vector_load %arg6[%get3A_4131, %get3A_4132] {strides = array<i32>} : memref<400x64xf32, #tpu.memory_space<vmem>>, vector<1x16xf32>,
      %get3A_4134 = vector.shape_cast %get3A_4133 : vector<1x16xf32> to vector<16xf32>
      %add3A_4135 = arith.addf %add3A_4111, %get3A_4134 : vector<16xf32>
      %get3A_4136 = arith.index_cast %add3A_4130 : i32 to index
      %get3A_4137 = arith.constant 16 : index
      %get3A_4138 = tpu.vector_load %arg6[%get3A_4136, %get3A_4137] {strides = array<i32>} : memref<400x64xf32, #tpu.memory_space<vmem>>, vector<1x16xf32>,
      %get3A_4139 = vector.shape_cast %get3A_4138 : vector<1x16xf32> to vector<16xf32>
      %add3A_4140 = arith.addf %add3A_4116, %get3A_4139 : vector<16xf32>
      %get3A_4141 = arith.index_cast %add3A_4130 : i32 to index
      %get3A_4142 = arith.constant 32 : index
      %get3A_4143 = tpu.vector_load %arg6[%get3A_4141, %get3A_4142] {strides = array<i32>} : memref<400x64xf32, #tpu.memory_space<vmem>>, vector<1x16xf32>,
      %get3A_4144 = vector.shape_cast %get3A_4143 : vector<1x16xf32> to vector<16xf32>
      %add3A_4145 = arith.addf %add3A_4121, %get3A_4144 : vector<16xf32>
      %get3A_4146 = arith.index_cast %add3A_4130 : i32 to index
      %get3A_4147 = arith.constant 48 : index
      %get3A_4148 = tpu.vector_load %arg6[%get3A_4146, %get3A_4147] {strides = array<i32>} : memref<400x64xf32, #tpu.memory_space<vmem>>, vector<1x16xf32>,
      %get3A_4149 = vector.shape_cast %get3A_4148 : vector<1x16xf32> to vector<16xf32>
      %add3A_4150 = arith.addf %add3A_4126, %get3A_4149 : vector<16xf32>
      %add3A_4151 = arith.constant 50 : i32
      %add3A_4152 = arith.addi %mul3A_2544, %add3A_4151 : i32
      %add3A_4153 = arith.constant 14 : i32
      %add3A_4154 = arith.addi %add3A_4152, %add3A_4153 : i32
      %get3A_4155 = arith.index_cast %add3A_4154 : i32 to index
      %get3A_4156 = arith.constant 0 : index
      %get3A_4157 = tpu.vector_load %arg6[%get3A_4155, %get3A_4156] {strides = array<i32>} : memref<400x64xf32, #tpu.memory_space<vmem>>, vector<1x16xf32>,
      %get3A_4158 = vector.shape_cast %get3A_4157 : vector<1x16xf32> to vector<16xf32>
      %add3A_4159 = arith.addf %add3A_4135, %get3A_4158 : vector<16xf32>
      %get3A_4160 = arith.index_cast %add3A_4154 : i32 to index
      %get3A_4161 = arith.constant 16 : index
      %get3A_4162 = tpu.vector_load %arg6[%get3A_4160, %get3A_4161] {strides = array<i32>} : memref<400x64xf32, #tpu.memory_space<vmem>>, vector<1x16xf32>,
      %get3A_4163 = vector.shape_cast %get3A_4162 : vector<1x16xf32> to vector<16xf32>
      %add3A_4164 = arith.addf %add3A_4140, %get3A_4163 : vector<16xf32>
      %get3A_4165 = arith.index_cast %add3A_4154 : i32 to index
      %get3A_4166 = arith.constant 32 : index
      %get3A_4167 = tpu.vector_load %arg6[%get3A_4165, %get3A_4166] {strides = array<i32>} : memref<400x64xf32, #tpu.memory_space<vmem>>, vector<1x16xf32>,
      %get3A_4168 = vector.shape_cast %get3A_4167 : vector<1x16xf32> to vector<16xf32>
      %add3A_4169 = arith.addf %add3A_4145, %get3A_4168 : vector<16xf32>
      %get3A_4170 = arith.index_cast %add3A_4154 : i32 to index
      %get3A_4171 = arith.constant 48 : index
      %get3A_4172 = tpu.vector_load %arg6[%get3A_4170, %get3A_4171] {strides = array<i32>} : memref<400x64xf32, #tpu.memory_space<vmem>>, vector<1x16xf32>,
      %get3A_4173 = vector.shape_cast %get3A_4172 : vector<1x16xf32> to vector<16xf32>
      %add3A_4174 = arith.addf %add3A_4150, %get3A_4173 : vector<16xf32>
      %add3A_4175 = arith.constant 50 : i32
      %add3A_4176 = arith.addi %mul3A_2544, %add3A_4175 : i32
      %add3A_4177 = arith.constant 15 : i32
      %add3A_4178 = arith.addi %add3A_4176, %add3A_4177 : i32
      %get3A_4179 = arith.index_cast %add3A_4178 : i32 to index
      %get3A_4180 = arith.constant 0 : index
      %get3A_4181 = tpu.vector_load %arg6[%get3A_4179, %get3A_4180] {strides = array<i32>} : memref<400x64xf32, #tpu.memory_space<vmem>>, vector<1x16xf32>,
      %get3A_4182 = vector.shape_cast %get3A_4181 : vector<1x16xf32> to vector<16xf32>
      %add3A_4183 = arith.addf %add3A_4159, %get3A_4182 : vector<16xf32>
      %get3A_4184 = arith.index_cast %add3A_4178 : i32 to index
      %get3A_4185 = arith.constant 16 : index
      %get3A_4186 = tpu.vector_load %arg6[%get3A_4184, %get3A_4185] {strides = array<i32>} : memref<400x64xf32, #tpu.memory_space<vmem>>, vector<1x16xf32>,
      %get3A_4187 = vector.shape_cast %get3A_4186 : vector<1x16xf32> to vector<16xf32>
      %add3A_4188 = arith.addf %add3A_4164, %get3A_4187 : vector<16xf32>
      %get3A_4189 = arith.index_cast %add3A_4178 : i32 to index
      %get3A_4190 = arith.constant 32 : index
      %get3A_4191 = tpu.vector_load %arg6[%get3A_4189, %get3A_4190] {strides = array<i32>} : memref<400x64xf32, #tpu.memory_space<vmem>>, vector<1x16xf32>,
      %get3A_4192 = vector.shape_cast %get3A_4191 : vector<1x16xf32> to vector<16xf32>
      %add3A_4193 = arith.addf %add3A_4169, %get3A_4192 : vector<16xf32>
      %get3A_4194 = arith.index_cast %add3A_4178 : i32 to index
      %get3A_4195 = arith.constant 48 : index
      %get3A_4196 = tpu.vector_load %arg6[%get3A_4194, %get3A_4195] {strides = array<i32>} : memref<400x64xf32, #tpu.memory_space<vmem>>, vector<1x16xf32>,
      %get3A_4197 = vector.shape_cast %get3A_4196 : vector<1x16xf32> to vector<16xf32>
      %add3A_4198 = arith.addf %add3A_4174, %get3A_4197 : vector<16xf32>
      %add3A_4199 = arith.constant 50 : i32
      %add3A_4200 = arith.addi %mul3A_2544, %add3A_4199 : i32
      %add3A_4201 = arith.constant 16 : i32
      %add3A_4202 = arith.addi %add3A_4200, %add3A_4201 : i32
      %get3A_4203 = arith.index_cast %add3A_4202 : i32 to index
      %get3A_4204 = arith.constant 0 : index
      %get3A_4205 = tpu.vector_load %arg6[%get3A_4203, %get3A_4204] {strides = array<i32>} : memref<400x64xf32, #tpu.memory_space<vmem>>, vector<1x16xf32>,
      %get3A_4206 = vector.shape_cast %get3A_4205 : vector<1x16xf32> to vector<16xf32>
      %add3A_4207 = arith.addf %add3A_4183, %get3A_4206 : vector<16xf32>
      %get3A_4208 = arith.index_cast %add3A_4202 : i32 to index
      %get3A_4209 = arith.constant 16 : index
      %get3A_4210 = tpu.vector_load %arg6[%get3A_4208, %get3A_4209] {strides = array<i32>} : memref<400x64xf32, #tpu.memory_space<vmem>>, vector<1x16xf32>,
      %get3A_4211 = vector.shape_cast %get3A_4210 : vector<1x16xf32> to vector<16xf32>
      %add3A_4212 = arith.addf %add3A_4188, %get3A_4211 : vector<16xf32>
      %get3A_4213 = arith.index_cast %add3A_4202 : i32 to index
      %get3A_4214 = arith.constant 32 : index
      %get3A_4215 = tpu.vector_load %arg6[%get3A_4213, %get3A_4214] {strides = array<i32>} : memref<400x64xf32, #tpu.memory_space<vmem>>, vector<1x16xf32>,
      %get3A_4216 = vector.shape_cast %get3A_4215 : vector<1x16xf32> to vector<16xf32>
      %add3A_4217 = arith.addf %add3A_4193, %get3A_4216 : vector<16xf32>
      %get3A_4218 = arith.index_cast %add3A_4202 : i32 to index
      %get3A_4219 = arith.constant 48 : index
      %get3A_4220 = tpu.vector_load %arg6[%get3A_4218, %get3A_4219] {strides = array<i32>} : memref<400x64xf32, #tpu.memory_space<vmem>>, vector<1x16xf32>,
      %get3A_4221 = vector.shape_cast %get3A_4220 : vector<1x16xf32> to vector<16xf32>
      %add3A_4222 = arith.addf %add3A_4198, %get3A_4221 : vector<16xf32>
      %add3A_4223 = arith.constant 50 : i32
      %add3A_4224 = arith.addi %mul3A_2544, %add3A_4223 : i32
      %add3A_4225 = arith.constant 17 : i32
      %add3A_4226 = arith.addi %add3A_4224, %add3A_4225 : i32
      %get3A_4227 = arith.index_cast %add3A_4226 : i32 to index
      %get3A_4228 = arith.constant 0 : index
      %get3A_4229 = tpu.vector_load %arg6[%get3A_4227, %get3A_4228] {strides = array<i32>} : memref<400x64xf32, #tpu.memory_space<vmem>>, vector<1x16xf32>,
      %get3A_4230 = vector.shape_cast %get3A_4229 : vector<1x16xf32> to vector<16xf32>
      %add3A_4231 = arith.addf %add3A_4207, %get3A_4230 : vector<16xf32>
      %get3A_4232 = arith.index_cast %add3A_4226 : i32 to index
      %get3A_4233 = arith.constant 16 : index
      %get3A_4234 = tpu.vector_load %arg6[%get3A_4232, %get3A_4233] {strides = array<i32>} : memref<400x64xf32, #tpu.memory_space<vmem>>, vector<1x16xf32>,
      %get3A_4235 = vector.shape_cast %get3A_4234 : vector<1x16xf32> to vector<16xf32>
      %add3A_4236 = arith.addf %add3A_4212, %get3A_4235 : vector<16xf32>
      %get3A_4237 = arith.index_cast %add3A_4226 : i32 to index
      %get3A_4238 = arith.constant 32 : index
      %get3A_4239 = tpu.vector_load %arg6[%get3A_4237, %get3A_4238] {strides = array<i32>} : memref<400x64xf32, #tpu.memory_space<vmem>>, vector<1x16xf32>,
      %get3A_4240 = vector.shape_cast %get3A_4239 : vector<1x16xf32> to vector<16xf32>
      %add3A_4241 = arith.addf %add3A_4217, %get3A_4240 : vector<16xf32>
      %get3A_4242 = arith.index_cast %add3A_4226 : i32 to index
      %get3A_4243 = arith.constant 48 : index
      %get3A_4244 = tpu.vector_load %arg6[%get3A_4242, %get3A_4243] {strides = array<i32>} : memref<400x64xf32, #tpu.memory_space<vmem>>, vector<1x16xf32>,
      %get3A_4245 = vector.shape_cast %get3A_4244 : vector<1x16xf32> to vector<16xf32>
      %add3A_4246 = arith.addf %add3A_4222, %get3A_4245 : vector<16xf32>
      %add3A_4247 = arith.constant 50 : i32
      %add3A_4248 = arith.addi %mul3A_2544, %add3A_4247 : i32
      %add3A_4249 = arith.constant 18 : i32
      %add3A_4250 = arith.addi %add3A_4248, %add3A_4249 : i32
      %get3A_4251 = arith.index_cast %add3A_4250 : i32 to index
      %get3A_4252 = arith.constant 0 : index
      %get3A_4253 = tpu.vector_load %arg6[%get3A_4251, %get3A_4252] {strides = array<i32>} : memref<400x64xf32, #tpu.memory_space<vmem>>, vector<1x16xf32>,
      %get3A_4254 = vector.shape_cast %get3A_4253 : vector<1x16xf32> to vector<16xf32>
      %add3A_4255 = arith.addf %add3A_4231, %get3A_4254 : vector<16xf32>
      %get3A_4256 = arith.index_cast %add3A_4250 : i32 to index
      %get3A_4257 = arith.constant 16 : index
      %get3A_4258 = tpu.vector_load %arg6[%get3A_4256, %get3A_4257] {strides = array<i32>} : memref<400x64xf32, #tpu.memory_space<vmem>>, vector<1x16xf32>,
      %get3A_4259 = vector.shape_cast %get3A_4258 : vector<1x16xf32> to vector<16xf32>
      %add3A_4260 = arith.addf %add3A_4236, %get3A_4259 : vector<16xf32>
      %get3A_4261 = arith.index_cast %add3A_4250 : i32 to index
      %get3A_4262 = arith.constant 32 : index
      %get3A_4263 = tpu.vector_load %arg6[%get3A_4261, %get3A_4262] {strides = array<i32>} : memref<400x64xf32, #tpu.memory_space<vmem>>, vector<1x16xf32>,
      %get3A_4264 = vector.shape_cast %get3A_4263 : vector<1x16xf32> to vector<16xf32>
      %add3A_4265 = arith.addf %add3A_4241, %get3A_4264 : vector<16xf32>
      %get3A_4266 = arith.index_cast %add3A_4250 : i32 to index
      %get3A_4267 = arith.constant 48 : index
      %get3A_4268 = tpu.vector_load %arg6[%get3A_4266, %get3A_4267] {strides = array<i32>} : memref<400x64xf32, #tpu.memory_space<vmem>>, vector<1x16xf32>,
      %get3A_4269 = vector.shape_cast %get3A_4268 : vector<1x16xf32> to vector<16xf32>
      %add3A_4270 = arith.addf %add3A_4246, %get3A_4269 : vector<16xf32>
      %add3A_4271 = arith.constant 50 : i32
      %add3A_4272 = arith.addi %mul3A_2544, %add3A_4271 : i32
      %add3A_4273 = arith.constant 19 : i32
      %add3A_4274 = arith.addi %add3A_4272, %add3A_4273 : i32
      %get3A_4275 = arith.index_cast %add3A_4274 : i32 to index
      %get3A_4276 = arith.constant 0 : index
      %get3A_4277 = tpu.vector_load %arg6[%get3A_4275, %get3A_4276] {strides = array<i32>} : memref<400x64xf32, #tpu.memory_space<vmem>>, vector<1x16xf32>,
      %get3A_4278 = vector.shape_cast %get3A_4277 : vector<1x16xf32> to vector<16xf32>
      %add3A_4279 = arith.addf %add3A_4255, %get3A_4278 : vector<16xf32>
      %get3A_4280 = arith.index_cast %add3A_4274 : i32 to index
      %get3A_4281 = arith.constant 16 : index
      %get3A_4282 = tpu.vector_load %arg6[%get3A_4280, %get3A_4281] {strides = array<i32>} : memref<400x64xf32, #tpu.memory_space<vmem>>, vector<1x16xf32>,
      %get3A_4283 = vector.shape_cast %get3A_4282 : vector<1x16xf32> to vector<16xf32>
      %add3A_4284 = arith.addf %add3A_4260, %get3A_4283 : vector<16xf32>
      %get3A_4285 = arith.index_cast %add3A_4274 : i32 to index
      %get3A_4286 = arith.constant 32 : index
      %get3A_4287 = tpu.vector_load %arg6[%get3A_4285, %get3A_4286] {strides = array<i32>} : memref<400x64xf32, #tpu.memory_space<vmem>>, vector<1x16xf32>,
      %get3A_4288 = vector.shape_cast %get3A_4287 : vector<1x16xf32> to vector<16xf32>
      %add3A_4289 = arith.addf %add3A_4265, %get3A_4288 : vector<16xf32>
      %get3A_4290 = arith.index_cast %add3A_4274 : i32 to index
      %get3A_4291 = arith.constant 48 : index
      %get3A_4292 = tpu.vector_load %arg6[%get3A_4290, %get3A_4291] {strides = array<i32>} : memref<400x64xf32, #tpu.memory_space<vmem>>, vector<1x16xf32>,
      %get3A_4293 = vector.shape_cast %get3A_4292 : vector<1x16xf32> to vector<16xf32>
      %add3A_4294 = arith.addf %add3A_4270, %get3A_4293 : vector<16xf32>
      %add3A_4295 = arith.constant 50 : i32
      %add3A_4296 = arith.addi %mul3A_2544, %add3A_4295 : i32
      %add3A_4297 = arith.constant 20 : i32
      %add3A_4298 = arith.addi %add3A_4296, %add3A_4297 : i32
      %get3A_4299 = arith.index_cast %add3A_4298 : i32 to index
      %get3A_4300 = arith.constant 0 : index
      %get3A_4301 = tpu.vector_load %arg6[%get3A_4299, %get3A_4300] {strides = array<i32>} : memref<400x64xf32, #tpu.memory_space<vmem>>, vector<1x16xf32>,
      %get3A_4302 = vector.shape_cast %get3A_4301 : vector<1x16xf32> to vector<16xf32>
      %add3A_4303 = arith.addf %add3A_4279, %get3A_4302 : vector<16xf32>
      %get3A_4304 = arith.index_cast %add3A_4298 : i32 to index
      %get3A_4305 = arith.constant 16 : index
      %get3A_4306 = tpu.vector_load %arg6[%get3A_4304, %get3A_4305] {strides = array<i32>} : memref<400x64xf32, #tpu.memory_space<vmem>>, vector<1x16xf32>,
      %get3A_4307 = vector.shape_cast %get3A_4306 : vector<1x16xf32> to vector<16xf32>
      %add3A_4308 = arith.addf %add3A_4284, %get3A_4307 : vector<16xf32>
      %get3A_4309 = arith.index_cast %add3A_4298 : i32 to index
      %get3A_4310 = arith.constant 32 : index
      %get3A_4311 = tpu.vector_load %arg6[%get3A_4309, %get3A_4310] {strides = array<i32>} : memref<400x64xf32, #tpu.memory_space<vmem>>, vector<1x16xf32>,
      %get3A_4312 = vector.shape_cast %get3A_4311 : vector<1x16xf32> to vector<16xf32>
      %add3A_4313 = arith.addf %add3A_4289, %get3A_4312 : vector<16xf32>
      %get3A_4314 = arith.index_cast %add3A_4298 : i32 to index
      %get3A_4315 = arith.constant 48 : index
      %get3A_4316 = tpu.vector_load %arg6[%get3A_4314, %get3A_4315] {strides = array<i32>} : memref<400x64xf32, #tpu.memory_space<vmem>>, vector<1x16xf32>,
      %get3A_4317 = vector.shape_cast %get3A_4316 : vector<1x16xf32> to vector<16xf32>
      %add3A_4318 = arith.addf %add3A_4294, %get3A_4317 : vector<16xf32>
      %add3A_4319 = arith.constant 50 : i32
      %add3A_4320 = arith.addi %mul3A_2544, %add3A_4319 : i32
      %add3A_4321 = arith.constant 21 : i32
      %add3A_4322 = arith.addi %add3A_4320, %add3A_4321 : i32
      %get3A_4323 = arith.index_cast %add3A_4322 : i32 to index
      %get3A_4324 = arith.constant 0 : index
      %get3A_4325 = tpu.vector_load %arg6[%get3A_4323, %get3A_4324] {strides = array<i32>} : memref<400x64xf32, #tpu.memory_space<vmem>>, vector<1x16xf32>,
      %get3A_4326 = vector.shape_cast %get3A_4325 : vector<1x16xf32> to vector<16xf32>
      %add3A_4327 = arith.addf %add3A_4303, %get3A_4326 : vector<16xf32>
      %get3A_4328 = arith.index_cast %add3A_4322 : i32 to index
      %get3A_4329 = arith.constant 16 : index
      %get3A_4330 = tpu.vector_load %arg6[%get3A_4328, %get3A_4329] {strides = array<i32>} : memref<400x64xf32, #tpu.memory_space<vmem>>, vector<1x16xf32>,
      %get3A_4331 = vector.shape_cast %get3A_4330 : vector<1x16xf32> to vector<16xf32>
      %add3A_4332 = arith.addf %add3A_4308, %get3A_4331 : vector<16xf32>
      %get3A_4333 = arith.index_cast %add3A_4322 : i32 to index
      %get3A_4334 = arith.constant 32 : index
      %get3A_4335 = tpu.vector_load %arg6[%get3A_4333, %get3A_4334] {strides = array<i32>} : memref<400x64xf32, #tpu.memory_space<vmem>>, vector<1x16xf32>,
      %get3A_4336 = vector.shape_cast %get3A_4335 : vector<1x16xf32> to vector<16xf32>
      %add3A_4337 = arith.addf %add3A_4313, %get3A_4336 : vector<16xf32>
      %get3A_4338 = arith.index_cast %add3A_4322 : i32 to index
      %get3A_4339 = arith.constant 48 : index
      %get3A_4340 = tpu.vector_load %arg6[%get3A_4338, %get3A_4339] {strides = array<i32>} : memref<400x64xf32, #tpu.memory_space<vmem>>, vector<1x16xf32>,
      %get3A_4341 = vector.shape_cast %get3A_4340 : vector<1x16xf32> to vector<16xf32>
      %add3A_4342 = arith.addf %add3A_4318, %get3A_4341 : vector<16xf32>
      %add3A_4343 = arith.constant 50 : i32
      %add3A_4344 = arith.addi %mul3A_2544, %add3A_4343 : i32
      %add3A_4345 = arith.constant 22 : i32
      %add3A_4346 = arith.addi %add3A_4344, %add3A_4345 : i32
      %get3A_4347 = arith.index_cast %add3A_4346 : i32 to index
      %get3A_4348 = arith.constant 0 : index
      %get3A_4349 = tpu.vector_load %arg6[%get3A_4347, %get3A_4348] {strides = array<i32>} : memref<400x64xf32, #tpu.memory_space<vmem>>, vector<1x16xf32>,
      %get3A_4350 = vector.shape_cast %get3A_4349 : vector<1x16xf32> to vector<16xf32>
      %add3A_4351 = arith.addf %add3A_4327, %get3A_4350 : vector<16xf32>
      %get3A_4352 = arith.index_cast %add3A_4346 : i32 to index
      %get3A_4353 = arith.constant 16 : index
      %get3A_4354 = tpu.vector_load %arg6[%get3A_4352, %get3A_4353] {strides = array<i32>} : memref<400x64xf32, #tpu.memory_space<vmem>>, vector<1x16xf32>,
      %get3A_4355 = vector.shape_cast %get3A_4354 : vector<1x16xf32> to vector<16xf32>
      %add3A_4356 = arith.addf %add3A_4332, %get3A_4355 : vector<16xf32>
      %get3A_4357 = arith.index_cast %add3A_4346 : i32 to index
      %get3A_4358 = arith.constant 32 : index
      %get3A_4359 = tpu.vector_load %arg6[%get3A_4357, %get3A_4358] {strides = array<i32>} : memref<400x64xf32, #tpu.memory_space<vmem>>, vector<1x16xf32>,
      %get3A_4360 = vector.shape_cast %get3A_4359 : vector<1x16xf32> to vector<16xf32>
      %add3A_4361 = arith.addf %add3A_4337, %get3A_4360 : vector<16xf32>
      %get3A_4362 = arith.index_cast %add3A_4346 : i32 to index
      %get3A_4363 = arith.constant 48 : index
      %get3A_4364 = tpu.vector_load %arg6[%get3A_4362, %get3A_4363] {strides = array<i32>} : memref<400x64xf32, #tpu.memory_space<vmem>>, vector<1x16xf32>,
      %get3A_4365 = vector.shape_cast %get3A_4364 : vector<1x16xf32> to vector<16xf32>
      %add3A_4366 = arith.addf %add3A_4342, %get3A_4365 : vector<16xf32>
      %add3A_4367 = arith.constant 50 : i32
      %add3A_4368 = arith.addi %mul3A_2544, %add3A_4367 : i32
      %add3A_4369 = arith.constant 23 : i32
      %add3A_4370 = arith.addi %add3A_4368, %add3A_4369 : i32
      %get3A_4371 = arith.index_cast %add3A_4370 : i32 to index
      %get3A_4372 = arith.constant 0 : index
      %get3A_4373 = tpu.vector_load %arg6[%get3A_4371, %get3A_4372] {strides = array<i32>} : memref<400x64xf32, #tpu.memory_space<vmem>>, vector<1x16xf32>,
      %get3A_4374 = vector.shape_cast %get3A_4373 : vector<1x16xf32> to vector<16xf32>
      %add3A_4375 = arith.addf %add3A_4351, %get3A_4374 : vector<16xf32>
      %get3A_4376 = arith.index_cast %add3A_4370 : i32 to index
      %get3A_4377 = arith.constant 16 : index
      %get3A_4378 = tpu.vector_load %arg6[%get3A_4376, %get3A_4377] {strides = array<i32>} : memref<400x64xf32, #tpu.memory_space<vmem>>, vector<1x16xf32>,
      %get3A_4379 = vector.shape_cast %get3A_4378 : vector<1x16xf32> to vector<16xf32>
      %add3A_4380 = arith.addf %add3A_4356, %get3A_4379 : vector<16xf32>
      %get3A_4381 = arith.index_cast %add3A_4370 : i32 to index
      %get3A_4382 = arith.constant 32 : index
      %get3A_4383 = tpu.vector_load %arg6[%get3A_4381, %get3A_4382] {strides = array<i32>} : memref<400x64xf32, #tpu.memory_space<vmem>>, vector<1x16xf32>,
      %get3A_4384 = vector.shape_cast %get3A_4383 : vector<1x16xf32> to vector<16xf32>
      %add3A_4385 = arith.addf %add3A_4361, %get3A_4384 : vector<16xf32>
      %get3A_4386 = arith.index_cast %add3A_4370 : i32 to index
      %get3A_4387 = arith.constant 48 : index
      %get3A_4388 = tpu.vector_load %arg6[%get3A_4386, %get3A_4387] {strides = array<i32>} : memref<400x64xf32, #tpu.memory_space<vmem>>, vector<1x16xf32>,
      %get3A_4389 = vector.shape_cast %get3A_4388 : vector<1x16xf32> to vector<16xf32>
      %add3A_4390 = arith.addf %add3A_4366, %get3A_4389 : vector<16xf32>
      %add3A_4391 = arith.constant 50 : i32
      %add3A_4392 = arith.addi %mul3A_2544, %add3A_4391 : i32
      %add3A_4393 = arith.constant 24 : i32
      %add3A_4394 = arith.addi %add3A_4392, %add3A_4393 : i32
      %get3A_4395 = arith.index_cast %add3A_4394 : i32 to index
      %get3A_4396 = arith.constant 0 : index
      %get3A_4397 = tpu.vector_load %arg6[%get3A_4395, %get3A_4396] {strides = array<i32>} : memref<400x64xf32, #tpu.memory_space<vmem>>, vector<1x16xf32>,
      %get3A_4398 = vector.shape_cast %get3A_4397 : vector<1x16xf32> to vector<16xf32>
      %add3A_4399 = arith.addf %add3A_4375, %get3A_4398 : vector<16xf32>
      %get3A_4400 = arith.index_cast %add3A_4394 : i32 to index
      %get3A_4401 = arith.constant 16 : index
      %get3A_4402 = tpu.vector_load %arg6[%get3A_4400, %get3A_4401] {strides = array<i32>} : memref<400x64xf32, #tpu.memory_space<vmem>>, vector<1x16xf32>,
      %get3A_4403 = vector.shape_cast %get3A_4402 : vector<1x16xf32> to vector<16xf32>
      %add3A_4404 = arith.addf %add3A_4380, %get3A_4403 : vector<16xf32>
      %get3A_4405 = arith.index_cast %add3A_4394 : i32 to index
      %get3A_4406 = arith.constant 32 : index
      %get3A_4407 = tpu.vector_load %arg6[%get3A_4405, %get3A_4406] {strides = array<i32>} : memref<400x64xf32, #tpu.memory_space<vmem>>, vector<1x16xf32>,
      %get3A_4408 = vector.shape_cast %get3A_4407 : vector<1x16xf32> to vector<16xf32>
      %add3A_4409 = arith.addf %add3A_4385, %get3A_4408 : vector<16xf32>
      %get3A_4410 = arith.index_cast %add3A_4394 : i32 to index
      %get3A_4411 = arith.constant 48 : index
      %get3A_4412 = tpu.vector_load %arg6[%get3A_4410, %get3A_4411] {strides = array<i32>} : memref<400x64xf32, #tpu.memory_space<vmem>>, vector<1x16xf32>,
      %get3A_4413 = vector.shape_cast %get3A_4412 : vector<1x16xf32> to vector<16xf32>
      %add3A_4414 = arith.addf %add3A_4390, %get3A_4413 : vector<16xf32>
      %add3A_4415 = arith.constant 50 : i32
      %add3A_4416 = arith.addi %mul3A_2544, %add3A_4415 : i32
      %add3A_4417 = arith.constant 25 : i32
      %add3A_4418 = arith.addi %add3A_4416, %add3A_4417 : i32
      %get3A_4419 = arith.index_cast %add3A_4418 : i32 to index
      %get3A_4420 = arith.constant 0 : index
      %get3A_4421 = tpu.vector_load %arg6[%get3A_4419, %get3A_4420] {strides = array<i32>} : memref<400x64xf32, #tpu.memory_space<vmem>>, vector<1x16xf32>,
      %get3A_4422 = vector.shape_cast %get3A_4421 : vector<1x16xf32> to vector<16xf32>
      %add3A_4423 = arith.addf %add3A_4399, %get3A_4422 : vector<16xf32>
      %get3A_4424 = arith.index_cast %add3A_4418 : i32 to index
      %get3A_4425 = arith.constant 16 : index
      %get3A_4426 = tpu.vector_load %arg6[%get3A_4424, %get3A_4425] {strides = array<i32>} : memref<400x64xf32, #tpu.memory_space<vmem>>, vector<1x16xf32>,
      %get3A_4427 = vector.shape_cast %get3A_4426 : vector<1x16xf32> to vector<16xf32>
      %add3A_4428 = arith.addf %add3A_4404, %get3A_4427 : vector<16xf32>
      %get3A_4429 = arith.index_cast %add3A_4418 : i32 to index
      %get3A_4430 = arith.constant 32 : index
      %get3A_4431 = tpu.vector_load %arg6[%get3A_4429, %get3A_4430] {strides = array<i32>} : memref<400x64xf32, #tpu.memory_space<vmem>>, vector<1x16xf32>,
      %get3A_4432 = vector.shape_cast %get3A_4431 : vector<1x16xf32> to vector<16xf32>
      %add3A_4433 = arith.addf %add3A_4409, %get3A_4432 : vector<16xf32>
      %get3A_4434 = arith.index_cast %add3A_4418 : i32 to index
      %get3A_4435 = arith.constant 48 : index
      %get3A_4436 = tpu.vector_load %arg6[%get3A_4434, %get3A_4435] {strides = array<i32>} : memref<400x64xf32, #tpu.memory_space<vmem>>, vector<1x16xf32>,
      %get3A_4437 = vector.shape_cast %get3A_4436 : vector<1x16xf32> to vector<16xf32>
      %add3A_4438 = arith.addf %add3A_4414, %get3A_4437 : vector<16xf32>
      %add3A_4439 = arith.constant 50 : i32
      %add3A_4440 = arith.addi %mul3A_2544, %add3A_4439 : i32
      %add3A_4441 = arith.constant 26 : i32
      %add3A_4442 = arith.addi %add3A_4440, %add3A_4441 : i32
      %get3A_4443 = arith.index_cast %add3A_4442 : i32 to index
      %get3A_4444 = arith.constant 0 : index
      %get3A_4445 = tpu.vector_load %arg6[%get3A_4443, %get3A_4444] {strides = array<i32>} : memref<400x64xf32, #tpu.memory_space<vmem>>, vector<1x16xf32>,
      %get3A_4446 = vector.shape_cast %get3A_4445 : vector<1x16xf32> to vector<16xf32>
      %add3A_4447 = arith.addf %add3A_4423, %get3A_4446 : vector<16xf32>
      %get3A_4448 = arith.index_cast %add3A_4442 : i32 to index
      %get3A_4449 = arith.constant 16 : index
      %get3A_4450 = tpu.vector_load %arg6[%get3A_4448, %get3A_4449] {strides = array<i32>} : memref<400x64xf32, #tpu.memory_space<vmem>>, vector<1x16xf32>,
      %get3A_4451 = vector.shape_cast %get3A_4450 : vector<1x16xf32> to vector<16xf32>
      %add3A_4452 = arith.addf %add3A_4428, %get3A_4451 : vector<16xf32>
      %get3A_4453 = arith.index_cast %add3A_4442 : i32 to index
      %get3A_4454 = arith.constant 32 : index
      %get3A_4455 = tpu.vector_load %arg6[%get3A_4453, %get3A_4454] {strides = array<i32>} : memref<400x64xf32, #tpu.memory_space<vmem>>, vector<1x16xf32>,
      %get3A_4456 = vector.shape_cast %get3A_4455 : vector<1x16xf32> to vector<16xf32>
      %add3A_4457 = arith.addf %add3A_4433, %get3A_4456 : vector<16xf32>
      %get3A_4458 = arith.index_cast %add3A_4442 : i32 to index
      %get3A_4459 = arith.constant 48 : index
      %get3A_4460 = tpu.vector_load %arg6[%get3A_4458, %get3A_4459] {strides = array<i32>} : memref<400x64xf32, #tpu.memory_space<vmem>>, vector<1x16xf32>,
      %get3A_4461 = vector.shape_cast %get3A_4460 : vector<1x16xf32> to vector<16xf32>
      %add3A_4462 = arith.addf %add3A_4438, %get3A_4461 : vector<16xf32>
      %add3A_4463 = arith.constant 50 : i32
      %add3A_4464 = arith.addi %mul3A_2544, %add3A_4463 : i32
      %add3A_4465 = arith.constant 27 : i32
      %add3A_4466 = arith.addi %add3A_4464, %add3A_4465 : i32
      %get3A_4467 = arith.index_cast %add3A_4466 : i32 to index
      %get3A_4468 = arith.constant 0 : index
      %get3A_4469 = tpu.vector_load %arg6[%get3A_4467, %get3A_4468] {strides = array<i32>} : memref<400x64xf32, #tpu.memory_space<vmem>>, vector<1x16xf32>,
      %get3A_4470 = vector.shape_cast %get3A_4469 : vector<1x16xf32> to vector<16xf32>
      %add3A_4471 = arith.addf %add3A_4447, %get3A_4470 : vector<16xf32>
      %get3A_4472 = arith.index_cast %add3A_4466 : i32 to index
      %get3A_4473 = arith.constant 16 : index
      %get3A_4474 = tpu.vector_load %arg6[%get3A_4472, %get3A_4473] {strides = array<i32>} : memref<400x64xf32, #tpu.memory_space<vmem>>, vector<1x16xf32>,
      %get3A_4475 = vector.shape_cast %get3A_4474 : vector<1x16xf32> to vector<16xf32>
      %add3A_4476 = arith.addf %add3A_4452, %get3A_4475 : vector<16xf32>
      %get3A_4477 = arith.index_cast %add3A_4466 : i32 to index
      %get3A_4478 = arith.constant 32 : index
      %get3A_4479 = tpu.vector_load %arg6[%get3A_4477, %get3A_4478] {strides = array<i32>} : memref<400x64xf32, #tpu.memory_space<vmem>>, vector<1x16xf32>,
      %get3A_4480 = vector.shape_cast %get3A_4479 : vector<1x16xf32> to vector<16xf32>
      %add3A_4481 = arith.addf %add3A_4457, %get3A_4480 : vector<16xf32>
      %get3A_4482 = arith.index_cast %add3A_4466 : i32 to index
      %get3A_4483 = arith.constant 48 : index
      %get3A_4484 = tpu.vector_load %arg6[%get3A_4482, %get3A_4483] {strides = array<i32>} : memref<400x64xf32, #tpu.memory_space<vmem>>, vector<1x16xf32>,
      %get3A_4485 = vector.shape_cast %get3A_4484 : vector<1x16xf32> to vector<16xf32>
      %add3A_4486 = arith.addf %add3A_4462, %get3A_4485 : vector<16xf32>
      %add3A_4487 = arith.constant 50 : i32
      %add3A_4488 = arith.addi %mul3A_2544, %add3A_4487 : i32
      %add3A_4489 = arith.constant 28 : i32
      %add3A_4490 = arith.addi %add3A_4488, %add3A_4489 : i32
      %get3A_4491 = arith.index_cast %add3A_4490 : i32 to index
      %get3A_4492 = arith.constant 0 : index
      %get3A_4493 = tpu.vector_load %arg6[%get3A_4491, %get3A_4492] {strides = array<i32>} : memref<400x64xf32, #tpu.memory_space<vmem>>, vector<1x16xf32>,
      %get3A_4494 = vector.shape_cast %get3A_4493 : vector<1x16xf32> to vector<16xf32>
      %add3A_4495 = arith.addf %add3A_4471, %get3A_4494 : vector<16xf32>
      %get3A_4496 = arith.index_cast %add3A_4490 : i32 to index
      %get3A_4497 = arith.constant 16 : index
      %get3A_4498 = tpu.vector_load %arg6[%get3A_4496, %get3A_4497] {strides = array<i32>} : memref<400x64xf32, #tpu.memory_space<vmem>>, vector<1x16xf32>,
      %get3A_4499 = vector.shape_cast %get3A_4498 : vector<1x16xf32> to vector<16xf32>
      %add3A_4500 = arith.addf %add3A_4476, %get3A_4499 : vector<16xf32>
      %get3A_4501 = arith.index_cast %add3A_4490 : i32 to index
      %get3A_4502 = arith.constant 32 : index
      %get3A_4503 = tpu.vector_load %arg6[%get3A_4501, %get3A_4502] {strides = array<i32>} : memref<400x64xf32, #tpu.memory_space<vmem>>, vector<1x16xf32>,
      %get3A_4504 = vector.shape_cast %get3A_4503 : vector<1x16xf32> to vector<16xf32>
      %add3A_4505 = arith.addf %add3A_4481, %get3A_4504 : vector<16xf32>
      %get3A_4506 = arith.index_cast %add3A_4490 : i32 to index
      %get3A_4507 = arith.constant 48 : index
      %get3A_4508 = tpu.vector_load %arg6[%get3A_4506, %get3A_4507] {strides = array<i32>} : memref<400x64xf32, #tpu.memory_space<vmem>>, vector<1x16xf32>,
      %get3A_4509 = vector.shape_cast %get3A_4508 : vector<1x16xf32> to vector<16xf32>
      %add3A_4510 = arith.addf %add3A_4486, %get3A_4509 : vector<16xf32>
      %add3A_4511 = arith.constant 50 : i32
      %add3A_4512 = arith.addi %mul3A_2544, %add3A_4511 : i32
      %add3A_4513 = arith.constant 29 : i32
      %add3A_4514 = arith.addi %add3A_4512, %add3A_4513 : i32
      %get3A_4515 = arith.index_cast %add3A_4514 : i32 to index
      %get3A_4516 = arith.constant 0 : index
      %get3A_4517 = tpu.vector_load %arg6[%get3A_4515, %get3A_4516] {strides = array<i32>} : memref<400x64xf32, #tpu.memory_space<vmem>>, vector<1x16xf32>,
      %get3A_4518 = vector.shape_cast %get3A_4517 : vector<1x16xf32> to vector<16xf32>
      %add3A_4519 = arith.addf %add3A_4495, %get3A_4518 : vector<16xf32>
      %get3A_4520 = arith.index_cast %add3A_4514 : i32 to index
      %get3A_4521 = arith.constant 16 : index
      %get3A_4522 = tpu.vector_load %arg6[%get3A_4520, %get3A_4521] {strides = array<i32>} : memref<400x64xf32, #tpu.memory_space<vmem>>, vector<1x16xf32>,
      %get3A_4523 = vector.shape_cast %get3A_4522 : vector<1x16xf32> to vector<16xf32>
      %add3A_4524 = arith.addf %add3A_4500, %get3A_4523 : vector<16xf32>
      %get3A_4525 = arith.index_cast %add3A_4514 : i32 to index
      %get3A_4526 = arith.constant 32 : index
      %get3A_4527 = tpu.vector_load %arg6[%get3A_4525, %get3A_4526] {strides = array<i32>} : memref<400x64xf32, #tpu.memory_space<vmem>>, vector<1x16xf32>,
      %get3A_4528 = vector.shape_cast %get3A_4527 : vector<1x16xf32> to vector<16xf32>
      %add3A_4529 = arith.addf %add3A_4505, %get3A_4528 : vector<16xf32>
      %get3A_4530 = arith.index_cast %add3A_4514 : i32 to index
      %get3A_4531 = arith.constant 48 : index
      %get3A_4532 = tpu.vector_load %arg6[%get3A_4530, %get3A_4531] {strides = array<i32>} : memref<400x64xf32, #tpu.memory_space<vmem>>, vector<1x16xf32>,
      %get3A_4533 = vector.shape_cast %get3A_4532 : vector<1x16xf32> to vector<16xf32>
      %add3A_4534 = arith.addf %add3A_4510, %get3A_4533 : vector<16xf32>
      %add3A_4535 = arith.constant 50 : i32
      %add3A_4536 = arith.addi %mul3A_2544, %add3A_4535 : i32
      %add3A_4537 = arith.constant 30 : i32
      %add3A_4538 = arith.addi %add3A_4536, %add3A_4537 : i32
      %get3A_4539 = arith.index_cast %add3A_4538 : i32 to index
      %get3A_4540 = arith.constant 0 : index
      %get3A_4541 = tpu.vector_load %arg6[%get3A_4539, %get3A_4540] {strides = array<i32>} : memref<400x64xf32, #tpu.memory_space<vmem>>, vector<1x16xf32>,
      %get3A_4542 = vector.shape_cast %get3A_4541 : vector<1x16xf32> to vector<16xf32>
      %add3A_4543 = arith.addf %add3A_4519, %get3A_4542 : vector<16xf32>
      %get3A_4544 = arith.index_cast %add3A_4538 : i32 to index
      %get3A_4545 = arith.constant 16 : index
      %get3A_4546 = tpu.vector_load %arg6[%get3A_4544, %get3A_4545] {strides = array<i32>} : memref<400x64xf32, #tpu.memory_space<vmem>>, vector<1x16xf32>,
      %get3A_4547 = vector.shape_cast %get3A_4546 : vector<1x16xf32> to vector<16xf32>
      %add3A_4548 = arith.addf %add3A_4524, %get3A_4547 : vector<16xf32>
      %get3A_4549 = arith.index_cast %add3A_4538 : i32 to index
      %get3A_4550 = arith.constant 32 : index
      %get3A_4551 = tpu.vector_load %arg6[%get3A_4549, %get3A_4550] {strides = array<i32>} : memref<400x64xf32, #tpu.memory_space<vmem>>, vector<1x16xf32>,
      %get3A_4552 = vector.shape_cast %get3A_4551 : vector<1x16xf32> to vector<16xf32>
      %add3A_4553 = arith.addf %add3A_4529, %get3A_4552 : vector<16xf32>
      %get3A_4554 = arith.index_cast %add3A_4538 : i32 to index
      %get3A_4555 = arith.constant 48 : index
      %get3A_4556 = tpu.vector_load %arg6[%get3A_4554, %get3A_4555] {strides = array<i32>} : memref<400x64xf32, #tpu.memory_space<vmem>>, vector<1x16xf32>,
      %get3A_4557 = vector.shape_cast %get3A_4556 : vector<1x16xf32> to vector<16xf32>
      %add3A_4558 = arith.addf %add3A_4534, %get3A_4557 : vector<16xf32>
      %add3A_4559 = arith.constant 50 : i32
      %add3A_4560 = arith.addi %mul3A_2544, %add3A_4559 : i32
      %add3A_4561 = arith.constant 31 : i32
      %add3A_4562 = arith.addi %add3A_4560, %add3A_4561 : i32
      %get3A_4563 = arith.index_cast %add3A_4562 : i32 to index
      %get3A_4564 = arith.constant 0 : index
      %get3A_4565 = tpu.vector_load %arg6[%get3A_4563, %get3A_4564] {strides = array<i32>} : memref<400x64xf32, #tpu.memory_space<vmem>>, vector<1x16xf32>,
      %get3A_4566 = vector.shape_cast %get3A_4565 : vector<1x16xf32> to vector<16xf32>
      %add3A_4567 = arith.addf %add3A_4543, %get3A_4566 : vector<16xf32>
      %get3A_4568 = arith.index_cast %add3A_4562 : i32 to index
      %get3A_4569 = arith.constant 16 : index
      %get3A_4570 = tpu.vector_load %arg6[%get3A_4568, %get3A_4569] {strides = array<i32>} : memref<400x64xf32, #tpu.memory_space<vmem>>, vector<1x16xf32>,
      %get3A_4571 = vector.shape_cast %get3A_4570 : vector<1x16xf32> to vector<16xf32>
      %add3A_4572 = arith.addf %add3A_4548, %get3A_4571 : vector<16xf32>
      %get3A_4573 = arith.index_cast %add3A_4562 : i32 to index
      %get3A_4574 = arith.constant 32 : index
      %get3A_4575 = tpu.vector_load %arg6[%get3A_4573, %get3A_4574] {strides = array<i32>} : memref<400x64xf32, #tpu.memory_space<vmem>>, vector<1x16xf32>,
      %get3A_4576 = vector.shape_cast %get3A_4575 : vector<1x16xf32> to vector<16xf32>
      %add3A_4577 = arith.addf %add3A_4553, %get3A_4576 : vector<16xf32>
      %get3A_4578 = arith.index_cast %add3A_4562 : i32 to index
      %get3A_4579 = arith.constant 48 : index
      %get3A_4580 = tpu.vector_load %arg6[%get3A_4578, %get3A_4579] {strides = array<i32>} : memref<400x64xf32, #tpu.memory_space<vmem>>, vector<1x16xf32>,
      %get3A_4581 = vector.shape_cast %get3A_4580 : vector<1x16xf32> to vector<16xf32>
      %add3A_4582 = arith.addf %add3A_4558, %get3A_4581 : vector<16xf32>
      %add3A_4583 = arith.constant 50 : i32
      %add3A_4584 = arith.addi %mul3A_2544, %add3A_4583 : i32
      %add3A_4585 = arith.constant 32 : i32
      %add3A_4586 = arith.addi %add3A_4584, %add3A_4585 : i32
      %get3A_4587 = arith.index_cast %add3A_4586 : i32 to index
      %get3A_4588 = arith.constant 0 : index
      %get3A_4589 = tpu.vector_load %arg6[%get3A_4587, %get3A_4588] {strides = array<i32>} : memref<400x64xf32, #tpu.memory_space<vmem>>, vector<1x16xf32>,
      %get3A_4590 = vector.shape_cast %get3A_4589 : vector<1x16xf32> to vector<16xf32>
      %add3A_4591 = arith.addf %add3A_4567, %get3A_4590 : vector<16xf32>
      %get3A_4592 = arith.index_cast %add3A_4586 : i32 to index
      %get3A_4593 = arith.constant 16 : index
      %get3A_4594 = tpu.vector_load %arg6[%get3A_4592, %get3A_4593] {strides = array<i32>} : memref<400x64xf32, #tpu.memory_space<vmem>>, vector<1x16xf32>,
      %get3A_4595 = vector.shape_cast %get3A_4594 : vector<1x16xf32> to vector<16xf32>
      %add3A_4596 = arith.addf %add3A_4572, %get3A_4595 : vector<16xf32>
      %get3A_4597 = arith.index_cast %add3A_4586 : i32 to index
      %get3A_4598 = arith.constant 32 : index
      %get3A_4599 = tpu.vector_load %arg6[%get3A_4597, %get3A_4598] {strides = array<i32>} : memref<400x64xf32, #tpu.memory_space<vmem>>, vector<1x16xf32>,
      %get3A_4600 = vector.shape_cast %get3A_4599 : vector<1x16xf32> to vector<16xf32>
      %add3A_4601 = arith.addf %add3A_4577, %get3A_4600 : vector<16xf32>
      %get3A_4602 = arith.index_cast %add3A_4586 : i32 to index
      %get3A_4603 = arith.constant 48 : index
      %get3A_4604 = tpu.vector_load %arg6[%get3A_4602, %get3A_4603] {strides = array<i32>} : memref<400x64xf32, #tpu.memory_space<vmem>>, vector<1x16xf32>,
      %get3A_4605 = vector.shape_cast %get3A_4604 : vector<1x16xf32> to vector<16xf32>
      %add3A_4606 = arith.addf %add3A_4582, %get3A_4605 : vector<16xf32>
      %add3A_4607 = arith.constant 50 : i32
      %add3A_4608 = arith.addi %mul3A_2544, %add3A_4607 : i32
      %add3A_4609 = arith.constant 33 : i32
      %add3A_4610 = arith.addi %add3A_4608, %add3A_4609 : i32
      %get3A_4611 = arith.index_cast %add3A_4610 : i32 to index
      %get3A_4612 = arith.constant 0 : index
      %get3A_4613 = tpu.vector_load %arg6[%get3A_4611, %get3A_4612] {strides = array<i32>} : memref<400x64xf32, #tpu.memory_space<vmem>>, vector<1x16xf32>,
      %get3A_4614 = vector.shape_cast %get3A_4613 : vector<1x16xf32> to vector<16xf32>
      %add3A_4615 = arith.addf %add3A_4591, %get3A_4614 : vector<16xf32>
      %get3A_4616 = arith.index_cast %add3A_4610 : i32 to index
      %get3A_4617 = arith.constant 16 : index
      %get3A_4618 = tpu.vector_load %arg6[%get3A_4616, %get3A_4617] {strides = array<i32>} : memref<400x64xf32, #tpu.memory_space<vmem>>, vector<1x16xf32>,
      %get3A_4619 = vector.shape_cast %get3A_4618 : vector<1x16xf32> to vector<16xf32>
      %add3A_4620 = arith.addf %add3A_4596, %get3A_4619 : vector<16xf32>
      %get3A_4621 = arith.index_cast %add3A_4610 : i32 to index
      %get3A_4622 = arith.constant 32 : index
      %get3A_4623 = tpu.vector_load %arg6[%get3A_4621, %get3A_4622] {strides = array<i32>} : memref<400x64xf32, #tpu.memory_space<vmem>>, vector<1x16xf32>,
      %get3A_4624 = vector.shape_cast %get3A_4623 : vector<1x16xf32> to vector<16xf32>
      %add3A_4625 = arith.addf %add3A_4601, %get3A_4624 : vector<16xf32>
      %get3A_4626 = arith.index_cast %add3A_4610 : i32 to index
      %get3A_4627 = arith.constant 48 : index
      %get3A_4628 = tpu.vector_load %arg6[%get3A_4626, %get3A_4627] {strides = array<i32>} : memref<400x64xf32, #tpu.memory_space<vmem>>, vector<1x16xf32>,
      %get3A_4629 = vector.shape_cast %get3A_4628 : vector<1x16xf32> to vector<16xf32>
      %add3A_4630 = arith.addf %add3A_4606, %get3A_4629 : vector<16xf32>
      %add3A_4631 = arith.constant 50 : i32
      %add3A_4632 = arith.addi %mul3A_2544, %add3A_4631 : i32
      %add3A_4633 = arith.constant 34 : i32
      %add3A_4634 = arith.addi %add3A_4632, %add3A_4633 : i32
      %get3A_4635 = arith.index_cast %add3A_4634 : i32 to index
      %get3A_4636 = arith.constant 0 : index
      %get3A_4637 = tpu.vector_load %arg6[%get3A_4635, %get3A_4636] {strides = array<i32>} : memref<400x64xf32, #tpu.memory_space<vmem>>, vector<1x16xf32>,
      %get3A_4638 = vector.shape_cast %get3A_4637 : vector<1x16xf32> to vector<16xf32>
      %add3A_4639 = arith.addf %add3A_4615, %get3A_4638 : vector<16xf32>
      %get3A_4640 = arith.index_cast %add3A_4634 : i32 to index
      %get3A_4641 = arith.constant 16 : index
      %get3A_4642 = tpu.vector_load %arg6[%get3A_4640, %get3A_4641] {strides = array<i32>} : memref<400x64xf32, #tpu.memory_space<vmem>>, vector<1x16xf32>,
      %get3A_4643 = vector.shape_cast %get3A_4642 : vector<1x16xf32> to vector<16xf32>
      %add3A_4644 = arith.addf %add3A_4620, %get3A_4643 : vector<16xf32>
      %get3A_4645 = arith.index_cast %add3A_4634 : i32 to index
      %get3A_4646 = arith.constant 32 : index
      %get3A_4647 = tpu.vector_load %arg6[%get3A_4645, %get3A_4646] {strides = array<i32>} : memref<400x64xf32, #tpu.memory_space<vmem>>, vector<1x16xf32>,
      %get3A_4648 = vector.shape_cast %get3A_4647 : vector<1x16xf32> to vector<16xf32>
      %add3A_4649 = arith.addf %add3A_4625, %get3A_4648 : vector<16xf32>
      %get3A_4650 = arith.index_cast %add3A_4634 : i32 to index
      %get3A_4651 = arith.constant 48 : index
      %get3A_4652 = tpu.vector_load %arg6[%get3A_4650, %get3A_4651] {strides = array<i32>} : memref<400x64xf32, #tpu.memory_space<vmem>>, vector<1x16xf32>,
      %get3A_4653 = vector.shape_cast %get3A_4652 : vector<1x16xf32> to vector<16xf32>
      %add3A_4654 = arith.addf %add3A_4630, %get3A_4653 : vector<16xf32>
      %add3A_4655 = arith.constant 50 : i32
      %add3A_4656 = arith.addi %mul3A_2544, %add3A_4655 : i32
      %add3A_4657 = arith.constant 35 : i32
      %add3A_4658 = arith.addi %add3A_4656, %add3A_4657 : i32
      %get3A_4659 = arith.index_cast %add3A_4658 : i32 to index
      %get3A_4660 = arith.constant 0 : index
      %get3A_4661 = tpu.vector_load %arg6[%get3A_4659, %get3A_4660] {strides = array<i32>} : memref<400x64xf32, #tpu.memory_space<vmem>>, vector<1x16xf32>,
      %get3A_4662 = vector.shape_cast %get3A_4661 : vector<1x16xf32> to vector<16xf32>
      %add3A_4663 = arith.addf %add3A_4639, %get3A_4662 : vector<16xf32>
      %get3A_4664 = arith.index_cast %add3A_4658 : i32 to index
      %get3A_4665 = arith.constant 16 : index
      %get3A_4666 = tpu.vector_load %arg6[%get3A_4664, %get3A_4665] {strides = array<i32>} : memref<400x64xf32, #tpu.memory_space<vmem>>, vector<1x16xf32>,
      %get3A_4667 = vector.shape_cast %get3A_4666 : vector<1x16xf32> to vector<16xf32>
      %add3A_4668 = arith.addf %add3A_4644, %get3A_4667 : vector<16xf32>
      %get3A_4669 = arith.index_cast %add3A_4658 : i32 to index
      %get3A_4670 = arith.constant 32 : index
      %get3A_4671 = tpu.vector_load %arg6[%get3A_4669, %get3A_4670] {strides = array<i32>} : memref<400x64xf32, #tpu.memory_space<vmem>>, vector<1x16xf32>,
      %get3A_4672 = vector.shape_cast %get3A_4671 : vector<1x16xf32> to vector<16xf32>
      %add3A_4673 = arith.addf %add3A_4649, %get3A_4672 : vector<16xf32>
      %get3A_4674 = arith.index_cast %add3A_4658 : i32 to index
      %get3A_4675 = arith.constant 48 : index
      %get3A_4676 = tpu.vector_load %arg6[%get3A_4674, %get3A_4675] {strides = array<i32>} : memref<400x64xf32, #tpu.memory_space<vmem>>, vector<1x16xf32>,
      %get3A_4677 = vector.shape_cast %get3A_4676 : vector<1x16xf32> to vector<16xf32>
      %add3A_4678 = arith.addf %add3A_4654, %get3A_4677 : vector<16xf32>
      %add3A_4679 = arith.constant 50 : i32
      %add3A_4680 = arith.addi %mul3A_2544, %add3A_4679 : i32
      %add3A_4681 = arith.constant 36 : i32
      %add3A_4682 = arith.addi %add3A_4680, %add3A_4681 : i32
      %get3A_4683 = arith.index_cast %add3A_4682 : i32 to index
      %get3A_4684 = arith.constant 0 : index
      %get3A_4685 = tpu.vector_load %arg6[%get3A_4683, %get3A_4684] {strides = array<i32>} : memref<400x64xf32, #tpu.memory_space<vmem>>, vector<1x16xf32>,
      %get3A_4686 = vector.shape_cast %get3A_4685 : vector<1x16xf32> to vector<16xf32>
      %add3A_4687 = arith.addf %add3A_4663, %get3A_4686 : vector<16xf32>
      %get3A_4688 = arith.index_cast %add3A_4682 : i32 to index
      %get3A_4689 = arith.constant 16 : index
      %get3A_4690 = tpu.vector_load %arg6[%get3A_4688, %get3A_4689] {strides = array<i32>} : memref<400x64xf32, #tpu.memory_space<vmem>>, vector<1x16xf32>,
      %get3A_4691 = vector.shape_cast %get3A_4690 : vector<1x16xf32> to vector<16xf32>
      %add3A_4692 = arith.addf %add3A_4668, %get3A_4691 : vector<16xf32>
      %get3A_4693 = arith.index_cast %add3A_4682 : i32 to index
      %get3A_4694 = arith.constant 32 : index
      %get3A_4695 = tpu.vector_load %arg6[%get3A_4693, %get3A_4694] {strides = array<i32>} : memref<400x64xf32, #tpu.memory_space<vmem>>, vector<1x16xf32>,
      %get3A_4696 = vector.shape_cast %get3A_4695 : vector<1x16xf32> to vector<16xf32>
      %add3A_4697 = arith.addf %add3A_4673, %get3A_4696 : vector<16xf32>
      %get3A_4698 = arith.index_cast %add3A_4682 : i32 to index
      %get3A_4699 = arith.constant 48 : index
      %get3A_4700 = tpu.vector_load %arg6[%get3A_4698, %get3A_4699] {strides = array<i32>} : memref<400x64xf32, #tpu.memory_space<vmem>>, vector<1x16xf32>,
      %get3A_4701 = vector.shape_cast %get3A_4700 : vector<1x16xf32> to vector<16xf32>
      %add3A_4702 = arith.addf %add3A_4678, %get3A_4701 : vector<16xf32>
      %add3A_4703 = arith.constant 50 : i32
      %add3A_4704 = arith.addi %mul3A_2544, %add3A_4703 : i32
      %add3A_4705 = arith.constant 37 : i32
      %add3A_4706 = arith.addi %add3A_4704, %add3A_4705 : i32
      %get3A_4707 = arith.index_cast %add3A_4706 : i32 to index
      %get3A_4708 = arith.constant 0 : index
      %get3A_4709 = tpu.vector_load %arg6[%get3A_4707, %get3A_4708] {strides = array<i32>} : memref<400x64xf32, #tpu.memory_space<vmem>>, vector<1x16xf32>,
      %get3A_4710 = vector.shape_cast %get3A_4709 : vector<1x16xf32> to vector<16xf32>
      %add3A_4711 = arith.addf %add3A_4687, %get3A_4710 : vector<16xf32>
      %get3A_4712 = arith.index_cast %add3A_4706 : i32 to index
      %get3A_4713 = arith.constant 16 : index
      %get3A_4714 = tpu.vector_load %arg6[%get3A_4712, %get3A_4713] {strides = array<i32>} : memref<400x64xf32, #tpu.memory_space<vmem>>, vector<1x16xf32>,
      %get3A_4715 = vector.shape_cast %get3A_4714 : vector<1x16xf32> to vector<16xf32>
      %add3A_4716 = arith.addf %add3A_4692, %get3A_4715 : vector<16xf32>
      %get3A_4717 = arith.index_cast %add3A_4706 : i32 to index
      %get3A_4718 = arith.constant 32 : index
      %get3A_4719 = tpu.vector_load %arg6[%get3A_4717, %get3A_4718] {strides = array<i32>} : memref<400x64xf32, #tpu.memory_space<vmem>>, vector<1x16xf32>,
      %get3A_4720 = vector.shape_cast %get3A_4719 : vector<1x16xf32> to vector<16xf32>
      %add3A_4721 = arith.addf %add3A_4697, %get3A_4720 : vector<16xf32>
      %get3A_4722 = arith.index_cast %add3A_4706 : i32 to index
      %get3A_4723 = arith.constant 48 : index
      %get3A_4724 = tpu.vector_load %arg6[%get3A_4722, %get3A_4723] {strides = array<i32>} : memref<400x64xf32, #tpu.memory_space<vmem>>, vector<1x16xf32>,
      %get3A_4725 = vector.shape_cast %get3A_4724 : vector<1x16xf32> to vector<16xf32>
      %add3A_4726 = arith.addf %add3A_4702, %get3A_4725 : vector<16xf32>
      %add3A_4727 = arith.constant 50 : i32
      %add3A_4728 = arith.addi %mul3A_2544, %add3A_4727 : i32
      %add3A_4729 = arith.constant 38 : i32
      %add3A_4730 = arith.addi %add3A_4728, %add3A_4729 : i32
      %get3A_4731 = arith.index_cast %add3A_4730 : i32 to index
      %get3A_4732 = arith.constant 0 : index
      %get3A_4733 = tpu.vector_load %arg6[%get3A_4731, %get3A_4732] {strides = array<i32>} : memref<400x64xf32, #tpu.memory_space<vmem>>, vector<1x16xf32>,
      %get3A_4734 = vector.shape_cast %get3A_4733 : vector<1x16xf32> to vector<16xf32>
      %add3A_4735 = arith.addf %add3A_4711, %get3A_4734 : vector<16xf32>
      %get3A_4736 = arith.index_cast %add3A_4730 : i32 to index
      %get3A_4737 = arith.constant 16 : index
      %get3A_4738 = tpu.vector_load %arg6[%get3A_4736, %get3A_4737] {strides = array<i32>} : memref<400x64xf32, #tpu.memory_space<vmem>>, vector<1x16xf32>,
      %get3A_4739 = vector.shape_cast %get3A_4738 : vector<1x16xf32> to vector<16xf32>
      %add3A_4740 = arith.addf %add3A_4716, %get3A_4739 : vector<16xf32>
      %get3A_4741 = arith.index_cast %add3A_4730 : i32 to index
      %get3A_4742 = arith.constant 32 : index
      %get3A_4743 = tpu.vector_load %arg6[%get3A_4741, %get3A_4742] {strides = array<i32>} : memref<400x64xf32, #tpu.memory_space<vmem>>, vector<1x16xf32>,
      %get3A_4744 = vector.shape_cast %get3A_4743 : vector<1x16xf32> to vector<16xf32>
      %add3A_4745 = arith.addf %add3A_4721, %get3A_4744 : vector<16xf32>
      %get3A_4746 = arith.index_cast %add3A_4730 : i32 to index
      %get3A_4747 = arith.constant 48 : index
      %get3A_4748 = tpu.vector_load %arg6[%get3A_4746, %get3A_4747] {strides = array<i32>} : memref<400x64xf32, #tpu.memory_space<vmem>>, vector<1x16xf32>,
      %get3A_4749 = vector.shape_cast %get3A_4748 : vector<1x16xf32> to vector<16xf32>
      %add3A_4750 = arith.addf %add3A_4726, %get3A_4749 : vector<16xf32>
      %add3A_4751 = arith.constant 50 : i32
      %add3A_4752 = arith.addi %mul3A_2544, %add3A_4751 : i32
      %add3A_4753 = arith.constant 39 : i32
      %add3A_4754 = arith.addi %add3A_4752, %add3A_4753 : i32
      %get3A_4755 = arith.index_cast %add3A_4754 : i32 to index
      %get3A_4756 = arith.constant 0 : index
      %get3A_4757 = tpu.vector_load %arg6[%get3A_4755, %get3A_4756] {strides = array<i32>} : memref<400x64xf32, #tpu.memory_space<vmem>>, vector<1x16xf32>,
      %get3A_4758 = vector.shape_cast %get3A_4757 : vector<1x16xf32> to vector<16xf32>
      %add3A_4759 = arith.addf %add3A_4735, %get3A_4758 : vector<16xf32>
      %get3A_4760 = arith.index_cast %add3A_4754 : i32 to index
      %get3A_4761 = arith.constant 16 : index
      %get3A_4762 = tpu.vector_load %arg6[%get3A_4760, %get3A_4761] {strides = array<i32>} : memref<400x64xf32, #tpu.memory_space<vmem>>, vector<1x16xf32>,
      %get3A_4763 = vector.shape_cast %get3A_4762 : vector<1x16xf32> to vector<16xf32>
      %add3A_4764 = arith.addf %add3A_4740, %get3A_4763 : vector<16xf32>
      %get3A_4765 = arith.index_cast %add3A_4754 : i32 to index
      %get3A_4766 = arith.constant 32 : index
      %get3A_4767 = tpu.vector_load %arg6[%get3A_4765, %get3A_4766] {strides = array<i32>} : memref<400x64xf32, #tpu.memory_space<vmem>>, vector<1x16xf32>,
      %get3A_4768 = vector.shape_cast %get3A_4767 : vector<1x16xf32> to vector<16xf32>
      %add3A_4769 = arith.addf %add3A_4745, %get3A_4768 : vector<16xf32>
      %get3A_4770 = arith.index_cast %add3A_4754 : i32 to index
      %get3A_4771 = arith.constant 48 : index
      %get3A_4772 = tpu.vector_load %arg6[%get3A_4770, %get3A_4771] {strides = array<i32>} : memref<400x64xf32, #tpu.memory_space<vmem>>, vector<1x16xf32>,
      %get3A_4773 = vector.shape_cast %get3A_4772 : vector<1x16xf32> to vector<16xf32>
      %add3A_4774 = arith.addf %add3A_4750, %get3A_4773 : vector<16xf32>
      %add3A_4775 = arith.constant 50 : i32
      %add3A_4776 = arith.addi %mul3A_2544, %add3A_4775 : i32
      %add3A_4777 = arith.constant 40 : i32
      %add3A_4778 = arith.addi %add3A_4776, %add3A_4777 : i32
      %get3A_4779 = arith.index_cast %add3A_4778 : i32 to index
      %get3A_4780 = arith.constant 0 : index
      %get3A_4781 = tpu.vector_load %arg6[%get3A_4779, %get3A_4780] {strides = array<i32>} : memref<400x64xf32, #tpu.memory_space<vmem>>, vector<1x16xf32>,
      %get3A_4782 = vector.shape_cast %get3A_4781 : vector<1x16xf32> to vector<16xf32>
      %add3A_4783 = arith.addf %add3A_4759, %get3A_4782 : vector<16xf32>
      %get3A_4784 = arith.index_cast %add3A_4778 : i32 to index
      %get3A_4785 = arith.constant 16 : index
      %get3A_4786 = tpu.vector_load %arg6[%get3A_4784, %get3A_4785] {strides = array<i32>} : memref<400x64xf32, #tpu.memory_space<vmem>>, vector<1x16xf32>,
      %get3A_4787 = vector.shape_cast %get3A_4786 : vector<1x16xf32> to vector<16xf32>
      %add3A_4788 = arith.addf %add3A_4764, %get3A_4787 : vector<16xf32>
      %get3A_4789 = arith.index_cast %add3A_4778 : i32 to index
      %get3A_4790 = arith.constant 32 : index
      %get3A_4791 = tpu.vector_load %arg6[%get3A_4789, %get3A_4790] {strides = array<i32>} : memref<400x64xf32, #tpu.memory_space<vmem>>, vector<1x16xf32>,
      %get3A_4792 = vector.shape_cast %get3A_4791 : vector<1x16xf32> to vector<16xf32>
      %add3A_4793 = arith.addf %add3A_4769, %get3A_4792 : vector<16xf32>
      %get3A_4794 = arith.index_cast %add3A_4778 : i32 to index
      %get3A_4795 = arith.constant 48 : index
      %get3A_4796 = tpu.vector_load %arg6[%get3A_4794, %get3A_4795] {strides = array<i32>} : memref<400x64xf32, #tpu.memory_space<vmem>>, vector<1x16xf32>,
      %get3A_4797 = vector.shape_cast %get3A_4796 : vector<1x16xf32> to vector<16xf32>
      %add3A_4798 = arith.addf %add3A_4774, %get3A_4797 : vector<16xf32>
      %add3A_4799 = arith.constant 50 : i32
      %add3A_4800 = arith.addi %mul3A_2544, %add3A_4799 : i32
      %add3A_4801 = arith.constant 41 : i32
      %add3A_4802 = arith.addi %add3A_4800, %add3A_4801 : i32
      %get3A_4803 = arith.index_cast %add3A_4802 : i32 to index
      %get3A_4804 = arith.constant 0 : index
      %get3A_4805 = tpu.vector_load %arg6[%get3A_4803, %get3A_4804] {strides = array<i32>} : memref<400x64xf32, #tpu.memory_space<vmem>>, vector<1x16xf32>,
      %get3A_4806 = vector.shape_cast %get3A_4805 : vector<1x16xf32> to vector<16xf32>
      %add3A_4807 = arith.addf %add3A_4783, %get3A_4806 : vector<16xf32>
      %get3A_4808 = arith.index_cast %add3A_4802 : i32 to index
      %get3A_4809 = arith.constant 16 : index
      %get3A_4810 = tpu.vector_load %arg6[%get3A_4808, %get3A_4809] {strides = array<i32>} : memref<400x64xf32, #tpu.memory_space<vmem>>, vector<1x16xf32>,
      %get3A_4811 = vector.shape_cast %get3A_4810 : vector<1x16xf32> to vector<16xf32>
      %add3A_4812 = arith.addf %add3A_4788, %get3A_4811 : vector<16xf32>
      %get3A_4813 = arith.index_cast %add3A_4802 : i32 to index
      %get3A_4814 = arith.constant 32 : index
      %get3A_4815 = tpu.vector_load %arg6[%get3A_4813, %get3A_4814] {strides = array<i32>} : memref<400x64xf32, #tpu.memory_space<vmem>>, vector<1x16xf32>,
      %get3A_4816 = vector.shape_cast %get3A_4815 : vector<1x16xf32> to vector<16xf32>
      %add3A_4817 = arith.addf %add3A_4793, %get3A_4816 : vector<16xf32>
      %get3A_4818 = arith.index_cast %add3A_4802 : i32 to index
      %get3A_4819 = arith.constant 48 : index
      %get3A_4820 = tpu.vector_load %arg6[%get3A_4818, %get3A_4819] {strides = array<i32>} : memref<400x64xf32, #tpu.memory_space<vmem>>, vector<1x16xf32>,
      %get3A_4821 = vector.shape_cast %get3A_4820 : vector<1x16xf32> to vector<16xf32>
      %add3A_4822 = arith.addf %add3A_4798, %get3A_4821 : vector<16xf32>
      %add3A_4823 = arith.constant 50 : i32
      %add3A_4824 = arith.addi %mul3A_2544, %add3A_4823 : i32
      %add3A_4825 = arith.constant 42 : i32
      %add3A_4826 = arith.addi %add3A_4824, %add3A_4825 : i32
      %get3A_4827 = arith.index_cast %add3A_4826 : i32 to index
      %get3A_4828 = arith.constant 0 : index
      %get3A_4829 = tpu.vector_load %arg6[%get3A_4827, %get3A_4828] {strides = array<i32>} : memref<400x64xf32, #tpu.memory_space<vmem>>, vector<1x16xf32>,
      %get3A_4830 = vector.shape_cast %get3A_4829 : vector<1x16xf32> to vector<16xf32>
      %add3A_4831 = arith.addf %add3A_4807, %get3A_4830 : vector<16xf32>
      %get3A_4832 = arith.index_cast %add3A_4826 : i32 to index
      %get3A_4833 = arith.constant 16 : index
      %get3A_4834 = tpu.vector_load %arg6[%get3A_4832, %get3A_4833] {strides = array<i32>} : memref<400x64xf32, #tpu.memory_space<vmem>>, vector<1x16xf32>,
      %get3A_4835 = vector.shape_cast %get3A_4834 : vector<1x16xf32> to vector<16xf32>
      %add3A_4836 = arith.addf %add3A_4812, %get3A_4835 : vector<16xf32>
      %get3A_4837 = arith.index_cast %add3A_4826 : i32 to index
      %get3A_4838 = arith.constant 32 : index
      %get3A_4839 = tpu.vector_load %arg6[%get3A_4837, %get3A_4838] {strides = array<i32>} : memref<400x64xf32, #tpu.memory_space<vmem>>, vector<1x16xf32>,
      %get3A_4840 = vector.shape_cast %get3A_4839 : vector<1x16xf32> to vector<16xf32>
      %add3A_4841 = arith.addf %add3A_4817, %get3A_4840 : vector<16xf32>
      %get3A_4842 = arith.index_cast %add3A_4826 : i32 to index
      %get3A_4843 = arith.constant 48 : index
      %get3A_4844 = tpu.vector_load %arg6[%get3A_4842, %get3A_4843] {strides = array<i32>} : memref<400x64xf32, #tpu.memory_space<vmem>>, vector<1x16xf32>,
      %get3A_4845 = vector.shape_cast %get3A_4844 : vector<1x16xf32> to vector<16xf32>
      %add3A_4846 = arith.addf %add3A_4822, %get3A_4845 : vector<16xf32>
      %add3A_4847 = arith.constant 50 : i32
      %add3A_4848 = arith.addi %mul3A_2544, %add3A_4847 : i32
      %add3A_4849 = arith.constant 43 : i32
      %add3A_4850 = arith.addi %add3A_4848, %add3A_4849 : i32
      %get3A_4851 = arith.index_cast %add3A_4850 : i32 to index
      %get3A_4852 = arith.constant 0 : index
      %get3A_4853 = tpu.vector_load %arg6[%get3A_4851, %get3A_4852] {strides = array<i32>} : memref<400x64xf32, #tpu.memory_space<vmem>>, vector<1x16xf32>,
      %get3A_4854 = vector.shape_cast %get3A_4853 : vector<1x16xf32> to vector<16xf32>
      %add3A_4855 = arith.addf %add3A_4831, %get3A_4854 : vector<16xf32>
      %get3A_4856 = arith.index_cast %add3A_4850 : i32 to index
      %get3A_4857 = arith.constant 16 : index
      %get3A_4858 = tpu.vector_load %arg6[%get3A_4856, %get3A_4857] {strides = array<i32>} : memref<400x64xf32, #tpu.memory_space<vmem>>, vector<1x16xf32>,
      %get3A_4859 = vector.shape_cast %get3A_4858 : vector<1x16xf32> to vector<16xf32>
      %add3A_4860 = arith.addf %add3A_4836, %get3A_4859 : vector<16xf32>
      %get3A_4861 = arith.index_cast %add3A_4850 : i32 to index
      %get3A_4862 = arith.constant 32 : index
      %get3A_4863 = tpu.vector_load %arg6[%get3A_4861, %get3A_4862] {strides = array<i32>} : memref<400x64xf32, #tpu.memory_space<vmem>>, vector<1x16xf32>,
      %get3A_4864 = vector.shape_cast %get3A_4863 : vector<1x16xf32> to vector<16xf32>
      %add3A_4865 = arith.addf %add3A_4841, %get3A_4864 : vector<16xf32>
      %get3A_4866 = arith.index_cast %add3A_4850 : i32 to index
      %get3A_4867 = arith.constant 48 : index
      %get3A_4868 = tpu.vector_load %arg6[%get3A_4866, %get3A_4867] {strides = array<i32>} : memref<400x64xf32, #tpu.memory_space<vmem>>, vector<1x16xf32>,
      %get3A_4869 = vector.shape_cast %get3A_4868 : vector<1x16xf32> to vector<16xf32>
      %add3A_4870 = arith.addf %add3A_4846, %get3A_4869 : vector<16xf32>
      %add3A_4871 = arith.constant 50 : i32
      %add3A_4872 = arith.addi %mul3A_2544, %add3A_4871 : i32
      %add3A_4873 = arith.constant 44 : i32
      %add3A_4874 = arith.addi %add3A_4872, %add3A_4873 : i32
      %get3A_4875 = arith.index_cast %add3A_4874 : i32 to index
      %get3A_4876 = arith.constant 0 : index
      %get3A_4877 = tpu.vector_load %arg6[%get3A_4875, %get3A_4876] {strides = array<i32>} : memref<400x64xf32, #tpu.memory_space<vmem>>, vector<1x16xf32>,
      %get3A_4878 = vector.shape_cast %get3A_4877 : vector<1x16xf32> to vector<16xf32>
      %add3A_4879 = arith.addf %add3A_4855, %get3A_4878 : vector<16xf32>
      %get3A_4880 = arith.index_cast %add3A_4874 : i32 to index
      %get3A_4881 = arith.constant 16 : index
      %get3A_4882 = tpu.vector_load %arg6[%get3A_4880, %get3A_4881] {strides = array<i32>} : memref<400x64xf32, #tpu.memory_space<vmem>>, vector<1x16xf32>,
      %get3A_4883 = vector.shape_cast %get3A_4882 : vector<1x16xf32> to vector<16xf32>
      %add3A_4884 = arith.addf %add3A_4860, %get3A_4883 : vector<16xf32>
      %get3A_4885 = arith.index_cast %add3A_4874 : i32 to index
      %get3A_4886 = arith.constant 32 : index
      %get3A_4887 = tpu.vector_load %arg6[%get3A_4885, %get3A_4886] {strides = array<i32>} : memref<400x64xf32, #tpu.memory_space<vmem>>, vector<1x16xf32>,
      %get3A_4888 = vector.shape_cast %get3A_4887 : vector<1x16xf32> to vector<16xf32>
      %add3A_4889 = arith.addf %add3A_4865, %get3A_4888 : vector<16xf32>
      %get3A_4890 = arith.index_cast %add3A_4874 : i32 to index
      %get3A_4891 = arith.constant 48 : index
      %get3A_4892 = tpu.vector_load %arg6[%get3A_4890, %get3A_4891] {strides = array<i32>} : memref<400x64xf32, #tpu.memory_space<vmem>>, vector<1x16xf32>,
      %get3A_4893 = vector.shape_cast %get3A_4892 : vector<1x16xf32> to vector<16xf32>
      %add3A_4894 = arith.addf %add3A_4870, %get3A_4893 : vector<16xf32>
      %add3A_4895 = arith.constant 50 : i32
      %add3A_4896 = arith.addi %mul3A_2544, %add3A_4895 : i32
      %add3A_4897 = arith.constant 45 : i32
      %add3A_4898 = arith.addi %add3A_4896, %add3A_4897 : i32
      %get3A_4899 = arith.index_cast %add3A_4898 : i32 to index
      %get3A_4900 = arith.constant 0 : index
      %get3A_4901 = tpu.vector_load %arg6[%get3A_4899, %get3A_4900] {strides = array<i32>} : memref<400x64xf32, #tpu.memory_space<vmem>>, vector<1x16xf32>,
      %get3A_4902 = vector.shape_cast %get3A_4901 : vector<1x16xf32> to vector<16xf32>
      %add3A_4903 = arith.addf %add3A_4879, %get3A_4902 : vector<16xf32>
      %get3A_4904 = arith.index_cast %add3A_4898 : i32 to index
      %get3A_4905 = arith.constant 16 : index
      %get3A_4906 = tpu.vector_load %arg6[%get3A_4904, %get3A_4905] {strides = array<i32>} : memref<400x64xf32, #tpu.memory_space<vmem>>, vector<1x16xf32>,
      %get3A_4907 = vector.shape_cast %get3A_4906 : vector<1x16xf32> to vector<16xf32>
      %add3A_4908 = arith.addf %add3A_4884, %get3A_4907 : vector<16xf32>
      %get3A_4909 = arith.index_cast %add3A_4898 : i32 to index
      %get3A_4910 = arith.constant 32 : index
      %get3A_4911 = tpu.vector_load %arg6[%get3A_4909, %get3A_4910] {strides = array<i32>} : memref<400x64xf32, #tpu.memory_space<vmem>>, vector<1x16xf32>,
      %get3A_4912 = vector.shape_cast %get3A_4911 : vector<1x16xf32> to vector<16xf32>
      %add3A_4913 = arith.addf %add3A_4889, %get3A_4912 : vector<16xf32>
      %get3A_4914 = arith.index_cast %add3A_4898 : i32 to index
      %get3A_4915 = arith.constant 48 : index
      %get3A_4916 = tpu.vector_load %arg6[%get3A_4914, %get3A_4915] {strides = array<i32>} : memref<400x64xf32, #tpu.memory_space<vmem>>, vector<1x16xf32>,
      %get3A_4917 = vector.shape_cast %get3A_4916 : vector<1x16xf32> to vector<16xf32>
      %add3A_4918 = arith.addf %add3A_4894, %get3A_4917 : vector<16xf32>
      %add3A_4919 = arith.constant 50 : i32
      %add3A_4920 = arith.addi %mul3A_2544, %add3A_4919 : i32
      %add3A_4921 = arith.constant 46 : i32
      %add3A_4922 = arith.addi %add3A_4920, %add3A_4921 : i32
      %get3A_4923 = arith.index_cast %add3A_4922 : i32 to index
      %get3A_4924 = arith.constant 0 : index
      %get3A_4925 = tpu.vector_load %arg6[%get3A_4923, %get3A_4924] {strides = array<i32>} : memref<400x64xf32, #tpu.memory_space<vmem>>, vector<1x16xf32>,
      %get3A_4926 = vector.shape_cast %get3A_4925 : vector<1x16xf32> to vector<16xf32>
      %add3A_4927 = arith.addf %add3A_4903, %get3A_4926 : vector<16xf32>
      %get3A_4928 = arith.index_cast %add3A_4922 : i32 to index
      %get3A_4929 = arith.constant 16 : index
      %get3A_4930 = tpu.vector_load %arg6[%get3A_4928, %get3A_4929] {strides = array<i32>} : memref<400x64xf32, #tpu.memory_space<vmem>>, vector<1x16xf32>,
      %get3A_4931 = vector.shape_cast %get3A_4930 : vector<1x16xf32> to vector<16xf32>
      %add3A_4932 = arith.addf %add3A_4908, %get3A_4931 : vector<16xf32>
      %get3A_4933 = arith.index_cast %add3A_4922 : i32 to index
      %get3A_4934 = arith.constant 32 : index
      %get3A_4935 = tpu.vector_load %arg6[%get3A_4933, %get3A_4934] {strides = array<i32>} : memref<400x64xf32, #tpu.memory_space<vmem>>, vector<1x16xf32>,
      %get3A_4936 = vector.shape_cast %get3A_4935 : vector<1x16xf32> to vector<16xf32>
      %add3A_4937 = arith.addf %add3A_4913, %get3A_4936 : vector<16xf32>
      %get3A_4938 = arith.index_cast %add3A_4922 : i32 to index
      %get3A_4939 = arith.constant 48 : index
      %get3A_4940 = tpu.vector_load %arg6[%get3A_4938, %get3A_4939] {strides = array<i32>} : memref<400x64xf32, #tpu.memory_space<vmem>>, vector<1x16xf32>,
      %get3A_4941 = vector.shape_cast %get3A_4940 : vector<1x16xf32> to vector<16xf32>
      %add3A_4942 = arith.addf %add3A_4918, %get3A_4941 : vector<16xf32>
      %add3A_4943 = arith.constant 50 : i32
      %add3A_4944 = arith.addi %mul3A_2544, %add3A_4943 : i32
      %add3A_4945 = arith.constant 47 : i32
      %add3A_4946 = arith.addi %add3A_4944, %add3A_4945 : i32
      %get3A_4947 = arith.index_cast %add3A_4946 : i32 to index
      %get3A_4948 = arith.constant 0 : index
      %get3A_4949 = tpu.vector_load %arg6[%get3A_4947, %get3A_4948] {strides = array<i32>} : memref<400x64xf32, #tpu.memory_space<vmem>>, vector<1x16xf32>,
      %get3A_4950 = vector.shape_cast %get3A_4949 : vector<1x16xf32> to vector<16xf32>
      %add3A_4951 = arith.addf %add3A_4927, %get3A_4950 : vector<16xf32>
      %get3A_4952 = arith.index_cast %add3A_4946 : i32 to index
      %get3A_4953 = arith.constant 16 : index
      %get3A_4954 = tpu.vector_load %arg6[%get3A_4952, %get3A_4953] {strides = array<i32>} : memref<400x64xf32, #tpu.memory_space<vmem>>, vector<1x16xf32>,
      %get3A_4955 = vector.shape_cast %get3A_4954 : vector<1x16xf32> to vector<16xf32>
      %add3A_4956 = arith.addf %add3A_4932, %get3A_4955 : vector<16xf32>
      %get3A_4957 = arith.index_cast %add3A_4946 : i32 to index
      %get3A_4958 = arith.constant 32 : index
      %get3A_4959 = tpu.vector_load %arg6[%get3A_4957, %get3A_4958] {strides = array<i32>} : memref<400x64xf32, #tpu.memory_space<vmem>>, vector<1x16xf32>,
      %get3A_4960 = vector.shape_cast %get3A_4959 : vector<1x16xf32> to vector<16xf32>
      %add3A_4961 = arith.addf %add3A_4937, %get3A_4960 : vector<16xf32>
      %get3A_4962 = arith.index_cast %add3A_4946 : i32 to index
      %get3A_4963 = arith.constant 48 : index
      %get3A_4964 = tpu.vector_load %arg6[%get3A_4962, %get3A_4963] {strides = array<i32>} : memref<400x64xf32, #tpu.memory_space<vmem>>, vector<1x16xf32>,
      %get3A_4965 = vector.shape_cast %get3A_4964 : vector<1x16xf32> to vector<16xf32>
      %add3A_4966 = arith.addf %add3A_4942, %get3A_4965 : vector<16xf32>
      %add3A_4967 = arith.constant 50 : i32
      %add3A_4968 = arith.addi %mul3A_2544, %add3A_4967 : i32
      %add3A_4969 = arith.constant 48 : i32
      %add3A_4970 = arith.addi %add3A_4968, %add3A_4969 : i32
      %get3A_4971 = arith.index_cast %add3A_4970 : i32 to index
      %get3A_4972 = arith.constant 0 : index
      %get3A_4973 = tpu.vector_load %arg6[%get3A_4971, %get3A_4972] {strides = array<i32>} : memref<400x64xf32, #tpu.memory_space<vmem>>, vector<1x16xf32>,
      %get3A_4974 = vector.shape_cast %get3A_4973 : vector<1x16xf32> to vector<16xf32>
      %add3A_4975 = arith.addf %add3A_4951, %get3A_4974 : vector<16xf32>
      %get3A_4976 = arith.index_cast %add3A_4970 : i32 to index
      %get3A_4977 = arith.constant 16 : index
      %get3A_4978 = tpu.vector_load %arg6[%get3A_4976, %get3A_4977] {strides = array<i32>} : memref<400x64xf32, #tpu.memory_space<vmem>>, vector<1x16xf32>,
      %get3A_4979 = vector.shape_cast %get3A_4978 : vector<1x16xf32> to vector<16xf32>
      %add3A_4980 = arith.addf %add3A_4956, %get3A_4979 : vector<16xf32>
      %get3A_4981 = arith.index_cast %add3A_4970 : i32 to index
      %get3A_4982 = arith.constant 32 : index
      %get3A_4983 = tpu.vector_load %arg6[%get3A_4981, %get3A_4982] {strides = array<i32>} : memref<400x64xf32, #tpu.memory_space<vmem>>, vector<1x16xf32>,
      %get3A_4984 = vector.shape_cast %get3A_4983 : vector<1x16xf32> to vector<16xf32>
      %add3A_4985 = arith.addf %add3A_4961, %get3A_4984 : vector<16xf32>
      %get3A_4986 = arith.index_cast %add3A_4970 : i32 to index
      %get3A_4987 = arith.constant 48 : index
      %get3A_4988 = tpu.vector_load %arg6[%get3A_4986, %get3A_4987] {strides = array<i32>} : memref<400x64xf32, #tpu.memory_space<vmem>>, vector<1x16xf32>,
      %get3A_4989 = vector.shape_cast %get3A_4988 : vector<1x16xf32> to vector<16xf32>
      %add3A_4990 = arith.addf %add3A_4966, %get3A_4989 : vector<16xf32>
      %add3A_4991 = arith.constant 50 : i32
      %add3A_4992 = arith.addi %mul3A_2544, %add3A_4991 : i32
      %add3A_4993 = arith.constant 49 : i32
      %add3A_4994 = arith.addi %add3A_4992, %add3A_4993 : i32
      %get3A_4995 = arith.index_cast %add3A_4994 : i32 to index
      %get3A_4996 = arith.constant 0 : index
      %get3A_4997 = tpu.vector_load %arg6[%get3A_4995, %get3A_4996] {strides = array<i32>} : memref<400x64xf32, #tpu.memory_space<vmem>>, vector<1x16xf32>,
      %get3A_4998 = vector.shape_cast %get3A_4997 : vector<1x16xf32> to vector<16xf32>
      %add3A_4999 = arith.addf %add3A_4975, %get3A_4998 : vector<16xf32>
      %get3A_5000 = arith.index_cast %add3A_4994 : i32 to index
      %get3A_5001 = arith.constant 16 : index
      %get3A_5002 = tpu.vector_load %arg6[%get3A_5000, %get3A_5001] {strides = array<i32>} : memref<400x64xf32, #tpu.memory_space<vmem>>, vector<1x16xf32>,
      %get3A_5003 = vector.shape_cast %get3A_5002 : vector<1x16xf32> to vector<16xf32>
      %add3A_5004 = arith.addf %add3A_4980, %get3A_5003 : vector<16xf32>
      %get3A_5005 = arith.index_cast %add3A_4994 : i32 to index
      %get3A_5006 = arith.constant 32 : index
      %get3A_5007 = tpu.vector_load %arg6[%get3A_5005, %get3A_5006] {strides = array<i32>} : memref<400x64xf32, #tpu.memory_space<vmem>>, vector<1x16xf32>,
      %get3A_5008 = vector.shape_cast %get3A_5007 : vector<1x16xf32> to vector<16xf32>
      %add3A_5009 = arith.addf %add3A_4985, %get3A_5008 : vector<16xf32>
      %get3A_5010 = arith.index_cast %add3A_4994 : i32 to index
      %get3A_5011 = arith.constant 48 : index
      %get3A_5012 = tpu.vector_load %arg6[%get3A_5010, %get3A_5011] {strides = array<i32>} : memref<400x64xf32, #tpu.memory_space<vmem>>, vector<1x16xf32>,
      %get3A_5013 = vector.shape_cast %get3A_5012 : vector<1x16xf32> to vector<16xf32>
      %add3A_5014 = arith.addf %add3A_4990, %get3A_5013 : vector<16xf32>
      %mul3A_5015 = arith.constant 2 : i32
      %mul3A_5016 = arith.muli %scan3A_2540, %mul3A_5015 : i32
      %add3A_5017 = arith.constant 1 : i32
      %add3A_5018 = arith.addi %mul3A_5016, %add3A_5017 : i32
      %mul3A_5019 = arith.constant 2.000000e-02 : f32
      %mul3A_5020 = vector.broadcast %mul3A_5019 : f32 to vector<16xf32>
      %mul3A_5021 = arith.mulf %add3A_4999, %mul3A_5020 : vector<16xf32>
      %swap3A_5022 = arith.index_cast %add3A_5018 : i32 to index
      %swap3A_5023 = arith.constant 0 : index
      %swap3A_5024 = tpu.vector_load %arg7[%swap3A_5022, %swap3A_5023] {strides = array<i32>} : memref<128x64xf32, #tpu.memory_space<vmem>>, vector<1x16xf32>,
      %swap3A_5025 = vector.shape_cast %swap3A_5024 : vector<1x16xf32> to vector<16xf32>
      %swap3A_5026 = vector.shape_cast %mul3A_5021 : vector<16xf32> to vector<1x16xf32>
      tpu.vector_store %arg7[%swap3A_5022, %swap3A_5023], %swap3A_5026 {strides = array<i32>} : memref<128x64xf32, #tpu.memory_space<vmem>>, vector<1x16xf32>,
      %mul3A_5027 = arith.constant 2.000000e-02 : f32
      %mul3A_5028 = vector.broadcast %mul3A_5027 : f32 to vector<16xf32>
      %mul3A_5029 = arith.mulf %add3A_5004, %mul3A_5028 : vector<16xf32>
      %swap3A_5030 = arith.index_cast %add3A_5018 : i32 to index
      %swap3A_5031 = arith.constant 16 : index
      %swap3A_5032 = tpu.vector_load %arg7[%swap3A_5030, %swap3A_5031] {strides = array<i32>} : memref<128x64xf32, #tpu.memory_space<vmem>>, vector<1x16xf32>,
      %swap3A_5033 = vector.shape_cast %swap3A_5032 : vector<1x16xf32> to vector<16xf32>
      %swap3A_5034 = vector.shape_cast %mul3A_5029 : vector<16xf32> to vector<1x16xf32>
      tpu.vector_store %arg7[%swap3A_5030, %swap3A_5031], %swap3A_5034 {strides = array<i32>} : memref<128x64xf32, #tpu.memory_space<vmem>>, vector<1x16xf32>,
      %mul3A_5035 = arith.constant 2.000000e-02 : f32
      %mul3A_5036 = vector.broadcast %mul3A_5035 : f32 to vector<16xf32>
      %mul3A_5037 = arith.mulf %add3A_5009, %mul3A_5036 : vector<16xf32>
      %swap3A_5038 = arith.index_cast %add3A_5018 : i32 to index
      %swap3A_5039 = arith.constant 32 : index
      %swap3A_5040 = tpu.vector_load %arg7[%swap3A_5038, %swap3A_5039] {strides = array<i32>} : memref<128x64xf32, #tpu.memory_space<vmem>>, vector<1x16xf32>,
      %swap3A_5041 = vector.shape_cast %swap3A_5040 : vector<1x16xf32> to vector<16xf32>
      %swap3A_5042 = vector.shape_cast %mul3A_5037 : vector<16xf32> to vector<1x16xf32>
      tpu.vector_store %arg7[%swap3A_5038, %swap3A_5039], %swap3A_5042 {strides = array<i32>} : memref<128x64xf32, #tpu.memory_space<vmem>>, vector<1x16xf32>,
      %mul3A_5043 = arith.constant 2.000000e-02 : f32
      %mul3A_5044 = vector.broadcast %mul3A_5043 : f32 to vector<16xf32>
      %mul3A_5045 = arith.mulf %add3A_5014, %mul3A_5044 : vector<16xf32>
      %swap3A_5046 = arith.index_cast %add3A_5018 : i32 to index
      %swap3A_5047 = arith.constant 48 : index
      %swap3A_5048 = tpu.vector_load %arg7[%swap3A_5046, %swap3A_5047] {strides = array<i32>} : memref<128x64xf32, #tpu.memory_space<vmem>>, vector<1x16xf32>,
      %swap3A_5049 = vector.shape_cast %swap3A_5048 : vector<1x16xf32> to vector<16xf32>
      %swap3A_5050 = vector.shape_cast %mul3A_5045 : vector<16xf32> to vector<1x16xf32>
      tpu.vector_store %arg7[%swap3A_5046, %swap3A_5047], %swap3A_5050 {strides = array<i32>} : memref<128x64xf32, #tpu.memory_space<vmem>>, vector<1x16xf32>,
    }
    %scan3A_34 = arith.constant 64 : i32
    %mul3A_35 = arith.constant 128 : i32
    %mul3A_36 = arith.muli %add3A, %mul3A_35 : i32
    "tpu.region"() ({
      %run_scoped3A = tpu.sem_alloc : memref<!tpu.dma_semaphore, #tpu.memory_space<semaphore_mem>>
      %dma_start3A_37 = arith.constant 0 : i32
      %dma_start3A_38 = tpu.memref_slice %arg4[%mul3A_36, %dma_start3A_37] : memref<4096x64xf32, #tpu.memory_space<hbm>> -> memref<128x64xf32, #tpu.memory_space<hbm>>
      %dma_start3A_39 = arith.constant 0 : i32
      %dma_start3A_40 = tpu.memref_slice %arg4[%mul3A_36, %dma_start3A_39] : memref<4096x64xf32, #tpu.memory_space<hbm>> -> memref<128x64xf32, #tpu.memory_space<hbm>>
      tpu.enqueue_dma source(%arg7 : memref<128x64xf32, #tpu.memory_space<vmem>>) target(%dma_start3A_40 : memref<128x64xf32, #tpu.memory_space<hbm>>) target_semaphore(%run_scoped3A : memref<!tpu.dma_semaphore, #tpu.memory_space<semaphore_mem>>)
      %dma_wait3A = arith.constant 0 : i32
      %dma_wait3A_41 = tpu.memref_slice %arg4[%mul3A_36, %dma_wait3A] : memref<4096x64xf32, #tpu.memory_space<hbm>> -> memref<128x64xf32, #tpu.memory_space<hbm>>
      %dma_wait3A_42 = arith.constant 0 : i32
      %dma_wait3A_43 = tpu.memref_slice %arg4[%mul3A_36, %dma_wait3A_42] : memref<4096x64xf32, #tpu.memory_space<hbm>> -> memref<128x64xf32, #tpu.memory_space<hbm>>
      tpu.wait_dma2 semaphore(%run_scoped3A : memref<!tpu.dma_semaphore, #tpu.memory_space<semaphore_mem>>) src(%arg7 : memref<128x64xf32, #tpu.memory_space<vmem>>) dst(%dma_wait3A_43 : memref<128x64xf32, #tpu.memory_space<hbm>>)
      tpu.yield
    }) : () -> ()
    return
  }
}

module attributes {stable_mosaic.version = 14 : i64} {
  func.func @_tp_body(%arg0: i32, %arg1: memref<64x16384xf32, #tpu.memory_space<vmem>>, %arg2: memref<8192x128xf32, #tpu.memory_space<vmem>>) attributes {dimension_semantics = [#tpu.dimension_semantics<arbitrary>], iteration_bounds = array<i64: 7>, scalar_prefetch = 0 : i64, scratch_operands = 0 : i64, tpu.core_type = #tpu.core_type<tc>, window_params = [{transform_indices = @transform_0, window_bounds = array<i64: 64, 16384>}, {transform_indices = @transform_1, window_bounds = array<i64: 8192, 128>}]} {
    %get3A = arith.constant 0 : index
    %get3A_0 = arith.constant 0 : index
    %get3A_1 = vector.load %arg1[%get3A, %get3A_0] : memref<64x16384xf32, #tpu.memory_space<vmem>>, vector<64x16384xf32>
    %iota3A = tpu.iota {dimensions = array<i32: 0>} : vector<64x64xi32>
    %iota3A_2 = tpu.iota {dimensions = array<i32: 1>} : vector<64x64xi32>
    %add3A = arith.constant 0 : i32
    %add3A_3 = vector.broadcast %add3A : i32 to vector<64x64xi32>
    %add3A_4 = arith.addi %iota3A, %add3A_3 : vector<64x64xi32>
    %eq3A = arith.cmpi eq, %add3A_4, %iota3A_2 : vector<64x64xi32>
    %convert_element_type3A = arith.extui %eq3A : vector<64x64xi1> to vector<64x64xi32>
    %convert_element_type3A_5 = arith.sitofp %convert_element_type3A : vector<64x64xi32> to vector<64x64xf32>
    %slice3A = vector.extract_strided_slice %get3A_1 {offsets = [0, 0], sizes = [64, 8192], strides = [1, 1]} : vector<64x16384xf32> to vector<64x8192xf32>
    %dot_general3A = arith.constant dense<0.000000e+00> : vector<8192x64xf32>
    %dot_general3A_6 = tpu.matmul %slice3A, %convert_element_type3A_5, %dot_general3A {dimension_numbers = #tpu.dot_dimension_numbers<[0], [0], [1], [1], [0, 1, 1, 1], [], []>, transpose_lhs_hint = false} : vector<64x8192xf32>, vector<64x64xf32>, vector<8192x64xf32> -> vector<8192x64xf32>
    %slice3A_7 = vector.extract_strided_slice %get3A_1 {offsets = [0, 8192], sizes = [64, 8192], strides = [1, 1]} : vector<64x16384xf32> to vector<64x8192xf32>
    %dot_general3A_8 = arith.constant dense<0.000000e+00> : vector<8192x64xf32>
    %dot_general3A_9 = tpu.matmul %slice3A_7, %convert_element_type3A_5, %dot_general3A_8 {dimension_numbers = #tpu.dot_dimension_numbers<[0], [0], [1], [1], [0, 1, 1, 1], [], []>, transpose_lhs_hint = false} : vector<64x8192xf32>, vector<64x64xf32>, vector<8192x64xf32> -> vector<8192x64xf32>
    %concatenate3A = tpu.concatenate %dot_general3A_6, %dot_general3A_9 in 1 : vector<8192x64xf32>, vector<8192x64xf32> -> vector<8192x128xf32>
    %swap3A = arith.constant 0 : index
    %swap3A_10 = arith.constant 0 : index
    %swap3A_11 = vector.load %arg2[%swap3A, %swap3A_10] : memref<8192x128xf32, #tpu.memory_space<vmem>>, vector<8192x128xf32>
    tpu.vector_store %arg2[%swap3A, %swap3A_10], %concatenate3A {strides = array<i32>} : memref<8192x128xf32, #tpu.memory_space<vmem>>, vector<8192x128xf32>,
    return
  }
  func.func @transform_0(%arg0: i32) -> (i32, i32) {
    %c0_i32 = arith.constant 0 : i32
    %c0_i32_0 = arith.constant 0 : i32
    return %c0_i32, %arg0 : i32, i32
  }
  func.func @transform_1(%arg0: i32) -> (i32, i32) {
    %c0_i32 = arith.constant 0 : i32
    %c0_i32_0 = arith.constant 0 : i32
    return %arg0, %c0_i32 : i32, i32
  }
}

module attributes {stable_mosaic.version = 14 : i64} {
  func.func @_mm_body(%arg0: memref<4096x64xf32, #tpu.memory_space<vmem>>, %arg1: memref<64x128xf32, #tpu.memory_space<vmem>>, %arg2: memref<1x128xf32, #tpu.memory_space<vmem>>, %arg3: memref<4096x128xf32, #tpu.memory_space<vmem>>) attributes {dimension_semantics = [], scalar_prefetch = 0 : i64, scratch_operands = 0 : i64, tpu.core_type = #tpu.core_type<tc>} {
    %get3A = arith.constant 0 : index
    %get3A_0 = arith.constant 0 : index
    %get3A_1 = vector.load %arg0[%get3A, %get3A_0] : memref<4096x64xf32, #tpu.memory_space<vmem>>, vector<4096x64xf32>
    %get3A_2 = arith.constant 0 : index
    %get3A_3 = arith.constant 0 : index
    %get3A_4 = vector.load %arg1[%get3A_2, %get3A_3] : memref<64x128xf32, #tpu.memory_space<vmem>>, vector<64x128xf32>
    %dot_general3A = arith.constant dense<0.000000e+00> : vector<4096x128xf32>
    %dot_general3A_5 = tpu.matmul %get3A_1, %get3A_4, %dot_general3A {dimension_numbers = #tpu.dot_dimension_numbers<[1], [0], [0], [1], [0, 0, 1, 1], [], []>, transpose_lhs_hint = false} : vector<4096x64xf32>, vector<64x128xf32>, vector<4096x128xf32> -> vector<4096x128xf32>
    %get3A_6 = arith.constant 0 : index
    %get3A_7 = arith.constant 0 : index
    %get3A_8 = vector.load %arg2[%get3A_6, %get3A_7] : memref<1x128xf32, #tpu.memory_space<vmem>>, vector<1x128xf32>
    %add3A = vector.broadcast %get3A_8 : vector<1x128xf32> to vector<4096x128xf32>
    %add3A_9 = arith.addf %dot_general3A_5, %add3A : vector<4096x128xf32>
    %swap3A = arith.constant 0 : index
    %swap3A_10 = arith.constant 0 : index
    %swap3A_11 = vector.load %arg3[%swap3A, %swap3A_10] : memref<4096x128xf32, #tpu.memory_space<vmem>>, vector<4096x128xf32>
    tpu.vector_store %arg3[%swap3A, %swap3A_10], %add3A_9 {strides = array<i32>} : memref<4096x128xf32, #tpu.memory_space<vmem>>, vector<4096x128xf32>,
    return
  }
}

</mosaic_0001>

<sc_bundles>
// kernel: kernel.5.cloned.1.call-start
scs
__scs_entry_jumppad:
0x0: {  	(pc) =	sbr.rel $0x88, $3  }
0x1: {  	(tag) =	ssettag $0x0;
	lr =	simm.s32 $0x1  }
0x2: {  	[smem:$0x3F9D] =	sst lr;
	_ =	strace $0xD0000000  }
0x3: {  	_ = 	snop  }
0x4: {  	_ = 	snop  }
0x5: {  	_ = 	snop  }
0x6: {  	_ = 	snop  }
0x7: {  	_ = 	snop  }
__scs_overlays_trampoline_lowered:
0x8: {  	[smem:$0x3FAC] =	sst s0  }
0x9: {  	[smem:$0x3FAD] =	sst s1  }
0xa: {  	[smem:$0x3FAE] =	sst s2  }
0xb: {  	[smem:$0x3FAF] =	sst s3  }
0xc: {  	[smem:$0x3FB0] =	sst s4  }
0xd: {  	[smem:$0x3FB1] =	sst s5  }
0xe: {  	[smem:$0x3FB2] =	sst s6  }
0xf: {  	[smem:$0x3FB3] =	sst s7  }
0x10: {  	[smem:$0x3FB4] =	sst s8  }
0x11: {  	[smem:$0x3FB5] =	sst s9;
	s0 =	simm.s32 @!p0 $0x0  }
0x12: {  	s1 =	sld [smem:$0x3F9B];
	s0 =	simm.s32 @p0 $0x1  }
0x13: {  	[smem:$0x3FB6] =	sst s0;
	s0 =	simm.s32 @!p1 $0x0  }
0x14: {  	s2 =	sld [smem:$0x3F9A];
	s0 =	simm.s32 @p1 $0x1  }
0x15: {  	[smem:$0x3FB7] =	sst s0;
	s0 =	simm.s32 @!p2 $0x0  }
0x16: {  	s3 =	sld [smem:$0x3FDB];
	s0 =	simm.s32 @p2 $0x1  }
0x17: {  	s4 =	simm.s32 $0x1BF5;
	[smem:$0x3FB9] =	sst s0  }
0x18: {  	s0 =	sld [smem:$0x3F9C];
	_ =	swait.ge [sflag:s4], $0x0  }
0x19: {  	s7 =	sld [smem:$0x3F9D]  }
0x1a: {  	s8 =	sadd.s32 $0xFFFFE003, lr  }
0x1b: {  	s9 =	sadd.s32 $0xFFFFFEF7, lr;
	s5 =	simm.s32 $0xFFFFFFFF;
	p2 =	slt.u32 s8, $0xFFFFF086  }
0x1c: {  	p1 =	slt.u32 s9, $0xF7A;
	s5 =	simm.s32 @!p2 $0x0  }
0x1d: {  	s5 =	simm.s32 @p1 $0x1;
	p0 =	seq.s32 s7, s2  }
0x1e: {  	s7 =	smul.u32 @!p0 $0xF7A, s2;
	p2 =	seq.s32 @!p0 s5, $0x0  }
0x1f: {  	s9 =	smul.u32 $0xF7A, s1;
	s8 =	simm.s32 @!p0 $0x1BF5;
	p2 =	por !p2, p0  }
0x20: {  	[sflag:s8] =	ssyncset.s32 @!p0 $0xFFFFF086;
	s6 =	sadd.s32 @!p0 s3, s7;
	s7 =	simm.s32 @!p0 $0x108  }
0x21: {  	s3 =	sadd.s32 s3, s9;
	s6 =	sadd.s32 @!p0 $0x88, s6;
	s7 =	simm.s32 @p2 $0x1082  }
0x22: {  	[simem:s7], [sflag:s8] =	dma.local @!p0 [hbm:s6], $0xF7A  }
0x23: {  	s9 =	sor.u32 $0xD0000000, s2;
	s6 =	simm.s32 $0x108;
	_ =	swait.ge @!p0 [sflag:s8], $0x0  }
0x24: {  	s3 =	sadd.s32 $0x88, s3;
	s6 =	simm.s32 @!p1 $0x1082;
	[sflag:s4] =	ssyncset.s32 $0xFFFFF086  }
0x25: {  	[simem:s6], [sflag:s4] =	dma.local [hbm:s3], $0xF7A  }
0x26: {  	[smem:$0x3F9D] =	sst s1;
	(tag) =	ssettag s2;
	_ =	strace s9  }
0x27: {  	s1 =	sld [smem:$0x3FAD]  }
0x28: {  	s2 =	sld [smem:$0x3FAE]  }
0x29: {  	s4 =	sld [smem:$0x3FB0]  }
0x2a: {  	p0 =	seq.s32 s5, $0x0;
	s5 =	sld [smem:$0x3FB1]  }
0x2b: {  	s6 =	sld [smem:$0x3FB2]  }
0x2c: {  	s7 =	sld [smem:$0x3FB3]  }
0x2d: {  	s3 =	simm.s32 $0x108;
	s8 =	sld [smem:$0x3FB4]  }
0x2e: {  	s3 =	simm.s32 @!p0 $0x1082;
	s9 =	sld [smem:$0x3FB5]  }
0x2f: {  	lr =	sadd.s32 s0, s3;
	s0 =	sld [smem:$0x3FAC]  }
0x30: {  	s3 =	sld [smem:$0x3FAF]  }
0x31: {  	[smem:$0x3FB8] =	sst s10  }
0x32: {  	s10 =	sld [smem:$0x3FB6];
	_ =	sdelay $0x3  }
0x33: {  	p0 =	seq.s32 s10, $0x1;
	s10 =	sld [smem:$0x3FB8];
	_ =	sdelay $0x3  }
0x34: {  	[smem:$0x3FB8] =	sst s10  }
0x35: {  	s10 =	sld [smem:$0x3FB7];
	_ =	sdelay $0x3  }
0x36: {  	p1 =	seq.s32 s10, $0x1;
	s10 =	sld [smem:$0x3FB8];
	_ =	sdelay $0x3  }
0x37: {  	[smem:$0x3FB8] =	sst s10  }
0x38: {  	s10 =	sld [smem:$0x3FB9]  }
0x39: {  	_ = 	snop;
	(pc) =	sbr.ind lr, $3  }
0x3a: {  	_ = 	snop  }
0x3b: {  	_ = 	snop  }
0x3c: {  	p2 =	seq.s32 s10, $0x1;
	s10 =	sld [smem:$0x3FB8]  }
0x3d: {  	_ =	shalt  }
0x3e: {  	_ =	shalt  }
0x3f: {  	_ =	shalt  }
0x40: {  	_ =	shalt  }
0x41: {  	_ =	shalt  }
0x42: {  	_ =	shalt  }
0x43: {  	_ =	shalt  }
0x44: {  	_ =	shalt  }
0x45: {  	_ =	shalt  }
0x46: {  	_ =	shalt  }
0x47: {  	_ =	shalt  }
0x48: {  	_ =	shalt  }
0x49: {  	_ =	shalt  }
0x4a: {  	_ =	shalt  }
0x4b: {  	_ =	shalt  }
0x4c: {  	_ =	shalt  }
0x4d: {  	_ =	shalt  }
0x4e: {  	_ =	shalt  }
0x4f: {  	_ =	shalt  }
0x50: {  	_ =	shalt  }
0x51: {  	_ =	shalt  }
0x52: {  	_ =	shalt  }
0x53: {  	_ =	shalt  }
0x54: {  	_ =	shalt  }
0x55: {  	_ =	shalt  }
0x56: {  	_ =	shalt  }
0x57: {  	_ =	shalt  }
0x58: {  	_ =	shalt  }
0x59: {  	_ =	shalt  }
0x5a: {  	_ =	shalt  }
0x5b: {  	_ =	shalt  }
0x5c: {  	_ =	shalt  }
0x5d: {  	_ =	shalt  }
0x5e: {  	_ =	shalt  }
0x5f: {  	_ =	shalt  }
0x60: {  	_ =	shalt  }
0x61: {  	_ =	shalt  }
0x62: {  	_ =	shalt  }
0x63: {  	_ =	shalt  }
0x64: {  	_ =	shalt  }
0x65: {  	_ =	shalt  }
0x66: {  	_ =	shalt  }
0x67: {  	_ =	shalt  }
0x68: {  	_ =	shalt  }
0x69: {  	_ =	shalt  }
0x6a: {  	_ =	shalt  }
0x6b: {  	_ =	shalt  }
0x6c: {  	_ =	shalt  }
0x6d: {  	_ =	shalt  }
0x6e: {  	_ =	shalt  }
0x6f: {  	_ =	shalt  }
0x70: {  	_ =	shalt  }
0x71: {  	_ =	shalt  }
0x72: {  	_ =	shalt  }
0x73: {  	_ =	shalt  }
0x74: {  	_ =	shalt  }
0x75: {  	_ =	shalt  }
0x76: {  	_ =	shalt  }
0x77: {  	_ =	shalt  }
0x78: {  	_ =	shalt  }
0x79: {  	_ =	shalt  }
0x7a: {  	_ =	shalt  }
0x7b: {  	_ =	shalt  }
0x7c: {  	_ =	shalt  }
0x7d: {  	_ =	shalt  }
0x7e: {  	_ =	shalt  }
0x7f: {  	_ =	shalt  }
0x80: {  	_ =	shalt  }
0x81: {  	_ =	shalt  }
0x82: {  	_ =	shalt  }
0x83: {  	_ =	shalt  }
0x84: {  	_ =	shalt  }
0x85: {  	_ =	shalt  }
0x86: {  	_ =	shalt  }
0x87: {  	_ =	shalt  }
.Lfunc_end0:
.L_simem_size_0:
called_computation_lowered:
.L_overlay_start_0:
0x88: {  	s2 =	sld [smem:$0x3FD9]  }
0x89: {  	s3 =	sld [smem:$0x3FFE];
	_ =	sdelay $0x1  }
0x8a: {  	s1 =	srdreg.scid  }
0x8b: {  	s0 =	sand.u32 $0x1, s1  }
0x8c: {  	s17 =	sshll.u32 s0, $0xA;
	s2 =	sadd.s32 s3, s2  }
0x8d: {  	s2 =	sadd.s32 s2, s17  }
0x8e: {  	[smem:$0x3FC4] =	sst s2  }
0x8f: {  	_ = 	snop  }
0x90: {  	s2 =	sld [smem:$0x3FD0];
	(tm) =	ssettm $0x1  }
0x91: {  	s18 =	sld [smem:$0x3FFB];
	_ =	sdelay $0x3  }
0x92: {  	_ =	strace s18  }
0x93: {  	s3 =	sld [smem:$0x3FFC];
	_ =	sdelay $0x3  }
0x94: {  	_ =	strace s3  }
0x95: {  	s3 =	sld [smem:$0x3FFD];
	_ =	sdelay $0x3  }
0x96: {  	_ =	strace s3  }
0x97: {  	_ =	strace $0x8FFFFFFF  }
0x98: {  	s19 =	sld [smem:$0x3FDB];
	_ =	sdelay $0x1  }
0x99: {  	s4 =	simm.s32 $_scs_section_size  }
0x9a: {  	s5 =	simm.s32 $_size__tile_overlayer_lowered;
	s6 =	simm.s32 $_tile_overlayer_lowered  }
0x9b: {  	s22 =	simm.s32 $0x1BFF;
	s21 =	sshll.u32 s6, $0x1;
	s3 =	sadd.s32 s4, s19  }
0x9c: {  	s7 =	simm.s32 $0x0;
	s20 =	sshll.u32 s5, $0x1;
	s5 =	sadd.s32 s21, s3  }
0x9d: {  	[timem:s7], [sflag:s22] =	dma.local [hbm:s5], s20  }
0x9e: {  	_ =	swait.ge [sflag:s22], s20  }
0x9f: {  	s4 =	ssub.s32 $0x0, s20;
	[sflag:s22] =	ssyncset.done $0x0  }
0xa0: {  	[sflag:s22] =	ssyncadd.s32 s4;
	_ =	sdelay $0x1  }
0xa1: {  	s23 =	simm.s32 $0x1B8B  }
0xa2: {  	_ =	swait.ge [sflag:s23], $0x1  }
0xa3: {  	[sflag:s23] =	ssyncset.done $0x0  }
0xa4: {  	s25 =	simm.s32 $0x1B8E;
	s24 =	sld [smem:$0x3FFE];
	[sflag:s23] =	ssyncadd.s32 $0xFFFFFFFF  }
0xa5: {  	s26 =	simm.s32 $execute0_lowered;
	[smem:$0x3FD2] =	sst s25  }
0xa6: {  	s5 =	sshll.u32 s26, $0x1;
	_ =	strace $0x80000046;
	[dreg:$0x1] =	wrdreg $0xFFFFFFFF  }
0xa7: {  	s28 =	simm.s32 $_size_execute0_lowered;
	s3 =	sadd.s32 s3, s5;
	[dreg:$0x0] =	wrdreg $0x0  }
0xa8: {  	s5 =	sshll.u32 s28, $0x1;
	[dreg:$0x2] =	wrdreg s3  }
0xa9: {  	[dreg:$0x3] =	wrdreg s5  }
0xaa: {  	[dreg:$0x4] =	wrdreg $0xC0  }
0xab: {  	_ =	task [dreg:s7], $0x5FFFF  }
0xac: {  	[dreg:$0x1] =	wrdreg $0xFFFFFFFF  }
0xad: {  	[dreg:$0x0] =	wrdreg $0x60  }
0xae: {  	[dreg:$0x2] =	wrdreg s24  }
0xaf: {  	[dreg:$0x3] =	wrdreg s2  }
0xb0: {  	[dreg:$0x4] =	wrdreg $0x9  }
0xb1: {  	_ =	task.clear_ibuf [dreg:s7], $0x5FFFF;
	_ =	strace $0x90000046  }
0xb2: {  	s29 =	simm.s32 $0x9;
	_ =	strace $0x80000048  }
0xb3: {  	_ =	swait.ge [sflag:s29], $0x1  }
0xb4: {  	[sflag:s29] =	ssyncadd.s32 $0xFFFFFFFF  }
0xb5: {  	_ =	strace $0x90000048  }
0xb6: {  	_ =	sfence  }
0xb7: {  	s30 =	sld [smem:$0x0];
	_ =	sdelay $0x2  }
0xb8: {  	s31 =	sshll.u32 s1, $0xD;
	s1 =	sshrl.u32 s1, $0x2  }
0xb9: {  	s3 =	sand.u32 $0x4000, s31;
	s1 =	sadd.s32 s1, s30  }
0xba: {  	s0 =	sor.u32 s3, s0;
	s1 =	sshll.u32 s1, $0x11  }
0xbb: {  	s0 =	sor.u32 s1, s0  }
0xbc: {  	s0 =	sadd.s32 $0x8F2B, s0  }
0xbd: {  	[sflag:s0] =	ssyncadd.remote.s32 $0x1  }
0xbe: {  	_ =	sfence.sel $0xFFFF  }
0xbf: {  	[dreg:$0x0] =	wrdreg $0xFFFFFFFF;
	(pc) =	sbr.abs _section_cstart, $3  }
0xc0: {  	[dreg:$0x1] =	wrdreg $0xFFFFFFFF  }
0xc1: {  	_ =	task.clear_ibuf [dreg:s7], $0x2FFFF;
	_ =	strace $0x9FFFFFFF  }
0xc2: {  	(tm) =	ssettm $0x7FFFFFFF  }
0xc3: {  	_ =	shalt  }
tec
execute0_lowered:
.L_overlay_start_1:
0x0: {  	(tag) =	ssettag $0x1  }
0x1: {  	s4 =	rddreg [dreg:$0x0];
	s1 =	srdreg.scid  }
0x2: {  	s0 =	stileid.u32;
	s5 =	rddreg [dreg:$0x1]  }
0x3: {  	s2 =	simm.s32 $0x0;
	s9 =	simm.s32 $0x1A00;
	s10 =	simm.s32 $0x68  }
0x4: {  	s11 =	simm.s32 $0x3300;
	s12 =	simm.s32 $0xD0;
	s13 =	simm.s32 $0x4C00  }
0x5: {  	s14 =	simm.s32 $0x1;
	s15 =	simm.s32 $0x7E00;
	s16 =	simm.s32 $0x0  }
0x6: {  	s3 =	sand.u32 $0x1, s1;
	s6 =	sshll.u32 s0, $0x1;
	[smem:$0x7FF] =	sst s2  }
0x7: {  	s1 =	rddreg [dreg:$0x2];
	s6 =	sor.u32 s3, s6;
	_ =	strace $0x80000047  }
0x8: {  	s8 =	ssub.s32 $0x2, s3;
	s7 =	smul.u32 $0x340, s6;
	s6 =	sshll.u32 s6, $0xA  }
0x9: {  	s3 =	sadd.s32 $0x7000, s4;
	s31 =	sshrl.u32 s8, $0x1;
	s5 =	sadd.s32 s5, s6  }
0xa: {  	s4 =	sadd.s32 s7, s4;
	s7 =	ssub.s32 s8, s31;
	s8 =	simm.s32 $0x64  }
0xb: {  	s4 =	sadd.s32 $0x800, s4;
	s6 =	smax.u32 s7, $0x1;
	s7 =	simm.s32 $0x2  }
.LBB2_1:
0xc: {  	[tilespmem:s2], [sflag:$0x2] =	stream.linear.gather [hbm4b:s4+s2], $0x1A00, $0x38;
	[tilespmem:$0x9E00] =	vst v63  }
0xd: {  	_ =	swait.ge [sflag:s7], $0x1A00  }
0xe: {  	[sflag:s7] =	ssyncset.done $0x0  }
0xf: {  	[sflag:s7] =	ssyncadd.s32 $0xFFFFE600  }
0x10: {  	[tilespmem:s9], [sflag:$0x1] =	stream.indirect.gather [hbm4b:s3+s8], $0x40, s2, s8, $0xb8;
	[tilespmem:$0x9E00] =	vst v63  }
0x11: {  	_ = 	snop  }
0x12: {  	[tilespmem:s11], [sflag:$0x1] =	stream.indirect.gather [hbm4b:s3+s8], $0x40, s10, s8, $0xb8;
	[tilespmem:$0x9E00] =	vst v63  }
0x13: {  	s17 =	simm.s32 $0x1A0;
	s18 =	simm.s32 $0x3;
	s19 =	simm.s32 $0x7E80  }
0x14: {  	[tilespmem:s13], [sflag:$0x1] =	stream.indirect.gather [hbm4b:s3+s8], $0x40, s12, s8, $0xb8;
	[tilespmem:$0x9E00] =	vst v63  }
.LBB2_2:
0x15: {  	s20 =	sadd.s32 $0xFFFFFFFD, s18  }
0x16: {  	p0 =	sgt.u32 s20, $0x3C  }
0x17: {  	s21 =	sand.u32 @!p0 $0x3, s18  }
0x18: {  	_ =	swait.ge [sflag:s14], $0x1900;
	s22 =	sand.u32 $0x2, s20;
	s21 =	smul.u32 @!p0 $0x6400, s21  }
0x19: {  	[sflag:s14] =	ssyncset.done $0x0;
	s22 =	smul.u32 $0x6400, s22  }
0x1a: {  	[sflag:s14] =	ssyncadd.s32 $0xFFFFE700;
	s23 =	sadd.s32 @!p0 $0xFFFFFF98, s17;
	s21 =	sshrl.u32 @!p0 s21, $0x2  }
0x1b: {  	s24 =	simm.s32 @!p0 $0x64;
	s29 =	sshrl.u32 s22, $0x2;
	s21 =	sadd.s32 @!p0 $0x1A00, s21  }
0x1c: {  	[tilespmem:s21], [sflag:$0x1] =	stream.indirect.gather @!p0 [hbm4b:s3+s24], $0x40, s23, s24, $0xb8;
	[tilespmem:$0x9E00] =	vst v63  }
0x1d: {  	v0 =	vld [tilespmem:s29+$0x1DB0];
	_ =	sdelay $0x4  }
0x1e: {  	[tilespmem:$0x1F580] =	vst v0;
	v0 =	vld [tilespmem:s29+$0x1E10];
	_ =	sdelay $0x4  }
0x1f: {  	[tilespmem:$0x1F5A0] =	vst v0;
	v0 =	vld [tilespmem:s29+$0x1E20];
	_ =	sdelay $0x4  }
0x20: {  	[tilespmem:$0x1F5B0] =	vst v0;
	v0 =	vld [tilespmem:s29+$0x1E30];
	_ =	sdelay $0x4  }
0x21: {  	[tilespmem:$0x1F5D0] =	vst v0;
	v0 =	vld [tilespmem:s29+$0x1E40];
	_ =	sdelay $0x4  }
0x22: {  	[tilespmem:$0x1F5C0] =	vst v0;
	v0 =	vld [tilespmem:s29+$0x1E50];
	_ =	sdelay $0x4  }
0x23: {  	[tilespmem:$0x1F5E0] =	vst v0;
	v0 =	vld [tilespmem:s29+$0x1E60];
	_ =	sdelay $0x4  }
0x24: {  	[tilespmem:$0x1F5F0] =	vst v0;
	v0 =	vld [tilespmem:s29+$0x1E70];
	_ =	sdelay $0x4  }
0x25: {  	[tilespmem:$0x1F610] =	vst v0;
	v0 =	vld [tilespmem:s29+$0x1E80];
	_ =	sdelay $0x4  }
0x26: {  	[tilespmem:$0x1F600] =	vst v0;
	v0 =	vld [tilespmem:s29+$0x1E90];
	_ =	sdelay $0x4  }
0x27: {  	[tilespmem:$0x1F620] =	vst v0;
	v0 =	vld [tilespmem:s29+$0x1EA0];
	_ =	sdelay $0x4  }
0x28: {  	[tilespmem:$0x1F630] =	vst v0;
	v0 =	vld [tilespmem:s29+$0x1EB0];
	_ =	sdelay $0x4  }
0x29: {  	[tilespmem:$0x1F650] =	vst v0;
	v0 =	vld [tilespmem:s29+$0x1EC0];
	_ =	sdelay $0x4  }
0x2a: {  	[tilespmem:$0x1F640] =	vst v0;
	v0 =	vld [tilespmem:s29+$0x1ED0];
	_ =	sdelay $0x4  }
0x2b: {  	[tilespmem:$0x1F660] =	vst v0;
	v0 =	vld [tilespmem:s29+$0x1EE0];
	_ =	sdelay $0x4  }
0x2c: {  	[tilespmem:$0x1F670] =	vst v0;
	v0 =	vld [tilespmem:s29+$0x1EF0];
	_ =	sdelay $0x4  }
0x2d: {  	[tilespmem:$0x1F690] =	vst v0;
	v0 =	vld [tilespmem:s29+$0x1F00];
	_ =	sdelay $0x4  }
0x2e: {  	[tilespmem:$0x1F680] =	vst v0;
	v0 =	vld [tilespmem:s29+$0x1F10];
	_ =	sdelay $0x4  }
0x2f: {  	[tilespmem:$0x1F6A0] =	vst v0;
	v0 =	vld [tilespmem:s29+$0x1F20];
	_ =	sdelay $0x4  }
0x30: {  	[tilespmem:$0x1F6B0] =	vst v0;
	v0 =	vld [tilespmem:s29+$0x1F30];
	_ =	sdelay $0x4  }
0x31: {  	[tilespmem:$0x1F6D0] =	vst v0;
	v0 =	vld [tilespmem:s29+$0x1F40];
	_ =	sdelay $0x4  }
0x32: {  	[tilespmem:$0x1F6C0] =	vst v0;
	v0 =	vld [tilespmem:s29+$0x1F50];
	_ =	sdelay $0x4  }
0x33: {  	[tilespmem:$0x1F6E0] =	vst v0;
	v0 =	vld [tilespmem:s29+$0x1F60];
	_ =	sdelay $0x4  }
0x34: {  	[tilespmem:$0x1F6F0] =	vst v0;
	v0 =	vld [tilespmem:s29+$0x1F70]  }
0x35: {  	v8 =	vld [tilespmem:s29+$0x1A00]  }
0x36: {  	v9 =	vld [tilespmem:s29+$0x1A10]  }
0x37: {  	v12 =	vld [tilespmem:s29+$0x1A20]  }
0x38: {  	v13 =	vld [tilespmem:s29+$0x1A30]  }
0x39: {  	[tilespmem:$0x1F710] =	vst v0;
	v0 =	vld [tilespmem:s29+$0x1F80]  }
0x3a: {  	v24 =	vld [tilespmem:s29+$0x1A40]  }
0x3b: {  	v25 =	vld [tilespmem:s29+$0x1A50]  }
0x3c: {  	v28 =	vld [tilespmem:s29+$0x1A60]  }
0x3d: {  	v29 =	vld [tilespmem:s29+$0x1A70]  }
0x3e: {  	[tilespmem:$0x1F700] =	vst v0;
	v0 =	vld [tilespmem:s29+$0x1F90]  }
0x3f: {  	v40 =	vld [tilespmem:s29+$0x1A80]  }
0x40: {  	v41 =	vld [tilespmem:s29+$0x1A90]  }
0x41: {  	v44 =	vld [tilespmem:s29+$0x1AA0]  }
0x42: {  	v45 =	vld [tilespmem:s29+$0x1AB0]  }
0x43: {  	[tilespmem:$0x1F720] =	vst v0;
	v0 =	vld [tilespmem:s29+$0x1FA0]  }
0x44: {  	v56 =	vld [tilespmem:s29+$0x1AC0]  }
0x45: {  	v57 =	vld [tilespmem:s29+$0x1AD0]  }
0x46: {  	v60 =	vld [tilespmem:s29+$0x1AE0]  }
0x47: {  	v61 =	vld [tilespmem:s29+$0x1AF0]  }
0x48: {  	[tilespmem:$0x1F730] =	vst v0;
	v0 =	vld [tilespmem:s29+$0x1FB0]  }
0x49: {  	v1 =	vld [tilespmem:s29+$0x1B00]  }
0x4a: {  	v3 =	vld [tilespmem:s29+$0x1B10]  }
0x4b: {  	v4 =	vld [tilespmem:s29+$0x1B20]  }
0x4c: {  	v7 =	vld [tilespmem:s29+$0x1B30]  }
0x4d: {  	[tilespmem:$0x1F750] =	vst v0;
	v0 =	vld [tilespmem:s29+$0x1FC0]  }
0x4e: {  	v2 =	vld [tilespmem:s29+$0x1B40]  }
0x4f: {  	v6 =	vld [tilespmem:s29+$0x1B50]  }
0x50: {  	v10 =	vld [tilespmem:s29+$0x1B60]  }
0x51: {  	v15 =	vld [tilespmem:s29+$0x1B70]  }
0x52: {  	[tilespmem:$0x1F740] =	vst v0;
	v0 =	vld [tilespmem:s29+$0x1FD0]  }
0x53: {  	v5 =	vld [tilespmem:s29+$0x1B80]  }
0x54: {  	v14 =	vld [tilespmem:s29+$0x1B90]  }
0x55: {  	v16 =	vld [tilespmem:s29+$0x1BA0]  }
0x56: {  	v19 =	vld [tilespmem:s29+$0x1BB0]  }
0x57: {  	[tilespmem:$0x1F760] =	vst v0;
	v0 =	vld [tilespmem:s29+$0x1FE0]  }
0x58: {  	v11 =	vld [tilespmem:s29+$0x1BC0]  }
0x59: {  	v18 =	vld [tilespmem:s29+$0x1BD0]  }
0x5a: {  	v20 =	vld [tilespmem:s29+$0x1BE0]  }
0x5b: {  	v23 =	vld [tilespmem:s29+$0x1BF0]  }
0x5c: {  	[tilespmem:$0x1F770] =	vst v0;
	v0 =	vld [tilespmem:s29+$0x1FF0]  }
0x5d: {  	v17 =	vld [tilespmem:s29+$0x1C00]  }
0x5e: {  	v22 =	vld [tilespmem:s29+$0x1C10]  }
0x5f: {  	v26 =	vld [tilespmem:s29+$0x1C20]  }
0x60: {  	v31 =	vld [tilespmem:s29+$0x1C30]  }
0x61: {  	[tilespmem:$0x1F790] =	vst v0;
	v0 =	vld [tilespmem:s29+$0x2000]  }
0x62: {  	v21 =	vld [tilespmem:s29+$0x1C40]  }
0x63: {  	v30 =	vld [tilespmem:s29+$0x1C50]  }
0x64: {  	v32 =	vld [tilespmem:s29+$0x1C60]  }
0x65: {  	v35 =	vld [tilespmem:s29+$0x1C70]  }
0x66: {  	[tilespmem:$0x1F780] =	vst v0;
	v0 =	vld [tilespmem:s29+$0x2010]  }
0x67: {  	v27 =	vld [tilespmem:s29+$0x1C80]  }
0x68: {  	v34 =	vld [tilespmem:s29+$0x1C90]  }
0x69: {  	v36 =	vld [tilespmem:s29+$0x1CA0]  }
0x6a: {  	v39 =	vld [tilespmem:s29+$0x1CB0]  }
0x6b: {  	[tilespmem:$0x1F7A0] =	vst v0;
	v0 =	vld [tilespmem:s29+$0x2020]  }
0x6c: {  	v33 =	vld [tilespmem:s29+$0x1CC0]  }
0x6d: {  	v38 =	vld [tilespmem:s29+$0x1CD0]  }
0x6e: {  	v42 =	vld [tilespmem:s29+$0x1CE0]  }
0x6f: {  	v48 =	vld [tilespmem:s29+$0x1CF0]  }
0x70: {  	[tilespmem:$0x1F7B0] =	vst v0;
	v0 =	vld [tilespmem:s29+$0x2030]  }
0x71: {  	v37 =	vld [tilespmem:s29+$0x1D00]  }
0x72: {  	v46 =	vld [tilespmem:s29+$0x1D10]  }
0x73: {  	v47 =	vld [tilespmem:s29+$0x1D20]  }
0x74: {  	v52 =	vld [tilespmem:s29+$0x1D30]  }
0x75: {  	[tilespmem:$0x1F7D0] =	vst v0;
	v0 =	vld [tilespmem:s29+$0x2040]  }
0x76: {  	v43 =	vld [tilespmem:s29+$0x1D40]  }
0x77: {  	v50 =	vld [tilespmem:s29+$0x1D50]  }
0x78: {  	v51 =	vld [tilespmem:s29+$0x1D60]  }
0x79: {  	v58 =	vld [tilespmem:s29+$0x1D70]  }
0x7a: {  	[tilespmem:$0x1F7C0] =	vst v0;
	v0 =	vld [tilespmem:s29+$0x2050]  }
0x7b: {  	v49 =	vld [tilespmem:s29+$0x1D80]  }
0x7c: {  	v62 =	vld [tilespmem:s29+$0x1D90]  }
0x7d: {  	v59 =	vld [tilespmem:s29+$0x1DA0]  }
0x7e: {  	v55 =	vld [tilespmem:s29+$0x1DF0];
	v9 =	vadd.f32 $0.0e+00, v9  }
0x7f: {  	[tilespmem:$0x1F7E0] =	vst v0;
	v0 =	vld [tilespmem:s29+$0x2060]  }
0x80: {  	v63 =	vld [tilespmem:s29+$0x1DC0];
	v9 =	vadd.f32 v25, v9  }
0x81: {  	v54 =	vld [tilespmem:s29+$0x1DD0]  }
0x82: {  	v53 =	vld [tilespmem:s29+$0x1DE0];
	v9 =	vadd.f32 v41, v9  }
0x83: {  	[tilespmem:$0x1F590] =	vst v55;
	v55 =	vld [tilespmem:s29+$0x1E00];
	v25 =	vadd.f32 $0.0e+00, v13  }
0x84: {  	v13 =	vld [tilespmem:s29+$0x20B0];
	v9 =	vadd.f32 v57, v9;
	[tilespmem:$0x1F7F0] =	vst v0;
	v0 =	vadd.f32 $0.0e+00, v8  }
0x85: {  	v29 =	vadd.f32 v29, v25;
	v8 =	vld [tilespmem:s29+$0x2070]  }
0x86: {  	v25 =	vld [tilespmem:s29+$0x20D0];
	v3 =	vadd.f32 v3, v9;
	v24 =	vadd.f32 v24, v0  }
0x87: {  	v0 =	vadd.f32 $0.0e+00, v12;
	v12 =	vld [tilespmem:s29+$0x2090]  }
0x88: {  	v3 =	vadd.f32 v6, v3;
	v40 =	vadd.f32 v40, v24;
	v24 =	vld [tilespmem:s29+$0x20C0]  }
0x89: {  	v0 =	vadd.f32 v28, v0;
	v28 =	vld [tilespmem:s29+$0x20E0]  }
0x8a: {  	v3 =	vadd.f32 v14, v3;
	[tilespmem:$0x1F800] =	vst v8;
	v8 =	vld [tilespmem:s29+$0x2080]  }
0x8b: {  	v40 =	vadd.f32 v56, v40;
	v56 =	vadd.f32 v45, v29;
	v29 =	vld [tilespmem:s29+$0x20F0]  }
0x8c: {  	[tilespmem:$0x1F810] =	vst v12;
	v12 =	vld [tilespmem:s29+$0x20A0]  }
0x8d: {  	v3 =	vadd.f32 v18, v3;
	v1 =	vadd.f32 v1, v40;
	v40 =	vld [tilespmem:s29+$0x2100]  }
0x8e: {  	v41 =	vld [tilespmem:s29+$0x2110]  }
0x8f: {  	v3 =	vadd.f32 v22, v3;
	v0 =	vadd.f32 v44, v0;
	v44 =	vld [tilespmem:s29+$0x2120]  }
0x90: {  	v45 =	vld [tilespmem:s29+$0x2130]  }
0x91: {  	v3 =	vadd.f32 v30, v3;
	v61 =	vadd.f32 v61, v56;
	v56 =	vld [tilespmem:s29+$0x2140]  }
0x92: {  	v57 =	vld [tilespmem:s29+$0x2150]  }
0x93: {  	v3 =	vadd.f32 v34, v3;
	v0 =	vadd.f32 v60, v0;
	v60 =	vld [tilespmem:s29+$0x2160]  }
0x94: {  	v6 =	vld [tilespmem:s29+$0x21A0]  }
0x95: {  	v3 =	vadd.f32 v38, v3;
	v14 =	vld [tilespmem:s29+$0x21F0]  }
0x96: {  	v18 =	vld [tilespmem:s29+$0x2230]  }
0x97: {  	v3 =	vadd.f32 v46, v3;
	v22 =	vld [tilespmem:s29+$0x2270]  }
0x98: {  	v30 =	vld [tilespmem:$0x1F5A0]  }
0x99: {  	v3 =	vadd.f32 v50, v3;
	v34 =	vld [tilespmem:$0x1F5E0]  }
0x9a: {  	v38 =	vld [tilespmem:$0x1F620]  }
0x9b: {  	v3 =	vadd.f32 v62, v3;
	v46 =	vld [tilespmem:$0x1F660]  }
0x9c: {  	v50 =	vld [tilespmem:$0x1F6A0]  }
0x9d: {  	v3 =	vadd.f32 v54, v3;
	v54 =	vld [tilespmem:$0x1F6E0]  }
0x9e: {  	v62 =	vld [tilespmem:$0x1F720]  }
0x9f: {  	v9 =	vadd.f32 v7, v61;
	v61 =	vld [tilespmem:s29+$0x2170]  }
0xa0: {  	v0 =	vadd.f32 v4, v0;
	v1 =	vadd.f32 v2, v1;
	v4 =	vld [tilespmem:s29+$0x2180]  }
0xa1: {  	v7 =	vld [tilespmem:s29+$0x21B0]  }
0xa2: {  	v1 =	vadd.f32 v5, v1;
	v5 =	vld [tilespmem:s29+$0x2190]  }
0xa3: {  	v2 =	vadd.f32 v15, v9;
	v9 =	vld [tilespmem:s29+$0x21C0]  }
0xa4: {  	v0 =	vadd.f32 v10, v0;
	v10 =	vld [tilespmem:s29+$0x21D0]  }
0xa5: {  	v15 =	vld [tilespmem:s29+$0x2200]  }
0xa6: {  	v3 =	vadd.f32 v30, v3;
	v30 =	vld [tilespmem:s29+$0x22B0]  }
0xa7: {  	v1 =	vadd.f32 v11, v1;
	v11 =	vld [tilespmem:s29+$0x21E0]  }
0xa8: {  	v0 =	vadd.f32 v16, v0;
	v16 =	vld [tilespmem:s29+$0x2210]  }
0xa9: {  	v2 =	vadd.f32 v19, v2;
	v19 =	vld [tilespmem:s29+$0x2240]  }
0xaa: {  	v3 =	vadd.f32 v34, v3;
	v34 =	vld [tilespmem:s29+$0x22F0]  }
0xab: {  	v1 =	vadd.f32 v17, v1;
	v17 =	vld [tilespmem:s29+$0x2220]  }
0xac: {  	v0 =	vadd.f32 v20, v0;
	v20 =	vld [tilespmem:s29+$0x2250]  }
0xad: {  	v2 =	vadd.f32 v23, v2;
	v23 =	vld [tilespmem:s29+$0x2280]  }
0xae: {  	v3 =	vadd.f32 v38, v3;
	v38 =	vld [tilespmem:s29+$0x2330]  }
0xaf: {  	v0 =	vadd.f32 v26, v0;
	v26 =	vld [tilespmem:$0x1F580]  }
0xb0: {  	v1 =	vadd.f32 v21, v1;
	v21 =	vld [tilespmem:s29+$0x2260]  }
0xb1: {  	v2 =	vadd.f32 v31, v2;
	v31 =	vld [tilespmem:$0x1F5B0]  }
0xb2: {  	v3 =	vadd.f32 v46, v3;
	v46 =	vld [tilespmem:$0x1F740]  }
0xb3: {  	v1 =	vadd.f32 v27, v1;
	v27 =	vld [tilespmem:$0x1F590]  }
0xb4: {  	v0 =	vadd.f32 v32, v0;
	v32 =	vld [tilespmem:$0x1F5C0]  }
0xb5: {  	v2 =	vadd.f32 v35, v2;
	v35 =	vld [tilespmem:$0x1F5F0]  }
0xb6: {  	v3 =	vadd.f32 v50, v3;
	v50 =	vld [tilespmem:$0x1F780]  }
0xb7: {  	v1 =	vadd.f32 v33, v1;
	v33 =	vld [tilespmem:$0x1F5D0]  }
0xb8: {  	v0 =	vadd.f32 v36, v0;
	v36 =	vld [tilespmem:$0x1F600]  }
0xb9: {  	v2 =	vadd.f32 v39, v2;
	v39 =	vld [tilespmem:$0x1F630]  }
0xba: {  	v3 =	vadd.f32 v54, v3;
	v54 =	vld [tilespmem:$0x1F7C0]  }
0xbb: {  	v1 =	vadd.f32 v37, v1;
	v37 =	vld [tilespmem:$0x1F610]  }
0xbc: {  	v0 =	vadd.f32 v42, v0;
	v42 =	vld [tilespmem:$0x1F640]  }
0xbd: {  	v2 =	vadd.f32 v48, v2;
	v48 =	vld [tilespmem:$0x1F680]  }
0xbe: {  	v3 =	vadd.f32 v62, v3;
	v62 =	vld [tilespmem:$0x1F800]  }
0xbf: {  	v1 =	vadd.f32 v43, v1;
	v43 =	vld [tilespmem:$0x1F650]  }
0xc0: {  	v0 =	vadd.f32 v47, v0;
	v47 =	vld [tilespmem:$0x1F670]  }
0xc1: {  	v2 =	vadd.f32 v52, v2;
	v52 =	vld [tilespmem:$0x1F6C0]  }
0xc2: {  	v1 =	vadd.f32 v49, v1;
	v49 =	vld [tilespmem:$0x1F690]  }
0xc3: {  	v0 =	vadd.f32 v51, v0;
	v2 =	vadd.f32 v58, v2;
	v51 =	vld [tilespmem:$0x1F6B0]  }
0xc4: {  	v58 =	vld [tilespmem:$0x1F700]  }
0xc5: {  	v2 =	vadd.f32 v26, v2;
	v26 =	vld [tilespmem:s29+$0x2290]  }
0xc6: {  	v0 =	vadd.f32 v59, v0;
	v59 =	vld [tilespmem:$0x1F710]  }
0xc7: {  	v1 =	vadd.f32 v63, v1;
	v63 =	vld [tilespmem:$0x1F730]  }
0xc8: {  	v2 =	vadd.f32 v27, v2;
	v27 =	vld [tilespmem:s29+$0x22A0]  }
0xc9: {  	v0 =	vadd.f32 v53, v0;
	v53 =	vld [tilespmem:$0x1F6D0]  }
0xca: {  	v1 =	vadd.f32 v55, v1;
	v55 =	vld [tilespmem:$0x1F6F0]  }
0xcb: {  	v0 =	vadd.f32 v31, v0;
	v31 =	vld [tilespmem:s29+$0x22C0]  }
0xcc: {  	v1 =	vadd.f32 v32, v1;
	v32 =	vld [tilespmem:s29+$0x22D0]  }
0xcd: {  	v2 =	vadd.f32 v33, v2;
	v33 =	vld [tilespmem:s29+$0x22E0]  }
0xce: {  	v0 =	vadd.f32 v35, v0;
	v35 =	vld [tilespmem:s29+$0x2300]  }
0xcf: {  	v1 =	vadd.f32 v36, v1;
	v36 =	vld [tilespmem:s29+$0x2310]  }
0xd0: {  	v2 =	vadd.f32 v37, v2;
	v37 =	vld [tilespmem:s29+$0x2320]  }
0xd1: {  	v0 =	vadd.f32 v39, v0;
	v39 =	vld [tilespmem:s29+$0x2340]  }
0xd2: {  	v1 =	vadd.f32 v42, v1;
	v42 =	vld [tilespmem:s29+$0x2350]  }
0xd3: {  	v2 =	vadd.f32 v43, v2;
	v43 =	vld [tilespmem:s29+$0x2360]  }
0xd4: {  	v0 =	vadd.f32 v47, v0;
	v47 =	vld [tilespmem:$0x1F750]  }
0xd5: {  	v1 =	vadd.f32 v48, v1;
	v48 =	vld [tilespmem:$0x1F760]  }
0xd6: {  	v2 =	vadd.f32 v49, v2;
	v49 =	vld [tilespmem:$0x1F770]  }
0xd7: {  	v0 =	vadd.f32 v51, v0;
	v51 =	vld [tilespmem:$0x1F790]  }
0xd8: {  	v1 =	vadd.f32 v52, v1;
	v52 =	vld [tilespmem:$0x1F7A0]  }
0xd9: {  	v2 =	vadd.f32 v53, v2;
	v53 =	vld [tilespmem:$0x1F7B0]  }
0xda: {  	v0 =	vadd.f32 v55, v0;
	v55 =	vld [tilespmem:$0x1F7D0]  }
0xdb: {  	v1 =	vadd.f32 v58, v1;
	v2 =	vadd.f32 v59, v2;
	v58 =	vld [tilespmem:$0x1F7E0]  }
0xdc: {  	v59 =	vld [tilespmem:$0x1F7F0];
	v3 =	vadd.f32 v48, v3;
	v0 =	vadd.f32 v63, v0  }
0xdd: {  	v1 =	vadd.f32 v46, v1;
	v2 =	vadd.f32 v47, v2;
	v63 =	vld [tilespmem:$0x1F810]  }
0xde: {  	v48 =	vld [tilespmem:s29+$0x2390];
	v3 =	vadd.f32 v52, v3;
	v0 =	vadd.f32 v49, v0  }
0xdf: {  	v46 =	vld [tilespmem:s29+$0x2370];
	v1 =	vadd.f32 v50, v1;
	v2 =	vadd.f32 v51, v2  }
0xe0: {  	v47 =	vld [tilespmem:s29+$0x2380];
	v3 =	vadd.f32 v58, v3;
	v0 =	vadd.f32 v53, v0  }
0xe1: {  	v52 =	vld [tilespmem:s29+$0x2440];
	v1 =	vadd.f32 v54, v1;
	v2 =	vadd.f32 v55, v2  }
0xe2: {  	v49 =	vld [tilespmem:s29+$0x23A0];
	v3 =	vadd.f32 v63, v3;
	v0 =	vadd.f32 v59, v0  }
0xe3: {  	v50 =	vld [tilespmem:s29+$0x23C0];
	v1 =	vadd.f32 v8, v1;
	v2 =	vadd.f32 v62, v2  }
0xe4: {  	v51 =	vld [tilespmem:s29+$0x2430];
	v3 =	vadd.f32 v25, v3;
	v0 =	vadd.f32 v12, v0  }
0xe5: {  	v58 =	vld [tilespmem:s29+$0x24A0];
	v1 =	vadd.f32 v24, v1;
	v2 =	vadd.f32 v13, v2  }
0xe6: {  	v53 =	vld [tilespmem:s29+$0x2450];
	v3 =	vadd.f32 v41, v3;
	v0 =	vadd.f32 v28, v0  }
0xe7: {  	v54 =	vld [tilespmem:s29+$0x2460];
	v1 =	vadd.f32 v40, v1;
	v2 =	vadd.f32 v29, v2  }
0xe8: {  	v55 =	vld [tilespmem:s29+$0x2470];
	v3 =	vadd.f32 v57, v3;
	v0 =	vadd.f32 v44, v0  }
0xe9: {  	v63 =	vld [tilespmem:s29+$0x24F0];
	v1 =	vadd.f32 v56, v1;
	v2 =	vadd.f32 v45, v2  }
0xea: {  	v8 =	vld [tilespmem:s29+$0x23B0];
	v3 =	vadd.f32 v5, v3;
	v0 =	vadd.f32 v60, v0  }
0xeb: {  	v59 =	vld [tilespmem:s29+$0x24B0];
	v1 =	vadd.f32 v4, v1;
	v2 =	vadd.f32 v61, v2  }
0xec: {  	v62 =	vld [tilespmem:s29+$0x24E0];
	v3 =	vadd.f32 v10, v3;
	v0 =	vadd.f32 v6, v0  }
0xed: {  	v12 =	vld [tilespmem:s29+$0x23D0];
	v1 =	vadd.f32 v9, v1;
	v2 =	vadd.f32 v7, v2  }
0xee: {  	v13 =	vld [tilespmem:s29+$0x23E0];
	v3 =	vadd.f32 v16, v3;
	v0 =	vadd.f32 v11, v0  }
0xef: {  	v41 =	vld [tilespmem:s29+$0x2400];
	v1 =	vadd.f32 v15, v1;
	v2 =	vadd.f32 v14, v2  }
0xf0: {  	v40 =	vld [tilespmem:s29+$0x23F0];
	v3 =	vadd.f32 v20, v3;
	v0 =	vadd.f32 v17, v0  }
0xf1: {  	v57 =	vld [tilespmem:s29+$0x2490];
	v1 =	vadd.f32 v19, v1;
	v2 =	vadd.f32 v18, v2  }
0xf2: {  	v44 =	vld [tilespmem:s29+$0x2410];
	v3 =	vadd.f32 v26, v3;
	v0 =	vadd.f32 v21, v0  }
0xf3: {  	v45 =	vld [tilespmem:s29+$0x2420];
	v1 =	vadd.f32 v23, v1;
	v2 =	vadd.f32 v22, v2  }
0xf4: {  	v56 =	vld [tilespmem:s29+$0x2480];
	v3 =	vadd.f32 v32, v3;
	v0 =	vadd.f32 v27, v0  }
0xf5: {  	v60 =	vld [tilespmem:s29+$0x24C0];
	v1 =	vadd.f32 v31, v1;
	v2 =	vadd.f32 v30, v2  }
0xf6: {  	v61 =	vld [tilespmem:s29+$0x24D0];
	v3 =	vadd.f32 v36, v3;
	v0 =	vadd.f32 v33, v0  }
0xf7: {  	v32 =	vld [tilespmem:s29+$0x2520];
	v1 =	vadd.f32 v35, v1;
	v2 =	vadd.f32 v34, v2  }
0xf8: {  	v30 =	vld [tilespmem:s29+$0x2500];
	v3 =	vadd.f32 v42, v3;
	v0 =	vadd.f32 v37, v0  }
0xf9: {  	v31 =	vld [tilespmem:s29+$0x2510];
	v1 =	vadd.f32 v39, v1;
	v2 =	vadd.f32 v38, v2  }
0xfa: {  	v36 =	vld [tilespmem:s29+$0x2560];
	v3 =	vadd.f32 v48, v3;
	v0 =	vadd.f32 v43, v0  }
0xfb: {  	v33 =	vld [tilespmem:s29+$0x2530];
	v1 =	vadd.f32 v47, v1;
	v2 =	vadd.f32 v46, v2  }
0xfc: {  	v34 =	vld [tilespmem:s29+$0x2540];
	v3 =	vadd.f32 v12, v3;
	v0 =	vadd.f32 v49, v0  }
0xfd: {  	v35 =	vld [tilespmem:s29+$0x2550];
	v1 =	vadd.f32 v50, v1;
	v2 =	vadd.f32 v8, v2  }
0xfe: {  	v42 =	vld [tilespmem:s29+$0x25C0];
	v3 =	vadd.f32 v44, v3;
	v0 =	vadd.f32 v13, v0  }
0xff: {  	v37 =	vld [tilespmem:s29+$0x2570];
	v1 =	vadd.f32 v41, v1;
	v2 =	vadd.f32 v40, v2  }
0x100: {  	v38 =	vld [tilespmem:s29+$0x2580];
	v3 =	vadd.f32 v53, v3;
	v0 =	vadd.f32 v45, v0  }
0x101: {  	v39 =	vld [tilespmem:s29+$0x2590];
	v1 =	vadd.f32 v52, v1;
	v2 =	vadd.f32 v51, v2  }
0x102: {  	v48 =	vld [tilespmem:s29+$0x2620];
	v3 =	vadd.f32 v57, v3;
	v0 =	vadd.f32 v54, v0  }
0x103: {  	v43 =	vld [tilespmem:s29+$0x25D0];
	v1 =	vadd.f32 v56, v1;
	v2 =	vadd.f32 v55, v2  }
0x104: {  	v46 =	vld [tilespmem:s29+$0x2600];
	v3 =	vadd.f32 v61, v3;
	v0 =	vadd.f32 v58, v0  }
0x105: {  	v47 =	vld [tilespmem:s29+$0x2610];
	v1 =	vadd.f32 v60, v1;
	v2 =	vadd.f32 v59, v2  }
0x106: {  	v49 =	vld [tilespmem:s29+$0x2630];
	v3 =	vadd.f32 v31, v3;
	v0 =	vadd.f32 v62, v0  }
0x107: {  	v40 =	vld [tilespmem:s29+$0x25A0];
	v1 =	vadd.f32 v30, v1;
	v2 =	vadd.f32 v63, v2  }
0x108: {  	v41 =	vld [tilespmem:s29+$0x25B0];
	v3 =	vadd.f32 v35, v3;
	v0 =	vadd.f32 v32, v0  }
0x109: {  	v44 =	vld [tilespmem:s29+$0x25E0];
	v1 =	vadd.f32 v34, v1;
	v2 =	vadd.f32 v33, v2  }
0x10a: {  	v45 =	vld [tilespmem:s29+$0x25F0];
	v3 =	vadd.f32 v39, v3;
	v0 =	vadd.f32 v36, v0  }
0x10b: {  	v51 =	vld [tilespmem:s29+$0x2650];
	v1 =	vadd.f32 v38, v1;
	v2 =	vadd.f32 v37, v2  }
0x10c: {  	v50 =	vld [tilespmem:s29+$0x2640];
	v3 =	vadd.f32 v43, v3;
	v0 =	vadd.f32 v40, v0  }
0x10d: {  	v52 =	vld [tilespmem:s29+$0x2660];
	v1 =	vadd.f32 v42, v1;
	v2 =	vadd.f32 v41, v2  }
0x10e: {  	v53 =	vld [tilespmem:s29+$0x2670];
	v3 =	vadd.f32 v47, v3;
	v0 =	vadd.f32 v44, v0  }
0x10f: {  	v1 =	vadd.f32 v46, v1;
	v2 =	vadd.f32 v45, v2  }
0x110: {  	v3 =	vadd.f32 v51, v3;
	v0 =	vadd.f32 v48, v0  }
0x111: {  	v1 =	vadd.f32 v50, v1;
	v2 =	vadd.f32 v49, v2  }
0x112: {  	v3 =	vmul.f32 $1.999999960e-02, v3;
	v0 =	vadd.f32 v52, v0  }
0x113: {  	v1 =	vmul.f32 $1.999999960e-02, v1;
	v2 =	vadd.f32 v53, v2  }
0x114: {  	[tilespmem:s19+$0xFFFFFF90] =	vst v3;
	v0 =	vmul.f32 $1.999999960e-02, v0  }
0x115: {  	[tilespmem:s19+$0xFFFFFF80] =	vst v1;
	v54 =	vmul.f32 $1.999999960e-02, v2  }
0x116: {  	[tilespmem:s19+$0xFFFFFFA0] =	vst v0  }
0x117: {  	[tilespmem:s19+$0xFFFFFFB0] =	vst v54  }
0x118: {  	v0 =	vld [tilespmem:s29+$0x2A30];
	_ =	sdelay $0x4  }
0x119: {  	[tilespmem:$0x1F820] =	vst v0;
	v0 =	vld [tilespmem:s29+$0x2A90];
	_ =	sdelay $0x4  }
0x11a: {  	[tilespmem:$0x1F840] =	vst v0;
	v0 =	vld [tilespmem:s29+$0x2AA0];
	_ =	sdelay $0x4  }
0x11b: {  	[tilespmem:$0x1F850] =	vst v0;
	v0 =	vld [tilespmem:s29+$0x2AB0];
	_ =	sdelay $0x4  }
0x11c: {  	[tilespmem:$0x1F870] =	vst v0;
	v0 =	vld [tilespmem:s29+$0x2AC0];
	_ =	sdelay $0x4  }
0x11d: {  	[tilespmem:$0x1F860] =	vst v0;
	v0 =	vld [tilespmem:s29+$0x2AD0];
	_ =	sdelay $0x4  }
0x11e: {  	[tilespmem:$0x1F880] =	vst v0;
	v0 =	vld [tilespmem:s29+$0x2AE0];
	_ =	sdelay $0x4  }
0x11f: {  	[tilespmem:$0x1F890] =	vst v0;
	v0 =	vld [tilespmem:s29+$0x2AF0];
	_ =	sdelay $0x4  }
0x120: {  	[tilespmem:$0x1F8B0] =	vst v0;
	v0 =	vld [tilespmem:s29+$0x2B00];
	_ =	sdelay $0x4  }
0x121: {  	[tilespmem:$0x1F8A0] =	vst v0;
	v0 =	vld [tilespmem:s29+$0x2B10];
	_ =	sdelay $0x4  }
0x122: {  	[tilespmem:$0x1F8C0] =	vst v0;
	v0 =	vld [tilespmem:s29+$0x2B20];
	_ =	sdelay $0x4  }
0x123: {  	[tilespmem:$0x1F8D0] =	vst v0;
	v0 =	vld [tilespmem:s29+$0x2B30];
	_ =	sdelay $0x4  }
0x124: {  	[tilespmem:$0x1F8F0] =	vst v0;
	v0 =	vld [tilespmem:s29+$0x2B40];
	_ =	sdelay $0x4  }
0x125: {  	[tilespmem:$0x1F8E0] =	vst v0;
	v0 =	vld [tilespmem:s29+$0x2B50];
	_ =	sdelay $0x4  }
0x126: {  	[tilespmem:$0x1F900] =	vst v0;
	v0 =	vld [tilespmem:s29+$0x2B60];
	_ =	sdelay $0x4  }
0x127: {  	[tilespmem:$0x1F910] =	vst v0;
	v0 =	vld [tilespmem:s29+$0x2B70];
	_ =	sdelay $0x4  }
0x128: {  	[tilespmem:$0x1F930] =	vst v0;
	v0 =	vld [tilespmem:s29+$0x2B80];
	_ =	sdelay $0x4  }
0x129: {  	[tilespmem:$0x1F920] =	vst v0;
	v0 =	vld [tilespmem:s29+$0x2B90];
	_ =	sdelay $0x4  }
0x12a: {  	[tilespmem:$0x1F940] =	vst v0;
	v0 =	vld [tilespmem:s29+$0x2BA0];
	_ =	sdelay $0x1  }
0x12b: {  	v8 =	vld [tilespmem:s29+$0x2680]  }
0x12c: {  	v9 =	vld [tilespmem:s29+$0x2690]  }
0x12d: {  	v12 =	vld [tilespmem:s29+$0x26A0]  }
0x12e: {  	[tilespmem:$0x1F950] =	vst v0;
	v0 =	vld [tilespmem:s29+$0x2BB0]  }
0x12f: {  	v13 =	vld [tilespmem:s29+$0x26B0]  }
0x130: {  	v24 =	vld [tilespmem:s29+$0x26C0]  }
0x131: {  	v25 =	vld [tilespmem:s29+$0x26D0]  }
0x132: {  	v28 =	vld [tilespmem:s29+$0x26E0]  }
0x133: {  	[tilespmem:$0x1F970] =	vst v0;
	v0 =	vld [tilespmem:s29+$0x2BC0]  }
0x134: {  	v29 =	vld [tilespmem:s29+$0x26F0]  }
0x135: {  	v40 =	vld [tilespmem:s29+$0x2700]  }
0x136: {  	v41 =	vld [tilespmem:s29+$0x2710]  }
0x137: {  	v44 =	vld [tilespmem:s29+$0x2720]  }
0x138: {  	[tilespmem:$0x1F960] =	vst v0;
	v0 =	vld [tilespmem:s29+$0x2BD0]  }
0x139: {  	v45 =	vld [tilespmem:s29+$0x2730]  }
0x13a: {  	v56 =	vld [tilespmem:s29+$0x2740]  }
0x13b: {  	v57 =	vld [tilespmem:s29+$0x2750]  }
0x13c: {  	v60 =	vld [tilespmem:s29+$0x2760]  }
0x13d: {  	[tilespmem:$0x1F980] =	vst v0;
	v0 =	vld [tilespmem:s29+$0x2BE0]  }
0x13e: {  	v61 =	vld [tilespmem:s29+$0x2770]  }
0x13f: {  	v1 =	vld [tilespmem:s29+$0x2780]  }
0x140: {  	v3 =	vld [tilespmem:s29+$0x2790]  }
0x141: {  	v4 =	vld [tilespmem:s29+$0x27A0]  }
0x142: {  	[tilespmem:$0x1F990] =	vst v0;
	v0 =	vld [tilespmem:s29+$0x2BF0]  }
0x143: {  	v7 =	vld [tilespmem:s29+$0x27B0]  }
0x144: {  	v2 =	vld [tilespmem:s29+$0x27C0]  }
0x145: {  	v6 =	vld [tilespmem:s29+$0x27D0]  }
0x146: {  	v10 =	vld [tilespmem:s29+$0x27E0]  }
0x147: {  	[tilespmem:$0x1F9B0] =	vst v0;
	v0 =	vld [tilespmem:s29+$0x2C00]  }
0x148: {  	v15 =	vld [tilespmem:s29+$0x27F0]  }
0x149: {  	v5 =	vld [tilespmem:s29+$0x2800]  }
0x14a: {  	v14 =	vld [tilespmem:s29+$0x2810]  }
0x14b: {  	v16 =	vld [tilespmem:s29+$0x2820]  }
0x14c: {  	[tilespmem:$0x1F9A0] =	vst v0;
	v0 =	vld [tilespmem:s29+$0x2C10]  }
0x14d: {  	v19 =	vld [tilespmem:s29+$0x2830]  }
0x14e: {  	v11 =	vld [tilespmem:s29+$0x2840]  }
0x14f: {  	v18 =	vld [tilespmem:s29+$0x2850]  }
0x150: {  	v20 =	vld [tilespmem:s29+$0x2860]  }
0x151: {  	[tilespmem:$0x1F9C0] =	vst v0;
	v0 =	vld [tilespmem:s29+$0x2C20]  }
0x152: {  	v23 =	vld [tilespmem:s29+$0x2870]  }
0x153: {  	v17 =	vld [tilespmem:s29+$0x2880]  }
0x154: {  	v22 =	vld [tilespmem:s29+$0x2890]  }
0x155: {  	v26 =	vld [tilespmem:s29+$0x28A0]  }
0x156: {  	[tilespmem:$0x1F9D0] =	vst v0;
	v0 =	vld [tilespmem:s29+$0x2C30]  }
0x157: {  	v31 =	vld [tilespmem:s29+$0x28B0]  }
0x158: {  	v21 =	vld [tilespmem:s29+$0x28C0]  }
0x159: {  	v30 =	vld [tilespmem:s29+$0x28D0]  }
0x15a: {  	v32 =	vld [tilespmem:s29+$0x28E0]  }
0x15b: {  	[tilespmem:$0x1F9F0] =	vst v0;
	v0 =	vld [tilespmem:s29+$0x2C40]  }
0x15c: {  	v35 =	vld [tilespmem:s29+$0x28F0]  }
0x15d: {  	v27 =	vld [tilespmem:s29+$0x2900]  }
0x15e: {  	v34 =	vld [tilespmem:s29+$0x2910]  }
0x15f: {  	v36 =	vld [tilespmem:s29+$0x2920]  }
0x160: {  	[tilespmem:$0x1F9E0] =	vst v0;
	v0 =	vld [tilespmem:s29+$0x2C50]  }
0x161: {  	v39 =	vld [tilespmem:s29+$0x2930]  }
0x162: {  	v33 =	vld [tilespmem:s29+$0x2940]  }
0x163: {  	v38 =	vld [tilespmem:s29+$0x2950]  }
0x164: {  	v42 =	vld [tilespmem:s29+$0x2960]  }
0x165: {  	[tilespmem:$0x1FA00] =	vst v0;
	v0 =	vld [tilespmem:s29+$0x2C60]  }
0x166: {  	v48 =	vld [tilespmem:s29+$0x2970]  }
0x167: {  	v37 =	vld [tilespmem:s29+$0x2980];
	v9 =	vadd.f32 $0.0e+00, v9  }
0x168: {  	v46 =	vld [tilespmem:s29+$0x2990]  }
0x169: {  	v47 =	vld [tilespmem:s29+$0x29A0];
	v9 =	vadd.f32 v25, v9  }
0x16a: {  	[tilespmem:$0x1FA10] =	vst v0;
	v0 =	vld [tilespmem:s29+$0x2C70]  }
0x16b: {  	v52 =	vld [tilespmem:s29+$0x29B0];
	v9 =	vadd.f32 v41, v9  }
0x16c: {  	v43 =	vld [tilespmem:s29+$0x29C0]  }
0x16d: {  	v50 =	vld [tilespmem:s29+$0x29D0];
	v9 =	vadd.f32 v57, v9  }
0x16e: {  	v51 =	vld [tilespmem:s29+$0x29E0]  }
0x16f: {  	v3 =	vadd.f32 v3, v9;
	[tilespmem:$0x1FA30] =	vst v0;
	v0 =	vld [tilespmem:s29+$0x2C80]  }
0x170: {  	v58 =	vld [tilespmem:s29+$0x29F0]  }
0x171: {  	v49 =	vld [tilespmem:s29+$0x2A00];
	v3 =	vadd.f32 v6, v3  }
0x172: {  	v62 =	vld [tilespmem:s29+$0x2A10]  }
0x173: {  	v59 =	vld [tilespmem:s29+$0x2A20];
	v3 =	vadd.f32 v14, v3  }
0x174: {  	[tilespmem:$0x1FA20] =	vst v0;
	v0 =	vld [tilespmem:s29+$0x2C90]  }
0x175: {  	v55 =	vld [tilespmem:s29+$0x2A70];
	v3 =	vadd.f32 v18, v3  }
0x176: {  	v63 =	vld [tilespmem:s29+$0x2A40]  }
0x177: {  	v54 =	vld [tilespmem:s29+$0x2A50];
	v3 =	vadd.f32 v22, v3  }
0x178: {  	v53 =	vld [tilespmem:s29+$0x2A60]  }
0x179: {  	v3 =	vadd.f32 v30, v3;
	[tilespmem:$0x1FA40] =	vst v0;
	v0 =	vld [tilespmem:s29+$0x2CA0]  }
0x17a: {  	[tilespmem:$0x1F830] =	vst v55;
	v55 =	vld [tilespmem:s29+$0x2A80];
	v25 =	vadd.f32 $0.0e+00, v13  }
0x17b: {  	v13 =	vld [tilespmem:s29+$0x2D30];
	v3 =	vadd.f32 v34, v3  }
0x17c: {  	v29 =	vadd.f32 v29, v25;
	v25 =	vld [tilespmem:s29+$0x2D50]  }
0x17d: {  	v41 =	vld [tilespmem:s29+$0x2D90];
	v3 =	vadd.f32 v38, v3  }
0x17e: {  	[tilespmem:$0x1FA50] =	vst v0;
	v0 =	vld [tilespmem:s29+$0x2CB0]  }
0x17f: {  	v57 =	vld [tilespmem:s29+$0x2DD0];
	v3 =	vadd.f32 v46, v3  }
0x180: {  	v6 =	vld [tilespmem:s29+$0x2E20]  }
0x181: {  	v14 =	vld [tilespmem:s29+$0x2E70];
	v3 =	vadd.f32 v50, v3  }
0x182: {  	v30 =	vld [tilespmem:$0x1F840]  }
0x183: {  	v3 =	vadd.f32 v62, v3;
	[tilespmem:$0x1FA70] =	vst v0;
	v0 =	vld [tilespmem:s29+$0x2CC0]  }
0x184: {  	v18 =	vld [tilespmem:s29+$0x2EB0]  }
0x185: {  	v34 =	vld [tilespmem:$0x1F880];
	v3 =	vadd.f32 v54, v3  }
0x186: {  	v22 =	vld [tilespmem:s29+$0x2EF0]  }
0x187: {  	v3 =	vadd.f32 v30, v3;
	v30 =	vld [tilespmem:s29+$0x2F30]  }
0x188: {  	[tilespmem:$0x1FA60] =	vst v0;
	v0 =	vld [tilespmem:s29+$0x2CD0]  }
0x189: {  	v38 =	vld [tilespmem:$0x1F8C0]  }
0x18a: {  	v3 =	vadd.f32 v34, v3;
	v34 =	vld [tilespmem:s29+$0x2F70]  }
0x18b: {  	v46 =	vld [tilespmem:$0x1F900]  }
0x18c: {  	v50 =	vld [tilespmem:$0x1F940]  }
0x18d: {  	[tilespmem:$0x1FA80] =	vst v0;
	v0 =	vld [tilespmem:s29+$0x2CE0]  }
0x18e: {  	v3 =	vadd.f32 v38, v3;
	v38 =	vld [tilespmem:s29+$0x2FB0]  }
0x18f: {  	v54 =	vld [tilespmem:$0x1F980]  }
0x190: {  	v3 =	vadd.f32 v46, v3;
	v62 =	vld [tilespmem:$0x1F9C0]  }
0x191: {  	v46 =	vld [tilespmem:$0x1F9E0]  }
0x192: {  	v3 =	vadd.f32 v50, v3;
	v50 =	vld [tilespmem:$0x1FA20];
	[tilespmem:$0x1FA90] =	vst v0;
	v0 =	vadd.f32 $0.0e+00, v8  }
0x193: {  	v8 =	vld [tilespmem:s29+$0x2CF0]  }
0x194: {  	v3 =	vadd.f32 v54, v3;
	v54 =	vld [tilespmem:$0x1FA60];
	v24 =	vadd.f32 v24, v0  }
0x195: {  	v0 =	vadd.f32 $0.0e+00, v12;
	v12 =	vld [tilespmem:s29+$0x2D10]  }
0x196: {  	v40 =	vadd.f32 v40, v24;
	v24 =	vld [tilespmem:s29+$0x2D40]  }
0x197: {  	v0 =	vadd.f32 v28, v0;
	v28 =	vld [tilespmem:s29+$0x2D60]  }
0x198: {  	[tilespmem:$0x1FAA0] =	vst v8;
	v8 =	vld [tilespmem:s29+$0x2D00]  }
0x199: {  	v40 =	vadd.f32 v56, v40;
	v56 =	vadd.f32 v45, v29;
	v29 =	vld [tilespmem:s29+$0x2D70]  }
0x19a: {  	v0 =	vadd.f32 v44, v0;
	v44 =	vld [tilespmem:s29+$0x2DA0]  }
0x19b: {  	v45 =	vld [tilespmem:s29+$0x2DB0]  }
0x19c: {  	v3 =	vadd.f32 v62, v3;
	v62 =	vld [tilespmem:$0x1FAA0]  }
0x19d: {  	[tilespmem:$0x1FAB0] =	vst v12;
	v12 =	vld [tilespmem:s29+$0x2D20]  }
0x19e: {  	v1 =	vadd.f32 v1, v40;
	v40 =	vld [tilespmem:s29+$0x2D80]  }
0x19f: {  	v61 =	vadd.f32 v61, v56;
	v56 =	vld [tilespmem:s29+$0x2DC0]  }
0x1a0: {  	v0 =	vadd.f32 v60, v0;
	v60 =	vld [tilespmem:s29+$0x2DE0]  }
0x1a1: {  	v9 =	vadd.f32 v7, v61;
	v61 =	vld [tilespmem:s29+$0x2DF0]  }
0x1a2: {  	v0 =	vadd.f32 v4, v0;
	v1 =	vadd.f32 v2, v1;
	v4 =	vld [tilespmem:s29+$0x2E00]  }
0x1a3: {  	v7 =	vld [tilespmem:s29+$0x2E30]  }
0x1a4: {  	v1 =	vadd.f32 v5, v1;
	v5 =	vld [tilespmem:s29+$0x2E10]  }
0x1a5: {  	v2 =	vadd.f32 v15, v9;
	v9 =	vld [tilespmem:s29+$0x2E40]  }
0x1a6: {  	v0 =	vadd.f32 v10, v0;
	v10 =	vld [tilespmem:s29+$0x2E50]  }
0x1a7: {  	v15 =	vld [tilespmem:s29+$0x2E80]  }
0x1a8: {  	v1 =	vadd.f32 v11, v1;
	v11 =	vld [tilespmem:s29+$0x2E60]  }
0x1a9: {  	v0 =	vadd.f32 v16, v0;
	v16 =	vld [tilespmem:s29+$0x2E90]  }
0x1aa: {  	v2 =	vadd.f32 v19, v2;
	v19 =	vld [tilespmem:s29+$0x2EC0]  }
0x1ab: {  	v1 =	vadd.f32 v17, v1;
	v17 =	vld [tilespmem:s29+$0x2EA0]  }
0x1ac: {  	v0 =	vadd.f32 v20, v0;
	v20 =	vld [tilespmem:s29+$0x2ED0]  }
0x1ad: {  	v2 =	vadd.f32 v23, v2;
	v23 =	vld [tilespmem:s29+$0x2F00]  }
0x1ae: {  	v0 =	vadd.f32 v26, v0;
	v26 =	vld [tilespmem:$0x1F820]  }
0x1af: {  	v1 =	vadd.f32 v21, v1;
	v21 =	vld [tilespmem:s29+$0x2EE0]  }
0x1b0: {  	v2 =	vadd.f32 v31, v2;
	v31 =	vld [tilespmem:$0x1F850]  }
0x1b1: {  	v1 =	vadd.f32 v27, v1;
	v27 =	vld [tilespmem:$0x1F830]  }
0x1b2: {  	v0 =	vadd.f32 v32, v0;
	v32 =	vld [tilespmem:$0x1F860]  }
0x1b3: {  	v2 =	vadd.f32 v35, v2;
	v35 =	vld [tilespmem:$0x1F890]  }
0x1b4: {  	v1 =	vadd.f32 v33, v1;
	v33 =	vld [tilespmem:$0x1F870]  }
0x1b5: {  	v0 =	vadd.f32 v36, v0;
	v36 =	vld [tilespmem:$0x1F8A0]  }
0x1b6: {  	v2 =	vadd.f32 v39, v2;
	v39 =	vld [tilespmem:$0x1F8D0]  }
0x1b7: {  	v1 =	vadd.f32 v37, v1;
	v37 =	vld [tilespmem:$0x1F8B0]  }
0x1b8: {  	v0 =	vadd.f32 v42, v0;
	v42 =	vld [tilespmem:$0x1F8E0]  }
0x1b9: {  	v2 =	vadd.f32 v48, v2;
	v48 =	vld [tilespmem:$0x1F920]  }
0x1ba: {  	v1 =	vadd.f32 v43, v1;
	v43 =	vld [tilespmem:$0x1F8F0]  }
0x1bb: {  	v0 =	vadd.f32 v47, v0;
	v47 =	vld [tilespmem:$0x1F910]  }
0x1bc: {  	v2 =	vadd.f32 v52, v2;
	v52 =	vld [tilespmem:$0x1F960]  }
0x1bd: {  	v1 =	vadd.f32 v49, v1;
	v49 =	vld [tilespmem:$0x1F930]  }
0x1be: {  	v0 =	vadd.f32 v51, v0;
	v2 =	vadd.f32 v58, v2;
	v51 =	vld [tilespmem:$0x1F950]  }
0x1bf: {  	v58 =	vld [tilespmem:$0x1F9A0]  }
0x1c0: {  	v2 =	vadd.f32 v26, v2;
	v26 =	vld [tilespmem:s29+$0x2F10]  }
0x1c1: {  	v0 =	vadd.f32 v59, v0;
	v59 =	vld [tilespmem:$0x1F9B0]  }
0x1c2: {  	v1 =	vadd.f32 v63, v1;
	v63 =	vld [tilespmem:$0x1F9D0]  }
0x1c3: {  	v2 =	vadd.f32 v27, v2;
	v27 =	vld [tilespmem:s29+$0x2F20]  }
0x1c4: {  	v0 =	vadd.f32 v53, v0;
	v53 =	vld [tilespmem:$0x1F970]  }
0x1c5: {  	v1 =	vadd.f32 v55, v1;
	v55 =	vld [tilespmem:$0x1F990]  }
0x1c6: {  	v0 =	vadd.f32 v31, v0;
	v31 =	vld [tilespmem:s29+$0x2F40]  }
0x1c7: {  	v1 =	vadd.f32 v32, v1;
	v32 =	vld [tilespmem:s29+$0x2F50]  }
0x1c8: {  	v2 =	vadd.f32 v33, v2;
	v33 =	vld [tilespmem:s29+$0x2F60]  }
0x1c9: {  	v0 =	vadd.f32 v35, v0;
	v35 =	vld [tilespmem:s29+$0x2F80]  }
0x1ca: {  	v1 =	vadd.f32 v36, v1;
	v36 =	vld [tilespmem:s29+$0x2F90]  }
0x1cb: {  	v2 =	vadd.f32 v37, v2;
	v37 =	vld [tilespmem:s29+$0x2FA0]  }
0x1cc: {  	v0 =	vadd.f32 v39, v0;
	v39 =	vld [tilespmem:s29+$0x2FC0]  }
0x1cd: {  	v1 =	vadd.f32 v42, v1;
	v42 =	vld [tilespmem:s29+$0x2FD0]  }
0x1ce: {  	v2 =	vadd.f32 v43, v2;
	v43 =	vld [tilespmem:s29+$0x2FE0]  }
0x1cf: {  	v0 =	vadd.f32 v47, v0;
	v47 =	vld [tilespmem:$0x1F9F0]  }
0x1d0: {  	v1 =	vadd.f32 v48, v1;
	v48 =	vld [tilespmem:$0x1FA00]  }
0x1d1: {  	v2 =	vadd.f32 v49, v2;
	v49 =	vld [tilespmem:$0x1FA10]  }
0x1d2: {  	v0 =	vadd.f32 v51, v0;
	v51 =	vld [tilespmem:$0x1FA30]  }
0x1d3: {  	v1 =	vadd.f32 v52, v1;
	v52 =	vld [tilespmem:$0x1FA40]  }
0x1d4: {  	v2 =	vadd.f32 v53, v2;
	v53 =	vld [tilespmem:$0x1FA50]  }
0x1d5: {  	v0 =	vadd.f32 v55, v0;
	v55 =	vld [tilespmem:$0x1FA70]  }
0x1d6: {  	v1 =	vadd.f32 v58, v1;
	v2 =	vadd.f32 v59, v2;
	v58 =	vld [tilespmem:$0x1FA80]  }
0x1d7: {  	v59 =	vld [tilespmem:$0x1FA90];
	v3 =	vadd.f32 v48, v3;
	v0 =	vadd.f32 v63, v0  }
0x1d8: {  	v1 =	vadd.f32 v46, v1;
	v2 =	vadd.f32 v47, v2;
	v63 =	vld [tilespmem:$0x1FAB0]  }
0x1d9: {  	v48 =	vld [tilespmem:s29+$0x3010];
	v3 =	vadd.f32 v52, v3;
	v0 =	vadd.f32 v49, v0  }
0x1da: {  	v46 =	vld [tilespmem:s29+$0x2FF0];
	v1 =	vadd.f32 v50, v1;
	v2 =	vadd.f32 v51, v2  }
0x1db: {  	v47 =	vld [tilespmem:s29+$0x3000];
	v3 =	vadd.f32 v58, v3;
	v0 =	vadd.f32 v53, v0  }
0x1dc: {  	v52 =	vld [tilespmem:s29+$0x30D0];
	v1 =	vadd.f32 v54, v1;
	v2 =	vadd.f32 v55, v2  }
0x1dd: {  	v49 =	vld [tilespmem:s29+$0x3020];
	v3 =	vadd.f32 v63, v3;
	v0 =	vadd.f32 v59, v0  }
0x1de: {  	v50 =	vld [tilespmem:s29+$0x3040];
	v1 =	vadd.f32 v8, v1;
	v2 =	vadd.f32 v62, v2  }
0x1df: {  	v51 =	vld [tilespmem:s29+$0x30C0];
	v3 =	vadd.f32 v25, v3;
	v0 =	vadd.f32 v12, v0  }
0x1e0: {  	v58 =	vld [tilespmem:s29+$0x3130];
	v1 =	vadd.f32 v24, v1;
	v2 =	vadd.f32 v13, v2  }
0x1e1: {  	v53 =	vld [tilespmem:s29+$0x30E0];
	v3 =	vadd.f32 v41, v3;
	v0 =	vadd.f32 v28, v0  }
0x1e2: {  	v54 =	vld [tilespmem:s29+$0x30F0];
	v1 =	vadd.f32 v40, v1;
	v2 =	vadd.f32 v29, v2  }
0x1e3: {  	v55 =	vld [tilespmem:s29+$0x3100];
	v3 =	vadd.f32 v57, v3;
	v0 =	vadd.f32 v44, v0  }
0x1e4: {  	v63 =	vld [tilespmem:s29+$0x3180];
	v1 =	vadd.f32 v56, v1;
	v2 =	vadd.f32 v45, v2  }
0x1e5: {  	v8 =	vld [tilespmem:s29+$0x3030];
	v3 =	vadd.f32 v5, v3;
	v0 =	vadd.f32 v60, v0  }
0x1e6: {  	v59 =	vld [tilespmem:s29+$0x3140];
	v1 =	vadd.f32 v4, v1;
	v2 =	vadd.f32 v61, v2  }
0x1e7: {  	v62 =	vld [tilespmem:s29+$0x3170];
	v3 =	vadd.f32 v10, v3;
	v0 =	vadd.f32 v6, v0  }
0x1e8: {  	v12 =	vld [tilespmem:s29+$0x3050];
	v1 =	vadd.f32 v9, v1;
	v2 =	vadd.f32 v7, v2  }
0x1e9: {  	v13 =	vld [tilespmem:s29+$0x3060];
	v3 =	vadd.f32 v16, v3;
	v0 =	vadd.f32 v11, v0  }
0x1ea: {  	v24 =	vld [tilespmem:s29+$0x3070];
	v1 =	vadd.f32 v15, v1;
	v2 =	vadd.f32 v14, v2  }
0x1eb: {  	v41 =	vld [tilespmem:s29+$0x3090];
	v3 =	vadd.f32 v20, v3;
	v0 =	vadd.f32 v17, v0  }
0x1ec: {  	v40 =	vld [tilespmem:s29+$0x3080];
	v1 =	vadd.f32 v19, v1;
	v2 =	vadd.f32 v18, v2  }
0x1ed: {  	v57 =	vld [tilespmem:s29+$0x3120];
	v3 =	vadd.f32 v26, v3;
	v0 =	vadd.f32 v21, v0  }
0x1ee: {  	v44 =	vld [tilespmem:s29+$0x30A0];
	v1 =	vadd.f32 v23, v1;
	v2 =	vadd.f32 v22, v2  }
0x1ef: {  	v45 =	vld [tilespmem:s29+$0x30B0];
	v3 =	vadd.f32 v32, v3;
	v0 =	vadd.f32 v27, v0  }
0x1f0: {  	v56 =	vld [tilespmem:s29+$0x3110];
	v1 =	vadd.f32 v31, v1;
	v2 =	vadd.f32 v30, v2  }
0x1f1: {  	v60 =	vld [tilespmem:s29+$0x3150];
	v3 =	vadd.f32 v36, v3;
	v0 =	vadd.f32 v33, v0  }
0x1f2: {  	v61 =	vld [tilespmem:s29+$0x3160];
	v1 =	vadd.f32 v35, v1;
	v2 =	vadd.f32 v34, v2  }
0x1f3: {  	v32 =	vld [tilespmem:s29+$0x31B0];
	v3 =	vadd.f32 v42, v3;
	v0 =	vadd.f32 v37, v0  }
0x1f4: {  	v30 =	vld [tilespmem:s29+$0x3190];
	v1 =	vadd.f32 v39, v1;
	v2 =	vadd.f32 v38, v2  }
0x1f5: {  	v31 =	vld [tilespmem:s29+$0x31A0];
	v3 =	vadd.f32 v48, v3;
	v0 =	vadd.f32 v43, v0  }
0x1f6: {  	v36 =	vld [tilespmem:s29+$0x31F0];
	v1 =	vadd.f32 v47, v1;
	v2 =	vadd.f32 v46, v2  }
0x1f7: {  	v33 =	vld [tilespmem:s29+$0x31C0];
	v3 =	vadd.f32 v12, v3;
	v0 =	vadd.f32 v49, v0  }
0x1f8: {  	v34 =	vld [tilespmem:s29+$0x31D0];
	v1 =	vadd.f32 v50, v1;
	v2 =	vadd.f32 v8, v2  }
0x1f9: {  	v35 =	vld [tilespmem:s29+$0x31E0];
	v3 =	vadd.f32 v41, v3;
	v0 =	vadd.f32 v13, v0  }
0x1fa: {  	v42 =	vld [tilespmem:s29+$0x3250];
	v1 =	vadd.f32 v40, v1;
	v2 =	vadd.f32 v24, v2  }
0x1fb: {  	v37 =	vld [tilespmem:s29+$0x3200];
	v3 =	vadd.f32 v52, v3;
	v0 =	vadd.f32 v44, v0  }
0x1fc: {  	v38 =	vld [tilespmem:s29+$0x3210];
	v1 =	vadd.f32 v51, v1;
	v2 =	vadd.f32 v45, v2  }
0x1fd: {  	v39 =	vld [tilespmem:s29+$0x3220];
	v3 =	vadd.f32 v56, v3;
	v0 =	vadd.f32 v53, v0  }
0x1fe: {  	v48 =	vld [tilespmem:s29+$0x32B0];
	v1 =	vadd.f32 v55, v1;
	v2 =	vadd.f32 v54, v2  }
0x1ff: {  	v43 =	vld [tilespmem:s29+$0x3260];
	v3 =	vadd.f32 v60, v3;
	v0 =	vadd.f32 v57, v0  }
0x200: {  	v46 =	vld [tilespmem:s29+$0x3290];
	v1 =	vadd.f32 v59, v1;
	v2 =	vadd.f32 v58, v2  }
0x201: {  	v47 =	vld [tilespmem:s29+$0x32A0];
	v3 =	vadd.f32 v30, v3;
	v0 =	vadd.f32 v61, v0  }
0x202: {  	v41 =	vld [tilespmem:s29+$0x3240];
	v1 =	vadd.f32 v63, v1;
	v2 =	vadd.f32 v62, v2  }
0x203: {  	v40 =	vld [tilespmem:s29+$0x3230];
	v3 =	vadd.f32 v34, v3;
	v0 =	vadd.f32 v31, v0  }
0x204: {  	v44 =	vld [tilespmem:s29+$0x3270];
	v1 =	vadd.f32 v33, v1;
	v2 =	vadd.f32 v32, v2  }
0x205: {  	v45 =	vld [tilespmem:s29+$0x3280];
	v3 =	vadd.f32 v38, v3;
	v0 =	vadd.f32 v35, v0  }
0x206: {  	v50 =	vld [tilespmem:s29+$0x32D0];
	v1 =	vadd.f32 v37, v1;
	v2 =	vadd.f32 v36, v2  }
0x207: {  	v49 =	vld [tilespmem:s29+$0x32C0];
	v3 =	vadd.f32 v42, v3;
	v0 =	vadd.f32 v39, v0  }
0x208: {  	v51 =	vld [tilespmem:s29+$0x32E0];
	v1 =	vadd.f32 v41, v1;
	v2 =	vadd.f32 v40, v2  }
0x209: {  	v52 =	vld [tilespmem:s29+$0x32F0];
	v3 =	vadd.f32 v46, v3;
	v0 =	vadd.f32 v43, v0  }
0x20a: {  	v1 =	vadd.f32 v45, v1;
	v2 =	vadd.f32 v44, v2  }
0x20b: {  	v3 =	vadd.f32 v50, v3;
	v0 =	vadd.f32 v47, v0  }
0x20c: {  	v1 =	vadd.f32 v49, v1;
	v2 =	vadd.f32 v48, v2  }
0x20d: {  	v3 =	vmul.f32 $1.999999960e-02, v3;
	v0 =	vadd.f32 v51, v0  }
0x20e: {  	v1 =	vmul.f32 $1.999999960e-02, v1;
	v2 =	vadd.f32 v52, v2  }
0x20f: {  	[tilespmem:s19+$0xFFFFFFD0] =	vst v3;
	v0 =	vmul.f32 $1.999999960e-02, v0  }
0x210: {  	[tilespmem:s19+$0xFFFFFFC0] =	vst v1;
	v53 =	vmul.f32 $1.999999960e-02, v2  }
0x211: {  	s30 =	sadd.s32 $0xFFFFFFFE, s18;
	[tilespmem:s19+$0xFFFFFFE0] =	vst v0  }
0x212: {  	s22 =	sand.u32 $0x3, s30;
	[tilespmem:s19+$0xFFFFFFF0] =	vst v53  }
0x213: {  	s22 =	smul.u32 $0x6400, s22;
	_ =	swait.ge [sflag:s14], $0x1900  }
0x214: {  	s21 =	sadd.s32 $0x1A00, s29;
	p0 =	sgt.u32 s20, $0x3B;
	[sflag:s14] =	ssyncset.done $0x0  }
0x215: {  	s31 =	sshrl.u32 s22, $0x2;
	s23 =	simm.s32 @!p0 $0x64;
	[sflag:s14] =	ssyncadd.s32 $0xFFFFE700  }
0x216: {  	[tilespmem:s21], [sflag:$0x1] =	stream.indirect.gather @!p0 [hbm4b:s3+s23], $0x40, s17, s23, $0xb8;
	[tilespmem:$0x9E00] =	vst v63  }
0x217: {  	v8 =	vld [tilespmem:s31+$0x1A00]  }
0x218: {  	v9 =	vld [tilespmem:s31+$0x1A10]  }
0x219: {  	v12 =	vld [tilespmem:s31+$0x1A20]  }
0x21a: {  	v13 =	vld [tilespmem:s31+$0x1A30]  }
0x21b: {  	v24 =	vld [tilespmem:s31+$0x1A40]  }
0x21c: {  	v25 =	vld [tilespmem:s31+$0x1A50]  }
0x21d: {  	v28 =	vld [tilespmem:s31+$0x1A60]  }
0x21e: {  	v29 =	vld [tilespmem:s31+$0x1A70]  }
0x21f: {  	v40 =	vld [tilespmem:s31+$0x1A80]  }
0x220: {  	v41 =	vld [tilespmem:s31+$0x1A90]  }
0x221: {  	v44 =	vld [tilespmem:s31+$0x1AA0]  }
0x222: {  	v45 =	vld [tilespmem:s31+$0x1AB0]  }
0x223: {  	v56 =	vld [tilespmem:s31+$0x1AC0]  }
0x224: {  	v57 =	vld [tilespmem:s31+$0x1AD0]  }
0x225: {  	v60 =	vld [tilespmem:s31+$0x1AE0]  }
0x226: {  	v61 =	vld [tilespmem:s31+$0x1AF0]  }
0x227: {  	v1 =	vld [tilespmem:s31+$0x1B00]  }
0x228: {  	v3 =	vld [tilespmem:s31+$0x1B10]  }
0x229: {  	v4 =	vld [tilespmem:s31+$0x1B20]  }
0x22a: {  	v7 =	vld [tilespmem:s31+$0x1B30]  }
0x22b: {  	v2 =	vld [tilespmem:s31+$0x1B40]  }
0x22c: {  	v6 =	vld [tilespmem:s31+$0x1B50]  }
0x22d: {  	v10 =	vld [tilespmem:s31+$0x1B60]  }
0x22e: {  	v15 =	vld [tilespmem:s31+$0x1B70]  }
0x22f: {  	v5 =	vld [tilespmem:s31+$0x1B80]  }
0x230: {  	v14 =	vld [tilespmem:s31+$0x1B90]  }
0x231: {  	v16 =	vld [tilespmem:s31+$0x1BA0]  }
0x232: {  	v19 =	vld [tilespmem:s31+$0x1BB0]  }
0x233: {  	v11 =	vld [tilespmem:s31+$0x1BC0]  }
0x234: {  	v18 =	vld [tilespmem:s31+$0x1BD0]  }
0x235: {  	v20 =	vld [tilespmem:s31+$0x1BE0]  }
0x236: {  	v23 =	vld [tilespmem:s31+$0x1BF0]  }
0x237: {  	v17 =	vld [tilespmem:s31+$0x1C00]  }
0x238: {  	v22 =	vld [tilespmem:s31+$0x1C10]  }
0x239: {  	v26 =	vld [tilespmem:s31+$0x1C20]  }
0x23a: {  	v31 =	vld [tilespmem:s31+$0x1C30]  }
0x23b: {  	v21 =	vld [tilespmem:s31+$0x1C40]  }
0x23c: {  	v30 =	vld [tilespmem:s31+$0x1C50]  }
0x23d: {  	v32 =	vld [tilespmem:s31+$0x1C60]  }
0x23e: {  	v35 =	vld [tilespmem:s31+$0x1C70]  }
0x23f: {  	v27 =	vld [tilespmem:s31+$0x1C80]  }
0x240: {  	v34 =	vld [tilespmem:s31+$0x1C90]  }
0x241: {  	v36 =	vld [tilespmem:s31+$0x1CA0]  }
0x242: {  	v39 =	vld [tilespmem:s31+$0x1CB0]  }
0x243: {  	v0 =	vld [tilespmem:s31+$0x1E10]  }
0x244: {  	v33 =	vld [tilespmem:s31+$0x1CC0]  }
0x245: {  	v38 =	vld [tilespmem:s31+$0x1CD0]  }
0x246: {  	v42 =	vld [tilespmem:s31+$0x1CE0]  }
0x247: {  	v48 =	vld [tilespmem:s31+$0x1CF0]  }
0x248: {  	[tilespmem:$0x1FAE0] =	vst v0;
	v0 =	vld [tilespmem:s31+$0x1E20]  }
0x249: {  	v37 =	vld [tilespmem:s31+$0x1D00]  }
0x24a: {  	v46 =	vld [tilespmem:s31+$0x1D10]  }
0x24b: {  	v47 =	vld [tilespmem:s31+$0x1D20]  }
0x24c: {  	v52 =	vld [tilespmem:s31+$0x1D30]  }
0x24d: {  	[tilespmem:$0x1FAF0] =	vst v0;
	v0 =	vld [tilespmem:s31+$0x1E30]  }
0x24e: {  	v43 =	vld [tilespmem:s31+$0x1D40]  }
0x24f: {  	v50 =	vld [tilespmem:s31+$0x1D50]  }
0x250: {  	v51 =	vld [tilespmem:s31+$0x1D60]  }
0x251: {  	v58 =	vld [tilespmem:s31+$0x1D70]  }
0x252: {  	[tilespmem:$0x1FB10] =	vst v0;
	v0 =	vld [tilespmem:s31+$0x1E40]  }
0x253: {  	v49 =	vld [tilespmem:s31+$0x1D80]  }
0x254: {  	v62 =	vld [tilespmem:s31+$0x1D90]  }
0x255: {  	v54 =	vld [tilespmem:s31+$0x1DB0]  }
0x256: {  	v55 =	vld [tilespmem:s31+$0x1DF0]  }
0x257: {  	[tilespmem:$0x1FB00] =	vst v0;
	v0 =	vld [tilespmem:s31+$0x1E50]  }
0x258: {  	v59 =	vld [tilespmem:s31+$0x1DA0]  }
0x259: {  	v63 =	vld [tilespmem:s31+$0x1DC0]  }
0x25a: {  	v53 =	vld [tilespmem:s31+$0x1DE0];
	[tilespmem:$0x1FAC0] =	vst v54  }
0x25b: {  	v54 =	vld [tilespmem:s31+$0x1DD0];
	[tilespmem:$0x1FAD0] =	vst v55  }
0x25c: {  	v55 =	vld [tilespmem:s31+$0x1E00];
	[tilespmem:$0x1FB20] =	vst v0  }
0x25d: {  	v0 =	vld [tilespmem:s31+$0x1E60];
	_ =	sdelay $0x4  }
0x25e: {  	[tilespmem:$0x1FB30] =	vst v0;
	v0 =	vld [tilespmem:s31+$0x1E70];
	_ =	sdelay $0x4  }
0x25f: {  	[tilespmem:$0x1FB50] =	vst v0;
	v0 =	vld [tilespmem:s31+$0x1E80];
	_ =	sdelay $0x4  }
0x260: {  	[tilespmem:$0x1FB40] =	vst v0;
	v0 =	vld [tilespmem:s31+$0x1E90];
	_ =	sdelay $0x4  }
0x261: {  	[tilespmem:$0x1FB60] =	vst v0;
	v0 =	vld [tilespmem:s31+$0x1EA0];
	_ =	sdelay $0x4  }
0x262: {  	[tilespmem:$0x1FB70] =	vst v0;
	v0 =	vld [tilespmem:s31+$0x1EB0];
	_ =	sdelay $0x4  }
0x263: {  	[tilespmem:$0x1FB90] =	vst v0;
	v0 =	vld [tilespmem:s31+$0x1EC0];
	_ =	sdelay $0x4  }
0x264: {  	[tilespmem:$0x1FB80] =	vst v0;
	v0 =	vld [tilespmem:s31+$0x1ED0];
	_ =	sdelay $0x4  }
0x265: {  	[tilespmem:$0x1FBA0] =	vst v0;
	v0 =	vld [tilespmem:s31+$0x1EE0];
	_ =	sdelay $0x4  }
0x266: {  	[tilespmem:$0x1FBB0] =	vst v0;
	v0 =	vld [tilespmem:s31+$0x1EF0];
	_ =	sdelay $0x4  }
0x267: {  	[tilespmem:$0x1FBD0] =	vst v0;
	v0 =	vld [tilespmem:s31+$0x1F00];
	_ =	sdelay $0x4  }
0x268: {  	[tilespmem:$0x1FBC0] =	vst v0;
	v0 =	vld [tilespmem:s31+$0x1F10];
	_ =	sdelay $0x4  }
0x269: {  	[tilespmem:$0x1FBE0] =	vst v0;
	v0 =	vld [tilespmem:s31+$0x1F20];
	_ =	sdelay $0x4  }
0x26a: {  	[tilespmem:$0x1FBF0] =	vst v0;
	v0 =	vld [tilespmem:s31+$0x1F30];
	_ =	sdelay $0x4  }
0x26b: {  	[tilespmem:$0x1FC10] =	vst v0;
	v0 =	vld [tilespmem:s31+$0x1F40];
	_ =	sdelay $0x4  }
0x26c: {  	[tilespmem:$0x1FC00] =	vst v0;
	v0 =	vld [tilespmem:s31+$0x1F50];
	_ =	sdelay $0x4  }
0x26d: {  	[tilespmem:$0x1FC20] =	vst v0;
	v0 =	vld [tilespmem:s31+$0x1F60];
	_ =	sdelay $0x4  }
0x26e: {  	[tilespmem:$0x1FC30] =	vst v0;
	v0 =	vld [tilespmem:s31+$0x1F70];
	_ =	sdelay $0x4  }
0x26f: {  	[tilespmem:$0x1FC50] =	vst v0;
	v0 =	vld [tilespmem:s31+$0x1F80];
	_ =	sdelay $0x4  }
0x270: {  	[tilespmem:$0x1FC40] =	vst v0;
	v0 =	vld [tilespmem:s31+$0x1F90];
	_ =	sdelay $0x4  }
0x271: {  	[tilespmem:$0x1FC60] =	vst v0;
	v0 =	vld [tilespmem:s31+$0x1FA0];
	_ =	sdelay $0x4  }
0x272: {  	[tilespmem:$0x1FC70] =	vst v0;
	v0 =	vld [tilespmem:s31+$0x1FB0];
	_ =	sdelay $0x4  }
0x273: {  	[tilespmem:$0x1FC90] =	vst v0;
	v0 =	vld [tilespmem:s31+$0x1FC0];
	_ =	sdelay $0x4  }
0x274: {  	[tilespmem:$0x1FC80] =	vst v0;
	v0 =	vld [tilespmem:s31+$0x1FD0];
	_ =	sdelay $0x4  }
0x275: {  	[tilespmem:$0x1FCA0] =	vst v0;
	v0 =	vld [tilespmem:s31+$0x1FE0];
	_ =	sdelay $0x1  }
0x276: {  	v9 =	vadd.f32 $0.0e+00, v9;
	_ =	sdelay $0x1  }
0x277: {  	v9 =	vadd.f32 v25, v9  }
0x278: {  	[tilespmem:$0x1FCB0] =	vst v0;
	v0 =	vld [tilespmem:s31+$0x1FF0]  }
0x279: {  	v9 =	vadd.f32 v41, v9;
	_ =	sdelay $0x1  }
0x27a: {  	v9 =	vadd.f32 v57, v9;
	_ =	sdelay $0x1  }
0x27b: {  	v3 =	vadd.f32 v3, v9;
	[tilespmem:$0x1FCD0] =	vst v0;
	v0 =	vld [tilespmem:s31+$0x2000];
	_ =	sdelay $0x1  }
0x27c: {  	v3 =	vadd.f32 v6, v3;
	_ =	sdelay $0x1  }
0x27d: {  	v3 =	vadd.f32 v14, v3  }
0x27e: {  	[tilespmem:$0x1FCC0] =	vst v0;
	v0 =	vld [tilespmem:s31+$0x2010]  }
0x27f: {  	v3 =	vadd.f32 v18, v3;
	_ =	sdelay $0x1  }
0x280: {  	v3 =	vadd.f32 v22, v3;
	_ =	sdelay $0x1  }
0x281: {  	v3 =	vadd.f32 v30, v3;
	[tilespmem:$0x1FCE0] =	vst v0;
	v0 =	vld [tilespmem:s31+$0x2020]  }
0x282: {  	v25 =	vadd.f32 $0.0e+00, v13  }
0x283: {  	v3 =	vadd.f32 v34, v3;
	v13 =	vld [tilespmem:s31+$0x20B0]  }
0x284: {  	v29 =	vadd.f32 v29, v25;
	v25 =	vld [tilespmem:s31+$0x20D0]  }
0x285: {  	v41 =	vld [tilespmem:s31+$0x2110];
	v3 =	vadd.f32 v38, v3  }
0x286: {  	[tilespmem:$0x1FCF0] =	vst v0;
	v0 =	vld [tilespmem:s31+$0x2030]  }
0x287: {  	v57 =	vld [tilespmem:s31+$0x2150];
	v3 =	vadd.f32 v46, v3  }
0x288: {  	v6 =	vld [tilespmem:s31+$0x21A0]  }
0x289: {  	v14 =	vld [tilespmem:s31+$0x21F0];
	v3 =	vadd.f32 v50, v3  }
0x28a: {  	v30 =	vld [tilespmem:$0x1FAE0]  }
0x28b: {  	v3 =	vadd.f32 v62, v3;
	[tilespmem:$0x1FD10] =	vst v0;
	v0 =	vld [tilespmem:s31+$0x2040]  }
0x28c: {  	v18 =	vld [tilespmem:s31+$0x2230]  }
0x28d: {  	v34 =	vld [tilespmem:$0x1FB20];
	v3 =	vadd.f32 v54, v3  }
0x28e: {  	v22 =	vld [tilespmem:s31+$0x2270]  }
0x28f: {  	v3 =	vadd.f32 v30, v3;
	v30 =	vld [tilespmem:s31+$0x22B0]  }
0x290: {  	[tilespmem:$0x1FD00] =	vst v0;
	v0 =	vld [tilespmem:s31+$0x2050]  }
0x291: {  	v38 =	vld [tilespmem:$0x1FB60]  }
0x292: {  	v3 =	vadd.f32 v34, v3;
	v34 =	vld [tilespmem:s31+$0x22F0]  }
0x293: {  	v46 =	vld [tilespmem:$0x1FBA0]  }
0x294: {  	v50 =	vld [tilespmem:$0x1FBE0]  }
0x295: {  	[tilespmem:$0x1FD20] =	vst v0;
	v0 =	vld [tilespmem:s31+$0x2060]  }
0x296: {  	v3 =	vadd.f32 v38, v3;
	v38 =	vld [tilespmem:s31+$0x2330]  }
0x297: {  	v54 =	vld [tilespmem:$0x1FC20]  }
0x298: {  	v3 =	vadd.f32 v46, v3;
	v62 =	vld [tilespmem:$0x1FC60]  }
0x299: {  	v46 =	vld [tilespmem:$0x1FC80]  }
0x29a: {  	v3 =	vadd.f32 v50, v3;
	v50 =	vld [tilespmem:$0x1FCC0];
	[tilespmem:$0x1FD30] =	vst v0;
	v0 =	vadd.f32 $0.0e+00, v8  }
0x29b: {  	v8 =	vld [tilespmem:s31+$0x2070]  }
0x29c: {  	v3 =	vadd.f32 v54, v3;
	v54 =	vld [tilespmem:$0x1FD00];
	v24 =	vadd.f32 v24, v0  }
0x29d: {  	v0 =	vadd.f32 $0.0e+00, v12;
	v12 =	vld [tilespmem:s31+$0x2090]  }
0x29e: {  	v40 =	vadd.f32 v40, v24;
	v24 =	vld [tilespmem:s31+$0x20C0]  }
0x29f: {  	v0 =	vadd.f32 v28, v0;
	v28 =	vld [tilespmem:s31+$0x20E0]  }
0x2a0: {  	[tilespmem:$0x1FD40] =	vst v8;
	v8 =	vld [tilespmem:s31+$0x2080]  }
0x2a1: {  	v40 =	vadd.f32 v56, v40;
	v56 =	vadd.f32 v45, v29;
	v29 =	vld [tilespmem:s31+$0x20F0]  }
0x2a2: {  	v0 =	vadd.f32 v44, v0;
	v44 =	vld [tilespmem:s31+$0x2120]  }
0x2a3: {  	v45 =	vld [tilespmem:s31+$0x2130]  }
0x2a4: {  	v3 =	vadd.f32 v62, v3;
	v62 =	vld [tilespmem:$0x1FD40]  }
0x2a5: {  	[tilespmem:$0x1FD50] =	vst v12;
	v12 =	vld [tilespmem:s31+$0x20A0]  }
0x2a6: {  	v1 =	vadd.f32 v1, v40;
	v40 =	vld [tilespmem:s31+$0x2100]  }
0x2a7: {  	v61 =	vadd.f32 v61, v56;
	v56 =	vld [tilespmem:s31+$0x2140]  }
0x2a8: {  	v0 =	vadd.f32 v60, v0;
	v60 =	vld [tilespmem:s31+$0x2160]  }
0x2a9: {  	v9 =	vadd.f32 v7, v61;
	v61 =	vld [tilespmem:s31+$0x2170]  }
0x2aa: {  	v0 =	vadd.f32 v4, v0;
	v1 =	vadd.f32 v2, v1;
	v4 =	vld [tilespmem:s31+$0x2180]  }
0x2ab: {  	v7 =	vld [tilespmem:s31+$0x21B0]  }
0x2ac: {  	v1 =	vadd.f32 v5, v1;
	v5 =	vld [tilespmem:s31+$0x2190]  }
0x2ad: {  	v2 =	vadd.f32 v15, v9;
	v9 =	vld [tilespmem:s31+$0x21C0]  }
0x2ae: {  	v0 =	vadd.f32 v10, v0;
	v10 =	vld [tilespmem:s31+$0x21D0]  }
0x2af: {  	v15 =	vld [tilespmem:s31+$0x2200]  }
0x2b0: {  	v1 =	vadd.f32 v11, v1;
	v11 =	vld [tilespmem:s31+$0x21E0]  }
0x2b1: {  	v0 =	vadd.f32 v16, v0;
	v16 =	vld [tilespmem:s31+$0x2210]  }
0x2b2: {  	v2 =	vadd.f32 v19, v2;
	v19 =	vld [tilespmem:s31+$0x2240]  }
0x2b3: {  	v1 =	vadd.f32 v17, v1;
	v17 =	vld [tilespmem:s31+$0x2220]  }
0x2b4: {  	v0 =	vadd.f32 v20, v0;
	v20 =	vld [tilespmem:s31+$0x2250]  }
0x2b5: {  	v2 =	vadd.f32 v23, v2;
	v23 =	vld [tilespmem:s31+$0x2280]  }
0x2b6: {  	v0 =	vadd.f32 v26, v0;
	v26 =	vld [tilespmem:$0x1FAC0]  }
0x2b7: {  	v1 =	vadd.f32 v21, v1;
	v21 =	vld [tilespmem:s31+$0x2260]  }
0x2b8: {  	v2 =	vadd.f32 v31, v2;
	v31 =	vld [tilespmem:$0x1FAF0]  }
0x2b9: {  	v1 =	vadd.f32 v27, v1;
	v27 =	vld [tilespmem:$0x1FAD0]  }
0x2ba: {  	v0 =	vadd.f32 v32, v0;
	v32 =	vld [tilespmem:$0x1FB00]  }
0x2bb: {  	v2 =	vadd.f32 v35, v2;
	v35 =	vld [tilespmem:$0x1FB30]  }
0x2bc: {  	v1 =	vadd.f32 v33, v1;
	v33 =	vld [tilespmem:$0x1FB10]  }
0x2bd: {  	v0 =	vadd.f32 v36, v0;
	v36 =	vld [tilespmem:$0x1FB40]  }
0x2be: {  	v2 =	vadd.f32 v39, v2;
	v39 =	vld [tilespmem:$0x1FB70]  }
0x2bf: {  	v1 =	vadd.f32 v37, v1;
	v37 =	vld [tilespmem:$0x1FB50]  }
0x2c0: {  	v0 =	vadd.f32 v42, v0;
	v42 =	vld [tilespmem:$0x1FB80]  }
0x2c1: {  	v2 =	vadd.f32 v48, v2;
	v48 =	vld [tilespmem:$0x1FBC0]  }
0x2c2: {  	v1 =	vadd.f32 v43, v1;
	v43 =	vld [tilespmem:$0x1FB90]  }
0x2c3: {  	v0 =	vadd.f32 v47, v0;
	v47 =	vld [tilespmem:$0x1FBB0]  }
0x2c4: {  	v2 =	vadd.f32 v52, v2;
	v52 =	vld [tilespmem:$0x1FC00]  }
0x2c5: {  	v1 =	vadd.f32 v49, v1;
	v49 =	vld [tilespmem:$0x1FBD0]  }
0x2c6: {  	v0 =	vadd.f32 v51, v0;
	v2 =	vadd.f32 v58, v2;
	v51 =	vld [tilespmem:$0x1FBF0]  }
0x2c7: {  	v58 =	vld [tilespmem:$0x1FC40]  }
0x2c8: {  	v2 =	vadd.f32 v26, v2;
	v26 =	vld [tilespmem:s31+$0x2290]  }
0x2c9: {  	v0 =	vadd.f32 v59, v0;
	v59 =	vld [tilespmem:$0x1FC50]  }
0x2ca: {  	v1 =	vadd.f32 v63, v1;
	v63 =	vld [tilespmem:$0x1FC70]  }
0x2cb: {  	v2 =	vadd.f32 v27, v2;
	v27 =	vld [tilespmem:s31+$0x22A0]  }
0x2cc: {  	v0 =	vadd.f32 v53, v0;
	v53 =	vld [tilespmem:$0x1FC10]  }
0x2cd: {  	v1 =	vadd.f32 v55, v1;
	v55 =	vld [tilespmem:$0x1FC30]  }
0x2ce: {  	v0 =	vadd.f32 v31, v0;
	v31 =	vld [tilespmem:s31+$0x22C0]  }
0x2cf: {  	v1 =	vadd.f32 v32, v1;
	v32 =	vld [tilespmem:s31+$0x22D0]  }
0x2d0: {  	v2 =	vadd.f32 v33, v2;
	v33 =	vld [tilespmem:s31+$0x22E0]  }
0x2d1: {  	v0 =	vadd.f32 v35, v0;
	v35 =	vld [tilespmem:s31+$0x2300]  }
0x2d2: {  	v1 =	vadd.f32 v36, v1;
	v36 =	vld [tilespmem:s31+$0x2310]  }
0x2d3: {  	v2 =	vadd.f32 v37, v2;
	v37 =	vld [tilespmem:s31+$0x2320]  }
0x2d4: {  	v0 =	vadd.f32 v39, v0;
	v39 =	vld [tilespmem:s31+$0x2340]  }
0x2d5: {  	v1 =	vadd.f32 v42, v1;
	v42 =	vld [tilespmem:s31+$0x2350]  }
0x2d6: {  	v2 =	vadd.f32 v43, v2;
	v43 =	vld [tilespmem:s31+$0x2360]  }
0x2d7: {  	v0 =	vadd.f32 v47, v0;
	v47 =	vld [tilespmem:$0x1FC90]  }
0x2d8: {  	v1 =	vadd.f32 v48, v1;
	v48 =	vld [tilespmem:$0x1FCA0]  }
0x2d9: {  	v2 =	vadd.f32 v49, v2;
	v49 =	vld [tilespmem:$0x1FCB0]  }
0x2da: {  	v0 =	vadd.f32 v51, v0;
	v51 =	vld [tilespmem:$0x1FCD0]  }
0x2db: {  	v1 =	vadd.f32 v52, v1;
	v52 =	vld [tilespmem:$0x1FCE0]  }
0x2dc: {  	v2 =	vadd.f32 v53, v2;
	v53 =	vld [tilespmem:$0x1FCF0]  }
0x2dd: {  	v0 =	vadd.f32 v55, v0;
	v55 =	vld [tilespmem:$0x1FD10]  }
0x2de: {  	v1 =	vadd.f32 v58, v1;
	v2 =	vadd.f32 v59, v2;
	v58 =	vld [tilespmem:$0x1FD20]  }
0x2df: {  	v59 =	vld [tilespmem:$0x1FD30];
	v3 =	vadd.f32 v48, v3;
	v0 =	vadd.f32 v63, v0  }
0x2e0: {  	v1 =	vadd.f32 v46, v1;
	v2 =	vadd.f32 v47, v2;
	v63 =	vld [tilespmem:$0x1FD50]  }
0x2e1: {  	v48 =	vld [tilespmem:s31+$0x2390];
	v3 =	vadd.f32 v52, v3;
	v0 =	vadd.f32 v49, v0  }
0x2e2: {  	v46 =	vld [tilespmem:s31+$0x2370];
	v1 =	vadd.f32 v50, v1;
	v2 =	vadd.f32 v51, v2  }
0x2e3: {  	v47 =	vld [tilespmem:s31+$0x2380];
	v3 =	vadd.f32 v58, v3;
	v0 =	vadd.f32 v53, v0  }
0x2e4: {  	v52 =	vld [tilespmem:s31+$0x2440];
	v1 =	vadd.f32 v54, v1;
	v2 =	vadd.f32 v55, v2  }
0x2e5: {  	v49 =	vld [tilespmem:s31+$0x23A0];
	v3 =	vadd.f32 v63, v3;
	v0 =	vadd.f32 v59, v0  }
0x2e6: {  	v50 =	vld [tilespmem:s31+$0x23C0];
	v1 =	vadd.f32 v8, v1;
	v2 =	vadd.f32 v62, v2  }
0x2e7: {  	v51 =	vld [tilespmem:s31+$0x2430];
	v3 =	vadd.f32 v25, v3;
	v0 =	vadd.f32 v12, v0  }
0x2e8: {  	v58 =	vld [tilespmem:s31+$0x24A0];
	v1 =	vadd.f32 v24, v1;
	v2 =	vadd.f32 v13, v2  }
0x2e9: {  	v53 =	vld [tilespmem:s31+$0x2450];
	v3 =	vadd.f32 v41, v3;
	v0 =	vadd.f32 v28, v0  }
0x2ea: {  	v54 =	vld [tilespmem:s31+$0x2460];
	v1 =	vadd.f32 v40, v1;
	v2 =	vadd.f32 v29, v2  }
0x2eb: {  	v55 =	vld [tilespmem:s31+$0x2470];
	v3 =	vadd.f32 v57, v3;
	v0 =	vadd.f32 v44, v0  }
0x2ec: {  	v63 =	vld [tilespmem:s31+$0x24F0];
	v1 =	vadd.f32 v56, v1;
	v2 =	vadd.f32 v45, v2  }
0x2ed: {  	v8 =	vld [tilespmem:s31+$0x23B0];
	v3 =	vadd.f32 v5, v3;
	v0 =	vadd.f32 v60, v0  }
0x2ee: {  	v59 =	vld [tilespmem:s31+$0x24B0];
	v1 =	vadd.f32 v4, v1;
	v2 =	vadd.f32 v61, v2  }
0x2ef: {  	v62 =	vld [tilespmem:s31+$0x24E0];
	v3 =	vadd.f32 v10, v3;
	v0 =	vadd.f32 v6, v0  }
0x2f0: {  	v12 =	vld [tilespmem:s31+$0x23D0];
	v1 =	vadd.f32 v9, v1;
	v2 =	vadd.f32 v7, v2  }
0x2f1: {  	v13 =	vld [tilespmem:s31+$0x23E0];
	v3 =	vadd.f32 v16, v3;
	v0 =	vadd.f32 v11, v0  }
0x2f2: {  	v41 =	vld [tilespmem:s31+$0x2400];
	v1 =	vadd.f32 v15, v1;
	v2 =	vadd.f32 v14, v2  }
0x2f3: {  	v40 =	vld [tilespmem:s31+$0x23F0];
	v3 =	vadd.f32 v20, v3;
	v0 =	vadd.f32 v17, v0  }
0x2f4: {  	v57 =	vld [tilespmem:s31+$0x2490];
	v1 =	vadd.f32 v19, v1;
	v2 =	vadd.f32 v18, v2  }
0x2f5: {  	v44 =	vld [tilespmem:s31+$0x2410];
	v3 =	vadd.f32 v26, v3;
	v0 =	vadd.f32 v21, v0  }
0x2f6: {  	v45 =	vld [tilespmem:s31+$0x2420];
	v1 =	vadd.f32 v23, v1;
	v2 =	vadd.f32 v22, v2  }
0x2f7: {  	v56 =	vld [tilespmem:s31+$0x2480];
	v3 =	vadd.f32 v32, v3;
	v0 =	vadd.f32 v27, v0  }
0x2f8: {  	v60 =	vld [tilespmem:s31+$0x24C0];
	v1 =	vadd.f32 v31, v1;
	v2 =	vadd.f32 v30, v2  }
0x2f9: {  	v61 =	vld [tilespmem:s31+$0x24D0];
	v3 =	vadd.f32 v36, v3;
	v0 =	vadd.f32 v33, v0  }
0x2fa: {  	v32 =	vld [tilespmem:s31+$0x2520];
	v1 =	vadd.f32 v35, v1;
	v2 =	vadd.f32 v34, v2  }
0x2fb: {  	v30 =	vld [tilespmem:s31+$0x2500];
	v3 =	vadd.f32 v42, v3;
	v0 =	vadd.f32 v37, v0  }
0x2fc: {  	v31 =	vld [tilespmem:s31+$0x2510];
	v1 =	vadd.f32 v39, v1;
	v2 =	vadd.f32 v38, v2  }
0x2fd: {  	v36 =	vld [tilespmem:s31+$0x2560];
	v3 =	vadd.f32 v48, v3;
	v0 =	vadd.f32 v43, v0  }
0x2fe: {  	v33 =	vld [tilespmem:s31+$0x2530];
	v1 =	vadd.f32 v47, v1;
	v2 =	vadd.f32 v46, v2  }
0x2ff: {  	v34 =	vld [tilespmem:s31+$0x2540];
	v3 =	vadd.f32 v12, v3;
	v0 =	vadd.f32 v49, v0  }
0x300: {  	v35 =	vld [tilespmem:s31+$0x2550];
	v1 =	vadd.f32 v50, v1;
	v2 =	vadd.f32 v8, v2  }
0x301: {  	v42 =	vld [tilespmem:s31+$0x25C0];
	v3 =	vadd.f32 v44, v3;
	v0 =	vadd.f32 v13, v0  }
0x302: {  	v37 =	vld [tilespmem:s31+$0x2570];
	v1 =	vadd.f32 v41, v1;
	v2 =	vadd.f32 v40, v2  }
0x303: {  	v38 =	vld [tilespmem:s31+$0x2580];
	v3 =	vadd.f32 v53, v3;
	v0 =	vadd.f32 v45, v0  }
0x304: {  	v39 =	vld [tilespmem:s31+$0x2590];
	v1 =	vadd.f32 v52, v1;
	v2 =	vadd.f32 v51, v2  }
0x305: {  	v48 =	vld [tilespmem:s31+$0x2620];
	v3 =	vadd.f32 v57, v3;
	v0 =	vadd.f32 v54, v0  }
0x306: {  	v43 =	vld [tilespmem:s31+$0x25D0];
	v1 =	vadd.f32 v56, v1;
	v2 =	vadd.f32 v55, v2  }
0x307: {  	v46 =	vld [tilespmem:s31+$0x2600];
	v3 =	vadd.f32 v61, v3;
	v0 =	vadd.f32 v58, v0  }
0x308: {  	v47 =	vld [tilespmem:s31+$0x2610];
	v1 =	vadd.f32 v60, v1;
	v2 =	vadd.f32 v59, v2  }
0x309: {  	v49 =	vld [tilespmem:s31+$0x2630];
	v3 =	vadd.f32 v31, v3;
	v0 =	vadd.f32 v62, v0  }
0x30a: {  	v40 =	vld [tilespmem:s31+$0x25A0];
	v1 =	vadd.f32 v30, v1;
	v2 =	vadd.f32 v63, v2  }
0x30b: {  	v41 =	vld [tilespmem:s31+$0x25B0];
	v3 =	vadd.f32 v35, v3;
	v0 =	vadd.f32 v32, v0  }
0x30c: {  	v44 =	vld [tilespmem:s31+$0x25E0];
	v1 =	vadd.f32 v34, v1;
	v2 =	vadd.f32 v33, v2  }
0x30d: {  	v45 =	vld [tilespmem:s31+$0x25F0];
	v3 =	vadd.f32 v39, v3;
	v0 =	vadd.f32 v36, v0  }
0x30e: {  	v51 =	vld [tilespmem:s31+$0x2650];
	v1 =	vadd.f32 v38, v1;
	v2 =	vadd.f32 v37, v2  }
0x30f: {  	v50 =	vld [tilespmem:s31+$0x2640];
	v3 =	vadd.f32 v43, v3;
	v0 =	vadd.f32 v40, v0  }
0x310: {  	v52 =	vld [tilespmem:s31+$0x2660];
	v1 =	vadd.f32 v42, v1;
	v2 =	vadd.f32 v41, v2  }
0x311: {  	v53 =	vld [tilespmem:s31+$0x2670];
	v3 =	vadd.f32 v47, v3;
	v0 =	vadd.f32 v44, v0  }
0x312: {  	v1 =	vadd.f32 v46, v1;
	v2 =	vadd.f32 v45, v2  }
0x313: {  	v3 =	vadd.f32 v51, v3;
	v0 =	vadd.f32 v48, v0  }
0x314: {  	v1 =	vadd.f32 v50, v1;
	v2 =	vadd.f32 v49, v2  }
0x315: {  	v3 =	vmul.f32 $1.999999960e-02, v3;
	v0 =	vadd.f32 v52, v0  }
0x316: {  	v1 =	vmul.f32 $1.999999960e-02, v1;
	v2 =	vadd.f32 v53, v2  }
0x317: {  	[tilespmem:s19+$0x10] =	vst v3;
	v0 =	vmul.f32 $1.999999960e-02, v0  }
0x318: {  	[tilespmem:s19+$0x0] =	vst v1;
	v54 =	vmul.f32 $1.999999960e-02, v2  }
0x319: {  	[tilespmem:s19+$0x20] =	vst v0  }
0x31a: {  	[tilespmem:s19+$0x30] =	vst v54  }
0x31b: {  	v0 =	vld [tilespmem:s31+$0x2A30];
	_ =	sdelay $0x4  }
0x31c: {  	[tilespmem:$0x1FD60] =	vst v0;
	v0 =	vld [tilespmem:s31+$0x2A90];
	_ =	sdelay $0x4  }
0x31d: {  	[tilespmem:$0x1FD80] =	vst v0;
	v0 =	vld [tilespmem:s31+$0x2AA0];
	_ =	sdelay $0x4  }
0x31e: {  	[tilespmem:$0x1FD90] =	vst v0;
	v0 =	vld [tilespmem:s31+$0x2AB0];
	_ =	sdelay $0x4  }
0x31f: {  	[tilespmem:$0x1FDB0] =	vst v0;
	v0 =	vld [tilespmem:s31+$0x2AC0];
	_ =	sdelay $0x4  }
0x320: {  	[tilespmem:$0x1FDA0] =	vst v0;
	v0 =	vld [tilespmem:s31+$0x2AD0];
	_ =	sdelay $0x4  }
0x321: {  	[tilespmem:$0x1FDC0] =	vst v0;
	v0 =	vld [tilespmem:s31+$0x2AE0];
	_ =	sdelay $0x4  }
0x322: {  	[tilespmem:$0x1FDD0] =	vst v0;
	v0 =	vld [tilespmem:s31+$0x2AF0];
	_ =	sdelay $0x4  }
0x323: {  	[tilespmem:$0x1FDF0] =	vst v0;
	v0 =	vld [tilespmem:s31+$0x2B00];
	_ =	sdelay $0x4  }
0x324: {  	[tilespmem:$0x1FDE0] =	vst v0;
	v0 =	vld [tilespmem:s31+$0x2B10];
	_ =	sdelay $0x4  }
0x325: {  	[tilespmem:$0x1FE00] =	vst v0;
	v0 =	vld [tilespmem:s31+$0x2B20];
	_ =	sdelay $0x4  }
0x326: {  	[tilespmem:$0x1FE10] =	vst v0;
	v0 =	vld [tilespmem:s31+$0x2B30];
	_ =	sdelay $0x4  }
0x327: {  	[tilespmem:$0x1FE30] =	vst v0;
	v0 =	vld [tilespmem:s31+$0x2B40];
	_ =	sdelay $0x4  }
0x328: {  	[tilespmem:$0x1FE20] =	vst v0;
	v0 =	vld [tilespmem:s31+$0x2B50];
	_ =	sdelay $0x4  }
0x329: {  	[tilespmem:$0x1FE40] =	vst v0;
	v0 =	vld [tilespmem:s31+$0x2B60];
	_ =	sdelay $0x4  }
0x32a: {  	[tilespmem:$0x1FE50] =	vst v0;
	v0 =	vld [tilespmem:s31+$0x2B70];
	_ =	sdelay $0x4  }
0x32b: {  	[tilespmem:$0x1FE70] =	vst v0;
	v0 =	vld [tilespmem:s31+$0x2B80];
	_ =	sdelay $0x4  }
0x32c: {  	[tilespmem:$0x1FE60] =	vst v0;
	v0 =	vld [tilespmem:s31+$0x2B90];
	_ =	sdelay $0x4  }
0x32d: {  	[tilespmem:$0x1FE80] =	vst v0;
	v0 =	vld [tilespmem:s31+$0x2BA0];
	_ =	sdelay $0x1  }
0x32e: {  	v8 =	vld [tilespmem:s31+$0x2680]  }
0x32f: {  	v9 =	vld [tilespmem:s31+$0x2690]  }
0x330: {  	v12 =	vld [tilespmem:s31+$0x26A0]  }
0x331: {  	[tilespmem:$0x1FE90] =	vst v0;
	v0 =	vld [tilespmem:s31+$0x2BB0]  }
0x332: {  	v13 =	vld [tilespmem:s31+$0x26B0]  }
0x333: {  	v24 =	vld [tilespmem:s31+$0x26C0]  }
0x334: {  	v25 =	vld [tilespmem:s31+$0x26D0]  }
0x335: {  	v28 =	vld [tilespmem:s31+$0x26E0]  }
0x336: {  	[tilespmem:$0x1FEB0] =	vst v0;
	v0 =	vld [tilespmem:s31+$0x2BC0]  }
0x337: {  	v29 =	vld [tilespmem:s31+$0x26F0]  }
0x338: {  	v40 =	vld [tilespmem:s31+$0x2700]  }
0x339: {  	v41 =	vld [tilespmem:s31+$0x2710]  }
0x33a: {  	v44 =	vld [tilespmem:s31+$0x2720]  }
0x33b: {  	[tilespmem:$0x1FEA0] =	vst v0;
	v0 =	vld [tilespmem:s31+$0x2BD0]  }
0x33c: {  	v45 =	vld [tilespmem:s31+$0x2730]  }
0x33d: {  	v56 =	vld [tilespmem:s31+$0x2740]  }
0x33e: {  	v57 =	vld [tilespmem:s31+$0x2750]  }
0x33f: {  	v60 =	vld [tilespmem:s31+$0x2760]  }
0x340: {  	[tilespmem:$0x1FEC0] =	vst v0;
	v0 =	vld [tilespmem:s31+$0x2BE0]  }
0x341: {  	v61 =	vld [tilespmem:s31+$0x2770]  }
0x342: {  	v1 =	vld [tilespmem:s31+$0x2780]  }
0x343: {  	v3 =	vld [tilespmem:s31+$0x2790]  }
0x344: {  	v4 =	vld [tilespmem:s31+$0x27A0]  }
0x345: {  	[tilespmem:$0x1FED0] =	vst v0;
	v0 =	vld [tilespmem:s31+$0x2BF0]  }
0x346: {  	v7 =	vld [tilespmem:s31+$0x27B0]  }
0x347: {  	v2 =	vld [tilespmem:s31+$0x27C0]  }
0x348: {  	v6 =	vld [tilespmem:s31+$0x27D0]  }
0x349: {  	v10 =	vld [tilespmem:s31+$0x27E0]  }
0x34a: {  	[tilespmem:$0x1FEF0] =	vst v0;
	v0 =	vld [tilespmem:s31+$0x2C00]  }
0x34b: {  	v15 =	vld [tilespmem:s31+$0x27F0]  }
0x34c: {  	v5 =	vld [tilespmem:s31+$0x2800]  }
0x34d: {  	v14 =	vld [tilespmem:s31+$0x2810]  }
0x34e: {  	v16 =	vld [tilespmem:s31+$0x2820]  }
0x34f: {  	[tilespmem:$0x1FEE0] =	vst v0;
	v0 =	vld [tilespmem:s31+$0x2C10]  }
0x350: {  	v19 =	vld [tilespmem:s31+$0x2830]  }
0x351: {  	v11 =	vld [tilespmem:s31+$0x2840]  }
0x352: {  	v18 =	vld [tilespmem:s31+$0x2850]  }
0x353: {  	v20 =	vld [tilespmem:s31+$0x2860]  }
0x354: {  	[tilespmem:$0x1FF00] =	vst v0;
	v0 =	vld [tilespmem:s31+$0x2C20]  }
0x355: {  	v23 =	vld [tilespmem:s31+$0x2870]  }
0x356: {  	v17 =	vld [tilespmem:s31+$0x2880]  }
0x357: {  	v22 =	vld [tilespmem:s31+$0x2890]  }
0x358: {  	v26 =	vld [tilespmem:s31+$0x28A0]  }
0x359: {  	[tilespmem:$0x1FF10] =	vst v0;
	v0 =	vld [tilespmem:s31+$0x2C30]  }
0x35a: {  	v31 =	vld [tilespmem:s31+$0x28B0]  }
0x35b: {  	v21 =	vld [tilespmem:s31+$0x28C0]  }
0x35c: {  	v30 =	vld [tilespmem:s31+$0x28D0]  }
0x35d: {  	v32 =	vld [tilespmem:s31+$0x28E0]  }
0x35e: {  	[tilespmem:$0x1FF30] =	vst v0;
	v0 =	vld [tilespmem:s31+$0x2C40]  }
0x35f: {  	v35 =	vld [tilespmem:s31+$0x28F0]  }
0x360: {  	v27 =	vld [tilespmem:s31+$0x2900]  }
0x361: {  	v34 =	vld [tilespmem:s31+$0x2910]  }
0x362: {  	v36 =	vld [tilespmem:s31+$0x2920]  }
0x363: {  	[tilespmem:$0x1FF20] =	vst v0;
	v0 =	vld [tilespmem:s31+$0x2C50]  }
0x364: {  	v39 =	vld [tilespmem:s31+$0x2930]  }
0x365: {  	v33 =	vld [tilespmem:s31+$0x2940]  }
0x366: {  	v38 =	vld [tilespmem:s31+$0x2950]  }
0x367: {  	v42 =	vld [tilespmem:s31+$0x2960]  }
0x368: {  	[tilespmem:$0x1FF40] =	vst v0;
	v0 =	vld [tilespmem:s31+$0x2C60]  }
0x369: {  	v48 =	vld [tilespmem:s31+$0x2970]  }
0x36a: {  	v37 =	vld [tilespmem:s31+$0x2980];
	v9 =	vadd.f32 $0.0e+00, v9  }
0x36b: {  	v46 =	vld [tilespmem:s31+$0x2990]  }
0x36c: {  	v47 =	vld [tilespmem:s31+$0x29A0];
	v9 =	vadd.f32 v25, v9  }
0x36d: {  	[tilespmem:$0x1FF50] =	vst v0;
	v0 =	vld [tilespmem:s31+$0x2C70]  }
0x36e: {  	v52 =	vld [tilespmem:s31+$0x29B0];
	v9 =	vadd.f32 v41, v9  }
0x36f: {  	v43 =	vld [tilespmem:s31+$0x29C0]  }
0x370: {  	v50 =	vld [tilespmem:s31+$0x29D0];
	v9 =	vadd.f32 v57, v9  }
0x371: {  	v51 =	vld [tilespmem:s31+$0x29E0]  }
0x372: {  	v3 =	vadd.f32 v3, v9;
	[tilespmem:$0x1FF70] =	vst v0;
	v0 =	vld [tilespmem:s31+$0x2C80]  }
0x373: {  	v58 =	vld [tilespmem:s31+$0x29F0]  }
0x374: {  	v49 =	vld [tilespmem:s31+$0x2A00];
	v3 =	vadd.f32 v6, v3  }
0x375: {  	v62 =	vld [tilespmem:s31+$0x2A10]  }
0x376: {  	v59 =	vld [tilespmem:s31+$0x2A20];
	v3 =	vadd.f32 v14, v3  }
0x377: {  	[tilespmem:$0x1FF60] =	vst v0;
	v0 =	vld [tilespmem:s31+$0x2C90]  }
0x378: {  	v55 =	vld [tilespmem:s31+$0x2A70];
	v3 =	vadd.f32 v18, v3  }
0x379: {  	v63 =	vld [tilespmem:s31+$0x2A40]  }
0x37a: {  	v54 =	vld [tilespmem:s31+$0x2A50];
	v3 =	vadd.f32 v22, v3  }
0x37b: {  	v53 =	vld [tilespmem:s31+$0x2A60]  }
0x37c: {  	v3 =	vadd.f32 v30, v3;
	[tilespmem:$0x1FF80] =	vst v0;
	v0 =	vld [tilespmem:s31+$0x2CA0]  }
0x37d: {  	[tilespmem:$0x1FD70] =	vst v55;
	v55 =	vld [tilespmem:s31+$0x2A80];
	v25 =	vadd.f32 $0.0e+00, v13  }
0x37e: {  	v13 =	vld [tilespmem:s31+$0x2D30];
	v3 =	vadd.f32 v34, v3  }
0x37f: {  	v29 =	vadd.f32 v29, v25;
	v25 =	vld [tilespmem:s31+$0x2D50]  }
0x380: {  	v41 =	vld [tilespmem:s31+$0x2D90];
	v3 =	vadd.f32 v38, v3  }
0x381: {  	[tilespmem:$0x1FF90] =	vst v0;
	v0 =	vld [tilespmem:s31+$0x2CB0]  }
0x382: {  	v57 =	vld [tilespmem:s31+$0x2DD0];
	v3 =	vadd.f32 v46, v3  }
0x383: {  	v6 =	vld [tilespmem:s31+$0x2E20]  }
0x384: {  	v14 =	vld [tilespmem:s31+$0x2E70];
	v3 =	vadd.f32 v50, v3  }
0x385: {  	v30 =	vld [tilespmem:$0x1FD80]  }
0x386: {  	v3 =	vadd.f32 v62, v3;
	[tilespmem:$0x1FFB0] =	vst v0;
	v0 =	vld [tilespmem:s31+$0x2CC0]  }
0x387: {  	v18 =	vld [tilespmem:s31+$0x2EB0]  }
0x388: {  	v34 =	vld [tilespmem:$0x1FDC0];
	v3 =	vadd.f32 v54, v3  }
0x389: {  	v22 =	vld [tilespmem:s31+$0x2EF0]  }
0x38a: {  	v3 =	vadd.f32 v30, v3;
	v30 =	vld [tilespmem:s31+$0x2F30]  }
0x38b: {  	[tilespmem:$0x1FFA0] =	vst v0;
	v0 =	vld [tilespmem:s31+$0x2CD0]  }
0x38c: {  	v38 =	vld [tilespmem:$0x1FE00]  }
0x38d: {  	v3 =	vadd.f32 v34, v3;
	v34 =	vld [tilespmem:s31+$0x2F70]  }
0x38e: {  	v46 =	vld [tilespmem:$0x1FE40]  }
0x38f: {  	v50 =	vld [tilespmem:$0x1FE80]  }
0x390: {  	[tilespmem:$0x1FFC0] =	vst v0;
	v0 =	vld [tilespmem:s31+$0x2CE0]  }
0x391: {  	v3 =	vadd.f32 v38, v3;
	v38 =	vld [tilespmem:s31+$0x2FB0]  }
0x392: {  	v54 =	vld [tilespmem:$0x1FEC0]  }
0x393: {  	v3 =	vadd.f32 v46, v3;
	v62 =	vld [tilespmem:$0x1FF00]  }
0x394: {  	v46 =	vld [tilespmem:$0x1FF20]  }
0x395: {  	v3 =	vadd.f32 v50, v3;
	v50 =	vld [tilespmem:$0x1FF60];
	[tilespmem:$0x1FFD0] =	vst v0;
	v0 =	vadd.f32 $0.0e+00, v8  }
0x396: {  	v8 =	vld [tilespmem:s31+$0x2CF0]  }
0x397: {  	v3 =	vadd.f32 v54, v3;
	v54 =	vld [tilespmem:$0x1FFA0];
	v24 =	vadd.f32 v24, v0  }
0x398: {  	v0 =	vadd.f32 $0.0e+00, v12;
	v12 =	vld [tilespmem:s31+$0x2D10]  }
0x399: {  	v40 =	vadd.f32 v40, v24;
	v24 =	vld [tilespmem:s31+$0x2D40]  }
0x39a: {  	v0 =	vadd.f32 v28, v0;
	v28 =	vld [tilespmem:s31+$0x2D60]  }
0x39b: {  	[tilespmem:$0x1FFE0] =	vst v8;
	v8 =	vld [tilespmem:s31+$0x2D00]  }
0x39c: {  	v40 =	vadd.f32 v56, v40;
	v56 =	vadd.f32 v45, v29;
	v29 =	vld [tilespmem:s31+$0x2D70]  }
0x39d: {  	v0 =	vadd.f32 v44, v0;
	v44 =	vld [tilespmem:s31+$0x2DA0]  }
0x39e: {  	v45 =	vld [tilespmem:s31+$0x2DB0]  }
0x39f: {  	v3 =	vadd.f32 v62, v3;
	v62 =	vld [tilespmem:$0x1FFE0]  }
0x3a0: {  	[tilespmem:$0x1FFF0] =	vst v12;
	v12 =	vld [tilespmem:s31+$0x2D20]  }
0x3a1: {  	v1 =	vadd.f32 v1, v40;
	v40 =	vld [tilespmem:s31+$0x2D80]  }
0x3a2: {  	v61 =	vadd.f32 v61, v56;
	v56 =	vld [tilespmem:s31+$0x2DC0]  }
0x3a3: {  	v0 =	vadd.f32 v60, v0;
	v60 =	vld [tilespmem:s31+$0x2DE0]  }
0x3a4: {  	v9 =	vadd.f32 v7, v61;
	v61 =	vld [tilespmem:s31+$0x2DF0]  }
0x3a5: {  	v0 =	vadd.f32 v4, v0;
	v1 =	vadd.f32 v2, v1;
	v4 =	vld [tilespmem:s31+$0x2E00]  }
0x3a6: {  	v7 =	vld [tilespmem:s31+$0x2E30]  }
0x3a7: {  	v1 =	vadd.f32 v5, v1;
	v5 =	vld [tilespmem:s31+$0x2E10]  }
0x3a8: {  	v2 =	vadd.f32 v15, v9;
	v9 =	vld [tilespmem:s31+$0x2E40]  }
0x3a9: {  	v0 =	vadd.f32 v10, v0;
	v10 =	vld [tilespmem:s31+$0x2E50]  }
0x3aa: {  	v15 =	vld [tilespmem:s31+$0x2E80]  }
0x3ab: {  	v1 =	vadd.f32 v11, v1;
	v11 =	vld [tilespmem:s31+$0x2E60]  }
0x3ac: {  	v0 =	vadd.f32 v16, v0;
	v16 =	vld [tilespmem:s31+$0x2E90]  }
0x3ad: {  	v2 =	vadd.f32 v19, v2;
	v19 =	vld [tilespmem:s31+$0x2EC0]  }
0x3ae: {  	v1 =	vadd.f32 v17, v1;
	v17 =	vld [tilespmem:s31+$0x2EA0]  }
0x3af: {  	v0 =	vadd.f32 v20, v0;
	v20 =	vld [tilespmem:s31+$0x2ED0]  }
0x3b0: {  	v2 =	vadd.f32 v23, v2;
	v23 =	vld [tilespmem:s31+$0x2F00]  }
0x3b1: {  	v0 =	vadd.f32 v26, v0;
	v26 =	vld [tilespmem:$0x1FD60]  }
0x3b2: {  	v1 =	vadd.f32 v21, v1;
	v21 =	vld [tilespmem:s31+$0x2EE0]  }
0x3b3: {  	v2 =	vadd.f32 v31, v2;
	v31 =	vld [tilespmem:$0x1FD90]  }
0x3b4: {  	v1 =	vadd.f32 v27, v1;
	v27 =	vld [tilespmem:$0x1FD70]  }
0x3b5: {  	v0 =	vadd.f32 v32, v0;
	v32 =	vld [tilespmem:$0x1FDA0]  }
0x3b6: {  	v2 =	vadd.f32 v35, v2;
	v35 =	vld [tilespmem:$0x1FDD0]  }
0x3b7: {  	v1 =	vadd.f32 v33, v1;
	v33 =	vld [tilespmem:$0x1FDB0]  }
0x3b8: {  	v0 =	vadd.f32 v36, v0;
	v36 =	vld [tilespmem:$0x1FDE0]  }
0x3b9: {  	v2 =	vadd.f32 v39, v2;
	v39 =	vld [tilespmem:$0x1FE10]  }
0x3ba: {  	v1 =	vadd.f32 v37, v1;
	v37 =	vld [tilespmem:$0x1FDF0]  }
0x3bb: {  	v0 =	vadd.f32 v42, v0;
	v42 =	vld [tilespmem:$0x1FE20]  }
0x3bc: {  	v2 =	vadd.f32 v48, v2;
	v48 =	vld [tilespmem:$0x1FE60]  }
0x3bd: {  	v1 =	vadd.f32 v43, v1;
	v43 =	vld [tilespmem:$0x1FE30]  }
0x3be: {  	v0 =	vadd.f32 v47, v0;
	v47 =	vld [tilespmem:$0x1FE50]  }
0x3bf: {  	v2 =	vadd.f32 v52, v2;
	v52 =	vld [tilespmem:$0x1FEA0]  }
0x3c0: {  	v1 =	vadd.f32 v49, v1;
	v49 =	vld [tilespmem:$0x1FE70]  }
0x3c1: {  	v0 =	vadd.f32 v51, v0;
	v2 =	vadd.f32 v58, v2;
	v51 =	vld [tilespmem:$0x1FE90]  }
0x3c2: {  	v58 =	vld [tilespmem:$0x1FEE0]  }
0x3c3: {  	v2 =	vadd.f32 v26, v2;
	v26 =	vld [tilespmem:s31+$0x2F10]  }
0x3c4: {  	v0 =	vadd.f32 v59, v0;
	v59 =	vld [tilespmem:$0x1FEF0]  }
0x3c5: {  	v1 =	vadd.f32 v63, v1;
	v63 =	vld [tilespmem:$0x1FF10]  }
0x3c6: {  	v2 =	vadd.f32 v27, v2;
	v27 =	vld [tilespmem:s31+$0x2F20]  }
0x3c7: {  	v0 =	vadd.f32 v53, v0;
	v53 =	vld [tilespmem:$0x1FEB0]  }
0x3c8: {  	v1 =	vadd.f32 v55, v1;
	v55 =	vld [tilespmem:$0x1FED0]  }
0x3c9: {  	v0 =	vadd.f32 v31, v0;
	v31 =	vld [tilespmem:s31+$0x2F40]  }
0x3ca: {  	v1 =	vadd.f32 v32, v1;
	v32 =	vld [tilespmem:s31+$0x2F50]  }
0x3cb: {  	v2 =	vadd.f32 v33, v2;
	v33 =	vld [tilespmem:s31+$0x2F60]  }
0x3cc: {  	v0 =	vadd.f32 v35, v0;
	v35 =	vld [tilespmem:s31+$0x2F80]  }
0x3cd: {  	v1 =	vadd.f32 v36, v1;
	v36 =	vld [tilespmem:s31+$0x2F90]  }
0x3ce: {  	v2 =	vadd.f32 v37, v2;
	v37 =	vld [tilespmem:s31+$0x2FA0]  }
0x3cf: {  	v0 =	vadd.f32 v39, v0;
	v39 =	vld [tilespmem:s31+$0x2FC0]  }
0x3d0: {  	v1 =	vadd.f32 v42, v1;
	v42 =	vld [tilespmem:s31+$0x2FD0]  }
0x3d1: {  	v2 =	vadd.f32 v43, v2;
	v43 =	vld [tilespmem:s31+$0x2FE0]  }
0x3d2: {  	v0 =	vadd.f32 v47, v0;
	v47 =	vld [tilespmem:$0x1FF30]  }
0x3d3: {  	v1 =	vadd.f32 v48, v1;
	v48 =	vld [tilespmem:$0x1FF40]  }
0x3d4: {  	v2 =	vadd.f32 v49, v2;
	v49 =	vld [tilespmem:$0x1FF50]  }
0x3d5: {  	v0 =	vadd.f32 v51, v0;
	v51 =	vld [tilespmem:$0x1FF70]  }
0x3d6: {  	v1 =	vadd.f32 v52, v1;
	v52 =	vld [tilespmem:$0x1FF80]  }
0x3d7: {  	v2 =	vadd.f32 v53, v2;
	v53 =	vld [tilespmem:$0x1FF90]  }
0x3d8: {  	v0 =	vadd.f32 v55, v0;
	v55 =	vld [tilespmem:$0x1FFB0]  }
0x3d9: {  	v1 =	vadd.f32 v58, v1;
	v2 =	vadd.f32 v59, v2;
	v58 =	vld [tilespmem:$0x1FFC0]  }
0x3da: {  	v59 =	vld [tilespmem:$0x1FFD0];
	v3 =	vadd.f32 v48, v3;
	v0 =	vadd.f32 v63, v0  }
0x3db: {  	v1 =	vadd.f32 v46, v1;
	v2 =	vadd.f32 v47, v2;
	v63 =	vld [tilespmem:$0x1FFF0]  }
0x3dc: {  	v48 =	vld [tilespmem:s31+$0x3010];
	v3 =	vadd.f32 v52, v3;
	v0 =	vadd.f32 v49, v0  }
0x3dd: {  	v46 =	vld [tilespmem:s31+$0x2FF0];
	v1 =	vadd.f32 v50, v1;
	v2 =	vadd.f32 v51, v2  }
0x3de: {  	v47 =	vld [tilespmem:s31+$0x3000];
	v3 =	vadd.f32 v58, v3;
	v0 =	vadd.f32 v53, v0  }
0x3df: {  	v52 =	vld [tilespmem:s31+$0x3090];
	v1 =	vadd.f32 v54, v1;
	v2 =	vadd.f32 v55, v2  }
0x3e0: {  	v49 =	vld [tilespmem:s31+$0x3020];
	v3 =	vadd.f32 v63, v3;
	v0 =	vadd.f32 v59, v0  }
0x3e1: {  	v50 =	vld [tilespmem:s31+$0x3040];
	v1 =	vadd.f32 v8, v1;
	v2 =	vadd.f32 v62, v2  }
0x3e2: {  	v51 =	vld [tilespmem:s31+$0x3080];
	v3 =	vadd.f32 v25, v3;
	v0 =	vadd.f32 v12, v0  }
0x3e3: {  	v58 =	vld [tilespmem:s31+$0x30F0];
	v1 =	vadd.f32 v24, v1;
	v2 =	vadd.f32 v13, v2  }
0x3e4: {  	v53 =	vld [tilespmem:s31+$0x30A0];
	v3 =	vadd.f32 v41, v3;
	v0 =	vadd.f32 v28, v0  }
0x3e5: {  	v54 =	vld [tilespmem:s31+$0x30B0];
	v1 =	vadd.f32 v40, v1;
	v2 =	vadd.f32 v29, v2  }
0x3e6: {  	v55 =	vld [tilespmem:s31+$0x30C0];
	v3 =	vadd.f32 v57, v3;
	v0 =	vadd.f32 v44, v0  }
0x3e7: {  	v63 =	vld [tilespmem:s31+$0x3140];
	v1 =	vadd.f32 v56, v1;
	v2 =	vadd.f32 v45, v2  }
0x3e8: {  	v8 =	vld [tilespmem:s31+$0x3030];
	v3 =	vadd.f32 v5, v3;
	v0 =	vadd.f32 v60, v0  }
0x3e9: {  	v59 =	vld [tilespmem:s31+$0x3100];
	v1 =	vadd.f32 v4, v1;
	v2 =	vadd.f32 v61, v2  }
0x3ea: {  	v62 =	vld [tilespmem:s31+$0x3130];
	v3 =	vadd.f32 v10, v3;
	v0 =	vadd.f32 v6, v0  }
0x3eb: {  	v12 =	vld [tilespmem:s31+$0x3050];
	v1 =	vadd.f32 v9, v1;
	v2 =	vadd.f32 v7, v2  }
0x3ec: {  	v13 =	vld [tilespmem:s31+$0x3060];
	v3 =	vadd.f32 v16, v3;
	v0 =	vadd.f32 v11, v0  }
0x3ed: {  	v24 =	vld [tilespmem:s31+$0x3070];
	v1 =	vadd.f32 v15, v1;
	v2 =	vadd.f32 v14, v2  }
0x3ee: {  	v41 =	vld [tilespmem:s31+$0x31A0];
	v3 =	vadd.f32 v20, v3;
	v0 =	vadd.f32 v17, v0  }
0x3ef: {  	v40 =	vld [tilespmem:s31+$0x3190];
	v1 =	vadd.f32 v19, v1;
	v2 =	vadd.f32 v18, v2  }
0x3f0: {  	v57 =	vld [tilespmem:s31+$0x30E0];
	v3 =	vadd.f32 v26, v3;
	v0 =	vadd.f32 v21, v0  }
0x3f1: {  	v56 =	vld [tilespmem:s31+$0x30D0];
	v1 =	vadd.f32 v23, v1;
	v2 =	vadd.f32 v22, v2  }
0x3f2: {  	v44 =	vld [tilespmem:s31+$0x31D0];
	v3 =	vadd.f32 v32, v3;
	v0 =	vadd.f32 v27, v0  }
0x3f3: {  	v45 =	vld [tilespmem:s31+$0x31E0];
	v1 =	vadd.f32 v31, v1;
	v2 =	vadd.f32 v30, v2  }
0x3f4: {  	v60 =	vld [tilespmem:s31+$0x3110];
	v3 =	vadd.f32 v36, v3;
	v0 =	vadd.f32 v33, v0  }
0x3f5: {  	v61 =	vld [tilespmem:s31+$0x3120];
	v1 =	vadd.f32 v35, v1;
	v2 =	vadd.f32 v34, v2  }
0x3f6: {  	v32 =	vld [tilespmem:s31+$0x3160];
	v3 =	vadd.f32 v42, v3;
	v0 =	vadd.f32 v37, v0  }
0x3f7: {  	v31 =	vld [tilespmem:s31+$0x3150];
	v1 =	vadd.f32 v39, v1;
	v2 =	vadd.f32 v38, v2  }
0x3f8: {  	v36 =	vld [tilespmem:s31+$0x3180];
	v3 =	vadd.f32 v48, v3;
	v0 =	vadd.f32 v43, v0  }
0x3f9: {  	v35 =	vld [tilespmem:s31+$0x3170];
	v1 =	vadd.f32 v47, v1;
	v2 =	vadd.f32 v46, v2  }
0x3fa: {  	v42 =	vld [tilespmem:s31+$0x31B0];
	v3 =	vadd.f32 v12, v3;
	v0 =	vadd.f32 v49, v0  }
0x3fb: {  	v48 =	vld [tilespmem:s31+$0x3210];
	v1 =	vadd.f32 v50, v1;
	v2 =	vadd.f32 v8, v2  }
0x3fc: {  	v43 =	vld [tilespmem:s31+$0x31C0];
	v3 =	vadd.f32 v52, v3;
	v0 =	vadd.f32 v13, v0  }
0x3fd: {  	v46 =	vld [tilespmem:s31+$0x31F0];
	v1 =	vadd.f32 v51, v1;
	v2 =	vadd.f32 v24, v2  }
0x3fe: {  	v47 =	vld [tilespmem:s31+$0x3200];
	v3 =	vadd.f32 v56, v3;
	v0 =	vadd.f32 v53, v0  }
0x3ff: {  	v49 =	vld [tilespmem:s31+$0x3220];
	v1 =	vadd.f32 v55, v1;
	v2 =	vadd.f32 v54, v2  }
0x400: {  	v50 =	vld [tilespmem:s31+$0x3230];
	v3 =	vadd.f32 v60, v3;
	v0 =	vadd.f32 v57, v0  }
0x401: {  	v52 =	vld [tilespmem:s31+$0x3250];
	v1 =	vadd.f32 v59, v1;
	v2 =	vadd.f32 v58, v2  }
0x402: {  	v51 =	vld [tilespmem:s31+$0x3240];
	v3 =	vadd.f32 v31, v3;
	v0 =	vadd.f32 v61, v0  }
0x403: {  	v56 =	vld [tilespmem:s31+$0x3290];
	v1 =	vadd.f32 v63, v1;
	v2 =	vadd.f32 v62, v2  }
0x404: {  	v53 =	vld [tilespmem:s31+$0x3260];
	v3 =	vadd.f32 v40, v3;
	v0 =	vadd.f32 v32, v0  }
0x405: {  	v54 =	vld [tilespmem:s31+$0x3270];
	v1 =	vadd.f32 v36, v1;
	v2 =	vadd.f32 v35, v2  }
0x406: {  	v55 =	vld [tilespmem:s31+$0x3280];
	v3 =	vadd.f32 v44, v3;
	v0 =	vadd.f32 v41, v0  }
0x407: {  	v60 =	vld [tilespmem:s31+$0x32D0];
	v1 =	vadd.f32 v43, v1;
	v2 =	vadd.f32 v42, v2  }
0x408: {  	v57 =	vld [tilespmem:s31+$0x32A0];
	v3 =	vadd.f32 v48, v3;
	v0 =	vadd.f32 v45, v0  }
0x409: {  	v58 =	vld [tilespmem:s31+$0x32B0];
	v1 =	vadd.f32 v47, v1;
	v2 =	vadd.f32 v46, v2  }
0x40a: {  	v59 =	vld [tilespmem:s31+$0x32C0];
	v3 =	vadd.f32 v52, v3;
	v0 =	vadd.f32 v49, v0  }
0x40b: {  	v61 =	vld [tilespmem:s31+$0x32E0];
	v1 =	vadd.f32 v51, v1;
	v2 =	vadd.f32 v50, v2  }
0x40c: {  	v62 =	vld [tilespmem:s31+$0x32F0];
	v3 =	vadd.f32 v56, v3;
	v0 =	vadd.f32 v53, v0  }
0x40d: {  	v1 =	vadd.f32 v55, v1;
	v2 =	vadd.f32 v54, v2  }
0x40e: {  	v3 =	vadd.f32 v60, v3;
	v0 =	vadd.f32 v57, v0  }
0x40f: {  	v1 =	vadd.f32 v59, v1;
	v2 =	vadd.f32 v58, v2  }
0x410: {  	p0 =	slt.u32 s20, $0x3E;
	v3 =	vmul.f32 $1.999999960e-02, v3;
	v0 =	vadd.f32 v61, v0  }
.Ltmp0:
0x411: {  	v1 =	vmul.f32 $1.999999960e-02, v1;
	v2 =	vadd.f32 v62, v2;
	(pc) =	sbr.rel @p0 .LBB2_2-.Ltmp0, $4  }
0x412: {  	[tilespmem:s19+$0x50] =	vst v3;
	v0 =	vmul.f32 $1.999999960e-02, v0  }
0x413: {  	[tilespmem:s19+$0x40] =	vst v1;
	v63 =	vmul.f32 $1.999999960e-02, v2  }
0x414: {  	[tilespmem:s19+$0x60] =	vst v0  }
0x415: {  	s18 =	sadd.s32 $0x2, s18;
	s17 =	sadd.s32 $0xD0, s17;
	[tilespmem:s19+$0x70] =	vst v63;
	s19 =	sadd.s32 $0x100, s19  }
0x416: {  	s16 =	sadd.s32 $0x1, s16  }
0x417: {  	p0 =	sne.s32 s16, s6  }
.Ltmp1:
0x418: {  	_ = 	snop;
	(pc) =	sbr.rel @p0 .LBB2_1-.Ltmp1, $4  }
0x419: {  	[hbm4b:s5+s2] =	stream.linear.scatter [tilespmem:s15], [sflag:$0x2], $0x2000, $0x38;
	[tilespmem:$0x9E00] =	vst v63  }
0x41a: {  	_ =	swait.ge [sflag:s7], $0x2000  }
0x41b: {  	[sflag:s7] =	ssyncset.done $0x0  }
0x41c: {  	[sflag:s7] =	ssyncadd.s32 $0xFFFFE000  }
0x41d: {  	_ =	sfence.sel $0x180000  }
0x41e: {  	[bflag:$0x0] =	sbarrier.arrive $0xFFFF  }
0x41f: {  	p0 =	sne.s32 s0, $0x0;
	_ =	strace $0x90000047  }
0x420: {  	s0 =	sadd.s32 @!p0 $0x100000, s1;
	[bflag:$0x2] =	sbarrier.arrive $0xFFFF  }
0x421: {  	[sflag:s0] =	ssyncadd.tile.s32 @!p0 $0x1;
	_ =	shalt  }
.Lfunc_end2:
_tile_overlayer_lowered:
.L_overlay_start_2:
0x422: {  	(tag) =	ssettag $0x2  }
0x423: {  	s0 =	rddreg [dreg:$0x0];
	s2 =	stileid.u32  }
0x424: {  	s1 =	rddreg [dreg:$0x1];
	p0 =	sne.s32 s2, $0x0  }
0x425: {  	s3 =	rddreg [dreg:$0x2];
	[bflag:$0x3] =	sbarrier.arrive $0xFFFF;
	s2 =	simm.s32 @!p0 $0x1C02  }
0x426: {  	[timem:s3], [sflag:s2] =	dma.local @!p0 [hbm:s0], s1  }
0x427: {  	s0 =	simm.s32 @!p0 $0x2  }
0x428: {  	_ =	swait.ge @!p0 [sflag:s0], s1  }
0x429: {  	s1 =	ssub.s32 @!p0 $0x0, s1;
	[sflag:s0] =	ssyncset.done @!p0 $0x0  }
0x42a: {  	[sflag:s0] =	ssyncadd.s32 @!p0 s1  }
0x42b: {  	[bflag:$0x3] =	sbarrier.arrive $0xFFFF  }
0x42c: {  	_ =	shalt  }

</sc_bundles>
